<compile_context>
chip_gen: v7x
topology: tpu7x:2x2x1
jax: 0.10.2.dev20260603
libtpu: 0.0.44.dev20260713+nightly
codegen_flags: <defaults>
</compile_context>

<pallas_src>
import functools
import math

import jax
import jax.numpy as jnp
from jax import lax
from jax.experimental import pallas as pl
from jax.experimental.pallas import tpu as pltpu
from jax.experimental.pallas import tpu_sc as plsc


def _make_kernel(V, D, S, B, NC, NS, L):
    NW = NC * NS
    T = S * B
    t_per_w = T // NW
    C = 32
    n_chunks = t_per_w // C
    scale = math.sqrt(D)
    mesh = plsc.VectorSubcoreMesh(core_axis_name="c", subcore_axis_name="s")

    @functools.partial(
        pl.kernel,
        mesh=mesh,
        compiler_params=pltpu.CompilerParams(use_tc_tiling_on_sc=True),
        out_type=jax.ShapeDtypeStruct((T // 2, 2 * D), jnp.float32),
        scratch_types=[
            pltpu.VMEM((t_per_w,), jnp.int32),
            pltpu.VMEM((C * 8, D), jnp.float32),
            pltpu.VMEM((C * 8, D), jnp.float32),
            pltpu.VMEM((t_per_w // 2, 2 * D), jnp.float32),
            pltpu.SemaphoreType.DMA,
            pltpu.SemaphoreType.DMA,
        ],
    )
    def emb_kernel(
        idx_hbm, table_hbm, out_hbm, idx_v, stage_a, stage_b, tokbuf,
        sem_a, sem_b,
    ):
        wid = lax.axis_index("c") * NS + lax.axis_index("s")
        base = pl.multiple_of(wid * t_per_w, t_per_w)
        obase = pl.multiple_of(wid * (t_per_w // 2), t_per_w // 2)

        pltpu.sync_copy(idx_hbm.at[pl.ds(base, t_per_w)], idx_v)

        def fire(c, stage, sem):
            c0 = c * C

            def body(g, _):
                vec = idx_v[pl.ds(c0 + g * L, L)]
                for k in range(L):
                    v = vec[k]
                    g8 = pl.multiple_of(
                        lax.shift_right_logical(v, 3) * 8, 8
                    )
                    pltpu.async_copy(
                        table_hbm.at[pl.ds(g8, 8), :],
                        stage.at[pl.ds((g * L + k) * 8, 8), :],
                        sem,
                    )
                return ()

            lax.fori_loop(0, C // L, body, ())

        def drain_extract(c, stage, sem):
            pltpu.make_async_copy(
                table_hbm.at[pl.ds(0, C * 8), :], stage, sem
            ).wait()
            c0 = c * C

            def body(g, _):
                t0 = c0 + g * L
                vec = idx_v[pl.ds(t0, L)]
                for k in range(L):
                    v = vec[k]
                    r = (g * L + k) * 8 + (v & 7)
                    row = t0 // 2 + k // 2
                    col = (k % 2) * D
                    for j in range(D // L):
                        tokbuf[row, pl.ds(col + j * L, L)] = (
                            stage[r, pl.ds(j * L, L)] * scale
                        )
                return ()

            lax.fori_loop(0, C // L, body, ())

        fire(0, stage_a, sem_a)

        def pair_body(p, _):
            c = p * 2
            fire(c + 1, stage_b, sem_b)
            drain_extract(c, stage_a, sem_a)

            @pl.when(p < n_chunks // 2 - 1)
            def _():
                fire(c + 2, stage_a, sem_a)

            drain_extract(c + 1, stage_b, sem_b)
            return ()

        lax.fori_loop(0, n_chunks // 2, pair_body, ())

        pltpu.sync_copy(tokbuf, out_hbm.at[pl.ds(obase, t_per_w // 2)])

    return emb_kernel


def kernel(tokens, embedding):
    S, B = tokens.shape
    V, D = embedding.shape
    info = plsc.get_sparse_core_info()
    NC, NS, L = info.num_cores, info.num_subcores, info.num_lanes
    idx = tokens.T.reshape(S * B).astype(jnp.int32)
    emb_kernel = _make_kernel(V, D, S, B, NC, NS, L)
    out = emb_kernel(idx, embedding)
    return out.reshape(B, S, D).transpose(1, 0, 2)

# --- scband reference (transcript-rebuilt; emitter-appended) ---
"""Pipeline reference for scband-token-embedding-41790031790746 (READ-ONLY COPY).

The authoritative reference and input builder live on the scoring server;
editing this copy changes nothing except your own understanding.
"""

import jax, jax.numpy as jnp
import numpy as np
import math

VOCAB = 1000000
D_MODEL = 64
SEQ_LEN = 4096
BATCH = 4

def setup_inputs(seed: int = 0) -> dict:
    key = jax.random.key(seed)
    k_tok, k_emb = jax.random.split(key)
    tokens = jax.random.randint(k_tok, (SEQ_LEN, BATCH), 0, VOCAB, dtype=jnp.int64 if jax.config.jax_enable_x64 else jnp.int32)
    embedding = jax.random.normal(k_emb, (VOCAB, D_MODEL), dtype=jnp.float32)
    return {"tokens": tokens, "embedding": embedding}

def reference(tokens, embedding):
    # gather rows of the embedding table, then scale by sqrt(d_model)
    emb = jnp.take(embedding, tokens, axis=0)  # [seq_len, batch, d_model]
    return emb * math.sqrt(D_MODEL)

if __name__ == "__main__":
    import jax
    _d = setup_inputs()
    print(jax.jit(kernel)(*tuple(_d.values())))

</pallas_src>

<mosaic_0001>
#map = affine_map<(d0, d1) -> (0)>
#map1 = affine_map<(d0, d1) -> (0, 0)>
module attributes {stable_mosaic.version = 14 : i64} {
  func.func @emb_kernel(%arg0: i32, %arg1: i32, %arg2: memref<16384xi32, #tpu.memory_space<hbm>>, %arg3: memref<1000000x64xf32, #tpu.memory_space<hbm>>, %arg4: memref<8192x128xf32, #tpu.memory_space<hbm>>, %arg5: memref<512xi32, #tpu.memory_space<vmem>>, %arg6: memref<256x64xf32, #tpu.memory_space<vmem>>, %arg7: memref<256x64xf32, #tpu.memory_space<vmem>>, %arg8: memref<256x128xf32, #tpu.memory_space<vmem>>, %arg9: memref<!tpu.dma_semaphore, #tpu.memory_space<semaphore_mem>>, %arg10: memref<!tpu.dma_semaphore, #tpu.memory_space<semaphore_mem>>) attributes {dimension_semantics = [#tpu.dimension_semantics<core_parallel>, #tpu.dimension_semantics<subcore_parallel>], iteration_bounds = array<i64: 2, 16>, scalar_prefetch = 0 : i64, scratch_operands = 6 : i64, tpu.core_type = #tpu.core_type<sc_vector_subcore>, window_params = [{transform_indices = #map}, {transform_indices = #map1}, {transform_indices = #map1}]} {
    %mul3A = arith.constant 16 : i32
    %mul3A_0 = arith.muli %arg0, %mul3A : i32
    %add3A = arith.addi %mul3A_0, %arg1 : i32
    %mul3A_1 = arith.constant 512 : i32
    %mul3A_2 = arith.muli %add3A, %mul3A_1 : i32
    %multiple_of3A = tpu.assume_multiple %mul3A_2, 512 : i32
    %mul3A_3 = arith.constant 256 : i32
    %mul3A_4 = arith.muli %add3A, %mul3A_3 : i32
    %multiple_of3A_5 = tpu.assume_multiple %mul3A_4, 256 : i32
    "tpu.region"() ({
      %run_scoped3A = tpu.sem_alloc : memref<!tpu.dma_semaphore, #tpu.memory_space<semaphore_mem>>
      %dma_start3A = tpu.memref_slice %arg2[%multiple_of3A] : memref<16384xi32, #tpu.memory_space<hbm>> -> memref<512xi32, #tpu.memory_space<hbm>>
      %dma_start3A_15 = tpu.memref_slice %arg2[%multiple_of3A] : memref<16384xi32, #tpu.memory_space<hbm>> -> memref<512xi32, #tpu.memory_space<hbm>>
      tpu.enqueue_dma source(%dma_start3A_15 : memref<512xi32, #tpu.memory_space<hbm>>) target(%arg5 : memref<512xi32, #tpu.memory_space<vmem>>) target_semaphore(%run_scoped3A : memref<!tpu.dma_semaphore, #tpu.memory_space<semaphore_mem>>)
      %dma_wait3A = tpu.memref_slice %arg2[%multiple_of3A] : memref<16384xi32, #tpu.memory_space<hbm>> -> memref<512xi32, #tpu.memory_space<hbm>>
      %dma_wait3A_16 = tpu.memref_slice %arg2[%multiple_of3A] : memref<16384xi32, #tpu.memory_space<hbm>> -> memref<512xi32, #tpu.memory_space<hbm>>
      tpu.wait_dma2 semaphore(%run_scoped3A : memref<!tpu.dma_semaphore, #tpu.memory_space<semaphore_mem>>) src(%dma_wait3A_16 : memref<512xi32, #tpu.memory_space<hbm>>) dst(%arg5 : memref<512xi32, #tpu.memory_space<vmem>>)
      tpu.yield
    }) : () -> ()
    %scan3A = arith.constant 0 : i32
    %scan3A_6 = arith.constant 2 : i32
    %scan3A_7 = arith.addi %scan3A, %scan3A_6 : i32
    %scan3A_8 = arith.constant 1 : i32
    scf.for %scan3A_15 = %scan3A to %scan3A_7 step %scan3A_8  : i32 {
      %mul3A_16 = arith.constant 16 : i32
      %mul3A_17 = arith.muli %scan3A_15, %mul3A_16 : i32
      %add3A_18 = arith.constant 0 : i32
      %add3A_19 = arith.addi %add3A_18, %mul3A_17 : i32
      %get3A = arith.index_cast %add3A_19 : i32 to index
      %get3A_20 = tpu.vector_load %arg5[%get3A] {strides = array<i32>} : memref<512xi32, #tpu.memory_space<vmem>>, vector<16xi32>,
      %get3A_21 = vector.shape_cast %get3A_20 : vector<16xi32> to vector<16xi32>
      %slice3A = vector.extract_strided_slice %get3A_21 {offsets = [0], sizes = [1], strides = [1]} : vector<16xi32> to vector<1xi32>
      %squeeze3A = vector.extract %slice3A[0] : i32 from vector<1xi32>
      %shift_right_logical3A = arith.constant 3 : i32
      %shift_right_logical3A_22 = arith.shrui %squeeze3A, %shift_right_logical3A : i32
      %mul3A_23 = arith.constant 8 : i32
      %mul3A_24 = arith.muli %shift_right_logical3A_22, %mul3A_23 : i32
      %multiple_of3A_25 = tpu.assume_multiple %mul3A_24, 8 : i32
      %mul3A_26 = arith.constant 16 : i32
      %mul3A_27 = arith.muli %scan3A_15, %mul3A_26 : i32
      %add3A_28 = arith.constant 0 : i32
      %add3A_29 = arith.addi %mul3A_27, %add3A_28 : i32
      %mul3A_30 = arith.constant 8 : i32
      %mul3A_31 = arith.muli %add3A_29, %mul3A_30 : i32
      %dma_start3A = arith.constant 0 : i32
      %dma_start3A_32 = tpu.memref_slice %arg6[%mul3A_31, %dma_start3A] : memref<256x64xf32, #tpu.memory_space<vmem>> -> memref<8x64xf32, #tpu.memory_space<vmem>>
      %dma_start3A_33 = arith.constant 0 : i32
      %dma_start3A_34 = tpu.memref_slice %arg3[%multiple_of3A_25, %dma_start3A_33] : memref<1000000x64xf32, #tpu.memory_space<hbm>> -> memref<8x64xf32, #tpu.memory_space<hbm>>
      %dma_start3A_35 = arith.constant 0 : i32
      %dma_start3A_36 = tpu.memref_slice %arg6[%mul3A_31, %dma_start3A_35] : memref<256x64xf32, #tpu.memory_space<vmem>> -> memref<8x64xf32, #tpu.memory_space<vmem>>
      %dma_start3A_37 = arith.constant 0 : i32
      %dma_start3A_38 = tpu.memref_slice %arg3[%multiple_of3A_25, %dma_start3A_37] : memref<1000000x64xf32, #tpu.memory_space<hbm>> -> memref<8x64xf32, #tpu.memory_space<hbm>>
      tpu.enqueue_dma source(%dma_start3A_38 : memref<8x64xf32, #tpu.memory_space<hbm>>) target(%dma_start3A_36 : memref<8x64xf32, #tpu.memory_space<vmem>>) target_semaphore(%arg9 : memref<!tpu.dma_semaphore, #tpu.memory_space<semaphore_mem>>)
      %slice3A_39 = vector.extract_strided_slice %get3A_21 {offsets = [1], sizes = [1], strides = [1]} : vector<16xi32> to vector<1xi32>
      %squeeze3A_40 = vector.extract %slice3A_39[0] : i32 from vector<1xi32>
      %shift_right_logical3A_41 = arith.constant 3 : i32
      %shift_right_logical3A_42 = arith.shrui %squeeze3A_40, %shift_right_logical3A_41 : i32
      %mul3A_43 = arith.constant 8 : i32
      %mul3A_44 = arith.muli %shift_right_logical3A_42, %mul3A_43 : i32
      %multiple_of3A_45 = tpu.assume_multiple %mul3A_44, 8 : i32
      %mul3A_46 = arith.constant 16 : i32
      %mul3A_47 = arith.muli %scan3A_15, %mul3A_46 : i32
      %add3A_48 = arith.constant 1 : i32
      %add3A_49 = arith.addi %mul3A_47, %add3A_48 : i32
      %mul3A_50 = arith.constant 8 : i32
      %mul3A_51 = arith.muli %add3A_49, %mul3A_50 : i32
      %dma_start3A_52 = arith.constant 0 : i32
      %dma_start3A_53 = tpu.memref_slice %arg6[%mul3A_51, %dma_start3A_52] : memref<256x64xf32, #tpu.memory_space<vmem>> -> memref<8x64xf32, #tpu.memory_space<vmem>>
      %dma_start3A_54 = arith.constant 0 : i32
      %dma_start3A_55 = tpu.memref_slice %arg3[%multiple_of3A_45, %dma_start3A_54] : memref<1000000x64xf32, #tpu.memory_space<hbm>> -> memref<8x64xf32, #tpu.memory_space<hbm>>
      %dma_start3A_56 = arith.constant 0 : i32
      %dma_start3A_57 = tpu.memref_slice %arg6[%mul3A_51, %dma_start3A_56] : memref<256x64xf32, #tpu.memory_space<vmem>> -> memref<8x64xf32, #tpu.memory_space<vmem>>
      %dma_start3A_58 = arith.constant 0 : i32
      %dma_start3A_59 = tpu.memref_slice %arg3[%multiple_of3A_45, %dma_start3A_58] : memref<1000000x64xf32, #tpu.memory_space<hbm>> -> memref<8x64xf32, #tpu.memory_space<hbm>>
      tpu.enqueue_dma source(%dma_start3A_59 : memref<8x64xf32, #tpu.memory_space<hbm>>) target(%dma_start3A_57 : memref<8x64xf32, #tpu.memory_space<vmem>>) target_semaphore(%arg9 : memref<!tpu.dma_semaphore, #tpu.memory_space<semaphore_mem>>)
      %slice3A_60 = vector.extract_strided_slice %get3A_21 {offsets = [2], sizes = [1], strides = [1]} : vector<16xi32> to vector<1xi32>
      %squeeze3A_61 = vector.extract %slice3A_60[0] : i32 from vector<1xi32>
      %shift_right_logical3A_62 = arith.constant 3 : i32
      %shift_right_logical3A_63 = arith.shrui %squeeze3A_61, %shift_right_logical3A_62 : i32
      %mul3A_64 = arith.constant 8 : i32
      %mul3A_65 = arith.muli %shift_right_logical3A_63, %mul3A_64 : i32
      %multiple_of3A_66 = tpu.assume_multiple %mul3A_65, 8 : i32
      %mul3A_67 = arith.constant 16 : i32
      %mul3A_68 = arith.muli %scan3A_15, %mul3A_67 : i32
      %add3A_69 = arith.constant 2 : i32
      %add3A_70 = arith.addi %mul3A_68, %add3A_69 : i32
      %mul3A_71 = arith.constant 8 : i32
      %mul3A_72 = arith.muli %add3A_70, %mul3A_71 : i32
      %dma_start3A_73 = arith.constant 0 : i32
      %dma_start3A_74 = tpu.memref_slice %arg6[%mul3A_72, %dma_start3A_73] : memref<256x64xf32, #tpu.memory_space<vmem>> -> memref<8x64xf32, #tpu.memory_space<vmem>>
      %dma_start3A_75 = arith.constant 0 : i32
      %dma_start3A_76 = tpu.memref_slice %arg3[%multiple_of3A_66, %dma_start3A_75] : memref<1000000x64xf32, #tpu.memory_space<hbm>> -> memref<8x64xf32, #tpu.memory_space<hbm>>
      %dma_start3A_77 = arith.constant 0 : i32
      %dma_start3A_78 = tpu.memref_slice %arg6[%mul3A_72, %dma_start3A_77] : memref<256x64xf32, #tpu.memory_space<vmem>> -> memref<8x64xf32, #tpu.memory_space<vmem>>
      %dma_start3A_79 = arith.constant 0 : i32
      %dma_start3A_80 = tpu.memref_slice %arg3[%multiple_of3A_66, %dma_start3A_79] : memref<1000000x64xf32, #tpu.memory_space<hbm>> -> memref<8x64xf32, #tpu.memory_space<hbm>>
      tpu.enqueue_dma source(%dma_start3A_80 : memref<8x64xf32, #tpu.memory_space<hbm>>) target(%dma_start3A_78 : memref<8x64xf32, #tpu.memory_space<vmem>>) target_semaphore(%arg9 : memref<!tpu.dma_semaphore, #tpu.memory_space<semaphore_mem>>)
      %slice3A_81 = vector.extract_strided_slice %get3A_21 {offsets = [3], sizes = [1], strides = [1]} : vector<16xi32> to vector<1xi32>
      %squeeze3A_82 = vector.extract %slice3A_81[0] : i32 from vector<1xi32>
      %shift_right_logical3A_83 = arith.constant 3 : i32
      %shift_right_logical3A_84 = arith.shrui %squeeze3A_82, %shift_right_logical3A_83 : i32
      %mul3A_85 = arith.constant 8 : i32
      %mul3A_86 = arith.muli %shift_right_logical3A_84, %mul3A_85 : i32
      %multiple_of3A_87 = tpu.assume_multiple %mul3A_86, 8 : i32
      %mul3A_88 = arith.constant 16 : i32
      %mul3A_89 = arith.muli %scan3A_15, %mul3A_88 : i32
      %add3A_90 = arith.constant 3 : i32
      %add3A_91 = arith.addi %mul3A_89, %add3A_90 : i32
      %mul3A_92 = arith.constant 8 : i32
      %mul3A_93 = arith.muli %add3A_91, %mul3A_92 : i32
      %dma_start3A_94 = arith.constant 0 : i32
      %dma_start3A_95 = tpu.memref_slice %arg6[%mul3A_93, %dma_start3A_94] : memref<256x64xf32, #tpu.memory_space<vmem>> -> memref<8x64xf32, #tpu.memory_space<vmem>>
      %dma_start3A_96 = arith.constant 0 : i32
      %dma_start3A_97 = tpu.memref_slice %arg3[%multiple_of3A_87, %dma_start3A_96] : memref<1000000x64xf32, #tpu.memory_space<hbm>> -> memref<8x64xf32, #tpu.memory_space<hbm>>
      %dma_start3A_98 = arith.constant 0 : i32
      %dma_start3A_99 = tpu.memref_slice %arg6[%mul3A_93, %dma_start3A_98] : memref<256x64xf32, #tpu.memory_space<vmem>> -> memref<8x64xf32, #tpu.memory_space<vmem>>
      %dma_start3A_100 = arith.constant 0 : i32
      %dma_start3A_101 = tpu.memref_slice %arg3[%multiple_of3A_87, %dma_start3A_100] : memref<1000000x64xf32, #tpu.memory_space<hbm>> -> memref<8x64xf32, #tpu.memory_space<hbm>>
      tpu.enqueue_dma source(%dma_start3A_101 : memref<8x64xf32, #tpu.memory_space<hbm>>) target(%dma_start3A_99 : memref<8x64xf32, #tpu.memory_space<vmem>>) target_semaphore(%arg9 : memref<!tpu.dma_semaphore, #tpu.memory_space<semaphore_mem>>)
      %slice3A_102 = vector.extract_strided_slice %get3A_21 {offsets = [4], sizes = [1], strides = [1]} : vector<16xi32> to vector<1xi32>
      %squeeze3A_103 = vector.extract %slice3A_102[0] : i32 from vector<1xi32>
      %shift_right_logical3A_104 = arith.constant 3 : i32
      %shift_right_logical3A_105 = arith.shrui %squeeze3A_103, %shift_right_logical3A_104 : i32
      %mul3A_106 = arith.constant 8 : i32
      %mul3A_107 = arith.muli %shift_right_logical3A_105, %mul3A_106 : i32
      %multiple_of3A_108 = tpu.assume_multiple %mul3A_107, 8 : i32
      %mul3A_109 = arith.constant 16 : i32
      %mul3A_110 = arith.muli %scan3A_15, %mul3A_109 : i32
      %add3A_111 = arith.constant 4 : i32
      %add3A_112 = arith.addi %mul3A_110, %add3A_111 : i32
      %mul3A_113 = arith.constant 8 : i32
      %mul3A_114 = arith.muli %add3A_112, %mul3A_113 : i32
      %dma_start3A_115 = arith.constant 0 : i32
      %dma_start3A_116 = tpu.memref_slice %arg6[%mul3A_114, %dma_start3A_115] : memref<256x64xf32, #tpu.memory_space<vmem>> -> memref<8x64xf32, #tpu.memory_space<vmem>>
      %dma_start3A_117 = arith.constant 0 : i32
      %dma_start3A_118 = tpu.memref_slice %arg3[%multiple_of3A_108, %dma_start3A_117] : memref<1000000x64xf32, #tpu.memory_space<hbm>> -> memref<8x64xf32, #tpu.memory_space<hbm>>
      %dma_start3A_119 = arith.constant 0 : i32
      %dma_start3A_120 = tpu.memref_slice %arg6[%mul3A_114, %dma_start3A_119] : memref<256x64xf32, #tpu.memory_space<vmem>> -> memref<8x64xf32, #tpu.memory_space<vmem>>
      %dma_start3A_121 = arith.constant 0 : i32
      %dma_start3A_122 = tpu.memref_slice %arg3[%multiple_of3A_108, %dma_start3A_121] : memref<1000000x64xf32, #tpu.memory_space<hbm>> -> memref<8x64xf32, #tpu.memory_space<hbm>>
      tpu.enqueue_dma source(%dma_start3A_122 : memref<8x64xf32, #tpu.memory_space<hbm>>) target(%dma_start3A_120 : memref<8x64xf32, #tpu.memory_space<vmem>>) target_semaphore(%arg9 : memref<!tpu.dma_semaphore, #tpu.memory_space<semaphore_mem>>)
      %slice3A_123 = vector.extract_strided_slice %get3A_21 {offsets = [5], sizes = [1], strides = [1]} : vector<16xi32> to vector<1xi32>
      %squeeze3A_124 = vector.extract %slice3A_123[0] : i32 from vector<1xi32>
      %shift_right_logical3A_125 = arith.constant 3 : i32
      %shift_right_logical3A_126 = arith.shrui %squeeze3A_124, %shift_right_logical3A_125 : i32
      %mul3A_127 = arith.constant 8 : i32
      %mul3A_128 = arith.muli %shift_right_logical3A_126, %mul3A_127 : i32
      %multiple_of3A_129 = tpu.assume_multiple %mul3A_128, 8 : i32
      %mul3A_130 = arith.constant 16 : i32
      %mul3A_131 = arith.muli %scan3A_15, %mul3A_130 : i32
      %add3A_132 = arith.constant 5 : i32
      %add3A_133 = arith.addi %mul3A_131, %add3A_132 : i32
      %mul3A_134 = arith.constant 8 : i32
      %mul3A_135 = arith.muli %add3A_133, %mul3A_134 : i32
      %dma_start3A_136 = arith.constant 0 : i32
      %dma_start3A_137 = tpu.memref_slice %arg6[%mul3A_135, %dma_start3A_136] : memref<256x64xf32, #tpu.memory_space<vmem>> -> memref<8x64xf32, #tpu.memory_space<vmem>>
      %dma_start3A_138 = arith.constant 0 : i32
      %dma_start3A_139 = tpu.memref_slice %arg3[%multiple_of3A_129, %dma_start3A_138] : memref<1000000x64xf32, #tpu.memory_space<hbm>> -> memref<8x64xf32, #tpu.memory_space<hbm>>
      %dma_start3A_140 = arith.constant 0 : i32
      %dma_start3A_141 = tpu.memref_slice %arg6[%mul3A_135, %dma_start3A_140] : memref<256x64xf32, #tpu.memory_space<vmem>> -> memref<8x64xf32, #tpu.memory_space<vmem>>
      %dma_start3A_142 = arith.constant 0 : i32
      %dma_start3A_143 = tpu.memref_slice %arg3[%multiple_of3A_129, %dma_start3A_142] : memref<1000000x64xf32, #tpu.memory_space<hbm>> -> memref<8x64xf32, #tpu.memory_space<hbm>>
      tpu.enqueue_dma source(%dma_start3A_143 : memref<8x64xf32, #tpu.memory_space<hbm>>) target(%dma_start3A_141 : memref<8x64xf32, #tpu.memory_space<vmem>>) target_semaphore(%arg9 : memref<!tpu.dma_semaphore, #tpu.memory_space<semaphore_mem>>)
      %slice3A_144 = vector.extract_strided_slice %get3A_21 {offsets = [6], sizes = [1], strides = [1]} : vector<16xi32> to vector<1xi32>
      %squeeze3A_145 = vector.extract %slice3A_144[0] : i32 from vector<1xi32>
      %shift_right_logical3A_146 = arith.constant 3 : i32
      %shift_right_logical3A_147 = arith.shrui %squeeze3A_145, %shift_right_logical3A_146 : i32
      %mul3A_148 = arith.constant 8 : i32
      %mul3A_149 = arith.muli %shift_right_logical3A_147, %mul3A_148 : i32
      %multiple_of3A_150 = tpu.assume_multiple %mul3A_149, 8 : i32
      %mul3A_151 = arith.constant 16 : i32
      %mul3A_152 = arith.muli %scan3A_15, %mul3A_151 : i32
      %add3A_153 = arith.constant 6 : i32
      %add3A_154 = arith.addi %mul3A_152, %add3A_153 : i32
      %mul3A_155 = arith.constant 8 : i32
      %mul3A_156 = arith.muli %add3A_154, %mul3A_155 : i32
      %dma_start3A_157 = arith.constant 0 : i32
      %dma_start3A_158 = tpu.memref_slice %arg6[%mul3A_156, %dma_start3A_157] : memref<256x64xf32, #tpu.memory_space<vmem>> -> memref<8x64xf32, #tpu.memory_space<vmem>>
      %dma_start3A_159 = arith.constant 0 : i32
      %dma_start3A_160 = tpu.memref_slice %arg3[%multiple_of3A_150, %dma_start3A_159] : memref<1000000x64xf32, #tpu.memory_space<hbm>> -> memref<8x64xf32, #tpu.memory_space<hbm>>
      %dma_start3A_161 = arith.constant 0 : i32
      %dma_start3A_162 = tpu.memref_slice %arg6[%mul3A_156, %dma_start3A_161] : memref<256x64xf32, #tpu.memory_space<vmem>> -> memref<8x64xf32, #tpu.memory_space<vmem>>
      %dma_start3A_163 = arith.constant 0 : i32
      %dma_start3A_164 = tpu.memref_slice %arg3[%multiple_of3A_150, %dma_start3A_163] : memref<1000000x64xf32, #tpu.memory_space<hbm>> -> memref<8x64xf32, #tpu.memory_space<hbm>>
      tpu.enqueue_dma source(%dma_start3A_164 : memref<8x64xf32, #tpu.memory_space<hbm>>) target(%dma_start3A_162 : memref<8x64xf32, #tpu.memory_space<vmem>>) target_semaphore(%arg9 : memref<!tpu.dma_semaphore, #tpu.memory_space<semaphore_mem>>)
      %slice3A_165 = vector.extract_strided_slice %get3A_21 {offsets = [7], sizes = [1], strides = [1]} : vector<16xi32> to vector<1xi32>
      %squeeze3A_166 = vector.extract %slice3A_165[0] : i32 from vector<1xi32>
      %shift_right_logical3A_167 = arith.constant 3 : i32
      %shift_right_logical3A_168 = arith.shrui %squeeze3A_166, %shift_right_logical3A_167 : i32
      %mul3A_169 = arith.constant 8 : i32
      %mul3A_170 = arith.muli %shift_right_logical3A_168, %mul3A_169 : i32
      %multiple_of3A_171 = tpu.assume_multiple %mul3A_170, 8 : i32
      %mul3A_172 = arith.constant 16 : i32
      %mul3A_173 = arith.muli %scan3A_15, %mul3A_172 : i32
      %add3A_174 = arith.constant 7 : i32
      %add3A_175 = arith.addi %mul3A_173, %add3A_174 : i32
      %mul3A_176 = arith.constant 8 : i32
      %mul3A_177 = arith.muli %add3A_175, %mul3A_176 : i32
      %dma_start3A_178 = arith.constant 0 : i32
      %dma_start3A_179 = tpu.memref_slice %arg6[%mul3A_177, %dma_start3A_178] : memref<256x64xf32, #tpu.memory_space<vmem>> -> memref<8x64xf32, #tpu.memory_space<vmem>>
      %dma_start3A_180 = arith.constant 0 : i32
      %dma_start3A_181 = tpu.memref_slice %arg3[%multiple_of3A_171, %dma_start3A_180] : memref<1000000x64xf32, #tpu.memory_space<hbm>> -> memref<8x64xf32, #tpu.memory_space<hbm>>
      %dma_start3A_182 = arith.constant 0 : i32
      %dma_start3A_183 = tpu.memref_slice %arg6[%mul3A_177, %dma_start3A_182] : memref<256x64xf32, #tpu.memory_space<vmem>> -> memref<8x64xf32, #tpu.memory_space<vmem>>
      %dma_start3A_184 = arith.constant 0 : i32
      %dma_start3A_185 = tpu.memref_slice %arg3[%multiple_of3A_171, %dma_start3A_184] : memref<1000000x64xf32, #tpu.memory_space<hbm>> -> memref<8x64xf32, #tpu.memory_space<hbm>>
      tpu.enqueue_dma source(%dma_start3A_185 : memref<8x64xf32, #tpu.memory_space<hbm>>) target(%dma_start3A_183 : memref<8x64xf32, #tpu.memory_space<vmem>>) target_semaphore(%arg9 : memref<!tpu.dma_semaphore, #tpu.memory_space<semaphore_mem>>)
      %slice3A_186 = vector.extract_strided_slice %get3A_21 {offsets = [8], sizes = [1], strides = [1]} : vector<16xi32> to vector<1xi32>
      %squeeze3A_187 = vector.extract %slice3A_186[0] : i32 from vector<1xi32>
      %shift_right_logical3A_188 = arith.constant 3 : i32
      %shift_right_logical3A_189 = arith.shrui %squeeze3A_187, %shift_right_logical3A_188 : i32
      %mul3A_190 = arith.constant 8 : i32
      %mul3A_191 = arith.muli %shift_right_logical3A_189, %mul3A_190 : i32
      %multiple_of3A_192 = tpu.assume_multiple %mul3A_191, 8 : i32
      %mul3A_193 = arith.constant 16 : i32
      %mul3A_194 = arith.muli %scan3A_15, %mul3A_193 : i32
      %add3A_195 = arith.constant 8 : i32
      %add3A_196 = arith.addi %mul3A_194, %add3A_195 : i32
      %mul3A_197 = arith.constant 8 : i32
      %mul3A_198 = arith.muli %add3A_196, %mul3A_197 : i32
      %dma_start3A_199 = arith.constant 0 : i32
      %dma_start3A_200 = tpu.memref_slice %arg6[%mul3A_198, %dma_start3A_199] : memref<256x64xf32, #tpu.memory_space<vmem>> -> memref<8x64xf32, #tpu.memory_space<vmem>>
      %dma_start3A_201 = arith.constant 0 : i32
      %dma_start3A_202 = tpu.memref_slice %arg3[%multiple_of3A_192, %dma_start3A_201] : memref<1000000x64xf32, #tpu.memory_space<hbm>> -> memref<8x64xf32, #tpu.memory_space<hbm>>
      %dma_start3A_203 = arith.constant 0 : i32
      %dma_start3A_204 = tpu.memref_slice %arg6[%mul3A_198, %dma_start3A_203] : memref<256x64xf32, #tpu.memory_space<vmem>> -> memref<8x64xf32, #tpu.memory_space<vmem>>
      %dma_start3A_205 = arith.constant 0 : i32
      %dma_start3A_206 = tpu.memref_slice %arg3[%multiple_of3A_192, %dma_start3A_205] : memref<1000000x64xf32, #tpu.memory_space<hbm>> -> memref<8x64xf32, #tpu.memory_space<hbm>>
      tpu.enqueue_dma source(%dma_start3A_206 : memref<8x64xf32, #tpu.memory_space<hbm>>) target(%dma_start3A_204 : memref<8x64xf32, #tpu.memory_space<vmem>>) target_semaphore(%arg9 : memref<!tpu.dma_semaphore, #tpu.memory_space<semaphore_mem>>)
      %slice3A_207 = vector.extract_strided_slice %get3A_21 {offsets = [9], sizes = [1], strides = [1]} : vector<16xi32> to vector<1xi32>
      %squeeze3A_208 = vector.extract %slice3A_207[0] : i32 from vector<1xi32>
      %shift_right_logical3A_209 = arith.constant 3 : i32
      %shift_right_logical3A_210 = arith.shrui %squeeze3A_208, %shift_right_logical3A_209 : i32
      %mul3A_211 = arith.constant 8 : i32
      %mul3A_212 = arith.muli %shift_right_logical3A_210, %mul3A_211 : i32
      %multiple_of3A_213 = tpu.assume_multiple %mul3A_212, 8 : i32
      %mul3A_214 = arith.constant 16 : i32
      %mul3A_215 = arith.muli %scan3A_15, %mul3A_214 : i32
      %add3A_216 = arith.constant 9 : i32
      %add3A_217 = arith.addi %mul3A_215, %add3A_216 : i32
      %mul3A_218 = arith.constant 8 : i32
      %mul3A_219 = arith.muli %add3A_217, %mul3A_218 : i32
      %dma_start3A_220 = arith.constant 0 : i32
      %dma_start3A_221 = tpu.memref_slice %arg6[%mul3A_219, %dma_start3A_220] : memref<256x64xf32, #tpu.memory_space<vmem>> -> memref<8x64xf32, #tpu.memory_space<vmem>>
      %dma_start3A_222 = arith.constant 0 : i32
      %dma_start3A_223 = tpu.memref_slice %arg3[%multiple_of3A_213, %dma_start3A_222] : memref<1000000x64xf32, #tpu.memory_space<hbm>> -> memref<8x64xf32, #tpu.memory_space<hbm>>
      %dma_start3A_224 = arith.constant 0 : i32
      %dma_start3A_225 = tpu.memref_slice %arg6[%mul3A_219, %dma_start3A_224] : memref<256x64xf32, #tpu.memory_space<vmem>> -> memref<8x64xf32, #tpu.memory_space<vmem>>
      %dma_start3A_226 = arith.constant 0 : i32
      %dma_start3A_227 = tpu.memref_slice %arg3[%multiple_of3A_213, %dma_start3A_226] : memref<1000000x64xf32, #tpu.memory_space<hbm>> -> memref<8x64xf32, #tpu.memory_space<hbm>>
      tpu.enqueue_dma source(%dma_start3A_227 : memref<8x64xf32, #tpu.memory_space<hbm>>) target(%dma_start3A_225 : memref<8x64xf32, #tpu.memory_space<vmem>>) target_semaphore(%arg9 : memref<!tpu.dma_semaphore, #tpu.memory_space<semaphore_mem>>)
      %slice3A_228 = vector.extract_strided_slice %get3A_21 {offsets = [10], sizes = [1], strides = [1]} : vector<16xi32> to vector<1xi32>
      %squeeze3A_229 = vector.extract %slice3A_228[0] : i32 from vector<1xi32>
      %shift_right_logical3A_230 = arith.constant 3 : i32
      %shift_right_logical3A_231 = arith.shrui %squeeze3A_229, %shift_right_logical3A_230 : i32
      %mul3A_232 = arith.constant 8 : i32
      %mul3A_233 = arith.muli %shift_right_logical3A_231, %mul3A_232 : i32
      %multiple_of3A_234 = tpu.assume_multiple %mul3A_233, 8 : i32
      %mul3A_235 = arith.constant 16 : i32
      %mul3A_236 = arith.muli %scan3A_15, %mul3A_235 : i32
      %add3A_237 = arith.constant 10 : i32
      %add3A_238 = arith.addi %mul3A_236, %add3A_237 : i32
      %mul3A_239 = arith.constant 8 : i32
      %mul3A_240 = arith.muli %add3A_238, %mul3A_239 : i32
      %dma_start3A_241 = arith.constant 0 : i32
      %dma_start3A_242 = tpu.memref_slice %arg6[%mul3A_240, %dma_start3A_241] : memref<256x64xf32, #tpu.memory_space<vmem>> -> memref<8x64xf32, #tpu.memory_space<vmem>>
      %dma_start3A_243 = arith.constant 0 : i32
      %dma_start3A_244 = tpu.memref_slice %arg3[%multiple_of3A_234, %dma_start3A_243] : memref<1000000x64xf32, #tpu.memory_space<hbm>> -> memref<8x64xf32, #tpu.memory_space<hbm>>
      %dma_start3A_245 = arith.constant 0 : i32
      %dma_start3A_246 = tpu.memref_slice %arg6[%mul3A_240, %dma_start3A_245] : memref<256x64xf32, #tpu.memory_space<vmem>> -> memref<8x64xf32, #tpu.memory_space<vmem>>
      %dma_start3A_247 = arith.constant 0 : i32
      %dma_start3A_248 = tpu.memref_slice %arg3[%multiple_of3A_234, %dma_start3A_247] : memref<1000000x64xf32, #tpu.memory_space<hbm>> -> memref<8x64xf32, #tpu.memory_space<hbm>>
      tpu.enqueue_dma source(%dma_start3A_248 : memref<8x64xf32, #tpu.memory_space<hbm>>) target(%dma_start3A_246 : memref<8x64xf32, #tpu.memory_space<vmem>>) target_semaphore(%arg9 : memref<!tpu.dma_semaphore, #tpu.memory_space<semaphore_mem>>)
      %slice3A_249 = vector.extract_strided_slice %get3A_21 {offsets = [11], sizes = [1], strides = [1]} : vector<16xi32> to vector<1xi32>
      %squeeze3A_250 = vector.extract %slice3A_249[0] : i32 from vector<1xi32>
      %shift_right_logical3A_251 = arith.constant 3 : i32
      %shift_right_logical3A_252 = arith.shrui %squeeze3A_250, %shift_right_logical3A_251 : i32
      %mul3A_253 = arith.constant 8 : i32
      %mul3A_254 = arith.muli %shift_right_logical3A_252, %mul3A_253 : i32
      %multiple_of3A_255 = tpu.assume_multiple %mul3A_254, 8 : i32
      %mul3A_256 = arith.constant 16 : i32
      %mul3A_257 = arith.muli %scan3A_15, %mul3A_256 : i32
      %add3A_258 = arith.constant 11 : i32
      %add3A_259 = arith.addi %mul3A_257, %add3A_258 : i32
      %mul3A_260 = arith.constant 8 : i32
      %mul3A_261 = arith.muli %add3A_259, %mul3A_260 : i32
      %dma_start3A_262 = arith.constant 0 : i32
      %dma_start3A_263 = tpu.memref_slice %arg6[%mul3A_261, %dma_start3A_262] : memref<256x64xf32, #tpu.memory_space<vmem>> -> memref<8x64xf32, #tpu.memory_space<vmem>>
      %dma_start3A_264 = arith.constant 0 : i32
      %dma_start3A_265 = tpu.memref_slice %arg3[%multiple_of3A_255, %dma_start3A_264] : memref<1000000x64xf32, #tpu.memory_space<hbm>> -> memref<8x64xf32, #tpu.memory_space<hbm>>
      %dma_start3A_266 = arith.constant 0 : i32
      %dma_start3A_267 = tpu.memref_slice %arg6[%mul3A_261, %dma_start3A_266] : memref<256x64xf32, #tpu.memory_space<vmem>> -> memref<8x64xf32, #tpu.memory_space<vmem>>
      %dma_start3A_268 = arith.constant 0 : i32
      %dma_start3A_269 = tpu.memref_slice %arg3[%multiple_of3A_255, %dma_start3A_268] : memref<1000000x64xf32, #tpu.memory_space<hbm>> -> memref<8x64xf32, #tpu.memory_space<hbm>>
      tpu.enqueue_dma source(%dma_start3A_269 : memref<8x64xf32, #tpu.memory_space<hbm>>) target(%dma_start3A_267 : memref<8x64xf32, #tpu.memory_space<vmem>>) target_semaphore(%arg9 : memref<!tpu.dma_semaphore, #tpu.memory_space<semaphore_mem>>)
      %slice3A_270 = vector.extract_strided_slice %get3A_21 {offsets = [12], sizes = [1], strides = [1]} : vector<16xi32> to vector<1xi32>
      %squeeze3A_271 = vector.extract %slice3A_270[0] : i32 from vector<1xi32>
      %shift_right_logical3A_272 = arith.constant 3 : i32
      %shift_right_logical3A_273 = arith.shrui %squeeze3A_271, %shift_right_logical3A_272 : i32
      %mul3A_274 = arith.constant 8 : i32
      %mul3A_275 = arith.muli %shift_right_logical3A_273, %mul3A_274 : i32
      %multiple_of3A_276 = tpu.assume_multiple %mul3A_275, 8 : i32
      %mul3A_277 = arith.constant 16 : i32
      %mul3A_278 = arith.muli %scan3A_15, %mul3A_277 : i32
      %add3A_279 = arith.constant 12 : i32
      %add3A_280 = arith.addi %mul3A_278, %add3A_279 : i32
      %mul3A_281 = arith.constant 8 : i32
      %mul3A_282 = arith.muli %add3A_280, %mul3A_281 : i32
      %dma_start3A_283 = arith.constant 0 : i32
      %dma_start3A_284 = tpu.memref_slice %arg6[%mul3A_282, %dma_start3A_283] : memref<256x64xf32, #tpu.memory_space<vmem>> -> memref<8x64xf32, #tpu.memory_space<vmem>>
      %dma_start3A_285 = arith.constant 0 : i32
      %dma_start3A_286 = tpu.memref_slice %arg3[%multiple_of3A_276, %dma_start3A_285] : memref<1000000x64xf32, #tpu.memory_space<hbm>> -> memref<8x64xf32, #tpu.memory_space<hbm>>
      %dma_start3A_287 = arith.constant 0 : i32
      %dma_start3A_288 = tpu.memref_slice %arg6[%mul3A_282, %dma_start3A_287] : memref<256x64xf32, #tpu.memory_space<vmem>> -> memref<8x64xf32, #tpu.memory_space<vmem>>
      %dma_start3A_289 = arith.constant 0 : i32
      %dma_start3A_290 = tpu.memref_slice %arg3[%multiple_of3A_276, %dma_start3A_289] : memref<1000000x64xf32, #tpu.memory_space<hbm>> -> memref<8x64xf32, #tpu.memory_space<hbm>>
      tpu.enqueue_dma source(%dma_start3A_290 : memref<8x64xf32, #tpu.memory_space<hbm>>) target(%dma_start3A_288 : memref<8x64xf32, #tpu.memory_space<vmem>>) target_semaphore(%arg9 : memref<!tpu.dma_semaphore, #tpu.memory_space<semaphore_mem>>)
      %slice3A_291 = vector.extract_strided_slice %get3A_21 {offsets = [13], sizes = [1], strides = [1]} : vector<16xi32> to vector<1xi32>
      %squeeze3A_292 = vector.extract %slice3A_291[0] : i32 from vector<1xi32>
      %shift_right_logical3A_293 = arith.constant 3 : i32
      %shift_right_logical3A_294 = arith.shrui %squeeze3A_292, %shift_right_logical3A_293 : i32
      %mul3A_295 = arith.constant 8 : i32
      %mul3A_296 = arith.muli %shift_right_logical3A_294, %mul3A_295 : i32
      %multiple_of3A_297 = tpu.assume_multiple %mul3A_296, 8 : i32
      %mul3A_298 = arith.constant 16 : i32
      %mul3A_299 = arith.muli %scan3A_15, %mul3A_298 : i32
      %add3A_300 = arith.constant 13 : i32
      %add3A_301 = arith.addi %mul3A_299, %add3A_300 : i32
      %mul3A_302 = arith.constant 8 : i32
      %mul3A_303 = arith.muli %add3A_301, %mul3A_302 : i32
      %dma_start3A_304 = arith.constant 0 : i32
      %dma_start3A_305 = tpu.memref_slice %arg6[%mul3A_303, %dma_start3A_304] : memref<256x64xf32, #tpu.memory_space<vmem>> -> memref<8x64xf32, #tpu.memory_space<vmem>>
      %dma_start3A_306 = arith.constant 0 : i32
      %dma_start3A_307 = tpu.memref_slice %arg3[%multiple_of3A_297, %dma_start3A_306] : memref<1000000x64xf32, #tpu.memory_space<hbm>> -> memref<8x64xf32, #tpu.memory_space<hbm>>
      %dma_start3A_308 = arith.constant 0 : i32
      %dma_start3A_309 = tpu.memref_slice %arg6[%mul3A_303, %dma_start3A_308] : memref<256x64xf32, #tpu.memory_space<vmem>> -> memref<8x64xf32, #tpu.memory_space<vmem>>
      %dma_start3A_310 = arith.constant 0 : i32
      %dma_start3A_311 = tpu.memref_slice %arg3[%multiple_of3A_297, %dma_start3A_310] : memref<1000000x64xf32, #tpu.memory_space<hbm>> -> memref<8x64xf32, #tpu.memory_space<hbm>>
      tpu.enqueue_dma source(%dma_start3A_311 : memref<8x64xf32, #tpu.memory_space<hbm>>) target(%dma_start3A_309 : memref<8x64xf32, #tpu.memory_space<vmem>>) target_semaphore(%arg9 : memref<!tpu.dma_semaphore, #tpu.memory_space<semaphore_mem>>)
      %slice3A_312 = vector.extract_strided_slice %get3A_21 {offsets = [14], sizes = [1], strides = [1]} : vector<16xi32> to vector<1xi32>
      %squeeze3A_313 = vector.extract %slice3A_312[0] : i32 from vector<1xi32>
      %shift_right_logical3A_314 = arith.constant 3 : i32
      %shift_right_logical3A_315 = arith.shrui %squeeze3A_313, %shift_right_logical3A_314 : i32
      %mul3A_316 = arith.constant 8 : i32
      %mul3A_317 = arith.muli %shift_right_logical3A_315, %mul3A_316 : i32
      %multiple_of3A_318 = tpu.assume_multiple %mul3A_317, 8 : i32
      %mul3A_319 = arith.constant 16 : i32
      %mul3A_320 = arith.muli %scan3A_15, %mul3A_319 : i32
      %add3A_321 = arith.constant 14 : i32
      %add3A_322 = arith.addi %mul3A_320, %add3A_321 : i32
      %mul3A_323 = arith.constant 8 : i32
      %mul3A_324 = arith.muli %add3A_322, %mul3A_323 : i32
      %dma_start3A_325 = arith.constant 0 : i32
      %dma_start3A_326 = tpu.memref_slice %arg6[%mul3A_324, %dma_start3A_325] : memref<256x64xf32, #tpu.memory_space<vmem>> -> memref<8x64xf32, #tpu.memory_space<vmem>>
      %dma_start3A_327 = arith.constant 0 : i32
      %dma_start3A_328 = tpu.memref_slice %arg3[%multiple_of3A_318, %dma_start3A_327] : memref<1000000x64xf32, #tpu.memory_space<hbm>> -> memref<8x64xf32, #tpu.memory_space<hbm>>
      %dma_start3A_329 = arith.constant 0 : i32
      %dma_start3A_330 = tpu.memref_slice %arg6[%mul3A_324, %dma_start3A_329] : memref<256x64xf32, #tpu.memory_space<vmem>> -> memref<8x64xf32, #tpu.memory_space<vmem>>
      %dma_start3A_331 = arith.constant 0 : i32
      %dma_start3A_332 = tpu.memref_slice %arg3[%multiple_of3A_318, %dma_start3A_331] : memref<1000000x64xf32, #tpu.memory_space<hbm>> -> memref<8x64xf32, #tpu.memory_space<hbm>>
      tpu.enqueue_dma source(%dma_start3A_332 : memref<8x64xf32, #tpu.memory_space<hbm>>) target(%dma_start3A_330 : memref<8x64xf32, #tpu.memory_space<vmem>>) target_semaphore(%arg9 : memref<!tpu.dma_semaphore, #tpu.memory_space<semaphore_mem>>)
      %slice3A_333 = vector.extract_strided_slice %get3A_21 {offsets = [15], sizes = [1], strides = [1]} : vector<16xi32> to vector<1xi32>
      %squeeze3A_334 = vector.extract %slice3A_333[0] : i32 from vector<1xi32>
      %shift_right_logical3A_335 = arith.constant 3 : i32
      %shift_right_logical3A_336 = arith.shrui %squeeze3A_334, %shift_right_logical3A_335 : i32
      %mul3A_337 = arith.constant 8 : i32
      %mul3A_338 = arith.muli %shift_right_logical3A_336, %mul3A_337 : i32
      %multiple_of3A_339 = tpu.assume_multiple %mul3A_338, 8 : i32
      %mul3A_340 = arith.constant 16 : i32
      %mul3A_341 = arith.muli %scan3A_15, %mul3A_340 : i32
      %add3A_342 = arith.constant 15 : i32
      %add3A_343 = arith.addi %mul3A_341, %add3A_342 : i32
      %mul3A_344 = arith.constant 8 : i32
      %mul3A_345 = arith.muli %add3A_343, %mul3A_344 : i32
      %dma_start3A_346 = arith.constant 0 : i32
      %dma_start3A_347 = tpu.memref_slice %arg6[%mul3A_345, %dma_start3A_346] : memref<256x64xf32, #tpu.memory_space<vmem>> -> memref<8x64xf32, #tpu.memory_space<vmem>>
      %dma_start3A_348 = arith.constant 0 : i32
      %dma_start3A_349 = tpu.memref_slice %arg3[%multiple_of3A_339, %dma_start3A_348] : memref<1000000x64xf32, #tpu.memory_space<hbm>> -> memref<8x64xf32, #tpu.memory_space<hbm>>
      %dma_start3A_350 = arith.constant 0 : i32
      %dma_start3A_351 = tpu.memref_slice %arg6[%mul3A_345, %dma_start3A_350] : memref<256x64xf32, #tpu.memory_space<vmem>> -> memref<8x64xf32, #tpu.memory_space<vmem>>
      %dma_start3A_352 = arith.constant 0 : i32
      %dma_start3A_353 = tpu.memref_slice %arg3[%multiple_of3A_339, %dma_start3A_352] : memref<1000000x64xf32, #tpu.memory_space<hbm>> -> memref<8x64xf32, #tpu.memory_space<hbm>>
      tpu.enqueue_dma source(%dma_start3A_353 : memref<8x64xf32, #tpu.memory_space<hbm>>) target(%dma_start3A_351 : memref<8x64xf32, #tpu.memory_space<vmem>>) target_semaphore(%arg9 : memref<!tpu.dma_semaphore, #tpu.memory_space<semaphore_mem>>)
    }
    %scan3A_9 = arith.constant 2 : i32
    %scan3A_10 = arith.constant 0 : i32
    %scan3A_11 = arith.constant 8 : i32
    %scan3A_12 = arith.addi %scan3A_10, %scan3A_11 : i32
    %scan3A_13 = arith.constant 1 : i32
    scf.for %scan3A_15 = %scan3A_10 to %scan3A_12 step %scan3A_13  : i32 {
      %mul3A_16 = arith.constant 2 : i32
      %mul3A_17 = arith.muli %scan3A_15, %mul3A_16 : i32
      %add3A_18 = arith.constant 1 : i32
      %add3A_19 = arith.addi %mul3A_17, %add3A_18 : i32
      %mul3A_20 = arith.constant 32 : i32
      %mul3A_21 = arith.muli %add3A_19, %mul3A_20 : i32
      %scan3A_22 = arith.constant 0 : i32
      %scan3A_23 = arith.constant 2 : i32
      %scan3A_24 = arith.addi %scan3A_22, %scan3A_23 : i32
      %scan3A_25 = arith.constant 1 : i32
      scf.for %scan3A_56 = %scan3A_22 to %scan3A_24 step %scan3A_25  : i32 {
        %mul3A_57 = arith.constant 16 : i32
        %mul3A_58 = arith.muli %scan3A_56, %mul3A_57 : i32
        %add3A_59 = arith.addi %mul3A_21, %mul3A_58 : i32
        %get3A = arith.index_cast %add3A_59 : i32 to index
        %get3A_60 = tpu.vector_load %arg5[%get3A] {strides = array<i32>} : memref<512xi32, #tpu.memory_space<vmem>>, vector<16xi32>,
        %get3A_61 = vector.shape_cast %get3A_60 : vector<16xi32> to vector<16xi32>
        %slice3A = vector.extract_strided_slice %get3A_61 {offsets = [0], sizes = [1], strides = [1]} : vector<16xi32> to vector<1xi32>
        %squeeze3A = vector.extract %slice3A[0] : i32 from vector<1xi32>
        %shift_right_logical3A = arith.constant 3 : i32
        %shift_right_logical3A_62 = arith.shrui %squeeze3A, %shift_right_logical3A : i32
        %mul3A_63 = arith.constant 8 : i32
        %mul3A_64 = arith.muli %shift_right_logical3A_62, %mul3A_63 : i32
        %multiple_of3A_65 = tpu.assume_multiple %mul3A_64, 8 : i32
        %mul3A_66 = arith.constant 16 : i32
        %mul3A_67 = arith.muli %scan3A_56, %mul3A_66 : i32
        %add3A_68 = arith.constant 0 : i32
        %add3A_69 = arith.addi %mul3A_67, %add3A_68 : i32
        %mul3A_70 = arith.constant 8 : i32
        %mul3A_71 = arith.muli %add3A_69, %mul3A_70 : i32
        %dma_start3A = arith.constant 0 : i32
        %dma_start3A_72 = tpu.memref_slice %arg7[%mul3A_71, %dma_start3A] : memref<256x64xf32, #tpu.memory_space<vmem>> -> memref<8x64xf32, #tpu.memory_space<vmem>>
        %dma_start3A_73 = arith.constant 0 : i32
        %dma_start3A_74 = tpu.memref_slice %arg3[%multiple_of3A_65, %dma_start3A_73] : memref<1000000x64xf32, #tpu.memory_space<hbm>> -> memref<8x64xf32, #tpu.memory_space<hbm>>
        %dma_start3A_75 = arith.constant 0 : i32
        %dma_start3A_76 = tpu.memref_slice %arg7[%mul3A_71, %dma_start3A_75] : memref<256x64xf32, #tpu.memory_space<vmem>> -> memref<8x64xf32, #tpu.memory_space<vmem>>
        %dma_start3A_77 = arith.constant 0 : i32
        %dma_start3A_78 = tpu.memref_slice %arg3[%multiple_of3A_65, %dma_start3A_77] : memref<1000000x64xf32, #tpu.memory_space<hbm>> -> memref<8x64xf32, #tpu.memory_space<hbm>>
        tpu.enqueue_dma source(%dma_start3A_78 : memref<8x64xf32, #tpu.memory_space<hbm>>) target(%dma_start3A_76 : memref<8x64xf32, #tpu.memory_space<vmem>>) target_semaphore(%arg10 : memref<!tpu.dma_semaphore, #tpu.memory_space<semaphore_mem>>)
        %slice3A_79 = vector.extract_strided_slice %get3A_61 {offsets = [1], sizes = [1], strides = [1]} : vector<16xi32> to vector<1xi32>
        %squeeze3A_80 = vector.extract %slice3A_79[0] : i32 from vector<1xi32>
        %shift_right_logical3A_81 = arith.constant 3 : i32
        %shift_right_logical3A_82 = arith.shrui %squeeze3A_80, %shift_right_logical3A_81 : i32
        %mul3A_83 = arith.constant 8 : i32
        %mul3A_84 = arith.muli %shift_right_logical3A_82, %mul3A_83 : i32
        %multiple_of3A_85 = tpu.assume_multiple %mul3A_84, 8 : i32
        %mul3A_86 = arith.constant 16 : i32
        %mul3A_87 = arith.muli %scan3A_56, %mul3A_86 : i32
        %add3A_88 = arith.constant 1 : i32
        %add3A_89 = arith.addi %mul3A_87, %add3A_88 : i32
        %mul3A_90 = arith.constant 8 : i32
        %mul3A_91 = arith.muli %add3A_89, %mul3A_90 : i32
        %dma_start3A_92 = arith.constant 0 : i32
        %dma_start3A_93 = tpu.memref_slice %arg7[%mul3A_91, %dma_start3A_92] : memref<256x64xf32, #tpu.memory_space<vmem>> -> memref<8x64xf32, #tpu.memory_space<vmem>>
        %dma_start3A_94 = arith.constant 0 : i32
        %dma_start3A_95 = tpu.memref_slice %arg3[%multiple_of3A_85, %dma_start3A_94] : memref<1000000x64xf32, #tpu.memory_space<hbm>> -> memref<8x64xf32, #tpu.memory_space<hbm>>
        %dma_start3A_96 = arith.constant 0 : i32
        %dma_start3A_97 = tpu.memref_slice %arg7[%mul3A_91, %dma_start3A_96] : memref<256x64xf32, #tpu.memory_space<vmem>> -> memref<8x64xf32, #tpu.memory_space<vmem>>
        %dma_start3A_98 = arith.constant 0 : i32
        %dma_start3A_99 = tpu.memref_slice %arg3[%multiple_of3A_85, %dma_start3A_98] : memref<1000000x64xf32, #tpu.memory_space<hbm>> -> memref<8x64xf32, #tpu.memory_space<hbm>>
        tpu.enqueue_dma source(%dma_start3A_99 : memref<8x64xf32, #tpu.memory_space<hbm>>) target(%dma_start3A_97 : memref<8x64xf32, #tpu.memory_space<vmem>>) target_semaphore(%arg10 : memref<!tpu.dma_semaphore, #tpu.memory_space<semaphore_mem>>)
        %slice3A_100 = vector.extract_strided_slice %get3A_61 {offsets = [2], sizes = [1], strides = [1]} : vector<16xi32> to vector<1xi32>
        %squeeze3A_101 = vector.extract %slice3A_100[0] : i32 from vector<1xi32>
        %shift_right_logical3A_102 = arith.constant 3 : i32
        %shift_right_logical3A_103 = arith.shrui %squeeze3A_101, %shift_right_logical3A_102 : i32
        %mul3A_104 = arith.constant 8 : i32
        %mul3A_105 = arith.muli %shift_right_logical3A_103, %mul3A_104 : i32
        %multiple_of3A_106 = tpu.assume_multiple %mul3A_105, 8 : i32
        %mul3A_107 = arith.constant 16 : i32
        %mul3A_108 = arith.muli %scan3A_56, %mul3A_107 : i32
        %add3A_109 = arith.constant 2 : i32
        %add3A_110 = arith.addi %mul3A_108, %add3A_109 : i32
        %mul3A_111 = arith.constant 8 : i32
        %mul3A_112 = arith.muli %add3A_110, %mul3A_111 : i32
        %dma_start3A_113 = arith.constant 0 : i32
        %dma_start3A_114 = tpu.memref_slice %arg7[%mul3A_112, %dma_start3A_113] : memref<256x64xf32, #tpu.memory_space<vmem>> -> memref<8x64xf32, #tpu.memory_space<vmem>>
        %dma_start3A_115 = arith.constant 0 : i32
        %dma_start3A_116 = tpu.memref_slice %arg3[%multiple_of3A_106, %dma_start3A_115] : memref<1000000x64xf32, #tpu.memory_space<hbm>> -> memref<8x64xf32, #tpu.memory_space<hbm>>
        %dma_start3A_117 = arith.constant 0 : i32
        %dma_start3A_118 = tpu.memref_slice %arg7[%mul3A_112, %dma_start3A_117] : memref<256x64xf32, #tpu.memory_space<vmem>> -> memref<8x64xf32, #tpu.memory_space<vmem>>
        %dma_start3A_119 = arith.constant 0 : i32
        %dma_start3A_120 = tpu.memref_slice %arg3[%multiple_of3A_106, %dma_start3A_119] : memref<1000000x64xf32, #tpu.memory_space<hbm>> -> memref<8x64xf32, #tpu.memory_space<hbm>>
        tpu.enqueue_dma source(%dma_start3A_120 : memref<8x64xf32, #tpu.memory_space<hbm>>) target(%dma_start3A_118 : memref<8x64xf32, #tpu.memory_space<vmem>>) target_semaphore(%arg10 : memref<!tpu.dma_semaphore, #tpu.memory_space<semaphore_mem>>)
        %slice3A_121 = vector.extract_strided_slice %get3A_61 {offsets = [3], sizes = [1], strides = [1]} : vector<16xi32> to vector<1xi32>
        %squeeze3A_122 = vector.extract %slice3A_121[0] : i32 from vector<1xi32>
        %shift_right_logical3A_123 = arith.constant 3 : i32
        %shift_right_logical3A_124 = arith.shrui %squeeze3A_122, %shift_right_logical3A_123 : i32
        %mul3A_125 = arith.constant 8 : i32
        %mul3A_126 = arith.muli %shift_right_logical3A_124, %mul3A_125 : i32
        %multiple_of3A_127 = tpu.assume_multiple %mul3A_126, 8 : i32
        %mul3A_128 = arith.constant 16 : i32
        %mul3A_129 = arith.muli %scan3A_56, %mul3A_128 : i32
        %add3A_130 = arith.constant 3 : i32
        %add3A_131 = arith.addi %mul3A_129, %add3A_130 : i32
        %mul3A_132 = arith.constant 8 : i32
        %mul3A_133 = arith.muli %add3A_131, %mul3A_132 : i32
        %dma_start3A_134 = arith.constant 0 : i32
        %dma_start3A_135 = tpu.memref_slice %arg7[%mul3A_133, %dma_start3A_134] : memref<256x64xf32, #tpu.memory_space<vmem>> -> memref<8x64xf32, #tpu.memory_space<vmem>>
        %dma_start3A_136 = arith.constant 0 : i32
        %dma_start3A_137 = tpu.memref_slice %arg3[%multiple_of3A_127, %dma_start3A_136] : memref<1000000x64xf32, #tpu.memory_space<hbm>> -> memref<8x64xf32, #tpu.memory_space<hbm>>
        %dma_start3A_138 = arith.constant 0 : i32
        %dma_start3A_139 = tpu.memref_slice %arg7[%mul3A_133, %dma_start3A_138] : memref<256x64xf32, #tpu.memory_space<vmem>> -> memref<8x64xf32, #tpu.memory_space<vmem>>
        %dma_start3A_140 = arith.constant 0 : i32
        %dma_start3A_141 = tpu.memref_slice %arg3[%multiple_of3A_127, %dma_start3A_140] : memref<1000000x64xf32, #tpu.memory_space<hbm>> -> memref<8x64xf32, #tpu.memory_space<hbm>>
        tpu.enqueue_dma source(%dma_start3A_141 : memref<8x64xf32, #tpu.memory_space<hbm>>) target(%dma_start3A_139 : memref<8x64xf32, #tpu.memory_space<vmem>>) target_semaphore(%arg10 : memref<!tpu.dma_semaphore, #tpu.memory_space<semaphore_mem>>)
        %slice3A_142 = vector.extract_strided_slice %get3A_61 {offsets = [4], sizes = [1], strides = [1]} : vector<16xi32> to vector<1xi32>
        %squeeze3A_143 = vector.extract %slice3A_142[0] : i32 from vector<1xi32>
        %shift_right_logical3A_144 = arith.constant 3 : i32
        %shift_right_logical3A_145 = arith.shrui %squeeze3A_143, %shift_right_logical3A_144 : i32
        %mul3A_146 = arith.constant 8 : i32
        %mul3A_147 = arith.muli %shift_right_logical3A_145, %mul3A_146 : i32
        %multiple_of3A_148 = tpu.assume_multiple %mul3A_147, 8 : i32
        %mul3A_149 = arith.constant 16 : i32
        %mul3A_150 = arith.muli %scan3A_56, %mul3A_149 : i32
        %add3A_151 = arith.constant 4 : i32
        %add3A_152 = arith.addi %mul3A_150, %add3A_151 : i32
        %mul3A_153 = arith.constant 8 : i32
        %mul3A_154 = arith.muli %add3A_152, %mul3A_153 : i32
        %dma_start3A_155 = arith.constant 0 : i32
        %dma_start3A_156 = tpu.memref_slice %arg7[%mul3A_154, %dma_start3A_155] : memref<256x64xf32, #tpu.memory_space<vmem>> -> memref<8x64xf32, #tpu.memory_space<vmem>>
        %dma_start3A_157 = arith.constant 0 : i32
        %dma_start3A_158 = tpu.memref_slice %arg3[%multiple_of3A_148, %dma_start3A_157] : memref<1000000x64xf32, #tpu.memory_space<hbm>> -> memref<8x64xf32, #tpu.memory_space<hbm>>
        %dma_start3A_159 = arith.constant 0 : i32
        %dma_start3A_160 = tpu.memref_slice %arg7[%mul3A_154, %dma_start3A_159] : memref<256x64xf32, #tpu.memory_space<vmem>> -> memref<8x64xf32, #tpu.memory_space<vmem>>
        %dma_start3A_161 = arith.constant 0 : i32
        %dma_start3A_162 = tpu.memref_slice %arg3[%multiple_of3A_148, %dma_start3A_161] : memref<1000000x64xf32, #tpu.memory_space<hbm>> -> memref<8x64xf32, #tpu.memory_space<hbm>>
        tpu.enqueue_dma source(%dma_start3A_162 : memref<8x64xf32, #tpu.memory_space<hbm>>) target(%dma_start3A_160 : memref<8x64xf32, #tpu.memory_space<vmem>>) target_semaphore(%arg10 : memref<!tpu.dma_semaphore, #tpu.memory_space<semaphore_mem>>)
        %slice3A_163 = vector.extract_strided_slice %get3A_61 {offsets = [5], sizes = [1], strides = [1]} : vector<16xi32> to vector<1xi32>
        %squeeze3A_164 = vector.extract %slice3A_163[0] : i32 from vector<1xi32>
        %shift_right_logical3A_165 = arith.constant 3 : i32
        %shift_right_logical3A_166 = arith.shrui %squeeze3A_164, %shift_right_logical3A_165 : i32
        %mul3A_167 = arith.constant 8 : i32
        %mul3A_168 = arith.muli %shift_right_logical3A_166, %mul3A_167 : i32
        %multiple_of3A_169 = tpu.assume_multiple %mul3A_168, 8 : i32
        %mul3A_170 = arith.constant 16 : i32
        %mul3A_171 = arith.muli %scan3A_56, %mul3A_170 : i32
        %add3A_172 = arith.constant 5 : i32
        %add3A_173 = arith.addi %mul3A_171, %add3A_172 : i32
        %mul3A_174 = arith.constant 8 : i32
        %mul3A_175 = arith.muli %add3A_173, %mul3A_174 : i32
        %dma_start3A_176 = arith.constant 0 : i32
        %dma_start3A_177 = tpu.memref_slice %arg7[%mul3A_175, %dma_start3A_176] : memref<256x64xf32, #tpu.memory_space<vmem>> -> memref<8x64xf32, #tpu.memory_space<vmem>>
        %dma_start3A_178 = arith.constant 0 : i32
        %dma_start3A_179 = tpu.memref_slice %arg3[%multiple_of3A_169, %dma_start3A_178] : memref<1000000x64xf32, #tpu.memory_space<hbm>> -> memref<8x64xf32, #tpu.memory_space<hbm>>
        %dma_start3A_180 = arith.constant 0 : i32
        %dma_start3A_181 = tpu.memref_slice %arg7[%mul3A_175, %dma_start3A_180] : memref<256x64xf32, #tpu.memory_space<vmem>> -> memref<8x64xf32, #tpu.memory_space<vmem>>
        %dma_start3A_182 = arith.constant 0 : i32
        %dma_start3A_183 = tpu.memref_slice %arg3[%multiple_of3A_169, %dma_start3A_182] : memref<1000000x64xf32, #tpu.memory_space<hbm>> -> memref<8x64xf32, #tpu.memory_space<hbm>>
        tpu.enqueue_dma source(%dma_start3A_183 : memref<8x64xf32, #tpu.memory_space<hbm>>) target(%dma_start3A_181 : memref<8x64xf32, #tpu.memory_space<vmem>>) target_semaphore(%arg10 : memref<!tpu.dma_semaphore, #tpu.memory_space<semaphore_mem>>)
        %slice3A_184 = vector.extract_strided_slice %get3A_61 {offsets = [6], sizes = [1], strides = [1]} : vector<16xi32> to vector<1xi32>
        %squeeze3A_185 = vector.extract %slice3A_184[0] : i32 from vector<1xi32>
        %shift_right_logical3A_186 = arith.constant 3 : i32
        %shift_right_logical3A_187 = arith.shrui %squeeze3A_185, %shift_right_logical3A_186 : i32
        %mul3A_188 = arith.constant 8 : i32
        %mul3A_189 = arith.muli %shift_right_logical3A_187, %mul3A_188 : i32
        %multiple_of3A_190 = tpu.assume_multiple %mul3A_189, 8 : i32
        %mul3A_191 = arith.constant 16 : i32
        %mul3A_192 = arith.muli %scan3A_56, %mul3A_191 : i32
        %add3A_193 = arith.constant 6 : i32
        %add3A_194 = arith.addi %mul3A_192, %add3A_193 : i32
        %mul3A_195 = arith.constant 8 : i32
        %mul3A_196 = arith.muli %add3A_194, %mul3A_195 : i32
        %dma_start3A_197 = arith.constant 0 : i32
        %dma_start3A_198 = tpu.memref_slice %arg7[%mul3A_196, %dma_start3A_197] : memref<256x64xf32, #tpu.memory_space<vmem>> -> memref<8x64xf32, #tpu.memory_space<vmem>>
        %dma_start3A_199 = arith.constant 0 : i32
        %dma_start3A_200 = tpu.memref_slice %arg3[%multiple_of3A_190, %dma_start3A_199] : memref<1000000x64xf32, #tpu.memory_space<hbm>> -> memref<8x64xf32, #tpu.memory_space<hbm>>
        %dma_start3A_201 = arith.constant 0 : i32
        %dma_start3A_202 = tpu.memref_slice %arg7[%mul3A_196, %dma_start3A_201] : memref<256x64xf32, #tpu.memory_space<vmem>> -> memref<8x64xf32, #tpu.memory_space<vmem>>
        %dma_start3A_203 = arith.constant 0 : i32
        %dma_start3A_204 = tpu.memref_slice %arg3[%multiple_of3A_190, %dma_start3A_203] : memref<1000000x64xf32, #tpu.memory_space<hbm>> -> memref<8x64xf32, #tpu.memory_space<hbm>>
        tpu.enqueue_dma source(%dma_start3A_204 : memref<8x64xf32, #tpu.memory_space<hbm>>) target(%dma_start3A_202 : memref<8x64xf32, #tpu.memory_space<vmem>>) target_semaphore(%arg10 : memref<!tpu.dma_semaphore, #tpu.memory_space<semaphore_mem>>)
        %slice3A_205 = vector.extract_strided_slice %get3A_61 {offsets = [7], sizes = [1], strides = [1]} : vector<16xi32> to vector<1xi32>
        %squeeze3A_206 = vector.extract %slice3A_205[0] : i32 from vector<1xi32>
        %shift_right_logical3A_207 = arith.constant 3 : i32
        %shift_right_logical3A_208 = arith.shrui %squeeze3A_206, %shift_right_logical3A_207 : i32
        %mul3A_209 = arith.constant 8 : i32
        %mul3A_210 = arith.muli %shift_right_logical3A_208, %mul3A_209 : i32
        %multiple_of3A_211 = tpu.assume_multiple %mul3A_210, 8 : i32
        %mul3A_212 = arith.constant 16 : i32
        %mul3A_213 = arith.muli %scan3A_56, %mul3A_212 : i32
        %add3A_214 = arith.constant 7 : i32
        %add3A_215 = arith.addi %mul3A_213, %add3A_214 : i32
        %mul3A_216 = arith.constant 8 : i32
        %mul3A_217 = arith.muli %add3A_215, %mul3A_216 : i32
        %dma_start3A_218 = arith.constant 0 : i32
        %dma_start3A_219 = tpu.memref_slice %arg7[%mul3A_217, %dma_start3A_218] : memref<256x64xf32, #tpu.memory_space<vmem>> -> memref<8x64xf32, #tpu.memory_space<vmem>>
        %dma_start3A_220 = arith.constant 0 : i32
        %dma_start3A_221 = tpu.memref_slice %arg3[%multiple_of3A_211, %dma_start3A_220] : memref<1000000x64xf32, #tpu.memory_space<hbm>> -> memref<8x64xf32, #tpu.memory_space<hbm>>
        %dma_start3A_222 = arith.constant 0 : i32
        %dma_start3A_223 = tpu.memref_slice %arg7[%mul3A_217, %dma_start3A_222] : memref<256x64xf32, #tpu.memory_space<vmem>> -> memref<8x64xf32, #tpu.memory_space<vmem>>
        %dma_start3A_224 = arith.constant 0 : i32
        %dma_start3A_225 = tpu.memref_slice %arg3[%multiple_of3A_211, %dma_start3A_224] : memref<1000000x64xf32, #tpu.memory_space<hbm>> -> memref<8x64xf32, #tpu.memory_space<hbm>>
        tpu.enqueue_dma source(%dma_start3A_225 : memref<8x64xf32, #tpu.memory_space<hbm>>) target(%dma_start3A_223 : memref<8x64xf32, #tpu.memory_space<vmem>>) target_semaphore(%arg10 : memref<!tpu.dma_semaphore, #tpu.memory_space<semaphore_mem>>)
        %slice3A_226 = vector.extract_strided_slice %get3A_61 {offsets = [8], sizes = [1], strides = [1]} : vector<16xi32> to vector<1xi32>
        %squeeze3A_227 = vector.extract %slice3A_226[0] : i32 from vector<1xi32>
        %shift_right_logical3A_228 = arith.constant 3 : i32
        %shift_right_logical3A_229 = arith.shrui %squeeze3A_227, %shift_right_logical3A_228 : i32
        %mul3A_230 = arith.constant 8 : i32
        %mul3A_231 = arith.muli %shift_right_logical3A_229, %mul3A_230 : i32
        %multiple_of3A_232 = tpu.assume_multiple %mul3A_231, 8 : i32
        %mul3A_233 = arith.constant 16 : i32
        %mul3A_234 = arith.muli %scan3A_56, %mul3A_233 : i32
        %add3A_235 = arith.constant 8 : i32
        %add3A_236 = arith.addi %mul3A_234, %add3A_235 : i32
        %mul3A_237 = arith.constant 8 : i32
        %mul3A_238 = arith.muli %add3A_236, %mul3A_237 : i32
        %dma_start3A_239 = arith.constant 0 : i32
        %dma_start3A_240 = tpu.memref_slice %arg7[%mul3A_238, %dma_start3A_239] : memref<256x64xf32, #tpu.memory_space<vmem>> -> memref<8x64xf32, #tpu.memory_space<vmem>>
        %dma_start3A_241 = arith.constant 0 : i32
        %dma_start3A_242 = tpu.memref_slice %arg3[%multiple_of3A_232, %dma_start3A_241] : memref<1000000x64xf32, #tpu.memory_space<hbm>> -> memref<8x64xf32, #tpu.memory_space<hbm>>
        %dma_start3A_243 = arith.constant 0 : i32
        %dma_start3A_244 = tpu.memref_slice %arg7[%mul3A_238, %dma_start3A_243] : memref<256x64xf32, #tpu.memory_space<vmem>> -> memref<8x64xf32, #tpu.memory_space<vmem>>
        %dma_start3A_245 = arith.constant 0 : i32
        %dma_start3A_246 = tpu.memref_slice %arg3[%multiple_of3A_232, %dma_start3A_245] : memref<1000000x64xf32, #tpu.memory_space<hbm>> -> memref<8x64xf32, #tpu.memory_space<hbm>>
        tpu.enqueue_dma source(%dma_start3A_246 : memref<8x64xf32, #tpu.memory_space<hbm>>) target(%dma_start3A_244 : memref<8x64xf32, #tpu.memory_space<vmem>>) target_semaphore(%arg10 : memref<!tpu.dma_semaphore, #tpu.memory_space<semaphore_mem>>)
        %slice3A_247 = vector.extract_strided_slice %get3A_61 {offsets = [9], sizes = [1], strides = [1]} : vector<16xi32> to vector<1xi32>
        %squeeze3A_248 = vector.extract %slice3A_247[0] : i32 from vector<1xi32>
        %shift_right_logical3A_249 = arith.constant 3 : i32
        %shift_right_logical3A_250 = arith.shrui %squeeze3A_248, %shift_right_logical3A_249 : i32
        %mul3A_251 = arith.constant 8 : i32
        %mul3A_252 = arith.muli %shift_right_logical3A_250, %mul3A_251 : i32
        %multiple_of3A_253 = tpu.assume_multiple %mul3A_252, 8 : i32
        %mul3A_254 = arith.constant 16 : i32
        %mul3A_255 = arith.muli %scan3A_56, %mul3A_254 : i32
        %add3A_256 = arith.constant 9 : i32
        %add3A_257 = arith.addi %mul3A_255, %add3A_256 : i32
        %mul3A_258 = arith.constant 8 : i32
        %mul3A_259 = arith.muli %add3A_257, %mul3A_258 : i32
        %dma_start3A_260 = arith.constant 0 : i32
        %dma_start3A_261 = tpu.memref_slice %arg7[%mul3A_259, %dma_start3A_260] : memref<256x64xf32, #tpu.memory_space<vmem>> -> memref<8x64xf32, #tpu.memory_space<vmem>>
        %dma_start3A_262 = arith.constant 0 : i32
        %dma_start3A_263 = tpu.memref_slice %arg3[%multiple_of3A_253, %dma_start3A_262] : memref<1000000x64xf32, #tpu.memory_space<hbm>> -> memref<8x64xf32, #tpu.memory_space<hbm>>
        %dma_start3A_264 = arith.constant 0 : i32
        %dma_start3A_265 = tpu.memref_slice %arg7[%mul3A_259, %dma_start3A_264] : memref<256x64xf32, #tpu.memory_space<vmem>> -> memref<8x64xf32, #tpu.memory_space<vmem>>
        %dma_start3A_266 = arith.constant 0 : i32
        %dma_start3A_267 = tpu.memref_slice %arg3[%multiple_of3A_253, %dma_start3A_266] : memref<1000000x64xf32, #tpu.memory_space<hbm>> -> memref<8x64xf32, #tpu.memory_space<hbm>>
        tpu.enqueue_dma source(%dma_start3A_267 : memref<8x64xf32, #tpu.memory_space<hbm>>) target(%dma_start3A_265 : memref<8x64xf32, #tpu.memory_space<vmem>>) target_semaphore(%arg10 : memref<!tpu.dma_semaphore, #tpu.memory_space<semaphore_mem>>)
        %slice3A_268 = vector.extract_strided_slice %get3A_61 {offsets = [10], sizes = [1], strides = [1]} : vector<16xi32> to vector<1xi32>
        %squeeze3A_269 = vector.extract %slice3A_268[0] : i32 from vector<1xi32>
        %shift_right_logical3A_270 = arith.constant 3 : i32
        %shift_right_logical3A_271 = arith.shrui %squeeze3A_269, %shift_right_logical3A_270 : i32
        %mul3A_272 = arith.constant 8 : i32
        %mul3A_273 = arith.muli %shift_right_logical3A_271, %mul3A_272 : i32
        %multiple_of3A_274 = tpu.assume_multiple %mul3A_273, 8 : i32
        %mul3A_275 = arith.constant 16 : i32
        %mul3A_276 = arith.muli %scan3A_56, %mul3A_275 : i32
        %add3A_277 = arith.constant 10 : i32
        %add3A_278 = arith.addi %mul3A_276, %add3A_277 : i32
        %mul3A_279 = arith.constant 8 : i32
        %mul3A_280 = arith.muli %add3A_278, %mul3A_279 : i32
        %dma_start3A_281 = arith.constant 0 : i32
        %dma_start3A_282 = tpu.memref_slice %arg7[%mul3A_280, %dma_start3A_281] : memref<256x64xf32, #tpu.memory_space<vmem>> -> memref<8x64xf32, #tpu.memory_space<vmem>>
        %dma_start3A_283 = arith.constant 0 : i32
        %dma_start3A_284 = tpu.memref_slice %arg3[%multiple_of3A_274, %dma_start3A_283] : memref<1000000x64xf32, #tpu.memory_space<hbm>> -> memref<8x64xf32, #tpu.memory_space<hbm>>
        %dma_start3A_285 = arith.constant 0 : i32
        %dma_start3A_286 = tpu.memref_slice %arg7[%mul3A_280, %dma_start3A_285] : memref<256x64xf32, #tpu.memory_space<vmem>> -> memref<8x64xf32, #tpu.memory_space<vmem>>
        %dma_start3A_287 = arith.constant 0 : i32
        %dma_start3A_288 = tpu.memref_slice %arg3[%multiple_of3A_274, %dma_start3A_287] : memref<1000000x64xf32, #tpu.memory_space<hbm>> -> memref<8x64xf32, #tpu.memory_space<hbm>>
        tpu.enqueue_dma source(%dma_start3A_288 : memref<8x64xf32, #tpu.memory_space<hbm>>) target(%dma_start3A_286 : memref<8x64xf32, #tpu.memory_space<vmem>>) target_semaphore(%arg10 : memref<!tpu.dma_semaphore, #tpu.memory_space<semaphore_mem>>)
        %slice3A_289 = vector.extract_strided_slice %get3A_61 {offsets = [11], sizes = [1], strides = [1]} : vector<16xi32> to vector<1xi32>
        %squeeze3A_290 = vector.extract %slice3A_289[0] : i32 from vector<1xi32>
        %shift_right_logical3A_291 = arith.constant 3 : i32
        %shift_right_logical3A_292 = arith.shrui %squeeze3A_290, %shift_right_logical3A_291 : i32
        %mul3A_293 = arith.constant 8 : i32
        %mul3A_294 = arith.muli %shift_right_logical3A_292, %mul3A_293 : i32
        %multiple_of3A_295 = tpu.assume_multiple %mul3A_294, 8 : i32
        %mul3A_296 = arith.constant 16 : i32
        %mul3A_297 = arith.muli %scan3A_56, %mul3A_296 : i32
        %add3A_298 = arith.constant 11 : i32
        %add3A_299 = arith.addi %mul3A_297, %add3A_298 : i32
        %mul3A_300 = arith.constant 8 : i32
        %mul3A_301 = arith.muli %add3A_299, %mul3A_300 : i32
        %dma_start3A_302 = arith.constant 0 : i32
        %dma_start3A_303 = tpu.memref_slice %arg7[%mul3A_301, %dma_start3A_302] : memref<256x64xf32, #tpu.memory_space<vmem>> -> memref<8x64xf32, #tpu.memory_space<vmem>>
        %dma_start3A_304 = arith.constant 0 : i32
        %dma_start3A_305 = tpu.memref_slice %arg3[%multiple_of3A_295, %dma_start3A_304] : memref<1000000x64xf32, #tpu.memory_space<hbm>> -> memref<8x64xf32, #tpu.memory_space<hbm>>
        %dma_start3A_306 = arith.constant 0 : i32
        %dma_start3A_307 = tpu.memref_slice %arg7[%mul3A_301, %dma_start3A_306] : memref<256x64xf32, #tpu.memory_space<vmem>> -> memref<8x64xf32, #tpu.memory_space<vmem>>
        %dma_start3A_308 = arith.constant 0 : i32
        %dma_start3A_309 = tpu.memref_slice %arg3[%multiple_of3A_295, %dma_start3A_308] : memref<1000000x64xf32, #tpu.memory_space<hbm>> -> memref<8x64xf32, #tpu.memory_space<hbm>>
        tpu.enqueue_dma source(%dma_start3A_309 : memref<8x64xf32, #tpu.memory_space<hbm>>) target(%dma_start3A_307 : memref<8x64xf32, #tpu.memory_space<vmem>>) target_semaphore(%arg10 : memref<!tpu.dma_semaphore, #tpu.memory_space<semaphore_mem>>)
        %slice3A_310 = vector.extract_strided_slice %get3A_61 {offsets = [12], sizes = [1], strides = [1]} : vector<16xi32> to vector<1xi32>
        %squeeze3A_311 = vector.extract %slice3A_310[0] : i32 from vector<1xi32>
        %shift_right_logical3A_312 = arith.constant 3 : i32
        %shift_right_logical3A_313 = arith.shrui %squeeze3A_311, %shift_right_logical3A_312 : i32
        %mul3A_314 = arith.constant 8 : i32
        %mul3A_315 = arith.muli %shift_right_logical3A_313, %mul3A_314 : i32
        %multiple_of3A_316 = tpu.assume_multiple %mul3A_315, 8 : i32
        %mul3A_317 = arith.constant 16 : i32
        %mul3A_318 = arith.muli %scan3A_56, %mul3A_317 : i32
        %add3A_319 = arith.constant 12 : i32
        %add3A_320 = arith.addi %mul3A_318, %add3A_319 : i32
        %mul3A_321 = arith.constant 8 : i32
        %mul3A_322 = arith.muli %add3A_320, %mul3A_321 : i32
        %dma_start3A_323 = arith.constant 0 : i32
        %dma_start3A_324 = tpu.memref_slice %arg7[%mul3A_322, %dma_start3A_323] : memref<256x64xf32, #tpu.memory_space<vmem>> -> memref<8x64xf32, #tpu.memory_space<vmem>>
        %dma_start3A_325 = arith.constant 0 : i32
        %dma_start3A_326 = tpu.memref_slice %arg3[%multiple_of3A_316, %dma_start3A_325] : memref<1000000x64xf32, #tpu.memory_space<hbm>> -> memref<8x64xf32, #tpu.memory_space<hbm>>
        %dma_start3A_327 = arith.constant 0 : i32
        %dma_start3A_328 = tpu.memref_slice %arg7[%mul3A_322, %dma_start3A_327] : memref<256x64xf32, #tpu.memory_space<vmem>> -> memref<8x64xf32, #tpu.memory_space<vmem>>
        %dma_start3A_329 = arith.constant 0 : i32
        %dma_start3A_330 = tpu.memref_slice %arg3[%multiple_of3A_316, %dma_start3A_329] : memref<1000000x64xf32, #tpu.memory_space<hbm>> -> memref<8x64xf32, #tpu.memory_space<hbm>>
        tpu.enqueue_dma source(%dma_start3A_330 : memref<8x64xf32, #tpu.memory_space<hbm>>) target(%dma_start3A_328 : memref<8x64xf32, #tpu.memory_space<vmem>>) target_semaphore(%arg10 : memref<!tpu.dma_semaphore, #tpu.memory_space<semaphore_mem>>)
        %slice3A_331 = vector.extract_strided_slice %get3A_61 {offsets = [13], sizes = [1], strides = [1]} : vector<16xi32> to vector<1xi32>
        %squeeze3A_332 = vector.extract %slice3A_331[0] : i32 from vector<1xi32>
        %shift_right_logical3A_333 = arith.constant 3 : i32
        %shift_right_logical3A_334 = arith.shrui %squeeze3A_332, %shift_right_logical3A_333 : i32
        %mul3A_335 = arith.constant 8 : i32
        %mul3A_336 = arith.muli %shift_right_logical3A_334, %mul3A_335 : i32
        %multiple_of3A_337 = tpu.assume_multiple %mul3A_336, 8 : i32
        %mul3A_338 = arith.constant 16 : i32
        %mul3A_339 = arith.muli %scan3A_56, %mul3A_338 : i32
        %add3A_340 = arith.constant 13 : i32
        %add3A_341 = arith.addi %mul3A_339, %add3A_340 : i32
        %mul3A_342 = arith.constant 8 : i32
        %mul3A_343 = arith.muli %add3A_341, %mul3A_342 : i32
        %dma_start3A_344 = arith.constant 0 : i32
        %dma_start3A_345 = tpu.memref_slice %arg7[%mul3A_343, %dma_start3A_344] : memref<256x64xf32, #tpu.memory_space<vmem>> -> memref<8x64xf32, #tpu.memory_space<vmem>>
        %dma_start3A_346 = arith.constant 0 : i32
        %dma_start3A_347 = tpu.memref_slice %arg3[%multiple_of3A_337, %dma_start3A_346] : memref<1000000x64xf32, #tpu.memory_space<hbm>> -> memref<8x64xf32, #tpu.memory_space<hbm>>
        %dma_start3A_348 = arith.constant 0 : i32
        %dma_start3A_349 = tpu.memref_slice %arg7[%mul3A_343, %dma_start3A_348] : memref<256x64xf32, #tpu.memory_space<vmem>> -> memref<8x64xf32, #tpu.memory_space<vmem>>
        %dma_start3A_350 = arith.constant 0 : i32
        %dma_start3A_351 = tpu.memref_slice %arg3[%multiple_of3A_337, %dma_start3A_350] : memref<1000000x64xf32, #tpu.memory_space<hbm>> -> memref<8x64xf32, #tpu.memory_space<hbm>>
        tpu.enqueue_dma source(%dma_start3A_351 : memref<8x64xf32, #tpu.memory_space<hbm>>) target(%dma_start3A_349 : memref<8x64xf32, #tpu.memory_space<vmem>>) target_semaphore(%arg10 : memref<!tpu.dma_semaphore, #tpu.memory_space<semaphore_mem>>)
        %slice3A_352 = vector.extract_strided_slice %get3A_61 {offsets = [14], sizes = [1], strides = [1]} : vector<16xi32> to vector<1xi32>
        %squeeze3A_353 = vector.extract %slice3A_352[0] : i32 from vector<1xi32>
        %shift_right_logical3A_354 = arith.constant 3 : i32
        %shift_right_logical3A_355 = arith.shrui %squeeze3A_353, %shift_right_logical3A_354 : i32
        %mul3A_356 = arith.constant 8 : i32
        %mul3A_357 = arith.muli %shift_right_logical3A_355, %mul3A_356 : i32
        %multiple_of3A_358 = tpu.assume_multiple %mul3A_357, 8 : i32
        %mul3A_359 = arith.constant 16 : i32
        %mul3A_360 = arith.muli %scan3A_56, %mul3A_359 : i32
        %add3A_361 = arith.constant 14 : i32
        %add3A_362 = arith.addi %mul3A_360, %add3A_361 : i32
        %mul3A_363 = arith.constant 8 : i32
        %mul3A_364 = arith.muli %add3A_362, %mul3A_363 : i32
        %dma_start3A_365 = arith.constant 0 : i32
        %dma_start3A_366 = tpu.memref_slice %arg7[%mul3A_364, %dma_start3A_365] : memref<256x64xf32, #tpu.memory_space<vmem>> -> memref<8x64xf32, #tpu.memory_space<vmem>>
        %dma_start3A_367 = arith.constant 0 : i32
        %dma_start3A_368 = tpu.memref_slice %arg3[%multiple_of3A_358, %dma_start3A_367] : memref<1000000x64xf32, #tpu.memory_space<hbm>> -> memref<8x64xf32, #tpu.memory_space<hbm>>
        %dma_start3A_369 = arith.constant 0 : i32
        %dma_start3A_370 = tpu.memref_slice %arg7[%mul3A_364, %dma_start3A_369] : memref<256x64xf32, #tpu.memory_space<vmem>> -> memref<8x64xf32, #tpu.memory_space<vmem>>
        %dma_start3A_371 = arith.constant 0 : i32
        %dma_start3A_372 = tpu.memref_slice %arg3[%multiple_of3A_358, %dma_start3A_371] : memref<1000000x64xf32, #tpu.memory_space<hbm>> -> memref<8x64xf32, #tpu.memory_space<hbm>>
        tpu.enqueue_dma source(%dma_start3A_372 : memref<8x64xf32, #tpu.memory_space<hbm>>) target(%dma_start3A_370 : memref<8x64xf32, #tpu.memory_space<vmem>>) target_semaphore(%arg10 : memref<!tpu.dma_semaphore, #tpu.memory_space<semaphore_mem>>)
        %slice3A_373 = vector.extract_strided_slice %get3A_61 {offsets = [15], sizes = [1], strides = [1]} : vector<16xi32> to vector<1xi32>
        %squeeze3A_374 = vector.extract %slice3A_373[0] : i32 from vector<1xi32>
        %shift_right_logical3A_375 = arith.constant 3 : i32
        %shift_right_logical3A_376 = arith.shrui %squeeze3A_374, %shift_right_logical3A_375 : i32
        %mul3A_377 = arith.constant 8 : i32
        %mul3A_378 = arith.muli %shift_right_logical3A_376, %mul3A_377 : i32
        %multiple_of3A_379 = tpu.assume_multiple %mul3A_378, 8 : i32
        %mul3A_380 = arith.constant 16 : i32
        %mul3A_381 = arith.muli %scan3A_56, %mul3A_380 : i32
        %add3A_382 = arith.constant 15 : i32
        %add3A_383 = arith.addi %mul3A_381, %add3A_382 : i32
        %mul3A_384 = arith.constant 8 : i32
        %mul3A_385 = arith.muli %add3A_383, %mul3A_384 : i32
        %dma_start3A_386 = arith.constant 0 : i32
        %dma_start3A_387 = tpu.memref_slice %arg7[%mul3A_385, %dma_start3A_386] : memref<256x64xf32, #tpu.memory_space<vmem>> -> memref<8x64xf32, #tpu.memory_space<vmem>>
        %dma_start3A_388 = arith.constant 0 : i32
        %dma_start3A_389 = tpu.memref_slice %arg3[%multiple_of3A_379, %dma_start3A_388] : memref<1000000x64xf32, #tpu.memory_space<hbm>> -> memref<8x64xf32, #tpu.memory_space<hbm>>
        %dma_start3A_390 = arith.constant 0 : i32
        %dma_start3A_391 = tpu.memref_slice %arg7[%mul3A_385, %dma_start3A_390] : memref<256x64xf32, #tpu.memory_space<vmem>> -> memref<8x64xf32, #tpu.memory_space<vmem>>
        %dma_start3A_392 = arith.constant 0 : i32
        %dma_start3A_393 = tpu.memref_slice %arg3[%multiple_of3A_379, %dma_start3A_392] : memref<1000000x64xf32, #tpu.memory_space<hbm>> -> memref<8x64xf32, #tpu.memory_space<hbm>>
        tpu.enqueue_dma source(%dma_start3A_393 : memref<8x64xf32, #tpu.memory_space<hbm>>) target(%dma_start3A_391 : memref<8x64xf32, #tpu.memory_space<vmem>>) target_semaphore(%arg10 : memref<!tpu.dma_semaphore, #tpu.memory_space<semaphore_mem>>)
      }
      %scan3A_26 = arith.constant 2 : i32
      %dma_wait3A = arith.constant 0 : i32
      %dma_wait3A_27 = arith.constant 0 : i32
      %dma_wait3A_28 = tpu.memref_slice %arg3[%dma_wait3A, %dma_wait3A_27] : memref<1000000x64xf32, #tpu.memory_space<hbm>> -> memref<256x64xf32, #tpu.memory_space<hbm>>
      %dma_wait3A_29 = arith.constant 0 : i32
      %dma_wait3A_30 = arith.constant 0 : i32
      %dma_wait3A_31 = tpu.memref_slice %arg3[%dma_wait3A_29, %dma_wait3A_30] : memref<1000000x64xf32, #tpu.memory_space<hbm>> -> memref<256x64xf32, #tpu.memory_space<hbm>>
      tpu.wait_dma2 semaphore(%arg9 : memref<!tpu.dma_semaphore, #tpu.memory_space<semaphore_mem>>) src(%dma_wait3A_31 : memref<256x64xf32, #tpu.memory_space<hbm>>) dst(%arg6 : memref<256x64xf32, #tpu.memory_space<vmem>>)
      %mul3A_32 = arith.constant 32 : i32
      %mul3A_33 = arith.muli %mul3A_17, %mul3A_32 : i32
      %scan3A_34 = arith.constant 0 : i32
      %scan3A_35 = arith.constant 2 : i32
      %scan3A_36 = arith.addi %scan3A_34, %scan3A_35 : i32
      %scan3A_37 = arith.constant 1 : i32
      scf.for %scan3A_56 = %scan3A_34 to %scan3A_36 step %scan3A_37  : i32 {
        %mul3A_57 = arith.constant 16 : i32
        %mul3A_58 = arith.muli %scan3A_56, %mul3A_57 : i32
        %add3A_59 = arith.addi %mul3A_33, %mul3A_58 : i32
        %get3A = arith.index_cast %add3A_59 : i32 to index
        %get3A_60 = tpu.vector_load %arg5[%get3A] {strides = array<i32>} : memref<512xi32, #tpu.memory_space<vmem>>, vector<16xi32>,
        %get3A_61 = vector.shape_cast %get3A_60 : vector<16xi32> to vector<16xi32>
        %slice3A = vector.extract_strided_slice %get3A_61 {offsets = [0], sizes = [1], strides = [1]} : vector<16xi32> to vector<1xi32>
        %squeeze3A = vector.extract %slice3A[0] : i32 from vector<1xi32>
        %mul3A_62 = arith.constant 16 : i32
        %mul3A_63 = arith.muli %scan3A_56, %mul3A_62 : i32
        %add3A_64 = arith.constant 0 : i32
        %add3A_65 = arith.addi %mul3A_63, %add3A_64 : i32
        %mul3A_66 = arith.constant 8 : i32
        %mul3A_67 = arith.muli %add3A_65, %mul3A_66 : i32
        %and3A = arith.constant 7 : i32
        %and3A_68 = arith.andi %squeeze3A, %and3A : i32
        %add3A_69 = arith.addi %mul3A_67, %and3A_68 : i32
        %jit3A = arith.constant 2 : i32
        %div3A = arith.divsi %add3A_59, %jit3A : i32
        %sign3A = arith.constant 0 : i32
        %sign3A_70 = arith.cmpi sgt, %add3A_59, %sign3A : i32
        %sign3A_71 = arith.extui %sign3A_70 : i1 to i32
        %sign3A_72 = arith.constant 0 : i32
        %sign3A_73 = arith.cmpi slt, %add3A_59, %sign3A_72 : i32
        %sign3A_74 = arith.extui %sign3A_73 : i1 to i32
        %sign3A_75 = arith.subi %sign3A_71, %sign3A_74 : i32
        %sign3A_76 = arith.constant 0 : i32
        %sign3A_77 = arith.cmpi sgt, %jit3A, %sign3A_76 : i32
        %sign3A_78 = arith.extui %sign3A_77 : i1 to i32
        %sign3A_79 = arith.constant 0 : i32
        %sign3A_80 = arith.cmpi slt, %jit3A, %sign3A_79 : i32
        %sign3A_81 = arith.extui %sign3A_80 : i1 to i32
        %sign3A_82 = arith.subi %sign3A_78, %sign3A_81 : i32
        %ne3A = arith.cmpi ne, %sign3A_75, %sign3A_82 : i32
        %rem3A = arith.remsi %add3A_59, %jit3A : i32
        %ne3A_83 = arith.constant 0 : i32
        %ne3A_84 = arith.cmpi ne, %rem3A, %ne3A_83 : i32
        %and3A_85 = arith.andi %ne3A, %ne3A_84 : i1
        %sub3A = arith.constant 1 : i32
        %sub3A_86 = arith.subi %div3A, %sub3A : i32
        %select_n3A = arith.select %and3A_85, %sub3A_86, %div3A : i32
        %add3A_87 = arith.constant 0 : i32
        %add3A_88 = arith.addi %select_n3A, %add3A_87 : i32
        %get3A_89 = arith.index_cast %add3A_69 : i32 to index
        %get3A_90 = arith.constant 0 : index
        %get3A_91 = tpu.vector_load %arg6[%get3A_89, %get3A_90] {strides = array<i32>} : memref<256x64xf32, #tpu.memory_space<vmem>>, vector<1x16xf32>,
        %get3A_92 = vector.shape_cast %get3A_91 : vector<1x16xf32> to vector<16xf32>
        %mul3A_93 = arith.constant 8.000000e+00 : f32
        %mul3A_94 = vector.broadcast %mul3A_93 : f32 to vector<16xf32>
        %mul3A_95 = arith.mulf %get3A_92, %mul3A_94 : vector<16xf32>
        %swap3A = arith.index_cast %add3A_88 : i32 to index
        %swap3A_96 = arith.constant 0 : index
        %swap3A_97 = tpu.vector_load %arg8[%swap3A, %swap3A_96] {strides = array<i32>} : memref<256x128xf32, #tpu.memory_space<vmem>>, vector<1x16xf32>,
        %swap3A_98 = vector.shape_cast %swap3A_97 : vector<1x16xf32> to vector<16xf32>
        %swap3A_99 = vector.shape_cast %mul3A_95 : vector<16xf32> to vector<1x16xf32>
        tpu.vector_store %arg8[%swap3A, %swap3A_96], %swap3A_99 {strides = array<i32>} : memref<256x128xf32, #tpu.memory_space<vmem>>, vector<1x16xf32>,
        %get3A_100 = arith.index_cast %add3A_69 : i32 to index
        %get3A_101 = arith.constant 16 : index
        %get3A_102 = tpu.vector_load %arg6[%get3A_100, %get3A_101] {strides = array<i32>} : memref<256x64xf32, #tpu.memory_space<vmem>>, vector<1x16xf32>,
        %get3A_103 = vector.shape_cast %get3A_102 : vector<1x16xf32> to vector<16xf32>
        %mul3A_104 = arith.constant 8.000000e+00 : f32
        %mul3A_105 = vector.broadcast %mul3A_104 : f32 to vector<16xf32>
        %mul3A_106 = arith.mulf %get3A_103, %mul3A_105 : vector<16xf32>
        %swap3A_107 = arith.index_cast %add3A_88 : i32 to index
        %swap3A_108 = arith.constant 16 : index
        %swap3A_109 = tpu.vector_load %arg8[%swap3A_107, %swap3A_108] {strides = array<i32>} : memref<256x128xf32, #tpu.memory_space<vmem>>, vector<1x16xf32>,
        %swap3A_110 = vector.shape_cast %swap3A_109 : vector<1x16xf32> to vector<16xf32>
        %swap3A_111 = vector.shape_cast %mul3A_106 : vector<16xf32> to vector<1x16xf32>
        tpu.vector_store %arg8[%swap3A_107, %swap3A_108], %swap3A_111 {strides = array<i32>} : memref<256x128xf32, #tpu.memory_space<vmem>>, vector<1x16xf32>,
        %get3A_112 = arith.index_cast %add3A_69 : i32 to index
        %get3A_113 = arith.constant 32 : index
        %get3A_114 = tpu.vector_load %arg6[%get3A_112, %get3A_113] {strides = array<i32>} : memref<256x64xf32, #tpu.memory_space<vmem>>, vector<1x16xf32>,
        %get3A_115 = vector.shape_cast %get3A_114 : vector<1x16xf32> to vector<16xf32>
        %mul3A_116 = arith.constant 8.000000e+00 : f32
        %mul3A_117 = vector.broadcast %mul3A_116 : f32 to vector<16xf32>
        %mul3A_118 = arith.mulf %get3A_115, %mul3A_117 : vector<16xf32>
        %swap3A_119 = arith.index_cast %add3A_88 : i32 to index
        %swap3A_120 = arith.constant 32 : index
        %swap3A_121 = tpu.vector_load %arg8[%swap3A_119, %swap3A_120] {strides = array<i32>} : memref<256x128xf32, #tpu.memory_space<vmem>>, vector<1x16xf32>,
        %swap3A_122 = vector.shape_cast %swap3A_121 : vector<1x16xf32> to vector<16xf32>
        %swap3A_123 = vector.shape_cast %mul3A_118 : vector<16xf32> to vector<1x16xf32>
        tpu.vector_store %arg8[%swap3A_119, %swap3A_120], %swap3A_123 {strides = array<i32>} : memref<256x128xf32, #tpu.memory_space<vmem>>, vector<1x16xf32>,
        %get3A_124 = arith.index_cast %add3A_69 : i32 to index
        %get3A_125 = arith.constant 48 : index
        %get3A_126 = tpu.vector_load %arg6[%get3A_124, %get3A_125] {strides = array<i32>} : memref<256x64xf32, #tpu.memory_space<vmem>>, vector<1x16xf32>,
        %get3A_127 = vector.shape_cast %get3A_126 : vector<1x16xf32> to vector<16xf32>
        %mul3A_128 = arith.constant 8.000000e+00 : f32
        %mul3A_129 = vector.broadcast %mul3A_128 : f32 to vector<16xf32>
        %mul3A_130 = arith.mulf %get3A_127, %mul3A_129 : vector<16xf32>
        %swap3A_131 = arith.index_cast %add3A_88 : i32 to index
        %swap3A_132 = arith.constant 48 : index
        %swap3A_133 = tpu.vector_load %arg8[%swap3A_131, %swap3A_132] {strides = array<i32>} : memref<256x128xf32, #tpu.memory_space<vmem>>, vector<1x16xf32>,
        %swap3A_134 = vector.shape_cast %swap3A_133 : vector<1x16xf32> to vector<16xf32>
        %swap3A_135 = vector.shape_cast %mul3A_130 : vector<16xf32> to vector<1x16xf32>
        tpu.vector_store %arg8[%swap3A_131, %swap3A_132], %swap3A_135 {strides = array<i32>} : memref<256x128xf32, #tpu.memory_space<vmem>>, vector<1x16xf32>,
        %slice3A_136 = vector.extract_strided_slice %get3A_61 {offsets = [1], sizes = [1], strides = [1]} : vector<16xi32> to vector<1xi32>
        %squeeze3A_137 = vector.extract %slice3A_136[0] : i32 from vector<1xi32>
        %mul3A_138 = arith.constant 16 : i32
        %mul3A_139 = arith.muli %scan3A_56, %mul3A_138 : i32
        %add3A_140 = arith.constant 1 : i32
        %add3A_141 = arith.addi %mul3A_139, %add3A_140 : i32
        %mul3A_142 = arith.constant 8 : i32
        %mul3A_143 = arith.muli %add3A_141, %mul3A_142 : i32
        %and3A_144 = arith.constant 7 : i32
        %and3A_145 = arith.andi %squeeze3A_137, %and3A_144 : i32
        %add3A_146 = arith.addi %mul3A_143, %and3A_145 : i32
        %jit3A_147 = arith.constant 2 : i32
        %div3A_148 = arith.divsi %add3A_59, %jit3A_147 : i32
        %sign3A_149 = arith.constant 0 : i32
        %sign3A_150 = arith.cmpi sgt, %add3A_59, %sign3A_149 : i32
        %sign3A_151 = arith.extui %sign3A_150 : i1 to i32
        %sign3A_152 = arith.constant 0 : i32
        %sign3A_153 = arith.cmpi slt, %add3A_59, %sign3A_152 : i32
        %sign3A_154 = arith.extui %sign3A_153 : i1 to i32
        %sign3A_155 = arith.subi %sign3A_151, %sign3A_154 : i32
        %sign3A_156 = arith.constant 0 : i32
        %sign3A_157 = arith.cmpi sgt, %jit3A_147, %sign3A_156 : i32
        %sign3A_158 = arith.extui %sign3A_157 : i1 to i32
        %sign3A_159 = arith.constant 0 : i32
        %sign3A_160 = arith.cmpi slt, %jit3A_147, %sign3A_159 : i32
        %sign3A_161 = arith.extui %sign3A_160 : i1 to i32
        %sign3A_162 = arith.subi %sign3A_158, %sign3A_161 : i32
        %ne3A_163 = arith.cmpi ne, %sign3A_155, %sign3A_162 : i32
        %rem3A_164 = arith.remsi %add3A_59, %jit3A_147 : i32
        %ne3A_165 = arith.constant 0 : i32
        %ne3A_166 = arith.cmpi ne, %rem3A_164, %ne3A_165 : i32
        %and3A_167 = arith.andi %ne3A_163, %ne3A_166 : i1
        %sub3A_168 = arith.constant 1 : i32
        %sub3A_169 = arith.subi %div3A_148, %sub3A_168 : i32
        %select_n3A_170 = arith.select %and3A_167, %sub3A_169, %div3A_148 : i32
        %add3A_171 = arith.constant 0 : i32
        %add3A_172 = arith.addi %select_n3A_170, %add3A_171 : i32
        %get3A_173 = arith.index_cast %add3A_146 : i32 to index
        %get3A_174 = arith.constant 0 : index
        %get3A_175 = tpu.vector_load %arg6[%get3A_173, %get3A_174] {strides = array<i32>} : memref<256x64xf32, #tpu.memory_space<vmem>>, vector<1x16xf32>,
        %get3A_176 = vector.shape_cast %get3A_175 : vector<1x16xf32> to vector<16xf32>
        %mul3A_177 = arith.constant 8.000000e+00 : f32
        %mul3A_178 = vector.broadcast %mul3A_177 : f32 to vector<16xf32>
        %mul3A_179 = arith.mulf %get3A_176, %mul3A_178 : vector<16xf32>
        %swap3A_180 = arith.index_cast %add3A_172 : i32 to index
        %swap3A_181 = arith.constant 64 : index
        %swap3A_182 = tpu.vector_load %arg8[%swap3A_180, %swap3A_181] {strides = array<i32>} : memref<256x128xf32, #tpu.memory_space<vmem>>, vector<1x16xf32>,
        %swap3A_183 = vector.shape_cast %swap3A_182 : vector<1x16xf32> to vector<16xf32>
        %swap3A_184 = vector.shape_cast %mul3A_179 : vector<16xf32> to vector<1x16xf32>
        tpu.vector_store %arg8[%swap3A_180, %swap3A_181], %swap3A_184 {strides = array<i32>} : memref<256x128xf32, #tpu.memory_space<vmem>>, vector<1x16xf32>,
        %get3A_185 = arith.index_cast %add3A_146 : i32 to index
        %get3A_186 = arith.constant 16 : index
        %get3A_187 = tpu.vector_load %arg6[%get3A_185, %get3A_186] {strides = array<i32>} : memref<256x64xf32, #tpu.memory_space<vmem>>, vector<1x16xf32>,
        %get3A_188 = vector.shape_cast %get3A_187 : vector<1x16xf32> to vector<16xf32>
        %mul3A_189 = arith.constant 8.000000e+00 : f32
        %mul3A_190 = vector.broadcast %mul3A_189 : f32 to vector<16xf32>
        %mul3A_191 = arith.mulf %get3A_188, %mul3A_190 : vector<16xf32>
        %swap3A_192 = arith.index_cast %add3A_172 : i32 to index
        %swap3A_193 = arith.constant 80 : index
        %swap3A_194 = tpu.vector_load %arg8[%swap3A_192, %swap3A_193] {strides = array<i32>} : memref<256x128xf32, #tpu.memory_space<vmem>>, vector<1x16xf32>,
        %swap3A_195 = vector.shape_cast %swap3A_194 : vector<1x16xf32> to vector<16xf32>
        %swap3A_196 = vector.shape_cast %mul3A_191 : vector<16xf32> to vector<1x16xf32>
        tpu.vector_store %arg8[%swap3A_192, %swap3A_193], %swap3A_196 {strides = array<i32>} : memref<256x128xf32, #tpu.memory_space<vmem>>, vector<1x16xf32>,
        %get3A_197 = arith.index_cast %add3A_146 : i32 to index
        %get3A_198 = arith.constant 32 : index
        %get3A_199 = tpu.vector_load %arg6[%get3A_197, %get3A_198] {strides = array<i32>} : memref<256x64xf32, #tpu.memory_space<vmem>>, vector<1x16xf32>,
        %get3A_200 = vector.shape_cast %get3A_199 : vector<1x16xf32> to vector<16xf32>
        %mul3A_201 = arith.constant 8.000000e+00 : f32
        %mul3A_202 = vector.broadcast %mul3A_201 : f32 to vector<16xf32>
        %mul3A_203 = arith.mulf %get3A_200, %mul3A_202 : vector<16xf32>
        %swap3A_204 = arith.index_cast %add3A_172 : i32 to index
        %swap3A_205 = arith.constant 96 : index
        %swap3A_206 = tpu.vector_load %arg8[%swap3A_204, %swap3A_205] {strides = array<i32>} : memref<256x128xf32, #tpu.memory_space<vmem>>, vector<1x16xf32>,
        %swap3A_207 = vector.shape_cast %swap3A_206 : vector<1x16xf32> to vector<16xf32>
        %swap3A_208 = vector.shape_cast %mul3A_203 : vector<16xf32> to vector<1x16xf32>
        tpu.vector_store %arg8[%swap3A_204, %swap3A_205], %swap3A_208 {strides = array<i32>} : memref<256x128xf32, #tpu.memory_space<vmem>>, vector<1x16xf32>,
        %get3A_209 = arith.index_cast %add3A_146 : i32 to index
        %get3A_210 = arith.constant 48 : index
        %get3A_211 = tpu.vector_load %arg6[%get3A_209, %get3A_210] {strides = array<i32>} : memref<256x64xf32, #tpu.memory_space<vmem>>, vector<1x16xf32>,
        %get3A_212 = vector.shape_cast %get3A_211 : vector<1x16xf32> to vector<16xf32>
        %mul3A_213 = arith.constant 8.000000e+00 : f32
        %mul3A_214 = vector.broadcast %mul3A_213 : f32 to vector<16xf32>
        %mul3A_215 = arith.mulf %get3A_212, %mul3A_214 : vector<16xf32>
        %swap3A_216 = arith.index_cast %add3A_172 : i32 to index
        %swap3A_217 = arith.constant 112 : index
        %swap3A_218 = tpu.vector_load %arg8[%swap3A_216, %swap3A_217] {strides = array<i32>} : memref<256x128xf32, #tpu.memory_space<vmem>>, vector<1x16xf32>,
        %swap3A_219 = vector.shape_cast %swap3A_218 : vector<1x16xf32> to vector<16xf32>
        %swap3A_220 = vector.shape_cast %mul3A_215 : vector<16xf32> to vector<1x16xf32>
        tpu.vector_store %arg8[%swap3A_216, %swap3A_217], %swap3A_220 {strides = array<i32>} : memref<256x128xf32, #tpu.memory_space<vmem>>, vector<1x16xf32>,
        %slice3A_221 = vector.extract_strided_slice %get3A_61 {offsets = [2], sizes = [1], strides = [1]} : vector<16xi32> to vector<1xi32>
        %squeeze3A_222 = vector.extract %slice3A_221[0] : i32 from vector<1xi32>
        %mul3A_223 = arith.constant 16 : i32
        %mul3A_224 = arith.muli %scan3A_56, %mul3A_223 : i32
        %add3A_225 = arith.constant 2 : i32
        %add3A_226 = arith.addi %mul3A_224, %add3A_225 : i32
        %mul3A_227 = arith.constant 8 : i32
        %mul3A_228 = arith.muli %add3A_226, %mul3A_227 : i32
        %and3A_229 = arith.constant 7 : i32
        %and3A_230 = arith.andi %squeeze3A_222, %and3A_229 : i32
        %add3A_231 = arith.addi %mul3A_228, %and3A_230 : i32
        %jit3A_232 = arith.constant 2 : i32
        %div3A_233 = arith.divsi %add3A_59, %jit3A_232 : i32
        %sign3A_234 = arith.constant 0 : i32
        %sign3A_235 = arith.cmpi sgt, %add3A_59, %sign3A_234 : i32
        %sign3A_236 = arith.extui %sign3A_235 : i1 to i32
        %sign3A_237 = arith.constant 0 : i32
        %sign3A_238 = arith.cmpi slt, %add3A_59, %sign3A_237 : i32
        %sign3A_239 = arith.extui %sign3A_238 : i1 to i32
        %sign3A_240 = arith.subi %sign3A_236, %sign3A_239 : i32
        %sign3A_241 = arith.constant 0 : i32
        %sign3A_242 = arith.cmpi sgt, %jit3A_232, %sign3A_241 : i32
        %sign3A_243 = arith.extui %sign3A_242 : i1 to i32
        %sign3A_244 = arith.constant 0 : i32
        %sign3A_245 = arith.cmpi slt, %jit3A_232, %sign3A_244 : i32
        %sign3A_246 = arith.extui %sign3A_245 : i1 to i32
        %sign3A_247 = arith.subi %sign3A_243, %sign3A_246 : i32
        %ne3A_248 = arith.cmpi ne, %sign3A_240, %sign3A_247 : i32
        %rem3A_249 = arith.remsi %add3A_59, %jit3A_232 : i32
        %ne3A_250 = arith.constant 0 : i32
        %ne3A_251 = arith.cmpi ne, %rem3A_249, %ne3A_250 : i32
        %and3A_252 = arith.andi %ne3A_248, %ne3A_251 : i1
        %sub3A_253 = arith.constant 1 : i32
        %sub3A_254 = arith.subi %div3A_233, %sub3A_253 : i32
        %select_n3A_255 = arith.select %and3A_252, %sub3A_254, %div3A_233 : i32
        %add3A_256 = arith.constant 1 : i32
        %add3A_257 = arith.addi %select_n3A_255, %add3A_256 : i32
        %get3A_258 = arith.index_cast %add3A_231 : i32 to index
        %get3A_259 = arith.constant 0 : index
        %get3A_260 = tpu.vector_load %arg6[%get3A_258, %get3A_259] {strides = array<i32>} : memref<256x64xf32, #tpu.memory_space<vmem>>, vector<1x16xf32>,
        %get3A_261 = vector.shape_cast %get3A_260 : vector<1x16xf32> to vector<16xf32>
        %mul3A_262 = arith.constant 8.000000e+00 : f32
        %mul3A_263 = vector.broadcast %mul3A_262 : f32 to vector<16xf32>
        %mul3A_264 = arith.mulf %get3A_261, %mul3A_263 : vector<16xf32>
        %swap3A_265 = arith.index_cast %add3A_257 : i32 to index
        %swap3A_266 = arith.constant 0 : index
        %swap3A_267 = tpu.vector_load %arg8[%swap3A_265, %swap3A_266] {strides = array<i32>} : memref<256x128xf32, #tpu.memory_space<vmem>>, vector<1x16xf32>,
        %swap3A_268 = vector.shape_cast %swap3A_267 : vector<1x16xf32> to vector<16xf32>
        %swap3A_269 = vector.shape_cast %mul3A_264 : vector<16xf32> to vector<1x16xf32>
        tpu.vector_store %arg8[%swap3A_265, %swap3A_266], %swap3A_269 {strides = array<i32>} : memref<256x128xf32, #tpu.memory_space<vmem>>, vector<1x16xf32>,
        %get3A_270 = arith.index_cast %add3A_231 : i32 to index
        %get3A_271 = arith.constant 16 : index
        %get3A_272 = tpu.vector_load %arg6[%get3A_270, %get3A_271] {strides = array<i32>} : memref<256x64xf32, #tpu.memory_space<vmem>>, vector<1x16xf32>,
        %get3A_273 = vector.shape_cast %get3A_272 : vector<1x16xf32> to vector<16xf32>
        %mul3A_274 = arith.constant 8.000000e+00 : f32
        %mul3A_275 = vector.broadcast %mul3A_274 : f32 to vector<16xf32>
        %mul3A_276 = arith.mulf %get3A_273, %mul3A_275 : vector<16xf32>
        %swap3A_277 = arith.index_cast %add3A_257 : i32 to index
        %swap3A_278 = arith.constant 16 : index
        %swap3A_279 = tpu.vector_load %arg8[%swap3A_277, %swap3A_278] {strides = array<i32>} : memref<256x128xf32, #tpu.memory_space<vmem>>, vector<1x16xf32>,
        %swap3A_280 = vector.shape_cast %swap3A_279 : vector<1x16xf32> to vector<16xf32>
        %swap3A_281 = vector.shape_cast %mul3A_276 : vector<16xf32> to vector<1x16xf32>
        tpu.vector_store %arg8[%swap3A_277, %swap3A_278], %swap3A_281 {strides = array<i32>} : memref<256x128xf32, #tpu.memory_space<vmem>>, vector<1x16xf32>,
        %get3A_282 = arith.index_cast %add3A_231 : i32 to index
        %get3A_283 = arith.constant 32 : index
        %get3A_284 = tpu.vector_load %arg6[%get3A_282, %get3A_283] {strides = array<i32>} : memref<256x64xf32, #tpu.memory_space<vmem>>, vector<1x16xf32>,
        %get3A_285 = vector.shape_cast %get3A_284 : vector<1x16xf32> to vector<16xf32>
        %mul3A_286 = arith.constant 8.000000e+00 : f32
        %mul3A_287 = vector.broadcast %mul3A_286 : f32 to vector<16xf32>
        %mul3A_288 = arith.mulf %get3A_285, %mul3A_287 : vector<16xf32>
        %swap3A_289 = arith.index_cast %add3A_257 : i32 to index
        %swap3A_290 = arith.constant 32 : index
        %swap3A_291 = tpu.vector_load %arg8[%swap3A_289, %swap3A_290] {strides = array<i32>} : memref<256x128xf32, #tpu.memory_space<vmem>>, vector<1x16xf32>,
        %swap3A_292 = vector.shape_cast %swap3A_291 : vector<1x16xf32> to vector<16xf32>
        %swap3A_293 = vector.shape_cast %mul3A_288 : vector<16xf32> to vector<1x16xf32>
        tpu.vector_store %arg8[%swap3A_289, %swap3A_290], %swap3A_293 {strides = array<i32>} : memref<256x128xf32, #tpu.memory_space<vmem>>, vector<1x16xf32>,
        %get3A_294 = arith.index_cast %add3A_231 : i32 to index
        %get3A_295 = arith.constant 48 : index
        %get3A_296 = tpu.vector_load %arg6[%get3A_294, %get3A_295] {strides = array<i32>} : memref<256x64xf32, #tpu.memory_space<vmem>>, vector<1x16xf32>,
        %get3A_297 = vector.shape_cast %get3A_296 : vector<1x16xf32> to vector<16xf32>
        %mul3A_298 = arith.constant 8.000000e+00 : f32
        %mul3A_299 = vector.broadcast %mul3A_298 : f32 to vector<16xf32>
        %mul3A_300 = arith.mulf %get3A_297, %mul3A_299 : vector<16xf32>
        %swap3A_301 = arith.index_cast %add3A_257 : i32 to index
        %swap3A_302 = arith.constant 48 : index
        %swap3A_303 = tpu.vector_load %arg8[%swap3A_301, %swap3A_302] {strides = array<i32>} : memref<256x128xf32, #tpu.memory_space<vmem>>, vector<1x16xf32>,
        %swap3A_304 = vector.shape_cast %swap3A_303 : vector<1x16xf32> to vector<16xf32>
        %swap3A_305 = vector.shape_cast %mul3A_300 : vector<16xf32> to vector<1x16xf32>
        tpu.vector_store %arg8[%swap3A_301, %swap3A_302], %swap3A_305 {strides = array<i32>} : memref<256x128xf32, #tpu.memory_space<vmem>>, vector<1x16xf32>,
        %slice3A_306 = vector.extract_strided_slice %get3A_61 {offsets = [3], sizes = [1], strides = [1]} : vector<16xi32> to vector<1xi32>
        %squeeze3A_307 = vector.extract %slice3A_306[0] : i32 from vector<1xi32>
        %mul3A_308 = arith.constant 16 : i32
        %mul3A_309 = arith.muli %scan3A_56, %mul3A_308 : i32
        %add3A_310 = arith.constant 3 : i32
        %add3A_311 = arith.addi %mul3A_309, %add3A_310 : i32
        %mul3A_312 = arith.constant 8 : i32
        %mul3A_313 = arith.muli %add3A_311, %mul3A_312 : i32
        %and3A_314 = arith.constant 7 : i32
        %and3A_315 = arith.andi %squeeze3A_307, %and3A_314 : i32
        %add3A_316 = arith.addi %mul3A_313, %and3A_315 : i32
        %jit3A_317 = arith.constant 2 : i32
        %div3A_318 = arith.divsi %add3A_59, %jit3A_317 : i32
        %sign3A_319 = arith.constant 0 : i32
        %sign3A_320 = arith.cmpi sgt, %add3A_59, %sign3A_319 : i32
        %sign3A_321 = arith.extui %sign3A_320 : i1 to i32
        %sign3A_322 = arith.constant 0 : i32
        %sign3A_323 = arith.cmpi slt, %add3A_59, %sign3A_322 : i32
        %sign3A_324 = arith.extui %sign3A_323 : i1 to i32
        %sign3A_325 = arith.subi %sign3A_321, %sign3A_324 : i32
        %sign3A_326 = arith.constant 0 : i32
        %sign3A_327 = arith.cmpi sgt, %jit3A_317, %sign3A_326 : i32
        %sign3A_328 = arith.extui %sign3A_327 : i1 to i32
        %sign3A_329 = arith.constant 0 : i32
        %sign3A_330 = arith.cmpi slt, %jit3A_317, %sign3A_329 : i32
        %sign3A_331 = arith.extui %sign3A_330 : i1 to i32
        %sign3A_332 = arith.subi %sign3A_328, %sign3A_331 : i32
        %ne3A_333 = arith.cmpi ne, %sign3A_325, %sign3A_332 : i32
        %rem3A_334 = arith.remsi %add3A_59, %jit3A_317 : i32
        %ne3A_335 = arith.constant 0 : i32
        %ne3A_336 = arith.cmpi ne, %rem3A_334, %ne3A_335 : i32
        %and3A_337 = arith.andi %ne3A_333, %ne3A_336 : i1
        %sub3A_338 = arith.constant 1 : i32
        %sub3A_339 = arith.subi %div3A_318, %sub3A_338 : i32
        %select_n3A_340 = arith.select %and3A_337, %sub3A_339, %div3A_318 : i32
        %add3A_341 = arith.constant 1 : i32
        %add3A_342 = arith.addi %select_n3A_340, %add3A_341 : i32
        %get3A_343 = arith.index_cast %add3A_316 : i32 to index
        %get3A_344 = arith.constant 0 : index
        %get3A_345 = tpu.vector_load %arg6[%get3A_343, %get3A_344] {strides = array<i32>} : memref<256x64xf32, #tpu.memory_space<vmem>>, vector<1x16xf32>,
        %get3A_346 = vector.shape_cast %get3A_345 : vector<1x16xf32> to vector<16xf32>
        %mul3A_347 = arith.constant 8.000000e+00 : f32
        %mul3A_348 = vector.broadcast %mul3A_347 : f32 to vector<16xf32>
        %mul3A_349 = arith.mulf %get3A_346, %mul3A_348 : vector<16xf32>
        %swap3A_350 = arith.index_cast %add3A_342 : i32 to index
        %swap3A_351 = arith.constant 64 : index
        %swap3A_352 = tpu.vector_load %arg8[%swap3A_350, %swap3A_351] {strides = array<i32>} : memref<256x128xf32, #tpu.memory_space<vmem>>, vector<1x16xf32>,
        %swap3A_353 = vector.shape_cast %swap3A_352 : vector<1x16xf32> to vector<16xf32>
        %swap3A_354 = vector.shape_cast %mul3A_349 : vector<16xf32> to vector<1x16xf32>
        tpu.vector_store %arg8[%swap3A_350, %swap3A_351], %swap3A_354 {strides = array<i32>} : memref<256x128xf32, #tpu.memory_space<vmem>>, vector<1x16xf32>,
        %get3A_355 = arith.index_cast %add3A_316 : i32 to index
        %get3A_356 = arith.constant 16 : index
        %get3A_357 = tpu.vector_load %arg6[%get3A_355, %get3A_356] {strides = array<i32>} : memref<256x64xf32, #tpu.memory_space<vmem>>, vector<1x16xf32>,
        %get3A_358 = vector.shape_cast %get3A_357 : vector<1x16xf32> to vector<16xf32>
        %mul3A_359 = arith.constant 8.000000e+00 : f32
        %mul3A_360 = vector.broadcast %mul3A_359 : f32 to vector<16xf32>
        %mul3A_361 = arith.mulf %get3A_358, %mul3A_360 : vector<16xf32>
        %swap3A_362 = arith.index_cast %add3A_342 : i32 to index
        %swap3A_363 = arith.constant 80 : index
        %swap3A_364 = tpu.vector_load %arg8[%swap3A_362, %swap3A_363] {strides = array<i32>} : memref<256x128xf32, #tpu.memory_space<vmem>>, vector<1x16xf32>,
        %swap3A_365 = vector.shape_cast %swap3A_364 : vector<1x16xf32> to vector<16xf32>
        %swap3A_366 = vector.shape_cast %mul3A_361 : vector<16xf32> to vector<1x16xf32>
        tpu.vector_store %arg8[%swap3A_362, %swap3A_363], %swap3A_366 {strides = array<i32>} : memref<256x128xf32, #tpu.memory_space<vmem>>, vector<1x16xf32>,
        %get3A_367 = arith.index_cast %add3A_316 : i32 to index
        %get3A_368 = arith.constant 32 : index
        %get3A_369 = tpu.vector_load %arg6[%get3A_367, %get3A_368] {strides = array<i32>} : memref<256x64xf32, #tpu.memory_space<vmem>>, vector<1x16xf32>,
        %get3A_370 = vector.shape_cast %get3A_369 : vector<1x16xf32> to vector<16xf32>
        %mul3A_371 = arith.constant 8.000000e+00 : f32
        %mul3A_372 = vector.broadcast %mul3A_371 : f32 to vector<16xf32>
        %mul3A_373 = arith.mulf %get3A_370, %mul3A_372 : vector<16xf32>
        %swap3A_374 = arith.index_cast %add3A_342 : i32 to index
        %swap3A_375 = arith.constant 96 : index
        %swap3A_376 = tpu.vector_load %arg8[%swap3A_374, %swap3A_375] {strides = array<i32>} : memref<256x128xf32, #tpu.memory_space<vmem>>, vector<1x16xf32>,
        %swap3A_377 = vector.shape_cast %swap3A_376 : vector<1x16xf32> to vector<16xf32>
        %swap3A_378 = vector.shape_cast %mul3A_373 : vector<16xf32> to vector<1x16xf32>
        tpu.vector_store %arg8[%swap3A_374, %swap3A_375], %swap3A_378 {strides = array<i32>} : memref<256x128xf32, #tpu.memory_space<vmem>>, vector<1x16xf32>,
        %get3A_379 = arith.index_cast %add3A_316 : i32 to index
        %get3A_380 = arith.constant 48 : index
        %get3A_381 = tpu.vector_load %arg6[%get3A_379, %get3A_380] {strides = array<i32>} : memref<256x64xf32, #tpu.memory_space<vmem>>, vector<1x16xf32>,
        %get3A_382 = vector.shape_cast %get3A_381 : vector<1x16xf32> to vector<16xf32>
        %mul3A_383 = arith.constant 8.000000e+00 : f32
        %mul3A_384 = vector.broadcast %mul3A_383 : f32 to vector<16xf32>
        %mul3A_385 = arith.mulf %get3A_382, %mul3A_384 : vector<16xf32>
        %swap3A_386 = arith.index_cast %add3A_342 : i32 to index
        %swap3A_387 = arith.constant 112 : index
        %swap3A_388 = tpu.vector_load %arg8[%swap3A_386, %swap3A_387] {strides = array<i32>} : memref<256x128xf32, #tpu.memory_space<vmem>>, vector<1x16xf32>,
        %swap3A_389 = vector.shape_cast %swap3A_388 : vector<1x16xf32> to vector<16xf32>
        %swap3A_390 = vector.shape_cast %mul3A_385 : vector<16xf32> to vector<1x16xf32>
        tpu.vector_store %arg8[%swap3A_386, %swap3A_387], %swap3A_390 {strides = array<i32>} : memref<256x128xf32, #tpu.memory_space<vmem>>, vector<1x16xf32>,
        %slice3A_391 = vector.extract_strided_slice %get3A_61 {offsets = [4], sizes = [1], strides = [1]} : vector<16xi32> to vector<1xi32>
        %squeeze3A_392 = vector.extract %slice3A_391[0] : i32 from vector<1xi32>
        %mul3A_393 = arith.constant 16 : i32
        %mul3A_394 = arith.muli %scan3A_56, %mul3A_393 : i32
        %add3A_395 = arith.constant 4 : i32
        %add3A_396 = arith.addi %mul3A_394, %add3A_395 : i32
        %mul3A_397 = arith.constant 8 : i32
        %mul3A_398 = arith.muli %add3A_396, %mul3A_397 : i32
        %and3A_399 = arith.constant 7 : i32
        %and3A_400 = arith.andi %squeeze3A_392, %and3A_399 : i32
        %add3A_401 = arith.addi %mul3A_398, %and3A_400 : i32
        %jit3A_402 = arith.constant 2 : i32
        %div3A_403 = arith.divsi %add3A_59, %jit3A_402 : i32
        %sign3A_404 = arith.constant 0 : i32
        %sign3A_405 = arith.cmpi sgt, %add3A_59, %sign3A_404 : i32
        %sign3A_406 = arith.extui %sign3A_405 : i1 to i32
        %sign3A_407 = arith.constant 0 : i32
        %sign3A_408 = arith.cmpi slt, %add3A_59, %sign3A_407 : i32
        %sign3A_409 = arith.extui %sign3A_408 : i1 to i32
        %sign3A_410 = arith.subi %sign3A_406, %sign3A_409 : i32
        %sign3A_411 = arith.constant 0 : i32
        %sign3A_412 = arith.cmpi sgt, %jit3A_402, %sign3A_411 : i32
        %sign3A_413 = arith.extui %sign3A_412 : i1 to i32
        %sign3A_414 = arith.constant 0 : i32
        %sign3A_415 = arith.cmpi slt, %jit3A_402, %sign3A_414 : i32
        %sign3A_416 = arith.extui %sign3A_415 : i1 to i32
        %sign3A_417 = arith.subi %sign3A_413, %sign3A_416 : i32
        %ne3A_418 = arith.cmpi ne, %sign3A_410, %sign3A_417 : i32
        %rem3A_419 = arith.remsi %add3A_59, %jit3A_402 : i32
        %ne3A_420 = arith.constant 0 : i32
        %ne3A_421 = arith.cmpi ne, %rem3A_419, %ne3A_420 : i32
        %and3A_422 = arith.andi %ne3A_418, %ne3A_421 : i1
        %sub3A_423 = arith.constant 1 : i32
        %sub3A_424 = arith.subi %div3A_403, %sub3A_423 : i32
        %select_n3A_425 = arith.select %and3A_422, %sub3A_424, %div3A_403 : i32
        %add3A_426 = arith.constant 2 : i32
        %add3A_427 = arith.addi %select_n3A_425, %add3A_426 : i32
        %get3A_428 = arith.index_cast %add3A_401 : i32 to index
        %get3A_429 = arith.constant 0 : index
        %get3A_430 = tpu.vector_load %arg6[%get3A_428, %get3A_429] {strides = array<i32>} : memref<256x64xf32, #tpu.memory_space<vmem>>, vector<1x16xf32>,
        %get3A_431 = vector.shape_cast %get3A_430 : vector<1x16xf32> to vector<16xf32>
        %mul3A_432 = arith.constant 8.000000e+00 : f32
        %mul3A_433 = vector.broadcast %mul3A_432 : f32 to vector<16xf32>
        %mul3A_434 = arith.mulf %get3A_431, %mul3A_433 : vector<16xf32>
        %swap3A_435 = arith.index_cast %add3A_427 : i32 to index
        %swap3A_436 = arith.constant 0 : index
        %swap3A_437 = tpu.vector_load %arg8[%swap3A_435, %swap3A_436] {strides = array<i32>} : memref<256x128xf32, #tpu.memory_space<vmem>>, vector<1x16xf32>,
        %swap3A_438 = vector.shape_cast %swap3A_437 : vector<1x16xf32> to vector<16xf32>
        %swap3A_439 = vector.shape_cast %mul3A_434 : vector<16xf32> to vector<1x16xf32>
        tpu.vector_store %arg8[%swap3A_435, %swap3A_436], %swap3A_439 {strides = array<i32>} : memref<256x128xf32, #tpu.memory_space<vmem>>, vector<1x16xf32>,
        %get3A_440 = arith.index_cast %add3A_401 : i32 to index
        %get3A_441 = arith.constant 16 : index
        %get3A_442 = tpu.vector_load %arg6[%get3A_440, %get3A_441] {strides = array<i32>} : memref<256x64xf32, #tpu.memory_space<vmem>>, vector<1x16xf32>,
        %get3A_443 = vector.shape_cast %get3A_442 : vector<1x16xf32> to vector<16xf32>
        %mul3A_444 = arith.constant 8.000000e+00 : f32
        %mul3A_445 = vector.broadcast %mul3A_444 : f32 to vector<16xf32>
        %mul3A_446 = arith.mulf %get3A_443, %mul3A_445 : vector<16xf32>
        %swap3A_447 = arith.index_cast %add3A_427 : i32 to index
        %swap3A_448 = arith.constant 16 : index
        %swap3A_449 = tpu.vector_load %arg8[%swap3A_447, %swap3A_448] {strides = array<i32>} : memref<256x128xf32, #tpu.memory_space<vmem>>, vector<1x16xf32>,
        %swap3A_450 = vector.shape_cast %swap3A_449 : vector<1x16xf32> to vector<16xf32>
        %swap3A_451 = vector.shape_cast %mul3A_446 : vector<16xf32> to vector<1x16xf32>
        tpu.vector_store %arg8[%swap3A_447, %swap3A_448], %swap3A_451 {strides = array<i32>} : memref<256x128xf32, #tpu.memory_space<vmem>>, vector<1x16xf32>,
        %get3A_452 = arith.index_cast %add3A_401 : i32 to index
        %get3A_453 = arith.constant 32 : index
        %get3A_454 = tpu.vector_load %arg6[%get3A_452, %get3A_453] {strides = array<i32>} : memref<256x64xf32, #tpu.memory_space<vmem>>, vector<1x16xf32>,
        %get3A_455 = vector.shape_cast %get3A_454 : vector<1x16xf32> to vector<16xf32>
        %mul3A_456 = arith.constant 8.000000e+00 : f32
        %mul3A_457 = vector.broadcast %mul3A_456 : f32 to vector<16xf32>
        %mul3A_458 = arith.mulf %get3A_455, %mul3A_457 : vector<16xf32>
        %swap3A_459 = arith.index_cast %add3A_427 : i32 to index
        %swap3A_460 = arith.constant 32 : index
        %swap3A_461 = tpu.vector_load %arg8[%swap3A_459, %swap3A_460] {strides = array<i32>} : memref<256x128xf32, #tpu.memory_space<vmem>>, vector<1x16xf32>,
        %swap3A_462 = vector.shape_cast %swap3A_461 : vector<1x16xf32> to vector<16xf32>
        %swap3A_463 = vector.shape_cast %mul3A_458 : vector<16xf32> to vector<1x16xf32>
        tpu.vector_store %arg8[%swap3A_459, %swap3A_460], %swap3A_463 {strides = array<i32>} : memref<256x128xf32, #tpu.memory_space<vmem>>, vector<1x16xf32>,
        %get3A_464 = arith.index_cast %add3A_401 : i32 to index
        %get3A_465 = arith.constant 48 : index
        %get3A_466 = tpu.vector_load %arg6[%get3A_464, %get3A_465] {strides = array<i32>} : memref<256x64xf32, #tpu.memory_space<vmem>>, vector<1x16xf32>,
        %get3A_467 = vector.shape_cast %get3A_466 : vector<1x16xf32> to vector<16xf32>
        %mul3A_468 = arith.constant 8.000000e+00 : f32
        %mul3A_469 = vector.broadcast %mul3A_468 : f32 to vector<16xf32>
        %mul3A_470 = arith.mulf %get3A_467, %mul3A_469 : vector<16xf32>
        %swap3A_471 = arith.index_cast %add3A_427 : i32 to index
        %swap3A_472 = arith.constant 48 : index
        %swap3A_473 = tpu.vector_load %arg8[%swap3A_471, %swap3A_472] {strides = array<i32>} : memref<256x128xf32, #tpu.memory_space<vmem>>, vector<1x16xf32>,
        %swap3A_474 = vector.shape_cast %swap3A_473 : vector<1x16xf32> to vector<16xf32>
        %swap3A_475 = vector.shape_cast %mul3A_470 : vector<16xf32> to vector<1x16xf32>
        tpu.vector_store %arg8[%swap3A_471, %swap3A_472], %swap3A_475 {strides = array<i32>} : memref<256x128xf32, #tpu.memory_space<vmem>>, vector<1x16xf32>,
        %slice3A_476 = vector.extract_strided_slice %get3A_61 {offsets = [5], sizes = [1], strides = [1]} : vector<16xi32> to vector<1xi32>
        %squeeze3A_477 = vector.extract %slice3A_476[0] : i32 from vector<1xi32>
        %mul3A_478 = arith.constant 16 : i32
        %mul3A_479 = arith.muli %scan3A_56, %mul3A_478 : i32
        %add3A_480 = arith.constant 5 : i32
        %add3A_481 = arith.addi %mul3A_479, %add3A_480 : i32
        %mul3A_482 = arith.constant 8 : i32
        %mul3A_483 = arith.muli %add3A_481, %mul3A_482 : i32
        %and3A_484 = arith.constant 7 : i32
        %and3A_485 = arith.andi %squeeze3A_477, %and3A_484 : i32
        %add3A_486 = arith.addi %mul3A_483, %and3A_485 : i32
        %jit3A_487 = arith.constant 2 : i32
        %div3A_488 = arith.divsi %add3A_59, %jit3A_487 : i32
        %sign3A_489 = arith.constant 0 : i32
        %sign3A_490 = arith.cmpi sgt, %add3A_59, %sign3A_489 : i32
        %sign3A_491 = arith.extui %sign3A_490 : i1 to i32
        %sign3A_492 = arith.constant 0 : i32
        %sign3A_493 = arith.cmpi slt, %add3A_59, %sign3A_492 : i32
        %sign3A_494 = arith.extui %sign3A_493 : i1 to i32
        %sign3A_495 = arith.subi %sign3A_491, %sign3A_494 : i32
        %sign3A_496 = arith.constant 0 : i32
        %sign3A_497 = arith.cmpi sgt, %jit3A_487, %sign3A_496 : i32
        %sign3A_498 = arith.extui %sign3A_497 : i1 to i32
        %sign3A_499 = arith.constant 0 : i32
        %sign3A_500 = arith.cmpi slt, %jit3A_487, %sign3A_499 : i32
        %sign3A_501 = arith.extui %sign3A_500 : i1 to i32
        %sign3A_502 = arith.subi %sign3A_498, %sign3A_501 : i32
        %ne3A_503 = arith.cmpi ne, %sign3A_495, %sign3A_502 : i32
        %rem3A_504 = arith.remsi %add3A_59, %jit3A_487 : i32
        %ne3A_505 = arith.constant 0 : i32
        %ne3A_506 = arith.cmpi ne, %rem3A_504, %ne3A_505 : i32
        %and3A_507 = arith.andi %ne3A_503, %ne3A_506 : i1
        %sub3A_508 = arith.constant 1 : i32
        %sub3A_509 = arith.subi %div3A_488, %sub3A_508 : i32
        %select_n3A_510 = arith.select %and3A_507, %sub3A_509, %div3A_488 : i32
        %add3A_511 = arith.constant 2 : i32
        %add3A_512 = arith.addi %select_n3A_510, %add3A_511 : i32
        %get3A_513 = arith.index_cast %add3A_486 : i32 to index
        %get3A_514 = arith.constant 0 : index
        %get3A_515 = tpu.vector_load %arg6[%get3A_513, %get3A_514] {strides = array<i32>} : memref<256x64xf32, #tpu.memory_space<vmem>>, vector<1x16xf32>,
        %get3A_516 = vector.shape_cast %get3A_515 : vector<1x16xf32> to vector<16xf32>
        %mul3A_517 = arith.constant 8.000000e+00 : f32
        %mul3A_518 = vector.broadcast %mul3A_517 : f32 to vector<16xf32>
        %mul3A_519 = arith.mulf %get3A_516, %mul3A_518 : vector<16xf32>
        %swap3A_520 = arith.index_cast %add3A_512 : i32 to index
        %swap3A_521 = arith.constant 64 : index
        %swap3A_522 = tpu.vector_load %arg8[%swap3A_520, %swap3A_521] {strides = array<i32>} : memref<256x128xf32, #tpu.memory_space<vmem>>, vector<1x16xf32>,
        %swap3A_523 = vector.shape_cast %swap3A_522 : vector<1x16xf32> to vector<16xf32>
        %swap3A_524 = vector.shape_cast %mul3A_519 : vector<16xf32> to vector<1x16xf32>
        tpu.vector_store %arg8[%swap3A_520, %swap3A_521], %swap3A_524 {strides = array<i32>} : memref<256x128xf32, #tpu.memory_space<vmem>>, vector<1x16xf32>,
        %get3A_525 = arith.index_cast %add3A_486 : i32 to index
        %get3A_526 = arith.constant 16 : index
        %get3A_527 = tpu.vector_load %arg6[%get3A_525, %get3A_526] {strides = array<i32>} : memref<256x64xf32, #tpu.memory_space<vmem>>, vector<1x16xf32>,
        %get3A_528 = vector.shape_cast %get3A_527 : vector<1x16xf32> to vector<16xf32>
        %mul3A_529 = arith.constant 8.000000e+00 : f32
        %mul3A_530 = vector.broadcast %mul3A_529 : f32 to vector<16xf32>
        %mul3A_531 = arith.mulf %get3A_528, %mul3A_530 : vector<16xf32>
        %swap3A_532 = arith.index_cast %add3A_512 : i32 to index
        %swap3A_533 = arith.constant 80 : index
        %swap3A_534 = tpu.vector_load %arg8[%swap3A_532, %swap3A_533] {strides = array<i32>} : memref<256x128xf32, #tpu.memory_space<vmem>>, vector<1x16xf32>,
        %swap3A_535 = vector.shape_cast %swap3A_534 : vector<1x16xf32> to vector<16xf32>
        %swap3A_536 = vector.shape_cast %mul3A_531 : vector<16xf32> to vector<1x16xf32>
        tpu.vector_store %arg8[%swap3A_532, %swap3A_533], %swap3A_536 {strides = array<i32>} : memref<256x128xf32, #tpu.memory_space<vmem>>, vector<1x16xf32>,
        %get3A_537 = arith.index_cast %add3A_486 : i32 to index
        %get3A_538 = arith.constant 32 : index
        %get3A_539 = tpu.vector_load %arg6[%get3A_537, %get3A_538] {strides = array<i32>} : memref<256x64xf32, #tpu.memory_space<vmem>>, vector<1x16xf32>,
        %get3A_540 = vector.shape_cast %get3A_539 : vector<1x16xf32> to vector<16xf32>
        %mul3A_541 = arith.constant 8.000000e+00 : f32
        %mul3A_542 = vector.broadcast %mul3A_541 : f32 to vector<16xf32>
        %mul3A_543 = arith.mulf %get3A_540, %mul3A_542 : vector<16xf32>
        %swap3A_544 = arith.index_cast %add3A_512 : i32 to index
        %swap3A_545 = arith.constant 96 : index
        %swap3A_546 = tpu.vector_load %arg8[%swap3A_544, %swap3A_545] {strides = array<i32>} : memref<256x128xf32, #tpu.memory_space<vmem>>, vector<1x16xf32>,
        %swap3A_547 = vector.shape_cast %swap3A_546 : vector<1x16xf32> to vector<16xf32>
        %swap3A_548 = vector.shape_cast %mul3A_543 : vector<16xf32> to vector<1x16xf32>
        tpu.vector_store %arg8[%swap3A_544, %swap3A_545], %swap3A_548 {strides = array<i32>} : memref<256x128xf32, #tpu.memory_space<vmem>>, vector<1x16xf32>,
        %get3A_549 = arith.index_cast %add3A_486 : i32 to index
        %get3A_550 = arith.constant 48 : index
        %get3A_551 = tpu.vector_load %arg6[%get3A_549, %get3A_550] {strides = array<i32>} : memref<256x64xf32, #tpu.memory_space<vmem>>, vector<1x16xf32>,
        %get3A_552 = vector.shape_cast %get3A_551 : vector<1x16xf32> to vector<16xf32>
        %mul3A_553 = arith.constant 8.000000e+00 : f32
        %mul3A_554 = vector.broadcast %mul3A_553 : f32 to vector<16xf32>
        %mul3A_555 = arith.mulf %get3A_552, %mul3A_554 : vector<16xf32>
        %swap3A_556 = arith.index_cast %add3A_512 : i32 to index
        %swap3A_557 = arith.constant 112 : index
        %swap3A_558 = tpu.vector_load %arg8[%swap3A_556, %swap3A_557] {strides = array<i32>} : memref<256x128xf32, #tpu.memory_space<vmem>>, vector<1x16xf32>,
        %swap3A_559 = vector.shape_cast %swap3A_558 : vector<1x16xf32> to vector<16xf32>
        %swap3A_560 = vector.shape_cast %mul3A_555 : vector<16xf32> to vector<1x16xf32>
        tpu.vector_store %arg8[%swap3A_556, %swap3A_557], %swap3A_560 {strides = array<i32>} : memref<256x128xf32, #tpu.memory_space<vmem>>, vector<1x16xf32>,
        %slice3A_561 = vector.extract_strided_slice %get3A_61 {offsets = [6], sizes = [1], strides = [1]} : vector<16xi32> to vector<1xi32>
        %squeeze3A_562 = vector.extract %slice3A_561[0] : i32 from vector<1xi32>
        %mul3A_563 = arith.constant 16 : i32
        %mul3A_564 = arith.muli %scan3A_56, %mul3A_563 : i32
        %add3A_565 = arith.constant 6 : i32
        %add3A_566 = arith.addi %mul3A_564, %add3A_565 : i32
        %mul3A_567 = arith.constant 8 : i32
        %mul3A_568 = arith.muli %add3A_566, %mul3A_567 : i32
        %and3A_569 = arith.constant 7 : i32
        %and3A_570 = arith.andi %squeeze3A_562, %and3A_569 : i32
        %add3A_571 = arith.addi %mul3A_568, %and3A_570 : i32
        %jit3A_572 = arith.constant 2 : i32
        %div3A_573 = arith.divsi %add3A_59, %jit3A_572 : i32
        %sign3A_574 = arith.constant 0 : i32
        %sign3A_575 = arith.cmpi sgt, %add3A_59, %sign3A_574 : i32
        %sign3A_576 = arith.extui %sign3A_575 : i1 to i32
        %sign3A_577 = arith.constant 0 : i32
        %sign3A_578 = arith.cmpi slt, %add3A_59, %sign3A_577 : i32
        %sign3A_579 = arith.extui %sign3A_578 : i1 to i32
        %sign3A_580 = arith.subi %sign3A_576, %sign3A_579 : i32
        %sign3A_581 = arith.constant 0 : i32
        %sign3A_582 = arith.cmpi sgt, %jit3A_572, %sign3A_581 : i32
        %sign3A_583 = arith.extui %sign3A_582 : i1 to i32
        %sign3A_584 = arith.constant 0 : i32
        %sign3A_585 = arith.cmpi slt, %jit3A_572, %sign3A_584 : i32
        %sign3A_586 = arith.extui %sign3A_585 : i1 to i32
        %sign3A_587 = arith.subi %sign3A_583, %sign3A_586 : i32
        %ne3A_588 = arith.cmpi ne, %sign3A_580, %sign3A_587 : i32
        %rem3A_589 = arith.remsi %add3A_59, %jit3A_572 : i32
        %ne3A_590 = arith.constant 0 : i32
        %ne3A_591 = arith.cmpi ne, %rem3A_589, %ne3A_590 : i32
        %and3A_592 = arith.andi %ne3A_588, %ne3A_591 : i1
        %sub3A_593 = arith.constant 1 : i32
        %sub3A_594 = arith.subi %div3A_573, %sub3A_593 : i32
        %select_n3A_595 = arith.select %and3A_592, %sub3A_594, %div3A_573 : i32
        %add3A_596 = arith.constant 3 : i32
        %add3A_597 = arith.addi %select_n3A_595, %add3A_596 : i32
        %get3A_598 = arith.index_cast %add3A_571 : i32 to index
        %get3A_599 = arith.constant 0 : index
        %get3A_600 = tpu.vector_load %arg6[%get3A_598, %get3A_599] {strides = array<i32>} : memref<256x64xf32, #tpu.memory_space<vmem>>, vector<1x16xf32>,
        %get3A_601 = vector.shape_cast %get3A_600 : vector<1x16xf32> to vector<16xf32>
        %mul3A_602 = arith.constant 8.000000e+00 : f32
        %mul3A_603 = vector.broadcast %mul3A_602 : f32 to vector<16xf32>
        %mul3A_604 = arith.mulf %get3A_601, %mul3A_603 : vector<16xf32>
        %swap3A_605 = arith.index_cast %add3A_597 : i32 to index
        %swap3A_606 = arith.constant 0 : index
        %swap3A_607 = tpu.vector_load %arg8[%swap3A_605, %swap3A_606] {strides = array<i32>} : memref<256x128xf32, #tpu.memory_space<vmem>>, vector<1x16xf32>,
        %swap3A_608 = vector.shape_cast %swap3A_607 : vector<1x16xf32> to vector<16xf32>
        %swap3A_609 = vector.shape_cast %mul3A_604 : vector<16xf32> to vector<1x16xf32>
        tpu.vector_store %arg8[%swap3A_605, %swap3A_606], %swap3A_609 {strides = array<i32>} : memref<256x128xf32, #tpu.memory_space<vmem>>, vector<1x16xf32>,
        %get3A_610 = arith.index_cast %add3A_571 : i32 to index
        %get3A_611 = arith.constant 16 : index
        %get3A_612 = tpu.vector_load %arg6[%get3A_610, %get3A_611] {strides = array<i32>} : memref<256x64xf32, #tpu.memory_space<vmem>>, vector<1x16xf32>,
        %get3A_613 = vector.shape_cast %get3A_612 : vector<1x16xf32> to vector<16xf32>
        %mul3A_614 = arith.constant 8.000000e+00 : f32
        %mul3A_615 = vector.broadcast %mul3A_614 : f32 to vector<16xf32>
        %mul3A_616 = arith.mulf %get3A_613, %mul3A_615 : vector<16xf32>
        %swap3A_617 = arith.index_cast %add3A_597 : i32 to index
        %swap3A_618 = arith.constant 16 : index
        %swap3A_619 = tpu.vector_load %arg8[%swap3A_617, %swap3A_618] {strides = array<i32>} : memref<256x128xf32, #tpu.memory_space<vmem>>, vector<1x16xf32>,
        %swap3A_620 = vector.shape_cast %swap3A_619 : vector<1x16xf32> to vector<16xf32>
        %swap3A_621 = vector.shape_cast %mul3A_616 : vector<16xf32> to vector<1x16xf32>
        tpu.vector_store %arg8[%swap3A_617, %swap3A_618], %swap3A_621 {strides = array<i32>} : memref<256x128xf32, #tpu.memory_space<vmem>>, vector<1x16xf32>,
        %get3A_622 = arith.index_cast %add3A_571 : i32 to index
        %get3A_623 = arith.constant 32 : index
        %get3A_624 = tpu.vector_load %arg6[%get3A_622, %get3A_623] {strides = array<i32>} : memref<256x64xf32, #tpu.memory_space<vmem>>, vector<1x16xf32>,
        %get3A_625 = vector.shape_cast %get3A_624 : vector<1x16xf32> to vector<16xf32>
        %mul3A_626 = arith.constant 8.000000e+00 : f32
        %mul3A_627 = vector.broadcast %mul3A_626 : f32 to vector<16xf32>
        %mul3A_628 = arith.mulf %get3A_625, %mul3A_627 : vector<16xf32>
        %swap3A_629 = arith.index_cast %add3A_597 : i32 to index
        %swap3A_630 = arith.constant 32 : index
        %swap3A_631 = tpu.vector_load %arg8[%swap3A_629, %swap3A_630] {strides = array<i32>} : memref<256x128xf32, #tpu.memory_space<vmem>>, vector<1x16xf32>,
        %swap3A_632 = vector.shape_cast %swap3A_631 : vector<1x16xf32> to vector<16xf32>
        %swap3A_633 = vector.shape_cast %mul3A_628 : vector<16xf32> to vector<1x16xf32>
        tpu.vector_store %arg8[%swap3A_629, %swap3A_630], %swap3A_633 {strides = array<i32>} : memref<256x128xf32, #tpu.memory_space<vmem>>, vector<1x16xf32>,
        %get3A_634 = arith.index_cast %add3A_571 : i32 to index
        %get3A_635 = arith.constant 48 : index
        %get3A_636 = tpu.vector_load %arg6[%get3A_634, %get3A_635] {strides = array<i32>} : memref<256x64xf32, #tpu.memory_space<vmem>>, vector<1x16xf32>,
        %get3A_637 = vector.shape_cast %get3A_636 : vector<1x16xf32> to vector<16xf32>
        %mul3A_638 = arith.constant 8.000000e+00 : f32
        %mul3A_639 = vector.broadcast %mul3A_638 : f32 to vector<16xf32>
        %mul3A_640 = arith.mulf %get3A_637, %mul3A_639 : vector<16xf32>
        %swap3A_641 = arith.index_cast %add3A_597 : i32 to index
        %swap3A_642 = arith.constant 48 : index
        %swap3A_643 = tpu.vector_load %arg8[%swap3A_641, %swap3A_642] {strides = array<i32>} : memref<256x128xf32, #tpu.memory_space<vmem>>, vector<1x16xf32>,
        %swap3A_644 = vector.shape_cast %swap3A_643 : vector<1x16xf32> to vector<16xf32>
        %swap3A_645 = vector.shape_cast %mul3A_640 : vector<16xf32> to vector<1x16xf32>
        tpu.vector_store %arg8[%swap3A_641, %swap3A_642], %swap3A_645 {strides = array<i32>} : memref<256x128xf32, #tpu.memory_space<vmem>>, vector<1x16xf32>,
        %slice3A_646 = vector.extract_strided_slice %get3A_61 {offsets = [7], sizes = [1], strides = [1]} : vector<16xi32> to vector<1xi32>
        %squeeze3A_647 = vector.extract %slice3A_646[0] : i32 from vector<1xi32>
        %mul3A_648 = arith.constant 16 : i32
        %mul3A_649 = arith.muli %scan3A_56, %mul3A_648 : i32
        %add3A_650 = arith.constant 7 : i32
        %add3A_651 = arith.addi %mul3A_649, %add3A_650 : i32
        %mul3A_652 = arith.constant 8 : i32
        %mul3A_653 = arith.muli %add3A_651, %mul3A_652 : i32
        %and3A_654 = arith.constant 7 : i32
        %and3A_655 = arith.andi %squeeze3A_647, %and3A_654 : i32
        %add3A_656 = arith.addi %mul3A_653, %and3A_655 : i32
        %jit3A_657 = arith.constant 2 : i32
        %div3A_658 = arith.divsi %add3A_59, %jit3A_657 : i32
        %sign3A_659 = arith.constant 0 : i32
        %sign3A_660 = arith.cmpi sgt, %add3A_59, %sign3A_659 : i32
        %sign3A_661 = arith.extui %sign3A_660 : i1 to i32
        %sign3A_662 = arith.constant 0 : i32
        %sign3A_663 = arith.cmpi slt, %add3A_59, %sign3A_662 : i32
        %sign3A_664 = arith.extui %sign3A_663 : i1 to i32
        %sign3A_665 = arith.subi %sign3A_661, %sign3A_664 : i32
        %sign3A_666 = arith.constant 0 : i32
        %sign3A_667 = arith.cmpi sgt, %jit3A_657, %sign3A_666 : i32
        %sign3A_668 = arith.extui %sign3A_667 : i1 to i32
        %sign3A_669 = arith.constant 0 : i32
        %sign3A_670 = arith.cmpi slt, %jit3A_657, %sign3A_669 : i32
        %sign3A_671 = arith.extui %sign3A_670 : i1 to i32
        %sign3A_672 = arith.subi %sign3A_668, %sign3A_671 : i32
        %ne3A_673 = arith.cmpi ne, %sign3A_665, %sign3A_672 : i32
        %rem3A_674 = arith.remsi %add3A_59, %jit3A_657 : i32
        %ne3A_675 = arith.constant 0 : i32
        %ne3A_676 = arith.cmpi ne, %rem3A_674, %ne3A_675 : i32
        %and3A_677 = arith.andi %ne3A_673, %ne3A_676 : i1
        %sub3A_678 = arith.constant 1 : i32
        %sub3A_679 = arith.subi %div3A_658, %sub3A_678 : i32
        %select_n3A_680 = arith.select %and3A_677, %sub3A_679, %div3A_658 : i32
        %add3A_681 = arith.constant 3 : i32
        %add3A_682 = arith.addi %select_n3A_680, %add3A_681 : i32
        %get3A_683 = arith.index_cast %add3A_656 : i32 to index
        %get3A_684 = arith.constant 0 : index
        %get3A_685 = tpu.vector_load %arg6[%get3A_683, %get3A_684] {strides = array<i32>} : memref<256x64xf32, #tpu.memory_space<vmem>>, vector<1x16xf32>,
        %get3A_686 = vector.shape_cast %get3A_685 : vector<1x16xf32> to vector<16xf32>
        %mul3A_687 = arith.constant 8.000000e+00 : f32
        %mul3A_688 = vector.broadcast %mul3A_687 : f32 to vector<16xf32>
        %mul3A_689 = arith.mulf %get3A_686, %mul3A_688 : vector<16xf32>
        %swap3A_690 = arith.index_cast %add3A_682 : i32 to index
        %swap3A_691 = arith.constant 64 : index
        %swap3A_692 = tpu.vector_load %arg8[%swap3A_690, %swap3A_691] {strides = array<i32>} : memref<256x128xf32, #tpu.memory_space<vmem>>, vector<1x16xf32>,
        %swap3A_693 = vector.shape_cast %swap3A_692 : vector<1x16xf32> to vector<16xf32>
        %swap3A_694 = vector.shape_cast %mul3A_689 : vector<16xf32> to vector<1x16xf32>
        tpu.vector_store %arg8[%swap3A_690, %swap3A_691], %swap3A_694 {strides = array<i32>} : memref<256x128xf32, #tpu.memory_space<vmem>>, vector<1x16xf32>,
        %get3A_695 = arith.index_cast %add3A_656 : i32 to index
        %get3A_696 = arith.constant 16 : index
        %get3A_697 = tpu.vector_load %arg6[%get3A_695, %get3A_696] {strides = array<i32>} : memref<256x64xf32, #tpu.memory_space<vmem>>, vector<1x16xf32>,
        %get3A_698 = vector.shape_cast %get3A_697 : vector<1x16xf32> to vector<16xf32>
        %mul3A_699 = arith.constant 8.000000e+00 : f32
        %mul3A_700 = vector.broadcast %mul3A_699 : f32 to vector<16xf32>
        %mul3A_701 = arith.mulf %get3A_698, %mul3A_700 : vector<16xf32>
        %swap3A_702 = arith.index_cast %add3A_682 : i32 to index
        %swap3A_703 = arith.constant 80 : index
        %swap3A_704 = tpu.vector_load %arg8[%swap3A_702, %swap3A_703] {strides = array<i32>} : memref<256x128xf32, #tpu.memory_space<vmem>>, vector<1x16xf32>,
        %swap3A_705 = vector.shape_cast %swap3A_704 : vector<1x16xf32> to vector<16xf32>
        %swap3A_706 = vector.shape_cast %mul3A_701 : vector<16xf32> to vector<1x16xf32>
        tpu.vector_store %arg8[%swap3A_702, %swap3A_703], %swap3A_706 {strides = array<i32>} : memref<256x128xf32, #tpu.memory_space<vmem>>, vector<1x16xf32>,
        %get3A_707 = arith.index_cast %add3A_656 : i32 to index
        %get3A_708 = arith.constant 32 : index
        %get3A_709 = tpu.vector_load %arg6[%get3A_707, %get3A_708] {strides = array<i32>} : memref<256x64xf32, #tpu.memory_space<vmem>>, vector<1x16xf32>,
        %get3A_710 = vector.shape_cast %get3A_709 : vector<1x16xf32> to vector<16xf32>
        %mul3A_711 = arith.constant 8.000000e+00 : f32
        %mul3A_712 = vector.broadcast %mul3A_711 : f32 to vector<16xf32>
        %mul3A_713 = arith.mulf %get3A_710, %mul3A_712 : vector<16xf32>
        %swap3A_714 = arith.index_cast %add3A_682 : i32 to index
        %swap3A_715 = arith.constant 96 : index
        %swap3A_716 = tpu.vector_load %arg8[%swap3A_714, %swap3A_715] {strides = array<i32>} : memref<256x128xf32, #tpu.memory_space<vmem>>, vector<1x16xf32>,
        %swap3A_717 = vector.shape_cast %swap3A_716 : vector<1x16xf32> to vector<16xf32>
        %swap3A_718 = vector.shape_cast %mul3A_713 : vector<16xf32> to vector<1x16xf32>
        tpu.vector_store %arg8[%swap3A_714, %swap3A_715], %swap3A_718 {strides = array<i32>} : memref<256x128xf32, #tpu.memory_space<vmem>>, vector<1x16xf32>,
        %get3A_719 = arith.index_cast %add3A_656 : i32 to index
        %get3A_720 = arith.constant 48 : index
        %get3A_721 = tpu.vector_load %arg6[%get3A_719, %get3A_720] {strides = array<i32>} : memref<256x64xf32, #tpu.memory_space<vmem>>, vector<1x16xf32>,
        %get3A_722 = vector.shape_cast %get3A_721 : vector<1x16xf32> to vector<16xf32>
        %mul3A_723 = arith.constant 8.000000e+00 : f32
        %mul3A_724 = vector.broadcast %mul3A_723 : f32 to vector<16xf32>
        %mul3A_725 = arith.mulf %get3A_722, %mul3A_724 : vector<16xf32>
        %swap3A_726 = arith.index_cast %add3A_682 : i32 to index
        %swap3A_727 = arith.constant 112 : index
        %swap3A_728 = tpu.vector_load %arg8[%swap3A_726, %swap3A_727] {strides = array<i32>} : memref<256x128xf32, #tpu.memory_space<vmem>>, vector<1x16xf32>,
        %swap3A_729 = vector.shape_cast %swap3A_728 : vector<1x16xf32> to vector<16xf32>
        %swap3A_730 = vector.shape_cast %mul3A_725 : vector<16xf32> to vector<1x16xf32>
        tpu.vector_store %arg8[%swap3A_726, %swap3A_727], %swap3A_730 {strides = array<i32>} : memref<256x128xf32, #tpu.memory_space<vmem>>, vector<1x16xf32>,
        %slice3A_731 = vector.extract_strided_slice %get3A_61 {offsets = [8], sizes = [1], strides = [1]} : vector<16xi32> to vector<1xi32>
        %squeeze3A_732 = vector.extract %slice3A_731[0] : i32 from vector<1xi32>
        %mul3A_733 = arith.constant 16 : i32
        %mul3A_734 = arith.muli %scan3A_56, %mul3A_733 : i32
        %add3A_735 = arith.constant 8 : i32
        %add3A_736 = arith.addi %mul3A_734, %add3A_735 : i32
        %mul3A_737 = arith.constant 8 : i32
        %mul3A_738 = arith.muli %add3A_736, %mul3A_737 : i32
        %and3A_739 = arith.constant 7 : i32
        %and3A_740 = arith.andi %squeeze3A_732, %and3A_739 : i32
        %add3A_741 = arith.addi %mul3A_738, %and3A_740 : i32
        %jit3A_742 = arith.constant 2 : i32
        %div3A_743 = arith.divsi %add3A_59, %jit3A_742 : i32
        %sign3A_744 = arith.constant 0 : i32
        %sign3A_745 = arith.cmpi sgt, %add3A_59, %sign3A_744 : i32
        %sign3A_746 = arith.extui %sign3A_745 : i1 to i32
        %sign3A_747 = arith.constant 0 : i32
        %sign3A_748 = arith.cmpi slt, %add3A_59, %sign3A_747 : i32
        %sign3A_749 = arith.extui %sign3A_748 : i1 to i32
        %sign3A_750 = arith.subi %sign3A_746, %sign3A_749 : i32
        %sign3A_751 = arith.constant 0 : i32
        %sign3A_752 = arith.cmpi sgt, %jit3A_742, %sign3A_751 : i32
        %sign3A_753 = arith.extui %sign3A_752 : i1 to i32
        %sign3A_754 = arith.constant 0 : i32
        %sign3A_755 = arith.cmpi slt, %jit3A_742, %sign3A_754 : i32
        %sign3A_756 = arith.extui %sign3A_755 : i1 to i32
        %sign3A_757 = arith.subi %sign3A_753, %sign3A_756 : i32
        %ne3A_758 = arith.cmpi ne, %sign3A_750, %sign3A_757 : i32
        %rem3A_759 = arith.remsi %add3A_59, %jit3A_742 : i32
        %ne3A_760 = arith.constant 0 : i32
        %ne3A_761 = arith.cmpi ne, %rem3A_759, %ne3A_760 : i32
        %and3A_762 = arith.andi %ne3A_758, %ne3A_761 : i1
        %sub3A_763 = arith.constant 1 : i32
        %sub3A_764 = arith.subi %div3A_743, %sub3A_763 : i32
        %select_n3A_765 = arith.select %and3A_762, %sub3A_764, %div3A_743 : i32
        %add3A_766 = arith.constant 4 : i32
        %add3A_767 = arith.addi %select_n3A_765, %add3A_766 : i32
        %get3A_768 = arith.index_cast %add3A_741 : i32 to index
        %get3A_769 = arith.constant 0 : index
        %get3A_770 = tpu.vector_load %arg6[%get3A_768, %get3A_769] {strides = array<i32>} : memref<256x64xf32, #tpu.memory_space<vmem>>, vector<1x16xf32>,
        %get3A_771 = vector.shape_cast %get3A_770 : vector<1x16xf32> to vector<16xf32>
        %mul3A_772 = arith.constant 8.000000e+00 : f32
        %mul3A_773 = vector.broadcast %mul3A_772 : f32 to vector<16xf32>
        %mul3A_774 = arith.mulf %get3A_771, %mul3A_773 : vector<16xf32>
        %swap3A_775 = arith.index_cast %add3A_767 : i32 to index
        %swap3A_776 = arith.constant 0 : index
        %swap3A_777 = tpu.vector_load %arg8[%swap3A_775, %swap3A_776] {strides = array<i32>} : memref<256x128xf32, #tpu.memory_space<vmem>>, vector<1x16xf32>,
        %swap3A_778 = vector.shape_cast %swap3A_777 : vector<1x16xf32> to vector<16xf32>
        %swap3A_779 = vector.shape_cast %mul3A_774 : vector<16xf32> to vector<1x16xf32>
        tpu.vector_store %arg8[%swap3A_775, %swap3A_776], %swap3A_779 {strides = array<i32>} : memref<256x128xf32, #tpu.memory_space<vmem>>, vector<1x16xf32>,
        %get3A_780 = arith.index_cast %add3A_741 : i32 to index
        %get3A_781 = arith.constant 16 : index
        %get3A_782 = tpu.vector_load %arg6[%get3A_780, %get3A_781] {strides = array<i32>} : memref<256x64xf32, #tpu.memory_space<vmem>>, vector<1x16xf32>,
        %get3A_783 = vector.shape_cast %get3A_782 : vector<1x16xf32> to vector<16xf32>
        %mul3A_784 = arith.constant 8.000000e+00 : f32
        %mul3A_785 = vector.broadcast %mul3A_784 : f32 to vector<16xf32>
        %mul3A_786 = arith.mulf %get3A_783, %mul3A_785 : vector<16xf32>
        %swap3A_787 = arith.index_cast %add3A_767 : i32 to index
        %swap3A_788 = arith.constant 16 : index
        %swap3A_789 = tpu.vector_load %arg8[%swap3A_787, %swap3A_788] {strides = array<i32>} : memref<256x128xf32, #tpu.memory_space<vmem>>, vector<1x16xf32>,
        %swap3A_790 = vector.shape_cast %swap3A_789 : vector<1x16xf32> to vector<16xf32>
        %swap3A_791 = vector.shape_cast %mul3A_786 : vector<16xf32> to vector<1x16xf32>
        tpu.vector_store %arg8[%swap3A_787, %swap3A_788], %swap3A_791 {strides = array<i32>} : memref<256x128xf32, #tpu.memory_space<vmem>>, vector<1x16xf32>,
        %get3A_792 = arith.index_cast %add3A_741 : i32 to index
        %get3A_793 = arith.constant 32 : index
        %get3A_794 = tpu.vector_load %arg6[%get3A_792, %get3A_793] {strides = array<i32>} : memref<256x64xf32, #tpu.memory_space<vmem>>, vector<1x16xf32>,
        %get3A_795 = vector.shape_cast %get3A_794 : vector<1x16xf32> to vector<16xf32>
        %mul3A_796 = arith.constant 8.000000e+00 : f32
        %mul3A_797 = vector.broadcast %mul3A_796 : f32 to vector<16xf32>
        %mul3A_798 = arith.mulf %get3A_795, %mul3A_797 : vector<16xf32>
        %swap3A_799 = arith.index_cast %add3A_767 : i32 to index
        %swap3A_800 = arith.constant 32 : index
        %swap3A_801 = tpu.vector_load %arg8[%swap3A_799, %swap3A_800] {strides = array<i32>} : memref<256x128xf32, #tpu.memory_space<vmem>>, vector<1x16xf32>,
        %swap3A_802 = vector.shape_cast %swap3A_801 : vector<1x16xf32> to vector<16xf32>
        %swap3A_803 = vector.shape_cast %mul3A_798 : vector<16xf32> to vector<1x16xf32>
        tpu.vector_store %arg8[%swap3A_799, %swap3A_800], %swap3A_803 {strides = array<i32>} : memref<256x128xf32, #tpu.memory_space<vmem>>, vector<1x16xf32>,
        %get3A_804 = arith.index_cast %add3A_741 : i32 to index
        %get3A_805 = arith.constant 48 : index
        %get3A_806 = tpu.vector_load %arg6[%get3A_804, %get3A_805] {strides = array<i32>} : memref<256x64xf32, #tpu.memory_space<vmem>>, vector<1x16xf32>,
        %get3A_807 = vector.shape_cast %get3A_806 : vector<1x16xf32> to vector<16xf32>
        %mul3A_808 = arith.constant 8.000000e+00 : f32
        %mul3A_809 = vector.broadcast %mul3A_808 : f32 to vector<16xf32>
        %mul3A_810 = arith.mulf %get3A_807, %mul3A_809 : vector<16xf32>
        %swap3A_811 = arith.index_cast %add3A_767 : i32 to index
        %swap3A_812 = arith.constant 48 : index
        %swap3A_813 = tpu.vector_load %arg8[%swap3A_811, %swap3A_812] {strides = array<i32>} : memref<256x128xf32, #tpu.memory_space<vmem>>, vector<1x16xf32>,
        %swap3A_814 = vector.shape_cast %swap3A_813 : vector<1x16xf32> to vector<16xf32>
        %swap3A_815 = vector.shape_cast %mul3A_810 : vector<16xf32> to vector<1x16xf32>
        tpu.vector_store %arg8[%swap3A_811, %swap3A_812], %swap3A_815 {strides = array<i32>} : memref<256x128xf32, #tpu.memory_space<vmem>>, vector<1x16xf32>,
        %slice3A_816 = vector.extract_strided_slice %get3A_61 {offsets = [9], sizes = [1], strides = [1]} : vector<16xi32> to vector<1xi32>
        %squeeze3A_817 = vector.extract %slice3A_816[0] : i32 from vector<1xi32>
        %mul3A_818 = arith.constant 16 : i32
        %mul3A_819 = arith.muli %scan3A_56, %mul3A_818 : i32
        %add3A_820 = arith.constant 9 : i32
        %add3A_821 = arith.addi %mul3A_819, %add3A_820 : i32
        %mul3A_822 = arith.constant 8 : i32
        %mul3A_823 = arith.muli %add3A_821, %mul3A_822 : i32
        %and3A_824 = arith.constant 7 : i32
        %and3A_825 = arith.andi %squeeze3A_817, %and3A_824 : i32
        %add3A_826 = arith.addi %mul3A_823, %and3A_825 : i32
        %jit3A_827 = arith.constant 2 : i32
        %div3A_828 = arith.divsi %add3A_59, %jit3A_827 : i32
        %sign3A_829 = arith.constant 0 : i32
        %sign3A_830 = arith.cmpi sgt, %add3A_59, %sign3A_829 : i32
        %sign3A_831 = arith.extui %sign3A_830 : i1 to i32
        %sign3A_832 = arith.constant 0 : i32
        %sign3A_833 = arith.cmpi slt, %add3A_59, %sign3A_832 : i32
        %sign3A_834 = arith.extui %sign3A_833 : i1 to i32
        %sign3A_835 = arith.subi %sign3A_831, %sign3A_834 : i32
        %sign3A_836 = arith.constant 0 : i32
        %sign3A_837 = arith.cmpi sgt, %jit3A_827, %sign3A_836 : i32
        %sign3A_838 = arith.extui %sign3A_837 : i1 to i32
        %sign3A_839 = arith.constant 0 : i32
        %sign3A_840 = arith.cmpi slt, %jit3A_827, %sign3A_839 : i32
        %sign3A_841 = arith.extui %sign3A_840 : i1 to i32
        %sign3A_842 = arith.subi %sign3A_838, %sign3A_841 : i32
        %ne3A_843 = arith.cmpi ne, %sign3A_835, %sign3A_842 : i32
        %rem3A_844 = arith.remsi %add3A_59, %jit3A_827 : i32
        %ne3A_845 = arith.constant 0 : i32
        %ne3A_846 = arith.cmpi ne, %rem3A_844, %ne3A_845 : i32
        %and3A_847 = arith.andi %ne3A_843, %ne3A_846 : i1
        %sub3A_848 = arith.constant 1 : i32
        %sub3A_849 = arith.subi %div3A_828, %sub3A_848 : i32
        %select_n3A_850 = arith.select %and3A_847, %sub3A_849, %div3A_828 : i32
        %add3A_851 = arith.constant 4 : i32
        %add3A_852 = arith.addi %select_n3A_850, %add3A_851 : i32
        %get3A_853 = arith.index_cast %add3A_826 : i32 to index
        %get3A_854 = arith.constant 0 : index
        %get3A_855 = tpu.vector_load %arg6[%get3A_853, %get3A_854] {strides = array<i32>} : memref<256x64xf32, #tpu.memory_space<vmem>>, vector<1x16xf32>,
        %get3A_856 = vector.shape_cast %get3A_855 : vector<1x16xf32> to vector<16xf32>
        %mul3A_857 = arith.constant 8.000000e+00 : f32
        %mul3A_858 = vector.broadcast %mul3A_857 : f32 to vector<16xf32>
        %mul3A_859 = arith.mulf %get3A_856, %mul3A_858 : vector<16xf32>
        %swap3A_860 = arith.index_cast %add3A_852 : i32 to index
        %swap3A_861 = arith.constant 64 : index
        %swap3A_862 = tpu.vector_load %arg8[%swap3A_860, %swap3A_861] {strides = array<i32>} : memref<256x128xf32, #tpu.memory_space<vmem>>, vector<1x16xf32>,
        %swap3A_863 = vector.shape_cast %swap3A_862 : vector<1x16xf32> to vector<16xf32>
        %swap3A_864 = vector.shape_cast %mul3A_859 : vector<16xf32> to vector<1x16xf32>
        tpu.vector_store %arg8[%swap3A_860, %swap3A_861], %swap3A_864 {strides = array<i32>} : memref<256x128xf32, #tpu.memory_space<vmem>>, vector<1x16xf32>,
        %get3A_865 = arith.index_cast %add3A_826 : i32 to index
        %get3A_866 = arith.constant 16 : index
        %get3A_867 = tpu.vector_load %arg6[%get3A_865, %get3A_866] {strides = array<i32>} : memref<256x64xf32, #tpu.memory_space<vmem>>, vector<1x16xf32>,
        %get3A_868 = vector.shape_cast %get3A_867 : vector<1x16xf32> to vector<16xf32>
        %mul3A_869 = arith.constant 8.000000e+00 : f32
        %mul3A_870 = vector.broadcast %mul3A_869 : f32 to vector<16xf32>
        %mul3A_871 = arith.mulf %get3A_868, %mul3A_870 : vector<16xf32>
        %swap3A_872 = arith.index_cast %add3A_852 : i32 to index
        %swap3A_873 = arith.constant 80 : index
        %swap3A_874 = tpu.vector_load %arg8[%swap3A_872, %swap3A_873] {strides = array<i32>} : memref<256x128xf32, #tpu.memory_space<vmem>>, vector<1x16xf32>,
        %swap3A_875 = vector.shape_cast %swap3A_874 : vector<1x16xf32> to vector<16xf32>
        %swap3A_876 = vector.shape_cast %mul3A_871 : vector<16xf32> to vector<1x16xf32>
        tpu.vector_store %arg8[%swap3A_872, %swap3A_873], %swap3A_876 {strides = array<i32>} : memref<256x128xf32, #tpu.memory_space<vmem>>, vector<1x16xf32>,
        %get3A_877 = arith.index_cast %add3A_826 : i32 to index
        %get3A_878 = arith.constant 32 : index
        %get3A_879 = tpu.vector_load %arg6[%get3A_877, %get3A_878] {strides = array<i32>} : memref<256x64xf32, #tpu.memory_space<vmem>>, vector<1x16xf32>,
        %get3A_880 = vector.shape_cast %get3A_879 : vector<1x16xf32> to vector<16xf32>
        %mul3A_881 = arith.constant 8.000000e+00 : f32
        %mul3A_882 = vector.broadcast %mul3A_881 : f32 to vector<16xf32>
        %mul3A_883 = arith.mulf %get3A_880, %mul3A_882 : vector<16xf32>
        %swap3A_884 = arith.index_cast %add3A_852 : i32 to index
        %swap3A_885 = arith.constant 96 : index
        %swap3A_886 = tpu.vector_load %arg8[%swap3A_884, %swap3A_885] {strides = array<i32>} : memref<256x128xf32, #tpu.memory_space<vmem>>, vector<1x16xf32>,
        %swap3A_887 = vector.shape_cast %swap3A_886 : vector<1x16xf32> to vector<16xf32>
        %swap3A_888 = vector.shape_cast %mul3A_883 : vector<16xf32> to vector<1x16xf32>
        tpu.vector_store %arg8[%swap3A_884, %swap3A_885], %swap3A_888 {strides = array<i32>} : memref<256x128xf32, #tpu.memory_space<vmem>>, vector<1x16xf32>,
        %get3A_889 = arith.index_cast %add3A_826 : i32 to index
        %get3A_890 = arith.constant 48 : index
        %get3A_891 = tpu.vector_load %arg6[%get3A_889, %get3A_890] {strides = array<i32>} : memref<256x64xf32, #tpu.memory_space<vmem>>, vector<1x16xf32>,
        %get3A_892 = vector.shape_cast %get3A_891 : vector<1x16xf32> to vector<16xf32>
        %mul3A_893 = arith.constant 8.000000e+00 : f32
        %mul3A_894 = vector.broadcast %mul3A_893 : f32 to vector<16xf32>
        %mul3A_895 = arith.mulf %get3A_892, %mul3A_894 : vector<16xf32>
        %swap3A_896 = arith.index_cast %add3A_852 : i32 to index
        %swap3A_897 = arith.constant 112 : index
        %swap3A_898 = tpu.vector_load %arg8[%swap3A_896, %swap3A_897] {strides = array<i32>} : memref<256x128xf32, #tpu.memory_space<vmem>>, vector<1x16xf32>,
        %swap3A_899 = vector.shape_cast %swap3A_898 : vector<1x16xf32> to vector<16xf32>
        %swap3A_900 = vector.shape_cast %mul3A_895 : vector<16xf32> to vector<1x16xf32>
        tpu.vector_store %arg8[%swap3A_896, %swap3A_897], %swap3A_900 {strides = array<i32>} : memref<256x128xf32, #tpu.memory_space<vmem>>, vector<1x16xf32>,
        %slice3A_901 = vector.extract_strided_slice %get3A_61 {offsets = [10], sizes = [1], strides = [1]} : vector<16xi32> to vector<1xi32>
        %squeeze3A_902 = vector.extract %slice3A_901[0] : i32 from vector<1xi32>
        %mul3A_903 = arith.constant 16 : i32
        %mul3A_904 = arith.muli %scan3A_56, %mul3A_903 : i32
        %add3A_905 = arith.constant 10 : i32
        %add3A_906 = arith.addi %mul3A_904, %add3A_905 : i32
        %mul3A_907 = arith.constant 8 : i32
        %mul3A_908 = arith.muli %add3A_906, %mul3A_907 : i32
        %and3A_909 = arith.constant 7 : i32
        %and3A_910 = arith.andi %squeeze3A_902, %and3A_909 : i32
        %add3A_911 = arith.addi %mul3A_908, %and3A_910 : i32
        %jit3A_912 = arith.constant 2 : i32
        %div3A_913 = arith.divsi %add3A_59, %jit3A_912 : i32
        %sign3A_914 = arith.constant 0 : i32
        %sign3A_915 = arith.cmpi sgt, %add3A_59, %sign3A_914 : i32
        %sign3A_916 = arith.extui %sign3A_915 : i1 to i32
        %sign3A_917 = arith.constant 0 : i32
        %sign3A_918 = arith.cmpi slt, %add3A_59, %sign3A_917 : i32
        %sign3A_919 = arith.extui %sign3A_918 : i1 to i32
        %sign3A_920 = arith.subi %sign3A_916, %sign3A_919 : i32
        %sign3A_921 = arith.constant 0 : i32
        %sign3A_922 = arith.cmpi sgt, %jit3A_912, %sign3A_921 : i32
        %sign3A_923 = arith.extui %sign3A_922 : i1 to i32
        %sign3A_924 = arith.constant 0 : i32
        %sign3A_925 = arith.cmpi slt, %jit3A_912, %sign3A_924 : i32
        %sign3A_926 = arith.extui %sign3A_925 : i1 to i32
        %sign3A_927 = arith.subi %sign3A_923, %sign3A_926 : i32
        %ne3A_928 = arith.cmpi ne, %sign3A_920, %sign3A_927 : i32
        %rem3A_929 = arith.remsi %add3A_59, %jit3A_912 : i32
        %ne3A_930 = arith.constant 0 : i32
        %ne3A_931 = arith.cmpi ne, %rem3A_929, %ne3A_930 : i32
        %and3A_932 = arith.andi %ne3A_928, %ne3A_931 : i1
        %sub3A_933 = arith.constant 1 : i32
        %sub3A_934 = arith.subi %div3A_913, %sub3A_933 : i32
        %select_n3A_935 = arith.select %and3A_932, %sub3A_934, %div3A_913 : i32
        %add3A_936 = arith.constant 5 : i32
        %add3A_937 = arith.addi %select_n3A_935, %add3A_936 : i32
        %get3A_938 = arith.index_cast %add3A_911 : i32 to index
        %get3A_939 = arith.constant 0 : index
        %get3A_940 = tpu.vector_load %arg6[%get3A_938, %get3A_939] {strides = array<i32>} : memref<256x64xf32, #tpu.memory_space<vmem>>, vector<1x16xf32>,
        %get3A_941 = vector.shape_cast %get3A_940 : vector<1x16xf32> to vector<16xf32>
        %mul3A_942 = arith.constant 8.000000e+00 : f32
        %mul3A_943 = vector.broadcast %mul3A_942 : f32 to vector<16xf32>
        %mul3A_944 = arith.mulf %get3A_941, %mul3A_943 : vector<16xf32>
        %swap3A_945 = arith.index_cast %add3A_937 : i32 to index
        %swap3A_946 = arith.constant 0 : index
        %swap3A_947 = tpu.vector_load %arg8[%swap3A_945, %swap3A_946] {strides = array<i32>} : memref<256x128xf32, #tpu.memory_space<vmem>>, vector<1x16xf32>,
        %swap3A_948 = vector.shape_cast %swap3A_947 : vector<1x16xf32> to vector<16xf32>
        %swap3A_949 = vector.shape_cast %mul3A_944 : vector<16xf32> to vector<1x16xf32>
        tpu.vector_store %arg8[%swap3A_945, %swap3A_946], %swap3A_949 {strides = array<i32>} : memref<256x128xf32, #tpu.memory_space<vmem>>, vector<1x16xf32>,
        %get3A_950 = arith.index_cast %add3A_911 : i32 to index
        %get3A_951 = arith.constant 16 : index
        %get3A_952 = tpu.vector_load %arg6[%get3A_950, %get3A_951] {strides = array<i32>} : memref<256x64xf32, #tpu.memory_space<vmem>>, vector<1x16xf32>,
        %get3A_953 = vector.shape_cast %get3A_952 : vector<1x16xf32> to vector<16xf32>
        %mul3A_954 = arith.constant 8.000000e+00 : f32
        %mul3A_955 = vector.broadcast %mul3A_954 : f32 to vector<16xf32>
        %mul3A_956 = arith.mulf %get3A_953, %mul3A_955 : vector<16xf32>
        %swap3A_957 = arith.index_cast %add3A_937 : i32 to index
        %swap3A_958 = arith.constant 16 : index
        %swap3A_959 = tpu.vector_load %arg8[%swap3A_957, %swap3A_958] {strides = array<i32>} : memref<256x128xf32, #tpu.memory_space<vmem>>, vector<1x16xf32>,
        %swap3A_960 = vector.shape_cast %swap3A_959 : vector<1x16xf32> to vector<16xf32>
        %swap3A_961 = vector.shape_cast %mul3A_956 : vector<16xf32> to vector<1x16xf32>
        tpu.vector_store %arg8[%swap3A_957, %swap3A_958], %swap3A_961 {strides = array<i32>} : memref<256x128xf32, #tpu.memory_space<vmem>>, vector<1x16xf32>,
        %get3A_962 = arith.index_cast %add3A_911 : i32 to index
        %get3A_963 = arith.constant 32 : index
        %get3A_964 = tpu.vector_load %arg6[%get3A_962, %get3A_963] {strides = array<i32>} : memref<256x64xf32, #tpu.memory_space<vmem>>, vector<1x16xf32>,
        %get3A_965 = vector.shape_cast %get3A_964 : vector<1x16xf32> to vector<16xf32>
        %mul3A_966 = arith.constant 8.000000e+00 : f32
        %mul3A_967 = vector.broadcast %mul3A_966 : f32 to vector<16xf32>
        %mul3A_968 = arith.mulf %get3A_965, %mul3A_967 : vector<16xf32>
        %swap3A_969 = arith.index_cast %add3A_937 : i32 to index
        %swap3A_970 = arith.constant 32 : index
        %swap3A_971 = tpu.vector_load %arg8[%swap3A_969, %swap3A_970] {strides = array<i32>} : memref<256x128xf32, #tpu.memory_space<vmem>>, vector<1x16xf32>,
        %swap3A_972 = vector.shape_cast %swap3A_971 : vector<1x16xf32> to vector<16xf32>
        %swap3A_973 = vector.shape_cast %mul3A_968 : vector<16xf32> to vector<1x16xf32>
        tpu.vector_store %arg8[%swap3A_969, %swap3A_970], %swap3A_973 {strides = array<i32>} : memref<256x128xf32, #tpu.memory_space<vmem>>, vector<1x16xf32>,
        %get3A_974 = arith.index_cast %add3A_911 : i32 to index
        %get3A_975 = arith.constant 48 : index
        %get3A_976 = tpu.vector_load %arg6[%get3A_974, %get3A_975] {strides = array<i32>} : memref<256x64xf32, #tpu.memory_space<vmem>>, vector<1x16xf32>,
        %get3A_977 = vector.shape_cast %get3A_976 : vector<1x16xf32> to vector<16xf32>
        %mul3A_978 = arith.constant 8.000000e+00 : f32
        %mul3A_979 = vector.broadcast %mul3A_978 : f32 to vector<16xf32>
        %mul3A_980 = arith.mulf %get3A_977, %mul3A_979 : vector<16xf32>
        %swap3A_981 = arith.index_cast %add3A_937 : i32 to index
        %swap3A_982 = arith.constant 48 : index
        %swap3A_983 = tpu.vector_load %arg8[%swap3A_981, %swap3A_982] {strides = array<i32>} : memref<256x128xf32, #tpu.memory_space<vmem>>, vector<1x16xf32>,
        %swap3A_984 = vector.shape_cast %swap3A_983 : vector<1x16xf32> to vector<16xf32>
        %swap3A_985 = vector.shape_cast %mul3A_980 : vector<16xf32> to vector<1x16xf32>
        tpu.vector_store %arg8[%swap3A_981, %swap3A_982], %swap3A_985 {strides = array<i32>} : memref<256x128xf32, #tpu.memory_space<vmem>>, vector<1x16xf32>,
        %slice3A_986 = vector.extract_strided_slice %get3A_61 {offsets = [11], sizes = [1], strides = [1]} : vector<16xi32> to vector<1xi32>
        %squeeze3A_987 = vector.extract %slice3A_986[0] : i32 from vector<1xi32>
        %mul3A_988 = arith.constant 16 : i32
        %mul3A_989 = arith.muli %scan3A_56, %mul3A_988 : i32
        %add3A_990 = arith.constant 11 : i32
        %add3A_991 = arith.addi %mul3A_989, %add3A_990 : i32
        %mul3A_992 = arith.constant 8 : i32
        %mul3A_993 = arith.muli %add3A_991, %mul3A_992 : i32
        %and3A_994 = arith.constant 7 : i32
        %and3A_995 = arith.andi %squeeze3A_987, %and3A_994 : i32
        %add3A_996 = arith.addi %mul3A_993, %and3A_995 : i32
        %jit3A_997 = arith.constant 2 : i32
        %div3A_998 = arith.divsi %add3A_59, %jit3A_997 : i32
        %sign3A_999 = arith.constant 0 : i32
        %sign3A_1000 = arith.cmpi sgt, %add3A_59, %sign3A_999 : i32
        %sign3A_1001 = arith.extui %sign3A_1000 : i1 to i32
        %sign3A_1002 = arith.constant 0 : i32
        %sign3A_1003 = arith.cmpi slt, %add3A_59, %sign3A_1002 : i32
        %sign3A_1004 = arith.extui %sign3A_1003 : i1 to i32
        %sign3A_1005 = arith.subi %sign3A_1001, %sign3A_1004 : i32
        %sign3A_1006 = arith.constant 0 : i32
        %sign3A_1007 = arith.cmpi sgt, %jit3A_997, %sign3A_1006 : i32
        %sign3A_1008 = arith.extui %sign3A_1007 : i1 to i32
        %sign3A_1009 = arith.constant 0 : i32
        %sign3A_1010 = arith.cmpi slt, %jit3A_997, %sign3A_1009 : i32
        %sign3A_1011 = arith.extui %sign3A_1010 : i1 to i32
        %sign3A_1012 = arith.subi %sign3A_1008, %sign3A_1011 : i32
        %ne3A_1013 = arith.cmpi ne, %sign3A_1005, %sign3A_1012 : i32
        %rem3A_1014 = arith.remsi %add3A_59, %jit3A_997 : i32
        %ne3A_1015 = arith.constant 0 : i32
        %ne3A_1016 = arith.cmpi ne, %rem3A_1014, %ne3A_1015 : i32
        %and3A_1017 = arith.andi %ne3A_1013, %ne3A_1016 : i1
        %sub3A_1018 = arith.constant 1 : i32
        %sub3A_1019 = arith.subi %div3A_998, %sub3A_1018 : i32
        %select_n3A_1020 = arith.select %and3A_1017, %sub3A_1019, %div3A_998 : i32
        %add3A_1021 = arith.constant 5 : i32
        %add3A_1022 = arith.addi %select_n3A_1020, %add3A_1021 : i32
        %get3A_1023 = arith.index_cast %add3A_996 : i32 to index
        %get3A_1024 = arith.constant 0 : index
        %get3A_1025 = tpu.vector_load %arg6[%get3A_1023, %get3A_1024] {strides = array<i32>} : memref<256x64xf32, #tpu.memory_space<vmem>>, vector<1x16xf32>,
        %get3A_1026 = vector.shape_cast %get3A_1025 : vector<1x16xf32> to vector<16xf32>
        %mul3A_1027 = arith.constant 8.000000e+00 : f32
        %mul3A_1028 = vector.broadcast %mul3A_1027 : f32 to vector<16xf32>
        %mul3A_1029 = arith.mulf %get3A_1026, %mul3A_1028 : vector<16xf32>
        %swap3A_1030 = arith.index_cast %add3A_1022 : i32 to index
        %swap3A_1031 = arith.constant 64 : index
        %swap3A_1032 = tpu.vector_load %arg8[%swap3A_1030, %swap3A_1031] {strides = array<i32>} : memref<256x128xf32, #tpu.memory_space<vmem>>, vector<1x16xf32>,
        %swap3A_1033 = vector.shape_cast %swap3A_1032 : vector<1x16xf32> to vector<16xf32>
        %swap3A_1034 = vector.shape_cast %mul3A_1029 : vector<16xf32> to vector<1x16xf32>
        tpu.vector_store %arg8[%swap3A_1030, %swap3A_1031], %swap3A_1034 {strides = array<i32>} : memref<256x128xf32, #tpu.memory_space<vmem>>, vector<1x16xf32>,
        %get3A_1035 = arith.index_cast %add3A_996 : i32 to index
        %get3A_1036 = arith.constant 16 : index
        %get3A_1037 = tpu.vector_load %arg6[%get3A_1035, %get3A_1036] {strides = array<i32>} : memref<256x64xf32, #tpu.memory_space<vmem>>, vector<1x16xf32>,
        %get3A_1038 = vector.shape_cast %get3A_1037 : vector<1x16xf32> to vector<16xf32>
        %mul3A_1039 = arith.constant 8.000000e+00 : f32
        %mul3A_1040 = vector.broadcast %mul3A_1039 : f32 to vector<16xf32>
        %mul3A_1041 = arith.mulf %get3A_1038, %mul3A_1040 : vector<16xf32>
        %swap3A_1042 = arith.index_cast %add3A_1022 : i32 to index
        %swap3A_1043 = arith.constant 80 : index
        %swap3A_1044 = tpu.vector_load %arg8[%swap3A_1042, %swap3A_1043] {strides = array<i32>} : memref<256x128xf32, #tpu.memory_space<vmem>>, vector<1x16xf32>,
        %swap3A_1045 = vector.shape_cast %swap3A_1044 : vector<1x16xf32> to vector<16xf32>
        %swap3A_1046 = vector.shape_cast %mul3A_1041 : vector<16xf32> to vector<1x16xf32>
        tpu.vector_store %arg8[%swap3A_1042, %swap3A_1043], %swap3A_1046 {strides = array<i32>} : memref<256x128xf32, #tpu.memory_space<vmem>>, vector<1x16xf32>,
        %get3A_1047 = arith.index_cast %add3A_996 : i32 to index
        %get3A_1048 = arith.constant 32 : index
        %get3A_1049 = tpu.vector_load %arg6[%get3A_1047, %get3A_1048] {strides = array<i32>} : memref<256x64xf32, #tpu.memory_space<vmem>>, vector<1x16xf32>,
        %get3A_1050 = vector.shape_cast %get3A_1049 : vector<1x16xf32> to vector<16xf32>
        %mul3A_1051 = arith.constant 8.000000e+00 : f32
        %mul3A_1052 = vector.broadcast %mul3A_1051 : f32 to vector<16xf32>
        %mul3A_1053 = arith.mulf %get3A_1050, %mul3A_1052 : vector<16xf32>
        %swap3A_1054 = arith.index_cast %add3A_1022 : i32 to index
        %swap3A_1055 = arith.constant 96 : index
        %swap3A_1056 = tpu.vector_load %arg8[%swap3A_1054, %swap3A_1055] {strides = array<i32>} : memref<256x128xf32, #tpu.memory_space<vmem>>, vector<1x16xf32>,
        %swap3A_1057 = vector.shape_cast %swap3A_1056 : vector<1x16xf32> to vector<16xf32>
        %swap3A_1058 = vector.shape_cast %mul3A_1053 : vector<16xf32> to vector<1x16xf32>
        tpu.vector_store %arg8[%swap3A_1054, %swap3A_1055], %swap3A_1058 {strides = array<i32>} : memref<256x128xf32, #tpu.memory_space<vmem>>, vector<1x16xf32>,
        %get3A_1059 = arith.index_cast %add3A_996 : i32 to index
        %get3A_1060 = arith.constant 48 : index
        %get3A_1061 = tpu.vector_load %arg6[%get3A_1059, %get3A_1060] {strides = array<i32>} : memref<256x64xf32, #tpu.memory_space<vmem>>, vector<1x16xf32>,
        %get3A_1062 = vector.shape_cast %get3A_1061 : vector<1x16xf32> to vector<16xf32>
        %mul3A_1063 = arith.constant 8.000000e+00 : f32
        %mul3A_1064 = vector.broadcast %mul3A_1063 : f32 to vector<16xf32>
        %mul3A_1065 = arith.mulf %get3A_1062, %mul3A_1064 : vector<16xf32>
        %swap3A_1066 = arith.index_cast %add3A_1022 : i32 to index
        %swap3A_1067 = arith.constant 112 : index
        %swap3A_1068 = tpu.vector_load %arg8[%swap3A_1066, %swap3A_1067] {strides = array<i32>} : memref<256x128xf32, #tpu.memory_space<vmem>>, vector<1x16xf32>,
        %swap3A_1069 = vector.shape_cast %swap3A_1068 : vector<1x16xf32> to vector<16xf32>
        %swap3A_1070 = vector.shape_cast %mul3A_1065 : vector<16xf32> to vector<1x16xf32>
        tpu.vector_store %arg8[%swap3A_1066, %swap3A_1067], %swap3A_1070 {strides = array<i32>} : memref<256x128xf32, #tpu.memory_space<vmem>>, vector<1x16xf32>,
        %slice3A_1071 = vector.extract_strided_slice %get3A_61 {offsets = [12], sizes = [1], strides = [1]} : vector<16xi32> to vector<1xi32>
        %squeeze3A_1072 = vector.extract %slice3A_1071[0] : i32 from vector<1xi32>
        %mul3A_1073 = arith.constant 16 : i32
        %mul3A_1074 = arith.muli %scan3A_56, %mul3A_1073 : i32
        %add3A_1075 = arith.constant 12 : i32
        %add3A_1076 = arith.addi %mul3A_1074, %add3A_1075 : i32
        %mul3A_1077 = arith.constant 8 : i32
        %mul3A_1078 = arith.muli %add3A_1076, %mul3A_1077 : i32
        %and3A_1079 = arith.constant 7 : i32
        %and3A_1080 = arith.andi %squeeze3A_1072, %and3A_1079 : i32
        %add3A_1081 = arith.addi %mul3A_1078, %and3A_1080 : i32
        %jit3A_1082 = arith.constant 2 : i32
        %div3A_1083 = arith.divsi %add3A_59, %jit3A_1082 : i32
        %sign3A_1084 = arith.constant 0 : i32
        %sign3A_1085 = arith.cmpi sgt, %add3A_59, %sign3A_1084 : i32
        %sign3A_1086 = arith.extui %sign3A_1085 : i1 to i32
        %sign3A_1087 = arith.constant 0 : i32
        %sign3A_1088 = arith.cmpi slt, %add3A_59, %sign3A_1087 : i32
        %sign3A_1089 = arith.extui %sign3A_1088 : i1 to i32
        %sign3A_1090 = arith.subi %sign3A_1086, %sign3A_1089 : i32
        %sign3A_1091 = arith.constant 0 : i32
        %sign3A_1092 = arith.cmpi sgt, %jit3A_1082, %sign3A_1091 : i32
        %sign3A_1093 = arith.extui %sign3A_1092 : i1 to i32
        %sign3A_1094 = arith.constant 0 : i32
        %sign3A_1095 = arith.cmpi slt, %jit3A_1082, %sign3A_1094 : i32
        %sign3A_1096 = arith.extui %sign3A_1095 : i1 to i32
        %sign3A_1097 = arith.subi %sign3A_1093, %sign3A_1096 : i32
        %ne3A_1098 = arith.cmpi ne, %sign3A_1090, %sign3A_1097 : i32
        %rem3A_1099 = arith.remsi %add3A_59, %jit3A_1082 : i32
        %ne3A_1100 = arith.constant 0 : i32
        %ne3A_1101 = arith.cmpi ne, %rem3A_1099, %ne3A_1100 : i32
        %and3A_1102 = arith.andi %ne3A_1098, %ne3A_1101 : i1
        %sub3A_1103 = arith.constant 1 : i32
        %sub3A_1104 = arith.subi %div3A_1083, %sub3A_1103 : i32
        %select_n3A_1105 = arith.select %and3A_1102, %sub3A_1104, %div3A_1083 : i32
        %add3A_1106 = arith.constant 6 : i32
        %add3A_1107 = arith.addi %select_n3A_1105, %add3A_1106 : i32
        %get3A_1108 = arith.index_cast %add3A_1081 : i32 to index
        %get3A_1109 = arith.constant 0 : index
        %get3A_1110 = tpu.vector_load %arg6[%get3A_1108, %get3A_1109] {strides = array<i32>} : memref<256x64xf32, #tpu.memory_space<vmem>>, vector<1x16xf32>,
        %get3A_1111 = vector.shape_cast %get3A_1110 : vector<1x16xf32> to vector<16xf32>
        %mul3A_1112 = arith.constant 8.000000e+00 : f32
        %mul3A_1113 = vector.broadcast %mul3A_1112 : f32 to vector<16xf32>
        %mul3A_1114 = arith.mulf %get3A_1111, %mul3A_1113 : vector<16xf32>
        %swap3A_1115 = arith.index_cast %add3A_1107 : i32 to index
        %swap3A_1116 = arith.constant 0 : index
        %swap3A_1117 = tpu.vector_load %arg8[%swap3A_1115, %swap3A_1116] {strides = array<i32>} : memref<256x128xf32, #tpu.memory_space<vmem>>, vector<1x16xf32>,
        %swap3A_1118 = vector.shape_cast %swap3A_1117 : vector<1x16xf32> to vector<16xf32>
        %swap3A_1119 = vector.shape_cast %mul3A_1114 : vector<16xf32> to vector<1x16xf32>
        tpu.vector_store %arg8[%swap3A_1115, %swap3A_1116], %swap3A_1119 {strides = array<i32>} : memref<256x128xf32, #tpu.memory_space<vmem>>, vector<1x16xf32>,
        %get3A_1120 = arith.index_cast %add3A_1081 : i32 to index
        %get3A_1121 = arith.constant 16 : index
        %get3A_1122 = tpu.vector_load %arg6[%get3A_1120, %get3A_1121] {strides = array<i32>} : memref<256x64xf32, #tpu.memory_space<vmem>>, vector<1x16xf32>,
        %get3A_1123 = vector.shape_cast %get3A_1122 : vector<1x16xf32> to vector<16xf32>
        %mul3A_1124 = arith.constant 8.000000e+00 : f32
        %mul3A_1125 = vector.broadcast %mul3A_1124 : f32 to vector<16xf32>
        %mul3A_1126 = arith.mulf %get3A_1123, %mul3A_1125 : vector<16xf32>
        %swap3A_1127 = arith.index_cast %add3A_1107 : i32 to index
        %swap3A_1128 = arith.constant 16 : index
        %swap3A_1129 = tpu.vector_load %arg8[%swap3A_1127, %swap3A_1128] {strides = array<i32>} : memref<256x128xf32, #tpu.memory_space<vmem>>, vector<1x16xf32>,
        %swap3A_1130 = vector.shape_cast %swap3A_1129 : vector<1x16xf32> to vector<16xf32>
        %swap3A_1131 = vector.shape_cast %mul3A_1126 : vector<16xf32> to vector<1x16xf32>
        tpu.vector_store %arg8[%swap3A_1127, %swap3A_1128], %swap3A_1131 {strides = array<i32>} : memref<256x128xf32, #tpu.memory_space<vmem>>, vector<1x16xf32>,
        %get3A_1132 = arith.index_cast %add3A_1081 : i32 to index
        %get3A_1133 = arith.constant 32 : index
        %get3A_1134 = tpu.vector_load %arg6[%get3A_1132, %get3A_1133] {strides = array<i32>} : memref<256x64xf32, #tpu.memory_space<vmem>>, vector<1x16xf32>,
        %get3A_1135 = vector.shape_cast %get3A_1134 : vector<1x16xf32> to vector<16xf32>
        %mul3A_1136 = arith.constant 8.000000e+00 : f32
        %mul3A_1137 = vector.broadcast %mul3A_1136 : f32 to vector<16xf32>
        %mul3A_1138 = arith.mulf %get3A_1135, %mul3A_1137 : vector<16xf32>
        %swap3A_1139 = arith.index_cast %add3A_1107 : i32 to index
        %swap3A_1140 = arith.constant 32 : index
        %swap3A_1141 = tpu.vector_load %arg8[%swap3A_1139, %swap3A_1140] {strides = array<i32>} : memref<256x128xf32, #tpu.memory_space<vmem>>, vector<1x16xf32>,
        %swap3A_1142 = vector.shape_cast %swap3A_1141 : vector<1x16xf32> to vector<16xf32>
        %swap3A_1143 = vector.shape_cast %mul3A_1138 : vector<16xf32> to vector<1x16xf32>
        tpu.vector_store %arg8[%swap3A_1139, %swap3A_1140], %swap3A_1143 {strides = array<i32>} : memref<256x128xf32, #tpu.memory_space<vmem>>, vector<1x16xf32>,
        %get3A_1144 = arith.index_cast %add3A_1081 : i32 to index
        %get3A_1145 = arith.constant 48 : index
        %get3A_1146 = tpu.vector_load %arg6[%get3A_1144, %get3A_1145] {strides = array<i32>} : memref<256x64xf32, #tpu.memory_space<vmem>>, vector<1x16xf32>,
        %get3A_1147 = vector.shape_cast %get3A_1146 : vector<1x16xf32> to vector<16xf32>
        %mul3A_1148 = arith.constant 8.000000e+00 : f32
        %mul3A_1149 = vector.broadcast %mul3A_1148 : f32 to vector<16xf32>
        %mul3A_1150 = arith.mulf %get3A_1147, %mul3A_1149 : vector<16xf32>
        %swap3A_1151 = arith.index_cast %add3A_1107 : i32 to index
        %swap3A_1152 = arith.constant 48 : index
        %swap3A_1153 = tpu.vector_load %arg8[%swap3A_1151, %swap3A_1152] {strides = array<i32>} : memref<256x128xf32, #tpu.memory_space<vmem>>, vector<1x16xf32>,
        %swap3A_1154 = vector.shape_cast %swap3A_1153 : vector<1x16xf32> to vector<16xf32>
        %swap3A_1155 = vector.shape_cast %mul3A_1150 : vector<16xf32> to vector<1x16xf32>
        tpu.vector_store %arg8[%swap3A_1151, %swap3A_1152], %swap3A_1155 {strides = array<i32>} : memref<256x128xf32, #tpu.memory_space<vmem>>, vector<1x16xf32>,
        %slice3A_1156 = vector.extract_strided_slice %get3A_61 {offsets = [13], sizes = [1], strides = [1]} : vector<16xi32> to vector<1xi32>
        %squeeze3A_1157 = vector.extract %slice3A_1156[0] : i32 from vector<1xi32>
        %mul3A_1158 = arith.constant 16 : i32
        %mul3A_1159 = arith.muli %scan3A_56, %mul3A_1158 : i32
        %add3A_1160 = arith.constant 13 : i32
        %add3A_1161 = arith.addi %mul3A_1159, %add3A_1160 : i32
        %mul3A_1162 = arith.constant 8 : i32
        %mul3A_1163 = arith.muli %add3A_1161, %mul3A_1162 : i32
        %and3A_1164 = arith.constant 7 : i32
        %and3A_1165 = arith.andi %squeeze3A_1157, %and3A_1164 : i32
        %add3A_1166 = arith.addi %mul3A_1163, %and3A_1165 : i32
        %jit3A_1167 = arith.constant 2 : i32
        %div3A_1168 = arith.divsi %add3A_59, %jit3A_1167 : i32
        %sign3A_1169 = arith.constant 0 : i32
        %sign3A_1170 = arith.cmpi sgt, %add3A_59, %sign3A_1169 : i32
        %sign3A_1171 = arith.extui %sign3A_1170 : i1 to i32
        %sign3A_1172 = arith.constant 0 : i32
        %sign3A_1173 = arith.cmpi slt, %add3A_59, %sign3A_1172 : i32
        %sign3A_1174 = arith.extui %sign3A_1173 : i1 to i32
        %sign3A_1175 = arith.subi %sign3A_1171, %sign3A_1174 : i32
        %sign3A_1176 = arith.constant 0 : i32
        %sign3A_1177 = arith.cmpi sgt, %jit3A_1167, %sign3A_1176 : i32
        %sign3A_1178 = arith.extui %sign3A_1177 : i1 to i32
        %sign3A_1179 = arith.constant 0 : i32
        %sign3A_1180 = arith.cmpi slt, %jit3A_1167, %sign3A_1179 : i32
        %sign3A_1181 = arith.extui %sign3A_1180 : i1 to i32
        %sign3A_1182 = arith.subi %sign3A_1178, %sign3A_1181 : i32
        %ne3A_1183 = arith.cmpi ne, %sign3A_1175, %sign3A_1182 : i32
        %rem3A_1184 = arith.remsi %add3A_59, %jit3A_1167 : i32
        %ne3A_1185 = arith.constant 0 : i32
        %ne3A_1186 = arith.cmpi ne, %rem3A_1184, %ne3A_1185 : i32
        %and3A_1187 = arith.andi %ne3A_1183, %ne3A_1186 : i1
        %sub3A_1188 = arith.constant 1 : i32
        %sub3A_1189 = arith.subi %div3A_1168, %sub3A_1188 : i32
        %select_n3A_1190 = arith.select %and3A_1187, %sub3A_1189, %div3A_1168 : i32
        %add3A_1191 = arith.constant 6 : i32
        %add3A_1192 = arith.addi %select_n3A_1190, %add3A_1191 : i32
        %get3A_1193 = arith.index_cast %add3A_1166 : i32 to index
        %get3A_1194 = arith.constant 0 : index
        %get3A_1195 = tpu.vector_load %arg6[%get3A_1193, %get3A_1194] {strides = array<i32>} : memref<256x64xf32, #tpu.memory_space<vmem>>, vector<1x16xf32>,
        %get3A_1196 = vector.shape_cast %get3A_1195 : vector<1x16xf32> to vector<16xf32>
        %mul3A_1197 = arith.constant 8.000000e+00 : f32
        %mul3A_1198 = vector.broadcast %mul3A_1197 : f32 to vector<16xf32>
        %mul3A_1199 = arith.mulf %get3A_1196, %mul3A_1198 : vector<16xf32>
        %swap3A_1200 = arith.index_cast %add3A_1192 : i32 to index
        %swap3A_1201 = arith.constant 64 : index
        %swap3A_1202 = tpu.vector_load %arg8[%swap3A_1200, %swap3A_1201] {strides = array<i32>} : memref<256x128xf32, #tpu.memory_space<vmem>>, vector<1x16xf32>,
        %swap3A_1203 = vector.shape_cast %swap3A_1202 : vector<1x16xf32> to vector<16xf32>
        %swap3A_1204 = vector.shape_cast %mul3A_1199 : vector<16xf32> to vector<1x16xf32>
        tpu.vector_store %arg8[%swap3A_1200, %swap3A_1201], %swap3A_1204 {strides = array<i32>} : memref<256x128xf32, #tpu.memory_space<vmem>>, vector<1x16xf32>,
        %get3A_1205 = arith.index_cast %add3A_1166 : i32 to index
        %get3A_1206 = arith.constant 16 : index
        %get3A_1207 = tpu.vector_load %arg6[%get3A_1205, %get3A_1206] {strides = array<i32>} : memref<256x64xf32, #tpu.memory_space<vmem>>, vector<1x16xf32>,
        %get3A_1208 = vector.shape_cast %get3A_1207 : vector<1x16xf32> to vector<16xf32>
        %mul3A_1209 = arith.constant 8.000000e+00 : f32
        %mul3A_1210 = vector.broadcast %mul3A_1209 : f32 to vector<16xf32>
        %mul3A_1211 = arith.mulf %get3A_1208, %mul3A_1210 : vector<16xf32>
        %swap3A_1212 = arith.index_cast %add3A_1192 : i32 to index
        %swap3A_1213 = arith.constant 80 : index
        %swap3A_1214 = tpu.vector_load %arg8[%swap3A_1212, %swap3A_1213] {strides = array<i32>} : memref<256x128xf32, #tpu.memory_space<vmem>>, vector<1x16xf32>,
        %swap3A_1215 = vector.shape_cast %swap3A_1214 : vector<1x16xf32> to vector<16xf32>
        %swap3A_1216 = vector.shape_cast %mul3A_1211 : vector<16xf32> to vector<1x16xf32>
        tpu.vector_store %arg8[%swap3A_1212, %swap3A_1213], %swap3A_1216 {strides = array<i32>} : memref<256x128xf32, #tpu.memory_space<vmem>>, vector<1x16xf32>,
        %get3A_1217 = arith.index_cast %add3A_1166 : i32 to index
        %get3A_1218 = arith.constant 32 : index
        %get3A_1219 = tpu.vector_load %arg6[%get3A_1217, %get3A_1218] {strides = array<i32>} : memref<256x64xf32, #tpu.memory_space<vmem>>, vector<1x16xf32>,
        %get3A_1220 = vector.shape_cast %get3A_1219 : vector<1x16xf32> to vector<16xf32>
        %mul3A_1221 = arith.constant 8.000000e+00 : f32
        %mul3A_1222 = vector.broadcast %mul3A_1221 : f32 to vector<16xf32>
        %mul3A_1223 = arith.mulf %get3A_1220, %mul3A_1222 : vector<16xf32>
        %swap3A_1224 = arith.index_cast %add3A_1192 : i32 to index
        %swap3A_1225 = arith.constant 96 : index
        %swap3A_1226 = tpu.vector_load %arg8[%swap3A_1224, %swap3A_1225] {strides = array<i32>} : memref<256x128xf32, #tpu.memory_space<vmem>>, vector<1x16xf32>,
        %swap3A_1227 = vector.shape_cast %swap3A_1226 : vector<1x16xf32> to vector<16xf32>
        %swap3A_1228 = vector.shape_cast %mul3A_1223 : vector<16xf32> to vector<1x16xf32>
        tpu.vector_store %arg8[%swap3A_1224, %swap3A_1225], %swap3A_1228 {strides = array<i32>} : memref<256x128xf32, #tpu.memory_space<vmem>>, vector<1x16xf32>,
        %get3A_1229 = arith.index_cast %add3A_1166 : i32 to index
        %get3A_1230 = arith.constant 48 : index
        %get3A_1231 = tpu.vector_load %arg6[%get3A_1229, %get3A_1230] {strides = array<i32>} : memref<256x64xf32, #tpu.memory_space<vmem>>, vector<1x16xf32>,
        %get3A_1232 = vector.shape_cast %get3A_1231 : vector<1x16xf32> to vector<16xf32>
        %mul3A_1233 = arith.constant 8.000000e+00 : f32
        %mul3A_1234 = vector.broadcast %mul3A_1233 : f32 to vector<16xf32>
        %mul3A_1235 = arith.mulf %get3A_1232, %mul3A_1234 : vector<16xf32>
        %swap3A_1236 = arith.index_cast %add3A_1192 : i32 to index
        %swap3A_1237 = arith.constant 112 : index
        %swap3A_1238 = tpu.vector_load %arg8[%swap3A_1236, %swap3A_1237] {strides = array<i32>} : memref<256x128xf32, #tpu.memory_space<vmem>>, vector<1x16xf32>,
        %swap3A_1239 = vector.shape_cast %swap3A_1238 : vector<1x16xf32> to vector<16xf32>
        %swap3A_1240 = vector.shape_cast %mul3A_1235 : vector<16xf32> to vector<1x16xf32>
        tpu.vector_store %arg8[%swap3A_1236, %swap3A_1237], %swap3A_1240 {strides = array<i32>} : memref<256x128xf32, #tpu.memory_space<vmem>>, vector<1x16xf32>,
        %slice3A_1241 = vector.extract_strided_slice %get3A_61 {offsets = [14], sizes = [1], strides = [1]} : vector<16xi32> to vector<1xi32>
        %squeeze3A_1242 = vector.extract %slice3A_1241[0] : i32 from vector<1xi32>
        %mul3A_1243 = arith.constant 16 : i32
        %mul3A_1244 = arith.muli %scan3A_56, %mul3A_1243 : i32
        %add3A_1245 = arith.constant 14 : i32
        %add3A_1246 = arith.addi %mul3A_1244, %add3A_1245 : i32
        %mul3A_1247 = arith.constant 8 : i32
        %mul3A_1248 = arith.muli %add3A_1246, %mul3A_1247 : i32
        %and3A_1249 = arith.constant 7 : i32
        %and3A_1250 = arith.andi %squeeze3A_1242, %and3A_1249 : i32
        %add3A_1251 = arith.addi %mul3A_1248, %and3A_1250 : i32
        %jit3A_1252 = arith.constant 2 : i32
        %div3A_1253 = arith.divsi %add3A_59, %jit3A_1252 : i32
        %sign3A_1254 = arith.constant 0 : i32
        %sign3A_1255 = arith.cmpi sgt, %add3A_59, %sign3A_1254 : i32
        %sign3A_1256 = arith.extui %sign3A_1255 : i1 to i32
        %sign3A_1257 = arith.constant 0 : i32
        %sign3A_1258 = arith.cmpi slt, %add3A_59, %sign3A_1257 : i32
        %sign3A_1259 = arith.extui %sign3A_1258 : i1 to i32
        %sign3A_1260 = arith.subi %sign3A_1256, %sign3A_1259 : i32
        %sign3A_1261 = arith.constant 0 : i32
        %sign3A_1262 = arith.cmpi sgt, %jit3A_1252, %sign3A_1261 : i32
        %sign3A_1263 = arith.extui %sign3A_1262 : i1 to i32
        %sign3A_1264 = arith.constant 0 : i32
        %sign3A_1265 = arith.cmpi slt, %jit3A_1252, %sign3A_1264 : i32
        %sign3A_1266 = arith.extui %sign3A_1265 : i1 to i32
        %sign3A_1267 = arith.subi %sign3A_1263, %sign3A_1266 : i32
        %ne3A_1268 = arith.cmpi ne, %sign3A_1260, %sign3A_1267 : i32
        %rem3A_1269 = arith.remsi %add3A_59, %jit3A_1252 : i32
        %ne3A_1270 = arith.constant 0 : i32
        %ne3A_1271 = arith.cmpi ne, %rem3A_1269, %ne3A_1270 : i32
        %and3A_1272 = arith.andi %ne3A_1268, %ne3A_1271 : i1
        %sub3A_1273 = arith.constant 1 : i32
        %sub3A_1274 = arith.subi %div3A_1253, %sub3A_1273 : i32
        %select_n3A_1275 = arith.select %and3A_1272, %sub3A_1274, %div3A_1253 : i32
        %add3A_1276 = arith.constant 7 : i32
        %add3A_1277 = arith.addi %select_n3A_1275, %add3A_1276 : i32
        %get3A_1278 = arith.index_cast %add3A_1251 : i32 to index
        %get3A_1279 = arith.constant 0 : index
        %get3A_1280 = tpu.vector_load %arg6[%get3A_1278, %get3A_1279] {strides = array<i32>} : memref<256x64xf32, #tpu.memory_space<vmem>>, vector<1x16xf32>,
        %get3A_1281 = vector.shape_cast %get3A_1280 : vector<1x16xf32> to vector<16xf32>
        %mul3A_1282 = arith.constant 8.000000e+00 : f32
        %mul3A_1283 = vector.broadcast %mul3A_1282 : f32 to vector<16xf32>
        %mul3A_1284 = arith.mulf %get3A_1281, %mul3A_1283 : vector<16xf32>
        %swap3A_1285 = arith.index_cast %add3A_1277 : i32 to index
        %swap3A_1286 = arith.constant 0 : index
        %swap3A_1287 = tpu.vector_load %arg8[%swap3A_1285, %swap3A_1286] {strides = array<i32>} : memref<256x128xf32, #tpu.memory_space<vmem>>, vector<1x16xf32>,
        %swap3A_1288 = vector.shape_cast %swap3A_1287 : vector<1x16xf32> to vector<16xf32>
        %swap3A_1289 = vector.shape_cast %mul3A_1284 : vector<16xf32> to vector<1x16xf32>
        tpu.vector_store %arg8[%swap3A_1285, %swap3A_1286], %swap3A_1289 {strides = array<i32>} : memref<256x128xf32, #tpu.memory_space<vmem>>, vector<1x16xf32>,
        %get3A_1290 = arith.index_cast %add3A_1251 : i32 to index
        %get3A_1291 = arith.constant 16 : index
        %get3A_1292 = tpu.vector_load %arg6[%get3A_1290, %get3A_1291] {strides = array<i32>} : memref<256x64xf32, #tpu.memory_space<vmem>>, vector<1x16xf32>,
        %get3A_1293 = vector.shape_cast %get3A_1292 : vector<1x16xf32> to vector<16xf32>
        %mul3A_1294 = arith.constant 8.000000e+00 : f32
        %mul3A_1295 = vector.broadcast %mul3A_1294 : f32 to vector<16xf32>
        %mul3A_1296 = arith.mulf %get3A_1293, %mul3A_1295 : vector<16xf32>
        %swap3A_1297 = arith.index_cast %add3A_1277 : i32 to index
        %swap3A_1298 = arith.constant 16 : index
        %swap3A_1299 = tpu.vector_load %arg8[%swap3A_1297, %swap3A_1298] {strides = array<i32>} : memref<256x128xf32, #tpu.memory_space<vmem>>, vector<1x16xf32>,
        %swap3A_1300 = vector.shape_cast %swap3A_1299 : vector<1x16xf32> to vector<16xf32>
        %swap3A_1301 = vector.shape_cast %mul3A_1296 : vector<16xf32> to vector<1x16xf32>
        tpu.vector_store %arg8[%swap3A_1297, %swap3A_1298], %swap3A_1301 {strides = array<i32>} : memref<256x128xf32, #tpu.memory_space<vmem>>, vector<1x16xf32>,
        %get3A_1302 = arith.index_cast %add3A_1251 : i32 to index
        %get3A_1303 = arith.constant 32 : index
        %get3A_1304 = tpu.vector_load %arg6[%get3A_1302, %get3A_1303] {strides = array<i32>} : memref<256x64xf32, #tpu.memory_space<vmem>>, vector<1x16xf32>,
        %get3A_1305 = vector.shape_cast %get3A_1304 : vector<1x16xf32> to vector<16xf32>
        %mul3A_1306 = arith.constant 8.000000e+00 : f32
        %mul3A_1307 = vector.broadcast %mul3A_1306 : f32 to vector<16xf32>
        %mul3A_1308 = arith.mulf %get3A_1305, %mul3A_1307 : vector<16xf32>
        %swap3A_1309 = arith.index_cast %add3A_1277 : i32 to index
        %swap3A_1310 = arith.constant 32 : index
        %swap3A_1311 = tpu.vector_load %arg8[%swap3A_1309, %swap3A_1310] {strides = array<i32>} : memref<256x128xf32, #tpu.memory_space<vmem>>, vector<1x16xf32>,
        %swap3A_1312 = vector.shape_cast %swap3A_1311 : vector<1x16xf32> to vector<16xf32>
        %swap3A_1313 = vector.shape_cast %mul3A_1308 : vector<16xf32> to vector<1x16xf32>
        tpu.vector_store %arg8[%swap3A_1309, %swap3A_1310], %swap3A_1313 {strides = array<i32>} : memref<256x128xf32, #tpu.memory_space<vmem>>, vector<1x16xf32>,
        %get3A_1314 = arith.index_cast %add3A_1251 : i32 to index
        %get3A_1315 = arith.constant 48 : index
        %get3A_1316 = tpu.vector_load %arg6[%get3A_1314, %get3A_1315] {strides = array<i32>} : memref<256x64xf32, #tpu.memory_space<vmem>>, vector<1x16xf32>,
        %get3A_1317 = vector.shape_cast %get3A_1316 : vector<1x16xf32> to vector<16xf32>
        %mul3A_1318 = arith.constant 8.000000e+00 : f32
        %mul3A_1319 = vector.broadcast %mul3A_1318 : f32 to vector<16xf32>
        %mul3A_1320 = arith.mulf %get3A_1317, %mul3A_1319 : vector<16xf32>
        %swap3A_1321 = arith.index_cast %add3A_1277 : i32 to index
        %swap3A_1322 = arith.constant 48 : index
        %swap3A_1323 = tpu.vector_load %arg8[%swap3A_1321, %swap3A_1322] {strides = array<i32>} : memref<256x128xf32, #tpu.memory_space<vmem>>, vector<1x16xf32>,
        %swap3A_1324 = vector.shape_cast %swap3A_1323 : vector<1x16xf32> to vector<16xf32>
        %swap3A_1325 = vector.shape_cast %mul3A_1320 : vector<16xf32> to vector<1x16xf32>
        tpu.vector_store %arg8[%swap3A_1321, %swap3A_1322], %swap3A_1325 {strides = array<i32>} : memref<256x128xf32, #tpu.memory_space<vmem>>, vector<1x16xf32>,
        %slice3A_1326 = vector.extract_strided_slice %get3A_61 {offsets = [15], sizes = [1], strides = [1]} : vector<16xi32> to vector<1xi32>
        %squeeze3A_1327 = vector.extract %slice3A_1326[0] : i32 from vector<1xi32>
        %mul3A_1328 = arith.constant 16 : i32
        %mul3A_1329 = arith.muli %scan3A_56, %mul3A_1328 : i32
        %add3A_1330 = arith.constant 15 : i32
        %add3A_1331 = arith.addi %mul3A_1329, %add3A_1330 : i32
        %mul3A_1332 = arith.constant 8 : i32
        %mul3A_1333 = arith.muli %add3A_1331, %mul3A_1332 : i32
        %and3A_1334 = arith.constant 7 : i32
        %and3A_1335 = arith.andi %squeeze3A_1327, %and3A_1334 : i32
        %add3A_1336 = arith.addi %mul3A_1333, %and3A_1335 : i32
        %jit3A_1337 = arith.constant 2 : i32
        %div3A_1338 = arith.divsi %add3A_59, %jit3A_1337 : i32
        %sign3A_1339 = arith.constant 0 : i32
        %sign3A_1340 = arith.cmpi sgt, %add3A_59, %sign3A_1339 : i32
        %sign3A_1341 = arith.extui %sign3A_1340 : i1 to i32
        %sign3A_1342 = arith.constant 0 : i32
        %sign3A_1343 = arith.cmpi slt, %add3A_59, %sign3A_1342 : i32
        %sign3A_1344 = arith.extui %sign3A_1343 : i1 to i32
        %sign3A_1345 = arith.subi %sign3A_1341, %sign3A_1344 : i32
        %sign3A_1346 = arith.constant 0 : i32
        %sign3A_1347 = arith.cmpi sgt, %jit3A_1337, %sign3A_1346 : i32
        %sign3A_1348 = arith.extui %sign3A_1347 : i1 to i32
        %sign3A_1349 = arith.constant 0 : i32
        %sign3A_1350 = arith.cmpi slt, %jit3A_1337, %sign3A_1349 : i32
        %sign3A_1351 = arith.extui %sign3A_1350 : i1 to i32
        %sign3A_1352 = arith.subi %sign3A_1348, %sign3A_1351 : i32
        %ne3A_1353 = arith.cmpi ne, %sign3A_1345, %sign3A_1352 : i32
        %rem3A_1354 = arith.remsi %add3A_59, %jit3A_1337 : i32
        %ne3A_1355 = arith.constant 0 : i32
        %ne3A_1356 = arith.cmpi ne, %rem3A_1354, %ne3A_1355 : i32
        %and3A_1357 = arith.andi %ne3A_1353, %ne3A_1356 : i1
        %sub3A_1358 = arith.constant 1 : i32
        %sub3A_1359 = arith.subi %div3A_1338, %sub3A_1358 : i32
        %select_n3A_1360 = arith.select %and3A_1357, %sub3A_1359, %div3A_1338 : i32
        %add3A_1361 = arith.constant 7 : i32
        %add3A_1362 = arith.addi %select_n3A_1360, %add3A_1361 : i32
        %get3A_1363 = arith.index_cast %add3A_1336 : i32 to index
        %get3A_1364 = arith.constant 0 : index
        %get3A_1365 = tpu.vector_load %arg6[%get3A_1363, %get3A_1364] {strides = array<i32>} : memref<256x64xf32, #tpu.memory_space<vmem>>, vector<1x16xf32>,
        %get3A_1366 = vector.shape_cast %get3A_1365 : vector<1x16xf32> to vector<16xf32>
        %mul3A_1367 = arith.constant 8.000000e+00 : f32
        %mul3A_1368 = vector.broadcast %mul3A_1367 : f32 to vector<16xf32>
        %mul3A_1369 = arith.mulf %get3A_1366, %mul3A_1368 : vector<16xf32>
        %swap3A_1370 = arith.index_cast %add3A_1362 : i32 to index
        %swap3A_1371 = arith.constant 64 : index
        %swap3A_1372 = tpu.vector_load %arg8[%swap3A_1370, %swap3A_1371] {strides = array<i32>} : memref<256x128xf32, #tpu.memory_space<vmem>>, vector<1x16xf32>,
        %swap3A_1373 = vector.shape_cast %swap3A_1372 : vector<1x16xf32> to vector<16xf32>
        %swap3A_1374 = vector.shape_cast %mul3A_1369 : vector<16xf32> to vector<1x16xf32>
        tpu.vector_store %arg8[%swap3A_1370, %swap3A_1371], %swap3A_1374 {strides = array<i32>} : memref<256x128xf32, #tpu.memory_space<vmem>>, vector<1x16xf32>,
        %get3A_1375 = arith.index_cast %add3A_1336 : i32 to index
        %get3A_1376 = arith.constant 16 : index
        %get3A_1377 = tpu.vector_load %arg6[%get3A_1375, %get3A_1376] {strides = array<i32>} : memref<256x64xf32, #tpu.memory_space<vmem>>, vector<1x16xf32>,
        %get3A_1378 = vector.shape_cast %get3A_1377 : vector<1x16xf32> to vector<16xf32>
        %mul3A_1379 = arith.constant 8.000000e+00 : f32
        %mul3A_1380 = vector.broadcast %mul3A_1379 : f32 to vector<16xf32>
        %mul3A_1381 = arith.mulf %get3A_1378, %mul3A_1380 : vector<16xf32>
        %swap3A_1382 = arith.index_cast %add3A_1362 : i32 to index
        %swap3A_1383 = arith.constant 80 : index
        %swap3A_1384 = tpu.vector_load %arg8[%swap3A_1382, %swap3A_1383] {strides = array<i32>} : memref<256x128xf32, #tpu.memory_space<vmem>>, vector<1x16xf32>,
        %swap3A_1385 = vector.shape_cast %swap3A_1384 : vector<1x16xf32> to vector<16xf32>
        %swap3A_1386 = vector.shape_cast %mul3A_1381 : vector<16xf32> to vector<1x16xf32>
        tpu.vector_store %arg8[%swap3A_1382, %swap3A_1383], %swap3A_1386 {strides = array<i32>} : memref<256x128xf32, #tpu.memory_space<vmem>>, vector<1x16xf32>,
        %get3A_1387 = arith.index_cast %add3A_1336 : i32 to index
        %get3A_1388 = arith.constant 32 : index
        %get3A_1389 = tpu.vector_load %arg6[%get3A_1387, %get3A_1388] {strides = array<i32>} : memref<256x64xf32, #tpu.memory_space<vmem>>, vector<1x16xf32>,
        %get3A_1390 = vector.shape_cast %get3A_1389 : vector<1x16xf32> to vector<16xf32>
        %mul3A_1391 = arith.constant 8.000000e+00 : f32
        %mul3A_1392 = vector.broadcast %mul3A_1391 : f32 to vector<16xf32>
        %mul3A_1393 = arith.mulf %get3A_1390, %mul3A_1392 : vector<16xf32>
        %swap3A_1394 = arith.index_cast %add3A_1362 : i32 to index
        %swap3A_1395 = arith.constant 96 : index
        %swap3A_1396 = tpu.vector_load %arg8[%swap3A_1394, %swap3A_1395] {strides = array<i32>} : memref<256x128xf32, #tpu.memory_space<vmem>>, vector<1x16xf32>,
        %swap3A_1397 = vector.shape_cast %swap3A_1396 : vector<1x16xf32> to vector<16xf32>
        %swap3A_1398 = vector.shape_cast %mul3A_1393 : vector<16xf32> to vector<1x16xf32>
        tpu.vector_store %arg8[%swap3A_1394, %swap3A_1395], %swap3A_1398 {strides = array<i32>} : memref<256x128xf32, #tpu.memory_space<vmem>>, vector<1x16xf32>,
        %get3A_1399 = arith.index_cast %add3A_1336 : i32 to index
        %get3A_1400 = arith.constant 48 : index
        %get3A_1401 = tpu.vector_load %arg6[%get3A_1399, %get3A_1400] {strides = array<i32>} : memref<256x64xf32, #tpu.memory_space<vmem>>, vector<1x16xf32>,
        %get3A_1402 = vector.shape_cast %get3A_1401 : vector<1x16xf32> to vector<16xf32>
        %mul3A_1403 = arith.constant 8.000000e+00 : f32
        %mul3A_1404 = vector.broadcast %mul3A_1403 : f32 to vector<16xf32>
        %mul3A_1405 = arith.mulf %get3A_1402, %mul3A_1404 : vector<16xf32>
        %swap3A_1406 = arith.index_cast %add3A_1362 : i32 to index
        %swap3A_1407 = arith.constant 112 : index
        %swap3A_1408 = tpu.vector_load %arg8[%swap3A_1406, %swap3A_1407] {strides = array<i32>} : memref<256x128xf32, #tpu.memory_space<vmem>>, vector<1x16xf32>,
        %swap3A_1409 = vector.shape_cast %swap3A_1408 : vector<1x16xf32> to vector<16xf32>
        %swap3A_1410 = vector.shape_cast %mul3A_1405 : vector<16xf32> to vector<1x16xf32>
        tpu.vector_store %arg8[%swap3A_1406, %swap3A_1407], %swap3A_1410 {strides = array<i32>} : memref<256x128xf32, #tpu.memory_space<vmem>>, vector<1x16xf32>,
      }
      %scan3A_38 = arith.constant 2 : i32
      %lt3A = arith.constant 7 : i32
      %lt3A_39 = arith.cmpi slt, %scan3A_15, %lt3A : i32
      %convert_element_type3A = arith.extui %lt3A_39 : i1 to i32
      %cond3A = arith.constant 0 : i32
      %cond3A_40 = arith.cmpi ne, %convert_element_type3A, %cond3A : i32
      scf.if %cond3A_40 {
        %add3A_56 = arith.constant 2 : i32
        %add3A_57 = arith.addi %mul3A_17, %add3A_56 : i32
        %mul3A_58 = arith.constant 32 : i32
        %mul3A_59 = arith.muli %add3A_57, %mul3A_58 : i32
        %scan3A_60 = arith.constant 0 : i32
        %scan3A_61 = arith.constant 2 : i32
        %scan3A_62 = arith.addi %scan3A_60, %scan3A_61 : i32
        %scan3A_63 = arith.constant 1 : i32
        scf.for %scan3A_65 = %scan3A_60 to %scan3A_62 step %scan3A_63  : i32 {
          %mul3A_66 = arith.constant 16 : i32
          %mul3A_67 = arith.muli %scan3A_65, %mul3A_66 : i32
          %add3A_68 = arith.addi %mul3A_59, %mul3A_67 : i32
          %get3A = arith.index_cast %add3A_68 : i32 to index
          %get3A_69 = tpu.vector_load %arg5[%get3A] {strides = array<i32>} : memref<512xi32, #tpu.memory_space<vmem>>, vector<16xi32>,
          %get3A_70 = vector.shape_cast %get3A_69 : vector<16xi32> to vector<16xi32>
          %slice3A = vector.extract_strided_slice %get3A_70 {offsets = [0], sizes = [1], strides = [1]} : vector<16xi32> to vector<1xi32>
          %squeeze3A = vector.extract %slice3A[0] : i32 from vector<1xi32>
          %shift_right_logical3A = arith.constant 3 : i32
          %shift_right_logical3A_71 = arith.shrui %squeeze3A, %shift_right_logical3A : i32
          %mul3A_72 = arith.constant 8 : i32
          %mul3A_73 = arith.muli %shift_right_logical3A_71, %mul3A_72 : i32
          %multiple_of3A_74 = tpu.assume_multiple %mul3A_73, 8 : i32
          %mul3A_75 = arith.constant 16 : i32
          %mul3A_76 = arith.muli %scan3A_65, %mul3A_75 : i32
          %add3A_77 = arith.constant 0 : i32
          %add3A_78 = arith.addi %mul3A_76, %add3A_77 : i32
          %mul3A_79 = arith.constant 8 : i32
          %mul3A_80 = arith.muli %add3A_78, %mul3A_79 : i32
          %dma_start3A = arith.constant 0 : i32
          %dma_start3A_81 = tpu.memref_slice %arg6[%mul3A_80, %dma_start3A] : memref<256x64xf32, #tpu.memory_space<vmem>> -> memref<8x64xf32, #tpu.memory_space<vmem>>
          %dma_start3A_82 = arith.constant 0 : i32
          %dma_start3A_83 = tpu.memref_slice %arg3[%multiple_of3A_74, %dma_start3A_82] : memref<1000000x64xf32, #tpu.memory_space<hbm>> -> memref<8x64xf32, #tpu.memory_space<hbm>>
          %dma_start3A_84 = arith.constant 0 : i32
          %dma_start3A_85 = tpu.memref_slice %arg6[%mul3A_80, %dma_start3A_84] : memref<256x64xf32, #tpu.memory_space<vmem>> -> memref<8x64xf32, #tpu.memory_space<vmem>>
          %dma_start3A_86 = arith.constant 0 : i32
          %dma_start3A_87 = tpu.memref_slice %arg3[%multiple_of3A_74, %dma_start3A_86] : memref<1000000x64xf32, #tpu.memory_space<hbm>> -> memref<8x64xf32, #tpu.memory_space<hbm>>
          tpu.enqueue_dma source(%dma_start3A_87 : memref<8x64xf32, #tpu.memory_space<hbm>>) target(%dma_start3A_85 : memref<8x64xf32, #tpu.memory_space<vmem>>) target_semaphore(%arg9 : memref<!tpu.dma_semaphore, #tpu.memory_space<semaphore_mem>>)
          %slice3A_88 = vector.extract_strided_slice %get3A_70 {offsets = [1], sizes = [1], strides = [1]} : vector<16xi32> to vector<1xi32>
          %squeeze3A_89 = vector.extract %slice3A_88[0] : i32 from vector<1xi32>
          %shift_right_logical3A_90 = arith.constant 3 : i32
          %shift_right_logical3A_91 = arith.shrui %squeeze3A_89, %shift_right_logical3A_90 : i32
          %mul3A_92 = arith.constant 8 : i32
          %mul3A_93 = arith.muli %shift_right_logical3A_91, %mul3A_92 : i32
          %multiple_of3A_94 = tpu.assume_multiple %mul3A_93, 8 : i32
          %mul3A_95 = arith.constant 16 : i32
          %mul3A_96 = arith.muli %scan3A_65, %mul3A_95 : i32
          %add3A_97 = arith.constant 1 : i32
          %add3A_98 = arith.addi %mul3A_96, %add3A_97 : i32
          %mul3A_99 = arith.constant 8 : i32
          %mul3A_100 = arith.muli %add3A_98, %mul3A_99 : i32
          %dma_start3A_101 = arith.constant 0 : i32
          %dma_start3A_102 = tpu.memref_slice %arg6[%mul3A_100, %dma_start3A_101] : memref<256x64xf32, #tpu.memory_space<vmem>> -> memref<8x64xf32, #tpu.memory_space<vmem>>
          %dma_start3A_103 = arith.constant 0 : i32
          %dma_start3A_104 = tpu.memref_slice %arg3[%multiple_of3A_94, %dma_start3A_103] : memref<1000000x64xf32, #tpu.memory_space<hbm>> -> memref<8x64xf32, #tpu.memory_space<hbm>>
          %dma_start3A_105 = arith.constant 0 : i32
          %dma_start3A_106 = tpu.memref_slice %arg6[%mul3A_100, %dma_start3A_105] : memref<256x64xf32, #tpu.memory_space<vmem>> -> memref<8x64xf32, #tpu.memory_space<vmem>>
          %dma_start3A_107 = arith.constant 0 : i32
          %dma_start3A_108 = tpu.memref_slice %arg3[%multiple_of3A_94, %dma_start3A_107] : memref<1000000x64xf32, #tpu.memory_space<hbm>> -> memref<8x64xf32, #tpu.memory_space<hbm>>
          tpu.enqueue_dma source(%dma_start3A_108 : memref<8x64xf32, #tpu.memory_space<hbm>>) target(%dma_start3A_106 : memref<8x64xf32, #tpu.memory_space<vmem>>) target_semaphore(%arg9 : memref<!tpu.dma_semaphore, #tpu.memory_space<semaphore_mem>>)
          %slice3A_109 = vector.extract_strided_slice %get3A_70 {offsets = [2], sizes = [1], strides = [1]} : vector<16xi32> to vector<1xi32>
          %squeeze3A_110 = vector.extract %slice3A_109[0] : i32 from vector<1xi32>
          %shift_right_logical3A_111 = arith.constant 3 : i32
          %shift_right_logical3A_112 = arith.shrui %squeeze3A_110, %shift_right_logical3A_111 : i32
          %mul3A_113 = arith.constant 8 : i32
          %mul3A_114 = arith.muli %shift_right_logical3A_112, %mul3A_113 : i32
          %multiple_of3A_115 = tpu.assume_multiple %mul3A_114, 8 : i32
          %mul3A_116 = arith.constant 16 : i32
          %mul3A_117 = arith.muli %scan3A_65, %mul3A_116 : i32
          %add3A_118 = arith.constant 2 : i32
          %add3A_119 = arith.addi %mul3A_117, %add3A_118 : i32
          %mul3A_120 = arith.constant 8 : i32
          %mul3A_121 = arith.muli %add3A_119, %mul3A_120 : i32
          %dma_start3A_122 = arith.constant 0 : i32
          %dma_start3A_123 = tpu.memref_slice %arg6[%mul3A_121, %dma_start3A_122] : memref<256x64xf32, #tpu.memory_space<vmem>> -> memref<8x64xf32, #tpu.memory_space<vmem>>
          %dma_start3A_124 = arith.constant 0 : i32
          %dma_start3A_125 = tpu.memref_slice %arg3[%multiple_of3A_115, %dma_start3A_124] : memref<1000000x64xf32, #tpu.memory_space<hbm>> -> memref<8x64xf32, #tpu.memory_space<hbm>>
          %dma_start3A_126 = arith.constant 0 : i32
          %dma_start3A_127 = tpu.memref_slice %arg6[%mul3A_121, %dma_start3A_126] : memref<256x64xf32, #tpu.memory_space<vmem>> -> memref<8x64xf32, #tpu.memory_space<vmem>>
          %dma_start3A_128 = arith.constant 0 : i32
          %dma_start3A_129 = tpu.memref_slice %arg3[%multiple_of3A_115, %dma_start3A_128] : memref<1000000x64xf32, #tpu.memory_space<hbm>> -> memref<8x64xf32, #tpu.memory_space<hbm>>
          tpu.enqueue_dma source(%dma_start3A_129 : memref<8x64xf32, #tpu.memory_space<hbm>>) target(%dma_start3A_127 : memref<8x64xf32, #tpu.memory_space<vmem>>) target_semaphore(%arg9 : memref<!tpu.dma_semaphore, #tpu.memory_space<semaphore_mem>>)
          %slice3A_130 = vector.extract_strided_slice %get3A_70 {offsets = [3], sizes = [1], strides = [1]} : vector<16xi32> to vector<1xi32>
          %squeeze3A_131 = vector.extract %slice3A_130[0] : i32 from vector<1xi32>
          %shift_right_logical3A_132 = arith.constant 3 : i32
          %shift_right_logical3A_133 = arith.shrui %squeeze3A_131, %shift_right_logical3A_132 : i32
          %mul3A_134 = arith.constant 8 : i32
          %mul3A_135 = arith.muli %shift_right_logical3A_133, %mul3A_134 : i32
          %multiple_of3A_136 = tpu.assume_multiple %mul3A_135, 8 : i32
          %mul3A_137 = arith.constant 16 : i32
          %mul3A_138 = arith.muli %scan3A_65, %mul3A_137 : i32
          %add3A_139 = arith.constant 3 : i32
          %add3A_140 = arith.addi %mul3A_138, %add3A_139 : i32
          %mul3A_141 = arith.constant 8 : i32
          %mul3A_142 = arith.muli %add3A_140, %mul3A_141 : i32
          %dma_start3A_143 = arith.constant 0 : i32
          %dma_start3A_144 = tpu.memref_slice %arg6[%mul3A_142, %dma_start3A_143] : memref<256x64xf32, #tpu.memory_space<vmem>> -> memref<8x64xf32, #tpu.memory_space<vmem>>
          %dma_start3A_145 = arith.constant 0 : i32
          %dma_start3A_146 = tpu.memref_slice %arg3[%multiple_of3A_136, %dma_start3A_145] : memref<1000000x64xf32, #tpu.memory_space<hbm>> -> memref<8x64xf32, #tpu.memory_space<hbm>>
          %dma_start3A_147 = arith.constant 0 : i32
          %dma_start3A_148 = tpu.memref_slice %arg6[%mul3A_142, %dma_start3A_147] : memref<256x64xf32, #tpu.memory_space<vmem>> -> memref<8x64xf32, #tpu.memory_space<vmem>>
          %dma_start3A_149 = arith.constant 0 : i32
          %dma_start3A_150 = tpu.memref_slice %arg3[%multiple_of3A_136, %dma_start3A_149] : memref<1000000x64xf32, #tpu.memory_space<hbm>> -> memref<8x64xf32, #tpu.memory_space<hbm>>
          tpu.enqueue_dma source(%dma_start3A_150 : memref<8x64xf32, #tpu.memory_space<hbm>>) target(%dma_start3A_148 : memref<8x64xf32, #tpu.memory_space<vmem>>) target_semaphore(%arg9 : memref<!tpu.dma_semaphore, #tpu.memory_space<semaphore_mem>>)
          %slice3A_151 = vector.extract_strided_slice %get3A_70 {offsets = [4], sizes = [1], strides = [1]} : vector<16xi32> to vector<1xi32>
          %squeeze3A_152 = vector.extract %slice3A_151[0] : i32 from vector<1xi32>
          %shift_right_logical3A_153 = arith.constant 3 : i32
          %shift_right_logical3A_154 = arith.shrui %squeeze3A_152, %shift_right_logical3A_153 : i32
          %mul3A_155 = arith.constant 8 : i32
          %mul3A_156 = arith.muli %shift_right_logical3A_154, %mul3A_155 : i32
          %multiple_of3A_157 = tpu.assume_multiple %mul3A_156, 8 : i32
          %mul3A_158 = arith.constant 16 : i32
          %mul3A_159 = arith.muli %scan3A_65, %mul3A_158 : i32
          %add3A_160 = arith.constant 4 : i32
          %add3A_161 = arith.addi %mul3A_159, %add3A_160 : i32
          %mul3A_162 = arith.constant 8 : i32
          %mul3A_163 = arith.muli %add3A_161, %mul3A_162 : i32
          %dma_start3A_164 = arith.constant 0 : i32
          %dma_start3A_165 = tpu.memref_slice %arg6[%mul3A_163, %dma_start3A_164] : memref<256x64xf32, #tpu.memory_space<vmem>> -> memref<8x64xf32, #tpu.memory_space<vmem>>
          %dma_start3A_166 = arith.constant 0 : i32
          %dma_start3A_167 = tpu.memref_slice %arg3[%multiple_of3A_157, %dma_start3A_166] : memref<1000000x64xf32, #tpu.memory_space<hbm>> -> memref<8x64xf32, #tpu.memory_space<hbm>>
          %dma_start3A_168 = arith.constant 0 : i32
          %dma_start3A_169 = tpu.memref_slice %arg6[%mul3A_163, %dma_start3A_168] : memref<256x64xf32, #tpu.memory_space<vmem>> -> memref<8x64xf32, #tpu.memory_space<vmem>>
          %dma_start3A_170 = arith.constant 0 : i32
          %dma_start3A_171 = tpu.memref_slice %arg3[%multiple_of3A_157, %dma_start3A_170] : memref<1000000x64xf32, #tpu.memory_space<hbm>> -> memref<8x64xf32, #tpu.memory_space<hbm>>
          tpu.enqueue_dma source(%dma_start3A_171 : memref<8x64xf32, #tpu.memory_space<hbm>>) target(%dma_start3A_169 : memref<8x64xf32, #tpu.memory_space<vmem>>) target_semaphore(%arg9 : memref<!tpu.dma_semaphore, #tpu.memory_space<semaphore_mem>>)
          %slice3A_172 = vector.extract_strided_slice %get3A_70 {offsets = [5], sizes = [1], strides = [1]} : vector<16xi32> to vector<1xi32>
          %squeeze3A_173 = vector.extract %slice3A_172[0] : i32 from vector<1xi32>
          %shift_right_logical3A_174 = arith.constant 3 : i32
          %shift_right_logical3A_175 = arith.shrui %squeeze3A_173, %shift_right_logical3A_174 : i32
          %mul3A_176 = arith.constant 8 : i32
          %mul3A_177 = arith.muli %shift_right_logical3A_175, %mul3A_176 : i32
          %multiple_of3A_178 = tpu.assume_multiple %mul3A_177, 8 : i32
          %mul3A_179 = arith.constant 16 : i32
          %mul3A_180 = arith.muli %scan3A_65, %mul3A_179 : i32
          %add3A_181 = arith.constant 5 : i32
          %add3A_182 = arith.addi %mul3A_180, %add3A_181 : i32
          %mul3A_183 = arith.constant 8 : i32
          %mul3A_184 = arith.muli %add3A_182, %mul3A_183 : i32
          %dma_start3A_185 = arith.constant 0 : i32
          %dma_start3A_186 = tpu.memref_slice %arg6[%mul3A_184, %dma_start3A_185] : memref<256x64xf32, #tpu.memory_space<vmem>> -> memref<8x64xf32, #tpu.memory_space<vmem>>
          %dma_start3A_187 = arith.constant 0 : i32
          %dma_start3A_188 = tpu.memref_slice %arg3[%multiple_of3A_178, %dma_start3A_187] : memref<1000000x64xf32, #tpu.memory_space<hbm>> -> memref<8x64xf32, #tpu.memory_space<hbm>>
          %dma_start3A_189 = arith.constant 0 : i32
          %dma_start3A_190 = tpu.memref_slice %arg6[%mul3A_184, %dma_start3A_189] : memref<256x64xf32, #tpu.memory_space<vmem>> -> memref<8x64xf32, #tpu.memory_space<vmem>>
          %dma_start3A_191 = arith.constant 0 : i32
          %dma_start3A_192 = tpu.memref_slice %arg3[%multiple_of3A_178, %dma_start3A_191] : memref<1000000x64xf32, #tpu.memory_space<hbm>> -> memref<8x64xf32, #tpu.memory_space<hbm>>
          tpu.enqueue_dma source(%dma_start3A_192 : memref<8x64xf32, #tpu.memory_space<hbm>>) target(%dma_start3A_190 : memref<8x64xf32, #tpu.memory_space<vmem>>) target_semaphore(%arg9 : memref<!tpu.dma_semaphore, #tpu.memory_space<semaphore_mem>>)
          %slice3A_193 = vector.extract_strided_slice %get3A_70 {offsets = [6], sizes = [1], strides = [1]} : vector<16xi32> to vector<1xi32>
          %squeeze3A_194 = vector.extract %slice3A_193[0] : i32 from vector<1xi32>
          %shift_right_logical3A_195 = arith.constant 3 : i32
          %shift_right_logical3A_196 = arith.shrui %squeeze3A_194, %shift_right_logical3A_195 : i32
          %mul3A_197 = arith.constant 8 : i32
          %mul3A_198 = arith.muli %shift_right_logical3A_196, %mul3A_197 : i32
          %multiple_of3A_199 = tpu.assume_multiple %mul3A_198, 8 : i32
          %mul3A_200 = arith.constant 16 : i32
          %mul3A_201 = arith.muli %scan3A_65, %mul3A_200 : i32
          %add3A_202 = arith.constant 6 : i32
          %add3A_203 = arith.addi %mul3A_201, %add3A_202 : i32
          %mul3A_204 = arith.constant 8 : i32
          %mul3A_205 = arith.muli %add3A_203, %mul3A_204 : i32
          %dma_start3A_206 = arith.constant 0 : i32
          %dma_start3A_207 = tpu.memref_slice %arg6[%mul3A_205, %dma_start3A_206] : memref<256x64xf32, #tpu.memory_space<vmem>> -> memref<8x64xf32, #tpu.memory_space<vmem>>
          %dma_start3A_208 = arith.constant 0 : i32
          %dma_start3A_209 = tpu.memref_slice %arg3[%multiple_of3A_199, %dma_start3A_208] : memref<1000000x64xf32, #tpu.memory_space<hbm>> -> memref<8x64xf32, #tpu.memory_space<hbm>>
          %dma_start3A_210 = arith.constant 0 : i32
          %dma_start3A_211 = tpu.memref_slice %arg6[%mul3A_205, %dma_start3A_210] : memref<256x64xf32, #tpu.memory_space<vmem>> -> memref<8x64xf32, #tpu.memory_space<vmem>>
          %dma_start3A_212 = arith.constant 0 : i32
          %dma_start3A_213 = tpu.memref_slice %arg3[%multiple_of3A_199, %dma_start3A_212] : memref<1000000x64xf32, #tpu.memory_space<hbm>> -> memref<8x64xf32, #tpu.memory_space<hbm>>
          tpu.enqueue_dma source(%dma_start3A_213 : memref<8x64xf32, #tpu.memory_space<hbm>>) target(%dma_start3A_211 : memref<8x64xf32, #tpu.memory_space<vmem>>) target_semaphore(%arg9 : memref<!tpu.dma_semaphore, #tpu.memory_space<semaphore_mem>>)
          %slice3A_214 = vector.extract_strided_slice %get3A_70 {offsets = [7], sizes = [1], strides = [1]} : vector<16xi32> to vector<1xi32>
          %squeeze3A_215 = vector.extract %slice3A_214[0] : i32 from vector<1xi32>
          %shift_right_logical3A_216 = arith.constant 3 : i32
          %shift_right_logical3A_217 = arith.shrui %squeeze3A_215, %shift_right_logical3A_216 : i32
          %mul3A_218 = arith.constant 8 : i32
          %mul3A_219 = arith.muli %shift_right_logical3A_217, %mul3A_218 : i32
          %multiple_of3A_220 = tpu.assume_multiple %mul3A_219, 8 : i32
          %mul3A_221 = arith.constant 16 : i32
          %mul3A_222 = arith.muli %scan3A_65, %mul3A_221 : i32
          %add3A_223 = arith.constant 7 : i32
          %add3A_224 = arith.addi %mul3A_222, %add3A_223 : i32
          %mul3A_225 = arith.constant 8 : i32
          %mul3A_226 = arith.muli %add3A_224, %mul3A_225 : i32
          %dma_start3A_227 = arith.constant 0 : i32
          %dma_start3A_228 = tpu.memref_slice %arg6[%mul3A_226, %dma_start3A_227] : memref<256x64xf32, #tpu.memory_space<vmem>> -> memref<8x64xf32, #tpu.memory_space<vmem>>
          %dma_start3A_229 = arith.constant 0 : i32
          %dma_start3A_230 = tpu.memref_slice %arg3[%multiple_of3A_220, %dma_start3A_229] : memref<1000000x64xf32, #tpu.memory_space<hbm>> -> memref<8x64xf32, #tpu.memory_space<hbm>>
          %dma_start3A_231 = arith.constant 0 : i32
          %dma_start3A_232 = tpu.memref_slice %arg6[%mul3A_226, %dma_start3A_231] : memref<256x64xf32, #tpu.memory_space<vmem>> -> memref<8x64xf32, #tpu.memory_space<vmem>>
          %dma_start3A_233 = arith.constant 0 : i32
          %dma_start3A_234 = tpu.memref_slice %arg3[%multiple_of3A_220, %dma_start3A_233] : memref<1000000x64xf32, #tpu.memory_space<hbm>> -> memref<8x64xf32, #tpu.memory_space<hbm>>
          tpu.enqueue_dma source(%dma_start3A_234 : memref<8x64xf32, #tpu.memory_space<hbm>>) target(%dma_start3A_232 : memref<8x64xf32, #tpu.memory_space<vmem>>) target_semaphore(%arg9 : memref<!tpu.dma_semaphore, #tpu.memory_space<semaphore_mem>>)
          %slice3A_235 = vector.extract_strided_slice %get3A_70 {offsets = [8], sizes = [1], strides = [1]} : vector<16xi32> to vector<1xi32>
          %squeeze3A_236 = vector.extract %slice3A_235[0] : i32 from vector<1xi32>
          %shift_right_logical3A_237 = arith.constant 3 : i32
          %shift_right_logical3A_238 = arith.shrui %squeeze3A_236, %shift_right_logical3A_237 : i32
          %mul3A_239 = arith.constant 8 : i32
          %mul3A_240 = arith.muli %shift_right_logical3A_238, %mul3A_239 : i32
          %multiple_of3A_241 = tpu.assume_multiple %mul3A_240, 8 : i32
          %mul3A_242 = arith.constant 16 : i32
          %mul3A_243 = arith.muli %scan3A_65, %mul3A_242 : i32
          %add3A_244 = arith.constant 8 : i32
          %add3A_245 = arith.addi %mul3A_243, %add3A_244 : i32
          %mul3A_246 = arith.constant 8 : i32
          %mul3A_247 = arith.muli %add3A_245, %mul3A_246 : i32
          %dma_start3A_248 = arith.constant 0 : i32
          %dma_start3A_249 = tpu.memref_slice %arg6[%mul3A_247, %dma_start3A_248] : memref<256x64xf32, #tpu.memory_space<vmem>> -> memref<8x64xf32, #tpu.memory_space<vmem>>
          %dma_start3A_250 = arith.constant 0 : i32
          %dma_start3A_251 = tpu.memref_slice %arg3[%multiple_of3A_241, %dma_start3A_250] : memref<1000000x64xf32, #tpu.memory_space<hbm>> -> memref<8x64xf32, #tpu.memory_space<hbm>>
          %dma_start3A_252 = arith.constant 0 : i32
          %dma_start3A_253 = tpu.memref_slice %arg6[%mul3A_247, %dma_start3A_252] : memref<256x64xf32, #tpu.memory_space<vmem>> -> memref<8x64xf32, #tpu.memory_space<vmem>>
          %dma_start3A_254 = arith.constant 0 : i32
          %dma_start3A_255 = tpu.memref_slice %arg3[%multiple_of3A_241, %dma_start3A_254] : memref<1000000x64xf32, #tpu.memory_space<hbm>> -> memref<8x64xf32, #tpu.memory_space<hbm>>
          tpu.enqueue_dma source(%dma_start3A_255 : memref<8x64xf32, #tpu.memory_space<hbm>>) target(%dma_start3A_253 : memref<8x64xf32, #tpu.memory_space<vmem>>) target_semaphore(%arg9 : memref<!tpu.dma_semaphore, #tpu.memory_space<semaphore_mem>>)
          %slice3A_256 = vector.extract_strided_slice %get3A_70 {offsets = [9], sizes = [1], strides = [1]} : vector<16xi32> to vector<1xi32>
          %squeeze3A_257 = vector.extract %slice3A_256[0] : i32 from vector<1xi32>
          %shift_right_logical3A_258 = arith.constant 3 : i32
          %shift_right_logical3A_259 = arith.shrui %squeeze3A_257, %shift_right_logical3A_258 : i32
          %mul3A_260 = arith.constant 8 : i32
          %mul3A_261 = arith.muli %shift_right_logical3A_259, %mul3A_260 : i32
          %multiple_of3A_262 = tpu.assume_multiple %mul3A_261, 8 : i32
          %mul3A_263 = arith.constant 16 : i32
          %mul3A_264 = arith.muli %scan3A_65, %mul3A_263 : i32
          %add3A_265 = arith.constant 9 : i32
          %add3A_266 = arith.addi %mul3A_264, %add3A_265 : i32
          %mul3A_267 = arith.constant 8 : i32
          %mul3A_268 = arith.muli %add3A_266, %mul3A_267 : i32
          %dma_start3A_269 = arith.constant 0 : i32
          %dma_start3A_270 = tpu.memref_slice %arg6[%mul3A_268, %dma_start3A_269] : memref<256x64xf32, #tpu.memory_space<vmem>> -> memref<8x64xf32, #tpu.memory_space<vmem>>
          %dma_start3A_271 = arith.constant 0 : i32
          %dma_start3A_272 = tpu.memref_slice %arg3[%multiple_of3A_262, %dma_start3A_271] : memref<1000000x64xf32, #tpu.memory_space<hbm>> -> memref<8x64xf32, #tpu.memory_space<hbm>>
          %dma_start3A_273 = arith.constant 0 : i32
          %dma_start3A_274 = tpu.memref_slice %arg6[%mul3A_268, %dma_start3A_273] : memref<256x64xf32, #tpu.memory_space<vmem>> -> memref<8x64xf32, #tpu.memory_space<vmem>>
          %dma_start3A_275 = arith.constant 0 : i32
          %dma_start3A_276 = tpu.memref_slice %arg3[%multiple_of3A_262, %dma_start3A_275] : memref<1000000x64xf32, #tpu.memory_space<hbm>> -> memref<8x64xf32, #tpu.memory_space<hbm>>
          tpu.enqueue_dma source(%dma_start3A_276 : memref<8x64xf32, #tpu.memory_space<hbm>>) target(%dma_start3A_274 : memref<8x64xf32, #tpu.memory_space<vmem>>) target_semaphore(%arg9 : memref<!tpu.dma_semaphore, #tpu.memory_space<semaphore_mem>>)
          %slice3A_277 = vector.extract_strided_slice %get3A_70 {offsets = [10], sizes = [1], strides = [1]} : vector<16xi32> to vector<1xi32>
          %squeeze3A_278 = vector.extract %slice3A_277[0] : i32 from vector<1xi32>
          %shift_right_logical3A_279 = arith.constant 3 : i32
          %shift_right_logical3A_280 = arith.shrui %squeeze3A_278, %shift_right_logical3A_279 : i32
          %mul3A_281 = arith.constant 8 : i32
          %mul3A_282 = arith.muli %shift_right_logical3A_280, %mul3A_281 : i32
          %multiple_of3A_283 = tpu.assume_multiple %mul3A_282, 8 : i32
          %mul3A_284 = arith.constant 16 : i32
          %mul3A_285 = arith.muli %scan3A_65, %mul3A_284 : i32
          %add3A_286 = arith.constant 10 : i32
          %add3A_287 = arith.addi %mul3A_285, %add3A_286 : i32
          %mul3A_288 = arith.constant 8 : i32
          %mul3A_289 = arith.muli %add3A_287, %mul3A_288 : i32
          %dma_start3A_290 = arith.constant 0 : i32
          %dma_start3A_291 = tpu.memref_slice %arg6[%mul3A_289, %dma_start3A_290] : memref<256x64xf32, #tpu.memory_space<vmem>> -> memref<8x64xf32, #tpu.memory_space<vmem>>
          %dma_start3A_292 = arith.constant 0 : i32
          %dma_start3A_293 = tpu.memref_slice %arg3[%multiple_of3A_283, %dma_start3A_292] : memref<1000000x64xf32, #tpu.memory_space<hbm>> -> memref<8x64xf32, #tpu.memory_space<hbm>>
          %dma_start3A_294 = arith.constant 0 : i32
          %dma_start3A_295 = tpu.memref_slice %arg6[%mul3A_289, %dma_start3A_294] : memref<256x64xf32, #tpu.memory_space<vmem>> -> memref<8x64xf32, #tpu.memory_space<vmem>>
          %dma_start3A_296 = arith.constant 0 : i32
          %dma_start3A_297 = tpu.memref_slice %arg3[%multiple_of3A_283, %dma_start3A_296] : memref<1000000x64xf32, #tpu.memory_space<hbm>> -> memref<8x64xf32, #tpu.memory_space<hbm>>
          tpu.enqueue_dma source(%dma_start3A_297 : memref<8x64xf32, #tpu.memory_space<hbm>>) target(%dma_start3A_295 : memref<8x64xf32, #tpu.memory_space<vmem>>) target_semaphore(%arg9 : memref<!tpu.dma_semaphore, #tpu.memory_space<semaphore_mem>>)
          %slice3A_298 = vector.extract_strided_slice %get3A_70 {offsets = [11], sizes = [1], strides = [1]} : vector<16xi32> to vector<1xi32>
          %squeeze3A_299 = vector.extract %slice3A_298[0] : i32 from vector<1xi32>
          %shift_right_logical3A_300 = arith.constant 3 : i32
          %shift_right_logical3A_301 = arith.shrui %squeeze3A_299, %shift_right_logical3A_300 : i32
          %mul3A_302 = arith.constant 8 : i32
          %mul3A_303 = arith.muli %shift_right_logical3A_301, %mul3A_302 : i32
          %multiple_of3A_304 = tpu.assume_multiple %mul3A_303, 8 : i32
          %mul3A_305 = arith.constant 16 : i32
          %mul3A_306 = arith.muli %scan3A_65, %mul3A_305 : i32
          %add3A_307 = arith.constant 11 : i32
          %add3A_308 = arith.addi %mul3A_306, %add3A_307 : i32
          %mul3A_309 = arith.constant 8 : i32
          %mul3A_310 = arith.muli %add3A_308, %mul3A_309 : i32
          %dma_start3A_311 = arith.constant 0 : i32
          %dma_start3A_312 = tpu.memref_slice %arg6[%mul3A_310, %dma_start3A_311] : memref<256x64xf32, #tpu.memory_space<vmem>> -> memref<8x64xf32, #tpu.memory_space<vmem>>
          %dma_start3A_313 = arith.constant 0 : i32
          %dma_start3A_314 = tpu.memref_slice %arg3[%multiple_of3A_304, %dma_start3A_313] : memref<1000000x64xf32, #tpu.memory_space<hbm>> -> memref<8x64xf32, #tpu.memory_space<hbm>>
          %dma_start3A_315 = arith.constant 0 : i32
          %dma_start3A_316 = tpu.memref_slice %arg6[%mul3A_310, %dma_start3A_315] : memref<256x64xf32, #tpu.memory_space<vmem>> -> memref<8x64xf32, #tpu.memory_space<vmem>>
          %dma_start3A_317 = arith.constant 0 : i32
          %dma_start3A_318 = tpu.memref_slice %arg3[%multiple_of3A_304, %dma_start3A_317] : memref<1000000x64xf32, #tpu.memory_space<hbm>> -> memref<8x64xf32, #tpu.memory_space<hbm>>
          tpu.enqueue_dma source(%dma_start3A_318 : memref<8x64xf32, #tpu.memory_space<hbm>>) target(%dma_start3A_316 : memref<8x64xf32, #tpu.memory_space<vmem>>) target_semaphore(%arg9 : memref<!tpu.dma_semaphore, #tpu.memory_space<semaphore_mem>>)
          %slice3A_319 = vector.extract_strided_slice %get3A_70 {offsets = [12], sizes = [1], strides = [1]} : vector<16xi32> to vector<1xi32>
          %squeeze3A_320 = vector.extract %slice3A_319[0] : i32 from vector<1xi32>
          %shift_right_logical3A_321 = arith.constant 3 : i32
          %shift_right_logical3A_322 = arith.shrui %squeeze3A_320, %shift_right_logical3A_321 : i32
          %mul3A_323 = arith.constant 8 : i32
          %mul3A_324 = arith.muli %shift_right_logical3A_322, %mul3A_323 : i32
          %multiple_of3A_325 = tpu.assume_multiple %mul3A_324, 8 : i32
          %mul3A_326 = arith.constant 16 : i32
          %mul3A_327 = arith.muli %scan3A_65, %mul3A_326 : i32
          %add3A_328 = arith.constant 12 : i32
          %add3A_329 = arith.addi %mul3A_327, %add3A_328 : i32
          %mul3A_330 = arith.constant 8 : i32
          %mul3A_331 = arith.muli %add3A_329, %mul3A_330 : i32
          %dma_start3A_332 = arith.constant 0 : i32
          %dma_start3A_333 = tpu.memref_slice %arg6[%mul3A_331, %dma_start3A_332] : memref<256x64xf32, #tpu.memory_space<vmem>> -> memref<8x64xf32, #tpu.memory_space<vmem>>
          %dma_start3A_334 = arith.constant 0 : i32
          %dma_start3A_335 = tpu.memref_slice %arg3[%multiple_of3A_325, %dma_start3A_334] : memref<1000000x64xf32, #tpu.memory_space<hbm>> -> memref<8x64xf32, #tpu.memory_space<hbm>>
          %dma_start3A_336 = arith.constant 0 : i32
          %dma_start3A_337 = tpu.memref_slice %arg6[%mul3A_331, %dma_start3A_336] : memref<256x64xf32, #tpu.memory_space<vmem>> -> memref<8x64xf32, #tpu.memory_space<vmem>>
          %dma_start3A_338 = arith.constant 0 : i32
          %dma_start3A_339 = tpu.memref_slice %arg3[%multiple_of3A_325, %dma_start3A_338] : memref<1000000x64xf32, #tpu.memory_space<hbm>> -> memref<8x64xf32, #tpu.memory_space<hbm>>
          tpu.enqueue_dma source(%dma_start3A_339 : memref<8x64xf32, #tpu.memory_space<hbm>>) target(%dma_start3A_337 : memref<8x64xf32, #tpu.memory_space<vmem>>) target_semaphore(%arg9 : memref<!tpu.dma_semaphore, #tpu.memory_space<semaphore_mem>>)
          %slice3A_340 = vector.extract_strided_slice %get3A_70 {offsets = [13], sizes = [1], strides = [1]} : vector<16xi32> to vector<1xi32>
          %squeeze3A_341 = vector.extract %slice3A_340[0] : i32 from vector<1xi32>
          %shift_right_logical3A_342 = arith.constant 3 : i32
          %shift_right_logical3A_343 = arith.shrui %squeeze3A_341, %shift_right_logical3A_342 : i32
          %mul3A_344 = arith.constant 8 : i32
          %mul3A_345 = arith.muli %shift_right_logical3A_343, %mul3A_344 : i32
          %multiple_of3A_346 = tpu.assume_multiple %mul3A_345, 8 : i32
          %mul3A_347 = arith.constant 16 : i32
          %mul3A_348 = arith.muli %scan3A_65, %mul3A_347 : i32
          %add3A_349 = arith.constant 13 : i32
          %add3A_350 = arith.addi %mul3A_348, %add3A_349 : i32
          %mul3A_351 = arith.constant 8 : i32
          %mul3A_352 = arith.muli %add3A_350, %mul3A_351 : i32
          %dma_start3A_353 = arith.constant 0 : i32
          %dma_start3A_354 = tpu.memref_slice %arg6[%mul3A_352, %dma_start3A_353] : memref<256x64xf32, #tpu.memory_space<vmem>> -> memref<8x64xf32, #tpu.memory_space<vmem>>
          %dma_start3A_355 = arith.constant 0 : i32
          %dma_start3A_356 = tpu.memref_slice %arg3[%multiple_of3A_346, %dma_start3A_355] : memref<1000000x64xf32, #tpu.memory_space<hbm>> -> memref<8x64xf32, #tpu.memory_space<hbm>>
          %dma_start3A_357 = arith.constant 0 : i32
          %dma_start3A_358 = tpu.memref_slice %arg6[%mul3A_352, %dma_start3A_357] : memref<256x64xf32, #tpu.memory_space<vmem>> -> memref<8x64xf32, #tpu.memory_space<vmem>>
          %dma_start3A_359 = arith.constant 0 : i32
          %dma_start3A_360 = tpu.memref_slice %arg3[%multiple_of3A_346, %dma_start3A_359] : memref<1000000x64xf32, #tpu.memory_space<hbm>> -> memref<8x64xf32, #tpu.memory_space<hbm>>
          tpu.enqueue_dma source(%dma_start3A_360 : memref<8x64xf32, #tpu.memory_space<hbm>>) target(%dma_start3A_358 : memref<8x64xf32, #tpu.memory_space<vmem>>) target_semaphore(%arg9 : memref<!tpu.dma_semaphore, #tpu.memory_space<semaphore_mem>>)
          %slice3A_361 = vector.extract_strided_slice %get3A_70 {offsets = [14], sizes = [1], strides = [1]} : vector<16xi32> to vector<1xi32>
          %squeeze3A_362 = vector.extract %slice3A_361[0] : i32 from vector<1xi32>
          %shift_right_logical3A_363 = arith.constant 3 : i32
          %shift_right_logical3A_364 = arith.shrui %squeeze3A_362, %shift_right_logical3A_363 : i32
          %mul3A_365 = arith.constant 8 : i32
          %mul3A_366 = arith.muli %shift_right_logical3A_364, %mul3A_365 : i32
          %multiple_of3A_367 = tpu.assume_multiple %mul3A_366, 8 : i32
          %mul3A_368 = arith.constant 16 : i32
          %mul3A_369 = arith.muli %scan3A_65, %mul3A_368 : i32
          %add3A_370 = arith.constant 14 : i32
          %add3A_371 = arith.addi %mul3A_369, %add3A_370 : i32
          %mul3A_372 = arith.constant 8 : i32
          %mul3A_373 = arith.muli %add3A_371, %mul3A_372 : i32
          %dma_start3A_374 = arith.constant 0 : i32
          %dma_start3A_375 = tpu.memref_slice %arg6[%mul3A_373, %dma_start3A_374] : memref<256x64xf32, #tpu.memory_space<vmem>> -> memref<8x64xf32, #tpu.memory_space<vmem>>
          %dma_start3A_376 = arith.constant 0 : i32
          %dma_start3A_377 = tpu.memref_slice %arg3[%multiple_of3A_367, %dma_start3A_376] : memref<1000000x64xf32, #tpu.memory_space<hbm>> -> memref<8x64xf32, #tpu.memory_space<hbm>>
          %dma_start3A_378 = arith.constant 0 : i32
          %dma_start3A_379 = tpu.memref_slice %arg6[%mul3A_373, %dma_start3A_378] : memref<256x64xf32, #tpu.memory_space<vmem>> -> memref<8x64xf32, #tpu.memory_space<vmem>>
          %dma_start3A_380 = arith.constant 0 : i32
          %dma_start3A_381 = tpu.memref_slice %arg3[%multiple_of3A_367, %dma_start3A_380] : memref<1000000x64xf32, #tpu.memory_space<hbm>> -> memref<8x64xf32, #tpu.memory_space<hbm>>
          tpu.enqueue_dma source(%dma_start3A_381 : memref<8x64xf32, #tpu.memory_space<hbm>>) target(%dma_start3A_379 : memref<8x64xf32, #tpu.memory_space<vmem>>) target_semaphore(%arg9 : memref<!tpu.dma_semaphore, #tpu.memory_space<semaphore_mem>>)
          %slice3A_382 = vector.extract_strided_slice %get3A_70 {offsets = [15], sizes = [1], strides = [1]} : vector<16xi32> to vector<1xi32>
          %squeeze3A_383 = vector.extract %slice3A_382[0] : i32 from vector<1xi32>
          %shift_right_logical3A_384 = arith.constant 3 : i32
          %shift_right_logical3A_385 = arith.shrui %squeeze3A_383, %shift_right_logical3A_384 : i32
          %mul3A_386 = arith.constant 8 : i32
          %mul3A_387 = arith.muli %shift_right_logical3A_385, %mul3A_386 : i32
          %multiple_of3A_388 = tpu.assume_multiple %mul3A_387, 8 : i32
          %mul3A_389 = arith.constant 16 : i32
          %mul3A_390 = arith.muli %scan3A_65, %mul3A_389 : i32
          %add3A_391 = arith.constant 15 : i32
          %add3A_392 = arith.addi %mul3A_390, %add3A_391 : i32
          %mul3A_393 = arith.constant 8 : i32
          %mul3A_394 = arith.muli %add3A_392, %mul3A_393 : i32
          %dma_start3A_395 = arith.constant 0 : i32
          %dma_start3A_396 = tpu.memref_slice %arg6[%mul3A_394, %dma_start3A_395] : memref<256x64xf32, #tpu.memory_space<vmem>> -> memref<8x64xf32, #tpu.memory_space<vmem>>
          %dma_start3A_397 = arith.constant 0 : i32
          %dma_start3A_398 = tpu.memref_slice %arg3[%multiple_of3A_388, %dma_start3A_397] : memref<1000000x64xf32, #tpu.memory_space<hbm>> -> memref<8x64xf32, #tpu.memory_space<hbm>>
          %dma_start3A_399 = arith.constant 0 : i32
          %dma_start3A_400 = tpu.memref_slice %arg6[%mul3A_394, %dma_start3A_399] : memref<256x64xf32, #tpu.memory_space<vmem>> -> memref<8x64xf32, #tpu.memory_space<vmem>>
          %dma_start3A_401 = arith.constant 0 : i32
          %dma_start3A_402 = tpu.memref_slice %arg3[%multiple_of3A_388, %dma_start3A_401] : memref<1000000x64xf32, #tpu.memory_space<hbm>> -> memref<8x64xf32, #tpu.memory_space<hbm>>
          tpu.enqueue_dma source(%dma_start3A_402 : memref<8x64xf32, #tpu.memory_space<hbm>>) target(%dma_start3A_400 : memref<8x64xf32, #tpu.memory_space<vmem>>) target_semaphore(%arg9 : memref<!tpu.dma_semaphore, #tpu.memory_space<semaphore_mem>>)
        }
        %scan3A_64 = arith.constant 2 : i32
      } else {
      }
      %add3A_41 = arith.constant 1 : i32
      %add3A_42 = arith.addi %mul3A_17, %add3A_41 : i32
      %dma_wait3A_43 = arith.constant 0 : i32
      %dma_wait3A_44 = arith.constant 0 : i32
      %dma_wait3A_45 = tpu.memref_slice %arg3[%dma_wait3A_43, %dma_wait3A_44] : memref<1000000x64xf32, #tpu.memory_space<hbm>> -> memref<256x64xf32, #tpu.memory_space<hbm>>
      %dma_wait3A_46 = arith.constant 0 : i32
      %dma_wait3A_47 = arith.constant 0 : i32
      %dma_wait3A_48 = tpu.memref_slice %arg3[%dma_wait3A_46, %dma_wait3A_47] : memref<1000000x64xf32, #tpu.memory_space<hbm>> -> memref<256x64xf32, #tpu.memory_space<hbm>>
      tpu.wait_dma2 semaphore(%arg10 : memref<!tpu.dma_semaphore, #tpu.memory_space<semaphore_mem>>) src(%dma_wait3A_48 : memref<256x64xf32, #tpu.memory_space<hbm>>) dst(%arg7 : memref<256x64xf32, #tpu.memory_space<vmem>>)
      %mul3A_49 = arith.constant 32 : i32
      %mul3A_50 = arith.muli %add3A_42, %mul3A_49 : i32
      %scan3A_51 = arith.constant 0 : i32
      %scan3A_52 = arith.constant 2 : i32
      %scan3A_53 = arith.addi %scan3A_51, %scan3A_52 : i32
      %scan3A_54 = arith.constant 1 : i32
      scf.for %scan3A_56 = %scan3A_51 to %scan3A_53 step %scan3A_54  : i32 {
        %mul3A_57 = arith.constant 16 : i32
        %mul3A_58 = arith.muli %scan3A_56, %mul3A_57 : i32
        %add3A_59 = arith.addi %mul3A_50, %mul3A_58 : i32
        %get3A = arith.index_cast %add3A_59 : i32 to index
        %get3A_60 = tpu.vector_load %arg5[%get3A] {strides = array<i32>} : memref<512xi32, #tpu.memory_space<vmem>>, vector<16xi32>,
        %get3A_61 = vector.shape_cast %get3A_60 : vector<16xi32> to vector<16xi32>
        %slice3A = vector.extract_strided_slice %get3A_61 {offsets = [0], sizes = [1], strides = [1]} : vector<16xi32> to vector<1xi32>
        %squeeze3A = vector.extract %slice3A[0] : i32 from vector<1xi32>
        %mul3A_62 = arith.constant 16 : i32
        %mul3A_63 = arith.muli %scan3A_56, %mul3A_62 : i32
        %add3A_64 = arith.constant 0 : i32
        %add3A_65 = arith.addi %mul3A_63, %add3A_64 : i32
        %mul3A_66 = arith.constant 8 : i32
        %mul3A_67 = arith.muli %add3A_65, %mul3A_66 : i32
        %and3A = arith.constant 7 : i32
        %and3A_68 = arith.andi %squeeze3A, %and3A : i32
        %add3A_69 = arith.addi %mul3A_67, %and3A_68 : i32
        %jit3A = arith.constant 2 : i32
        %div3A = arith.divsi %add3A_59, %jit3A : i32
        %sign3A = arith.constant 0 : i32
        %sign3A_70 = arith.cmpi sgt, %add3A_59, %sign3A : i32
        %sign3A_71 = arith.extui %sign3A_70 : i1 to i32
        %sign3A_72 = arith.constant 0 : i32
        %sign3A_73 = arith.cmpi slt, %add3A_59, %sign3A_72 : i32
        %sign3A_74 = arith.extui %sign3A_73 : i1 to i32
        %sign3A_75 = arith.subi %sign3A_71, %sign3A_74 : i32
        %sign3A_76 = arith.constant 0 : i32
        %sign3A_77 = arith.cmpi sgt, %jit3A, %sign3A_76 : i32
        %sign3A_78 = arith.extui %sign3A_77 : i1 to i32
        %sign3A_79 = arith.constant 0 : i32
        %sign3A_80 = arith.cmpi slt, %jit3A, %sign3A_79 : i32
        %sign3A_81 = arith.extui %sign3A_80 : i1 to i32
        %sign3A_82 = arith.subi %sign3A_78, %sign3A_81 : i32
        %ne3A = arith.cmpi ne, %sign3A_75, %sign3A_82 : i32
        %rem3A = arith.remsi %add3A_59, %jit3A : i32
        %ne3A_83 = arith.constant 0 : i32
        %ne3A_84 = arith.cmpi ne, %rem3A, %ne3A_83 : i32
        %and3A_85 = arith.andi %ne3A, %ne3A_84 : i1
        %sub3A = arith.constant 1 : i32
        %sub3A_86 = arith.subi %div3A, %sub3A : i32
        %select_n3A = arith.select %and3A_85, %sub3A_86, %div3A : i32
        %add3A_87 = arith.constant 0 : i32
        %add3A_88 = arith.addi %select_n3A, %add3A_87 : i32
        %get3A_89 = arith.index_cast %add3A_69 : i32 to index
        %get3A_90 = arith.constant 0 : index
        %get3A_91 = tpu.vector_load %arg7[%get3A_89, %get3A_90] {strides = array<i32>} : memref<256x64xf32, #tpu.memory_space<vmem>>, vector<1x16xf32>,
        %get3A_92 = vector.shape_cast %get3A_91 : vector<1x16xf32> to vector<16xf32>
        %mul3A_93 = arith.constant 8.000000e+00 : f32
        %mul3A_94 = vector.broadcast %mul3A_93 : f32 to vector<16xf32>
        %mul3A_95 = arith.mulf %get3A_92, %mul3A_94 : vector<16xf32>
        %swap3A = arith.index_cast %add3A_88 : i32 to index
        %swap3A_96 = arith.constant 0 : index
        %swap3A_97 = tpu.vector_load %arg8[%swap3A, %swap3A_96] {strides = array<i32>} : memref<256x128xf32, #tpu.memory_space<vmem>>, vector<1x16xf32>,
        %swap3A_98 = vector.shape_cast %swap3A_97 : vector<1x16xf32> to vector<16xf32>
        %swap3A_99 = vector.shape_cast %mul3A_95 : vector<16xf32> to vector<1x16xf32>
        tpu.vector_store %arg8[%swap3A, %swap3A_96], %swap3A_99 {strides = array<i32>} : memref<256x128xf32, #tpu.memory_space<vmem>>, vector<1x16xf32>,
        %get3A_100 = arith.index_cast %add3A_69 : i32 to index
        %get3A_101 = arith.constant 16 : index
        %get3A_102 = tpu.vector_load %arg7[%get3A_100, %get3A_101] {strides = array<i32>} : memref<256x64xf32, #tpu.memory_space<vmem>>, vector<1x16xf32>,
        %get3A_103 = vector.shape_cast %get3A_102 : vector<1x16xf32> to vector<16xf32>
        %mul3A_104 = arith.constant 8.000000e+00 : f32
        %mul3A_105 = vector.broadcast %mul3A_104 : f32 to vector<16xf32>
        %mul3A_106 = arith.mulf %get3A_103, %mul3A_105 : vector<16xf32>
        %swap3A_107 = arith.index_cast %add3A_88 : i32 to index
        %swap3A_108 = arith.constant 16 : index
        %swap3A_109 = tpu.vector_load %arg8[%swap3A_107, %swap3A_108] {strides = array<i32>} : memref<256x128xf32, #tpu.memory_space<vmem>>, vector<1x16xf32>,
        %swap3A_110 = vector.shape_cast %swap3A_109 : vector<1x16xf32> to vector<16xf32>
        %swap3A_111 = vector.shape_cast %mul3A_106 : vector<16xf32> to vector<1x16xf32>
        tpu.vector_store %arg8[%swap3A_107, %swap3A_108], %swap3A_111 {strides = array<i32>} : memref<256x128xf32, #tpu.memory_space<vmem>>, vector<1x16xf32>,
        %get3A_112 = arith.index_cast %add3A_69 : i32 to index
        %get3A_113 = arith.constant 32 : index
        %get3A_114 = tpu.vector_load %arg7[%get3A_112, %get3A_113] {strides = array<i32>} : memref<256x64xf32, #tpu.memory_space<vmem>>, vector<1x16xf32>,
        %get3A_115 = vector.shape_cast %get3A_114 : vector<1x16xf32> to vector<16xf32>
        %mul3A_116 = arith.constant 8.000000e+00 : f32
        %mul3A_117 = vector.broadcast %mul3A_116 : f32 to vector<16xf32>
        %mul3A_118 = arith.mulf %get3A_115, %mul3A_117 : vector<16xf32>
        %swap3A_119 = arith.index_cast %add3A_88 : i32 to index
        %swap3A_120 = arith.constant 32 : index
        %swap3A_121 = tpu.vector_load %arg8[%swap3A_119, %swap3A_120] {strides = array<i32>} : memref<256x128xf32, #tpu.memory_space<vmem>>, vector<1x16xf32>,
        %swap3A_122 = vector.shape_cast %swap3A_121 : vector<1x16xf32> to vector<16xf32>
        %swap3A_123 = vector.shape_cast %mul3A_118 : vector<16xf32> to vector<1x16xf32>
        tpu.vector_store %arg8[%swap3A_119, %swap3A_120], %swap3A_123 {strides = array<i32>} : memref<256x128xf32, #tpu.memory_space<vmem>>, vector<1x16xf32>,
        %get3A_124 = arith.index_cast %add3A_69 : i32 to index
        %get3A_125 = arith.constant 48 : index
        %get3A_126 = tpu.vector_load %arg7[%get3A_124, %get3A_125] {strides = array<i32>} : memref<256x64xf32, #tpu.memory_space<vmem>>, vector<1x16xf32>,
        %get3A_127 = vector.shape_cast %get3A_126 : vector<1x16xf32> to vector<16xf32>
        %mul3A_128 = arith.constant 8.000000e+00 : f32
        %mul3A_129 = vector.broadcast %mul3A_128 : f32 to vector<16xf32>
        %mul3A_130 = arith.mulf %get3A_127, %mul3A_129 : vector<16xf32>
        %swap3A_131 = arith.index_cast %add3A_88 : i32 to index
        %swap3A_132 = arith.constant 48 : index
        %swap3A_133 = tpu.vector_load %arg8[%swap3A_131, %swap3A_132] {strides = array<i32>} : memref<256x128xf32, #tpu.memory_space<vmem>>, vector<1x16xf32>,
        %swap3A_134 = vector.shape_cast %swap3A_133 : vector<1x16xf32> to vector<16xf32>
        %swap3A_135 = vector.shape_cast %mul3A_130 : vector<16xf32> to vector<1x16xf32>
        tpu.vector_store %arg8[%swap3A_131, %swap3A_132], %swap3A_135 {strides = array<i32>} : memref<256x128xf32, #tpu.memory_space<vmem>>, vector<1x16xf32>,
        %slice3A_136 = vector.extract_strided_slice %get3A_61 {offsets = [1], sizes = [1], strides = [1]} : vector<16xi32> to vector<1xi32>
        %squeeze3A_137 = vector.extract %slice3A_136[0] : i32 from vector<1xi32>
        %mul3A_138 = arith.constant 16 : i32
        %mul3A_139 = arith.muli %scan3A_56, %mul3A_138 : i32
        %add3A_140 = arith.constant 1 : i32
        %add3A_141 = arith.addi %mul3A_139, %add3A_140 : i32
        %mul3A_142 = arith.constant 8 : i32
        %mul3A_143 = arith.muli %add3A_141, %mul3A_142 : i32
        %and3A_144 = arith.constant 7 : i32
        %and3A_145 = arith.andi %squeeze3A_137, %and3A_144 : i32
        %add3A_146 = arith.addi %mul3A_143, %and3A_145 : i32
        %jit3A_147 = arith.constant 2 : i32
        %div3A_148 = arith.divsi %add3A_59, %jit3A_147 : i32
        %sign3A_149 = arith.constant 0 : i32
        %sign3A_150 = arith.cmpi sgt, %add3A_59, %sign3A_149 : i32
        %sign3A_151 = arith.extui %sign3A_150 : i1 to i32
        %sign3A_152 = arith.constant 0 : i32
        %sign3A_153 = arith.cmpi slt, %add3A_59, %sign3A_152 : i32
        %sign3A_154 = arith.extui %sign3A_153 : i1 to i32
        %sign3A_155 = arith.subi %sign3A_151, %sign3A_154 : i32
        %sign3A_156 = arith.constant 0 : i32
        %sign3A_157 = arith.cmpi sgt, %jit3A_147, %sign3A_156 : i32
        %sign3A_158 = arith.extui %sign3A_157 : i1 to i32
        %sign3A_159 = arith.constant 0 : i32
        %sign3A_160 = arith.cmpi slt, %jit3A_147, %sign3A_159 : i32
        %sign3A_161 = arith.extui %sign3A_160 : i1 to i32
        %sign3A_162 = arith.subi %sign3A_158, %sign3A_161 : i32
        %ne3A_163 = arith.cmpi ne, %sign3A_155, %sign3A_162 : i32
        %rem3A_164 = arith.remsi %add3A_59, %jit3A_147 : i32
        %ne3A_165 = arith.constant 0 : i32
        %ne3A_166 = arith.cmpi ne, %rem3A_164, %ne3A_165 : i32
        %and3A_167 = arith.andi %ne3A_163, %ne3A_166 : i1
        %sub3A_168 = arith.constant 1 : i32
        %sub3A_169 = arith.subi %div3A_148, %sub3A_168 : i32
        %select_n3A_170 = arith.select %and3A_167, %sub3A_169, %div3A_148 : i32
        %add3A_171 = arith.constant 0 : i32
        %add3A_172 = arith.addi %select_n3A_170, %add3A_171 : i32
        %get3A_173 = arith.index_cast %add3A_146 : i32 to index
        %get3A_174 = arith.constant 0 : index
        %get3A_175 = tpu.vector_load %arg7[%get3A_173, %get3A_174] {strides = array<i32>} : memref<256x64xf32, #tpu.memory_space<vmem>>, vector<1x16xf32>,
        %get3A_176 = vector.shape_cast %get3A_175 : vector<1x16xf32> to vector<16xf32>
        %mul3A_177 = arith.constant 8.000000e+00 : f32
        %mul3A_178 = vector.broadcast %mul3A_177 : f32 to vector<16xf32>
        %mul3A_179 = arith.mulf %get3A_176, %mul3A_178 : vector<16xf32>
        %swap3A_180 = arith.index_cast %add3A_172 : i32 to index
        %swap3A_181 = arith.constant 64 : index
        %swap3A_182 = tpu.vector_load %arg8[%swap3A_180, %swap3A_181] {strides = array<i32>} : memref<256x128xf32, #tpu.memory_space<vmem>>, vector<1x16xf32>,
        %swap3A_183 = vector.shape_cast %swap3A_182 : vector<1x16xf32> to vector<16xf32>
        %swap3A_184 = vector.shape_cast %mul3A_179 : vector<16xf32> to vector<1x16xf32>
        tpu.vector_store %arg8[%swap3A_180, %swap3A_181], %swap3A_184 {strides = array<i32>} : memref<256x128xf32, #tpu.memory_space<vmem>>, vector<1x16xf32>,
        %get3A_185 = arith.index_cast %add3A_146 : i32 to index
        %get3A_186 = arith.constant 16 : index
        %get3A_187 = tpu.vector_load %arg7[%get3A_185, %get3A_186] {strides = array<i32>} : memref<256x64xf32, #tpu.memory_space<vmem>>, vector<1x16xf32>,
        %get3A_188 = vector.shape_cast %get3A_187 : vector<1x16xf32> to vector<16xf32>
        %mul3A_189 = arith.constant 8.000000e+00 : f32
        %mul3A_190 = vector.broadcast %mul3A_189 : f32 to vector<16xf32>
        %mul3A_191 = arith.mulf %get3A_188, %mul3A_190 : vector<16xf32>
        %swap3A_192 = arith.index_cast %add3A_172 : i32 to index
        %swap3A_193 = arith.constant 80 : index
        %swap3A_194 = tpu.vector_load %arg8[%swap3A_192, %swap3A_193] {strides = array<i32>} : memref<256x128xf32, #tpu.memory_space<vmem>>, vector<1x16xf32>,
        %swap3A_195 = vector.shape_cast %swap3A_194 : vector<1x16xf32> to vector<16xf32>
        %swap3A_196 = vector.shape_cast %mul3A_191 : vector<16xf32> to vector<1x16xf32>
        tpu.vector_store %arg8[%swap3A_192, %swap3A_193], %swap3A_196 {strides = array<i32>} : memref<256x128xf32, #tpu.memory_space<vmem>>, vector<1x16xf32>,
        %get3A_197 = arith.index_cast %add3A_146 : i32 to index
        %get3A_198 = arith.constant 32 : index
        %get3A_199 = tpu.vector_load %arg7[%get3A_197, %get3A_198] {strides = array<i32>} : memref<256x64xf32, #tpu.memory_space<vmem>>, vector<1x16xf32>,
        %get3A_200 = vector.shape_cast %get3A_199 : vector<1x16xf32> to vector<16xf32>
        %mul3A_201 = arith.constant 8.000000e+00 : f32
        %mul3A_202 = vector.broadcast %mul3A_201 : f32 to vector<16xf32>
        %mul3A_203 = arith.mulf %get3A_200, %mul3A_202 : vector<16xf32>
        %swap3A_204 = arith.index_cast %add3A_172 : i32 to index
        %swap3A_205 = arith.constant 96 : index
        %swap3A_206 = tpu.vector_load %arg8[%swap3A_204, %swap3A_205] {strides = array<i32>} : memref<256x128xf32, #tpu.memory_space<vmem>>, vector<1x16xf32>,
        %swap3A_207 = vector.shape_cast %swap3A_206 : vector<1x16xf32> to vector<16xf32>
        %swap3A_208 = vector.shape_cast %mul3A_203 : vector<16xf32> to vector<1x16xf32>
        tpu.vector_store %arg8[%swap3A_204, %swap3A_205], %swap3A_208 {strides = array<i32>} : memref<256x128xf32, #tpu.memory_space<vmem>>, vector<1x16xf32>,
        %get3A_209 = arith.index_cast %add3A_146 : i32 to index
        %get3A_210 = arith.constant 48 : index
        %get3A_211 = tpu.vector_load %arg7[%get3A_209, %get3A_210] {strides = array<i32>} : memref<256x64xf32, #tpu.memory_space<vmem>>, vector<1x16xf32>,
        %get3A_212 = vector.shape_cast %get3A_211 : vector<1x16xf32> to vector<16xf32>
        %mul3A_213 = arith.constant 8.000000e+00 : f32
        %mul3A_214 = vector.broadcast %mul3A_213 : f32 to vector<16xf32>
        %mul3A_215 = arith.mulf %get3A_212, %mul3A_214 : vector<16xf32>
        %swap3A_216 = arith.index_cast %add3A_172 : i32 to index
        %swap3A_217 = arith.constant 112 : index
        %swap3A_218 = tpu.vector_load %arg8[%swap3A_216, %swap3A_217] {strides = array<i32>} : memref<256x128xf32, #tpu.memory_space<vmem>>, vector<1x16xf32>,
        %swap3A_219 = vector.shape_cast %swap3A_218 : vector<1x16xf32> to vector<16xf32>
        %swap3A_220 = vector.shape_cast %mul3A_215 : vector<16xf32> to vector<1x16xf32>
        tpu.vector_store %arg8[%swap3A_216, %swap3A_217], %swap3A_220 {strides = array<i32>} : memref<256x128xf32, #tpu.memory_space<vmem>>, vector<1x16xf32>,
        %slice3A_221 = vector.extract_strided_slice %get3A_61 {offsets = [2], sizes = [1], strides = [1]} : vector<16xi32> to vector<1xi32>
        %squeeze3A_222 = vector.extract %slice3A_221[0] : i32 from vector<1xi32>
        %mul3A_223 = arith.constant 16 : i32
        %mul3A_224 = arith.muli %scan3A_56, %mul3A_223 : i32
        %add3A_225 = arith.constant 2 : i32
        %add3A_226 = arith.addi %mul3A_224, %add3A_225 : i32
        %mul3A_227 = arith.constant 8 : i32
        %mul3A_228 = arith.muli %add3A_226, %mul3A_227 : i32
        %and3A_229 = arith.constant 7 : i32
        %and3A_230 = arith.andi %squeeze3A_222, %and3A_229 : i32
        %add3A_231 = arith.addi %mul3A_228, %and3A_230 : i32
        %jit3A_232 = arith.constant 2 : i32
        %div3A_233 = arith.divsi %add3A_59, %jit3A_232 : i32
        %sign3A_234 = arith.constant 0 : i32
        %sign3A_235 = arith.cmpi sgt, %add3A_59, %sign3A_234 : i32
        %sign3A_236 = arith.extui %sign3A_235 : i1 to i32
        %sign3A_237 = arith.constant 0 : i32
        %sign3A_238 = arith.cmpi slt, %add3A_59, %sign3A_237 : i32
        %sign3A_239 = arith.extui %sign3A_238 : i1 to i32
        %sign3A_240 = arith.subi %sign3A_236, %sign3A_239 : i32
        %sign3A_241 = arith.constant 0 : i32
        %sign3A_242 = arith.cmpi sgt, %jit3A_232, %sign3A_241 : i32
        %sign3A_243 = arith.extui %sign3A_242 : i1 to i32
        %sign3A_244 = arith.constant 0 : i32
        %sign3A_245 = arith.cmpi slt, %jit3A_232, %sign3A_244 : i32
        %sign3A_246 = arith.extui %sign3A_245 : i1 to i32
        %sign3A_247 = arith.subi %sign3A_243, %sign3A_246 : i32
        %ne3A_248 = arith.cmpi ne, %sign3A_240, %sign3A_247 : i32
        %rem3A_249 = arith.remsi %add3A_59, %jit3A_232 : i32
        %ne3A_250 = arith.constant 0 : i32
        %ne3A_251 = arith.cmpi ne, %rem3A_249, %ne3A_250 : i32
        %and3A_252 = arith.andi %ne3A_248, %ne3A_251 : i1
        %sub3A_253 = arith.constant 1 : i32
        %sub3A_254 = arith.subi %div3A_233, %sub3A_253 : i32
        %select_n3A_255 = arith.select %and3A_252, %sub3A_254, %div3A_233 : i32
        %add3A_256 = arith.constant 1 : i32
        %add3A_257 = arith.addi %select_n3A_255, %add3A_256 : i32
        %get3A_258 = arith.index_cast %add3A_231 : i32 to index
        %get3A_259 = arith.constant 0 : index
        %get3A_260 = tpu.vector_load %arg7[%get3A_258, %get3A_259] {strides = array<i32>} : memref<256x64xf32, #tpu.memory_space<vmem>>, vector<1x16xf32>,
        %get3A_261 = vector.shape_cast %get3A_260 : vector<1x16xf32> to vector<16xf32>
        %mul3A_262 = arith.constant 8.000000e+00 : f32
        %mul3A_263 = vector.broadcast %mul3A_262 : f32 to vector<16xf32>
        %mul3A_264 = arith.mulf %get3A_261, %mul3A_263 : vector<16xf32>
        %swap3A_265 = arith.index_cast %add3A_257 : i32 to index
        %swap3A_266 = arith.constant 0 : index
        %swap3A_267 = tpu.vector_load %arg8[%swap3A_265, %swap3A_266] {strides = array<i32>} : memref<256x128xf32, #tpu.memory_space<vmem>>, vector<1x16xf32>,
        %swap3A_268 = vector.shape_cast %swap3A_267 : vector<1x16xf32> to vector<16xf32>
        %swap3A_269 = vector.shape_cast %mul3A_264 : vector<16xf32> to vector<1x16xf32>
        tpu.vector_store %arg8[%swap3A_265, %swap3A_266], %swap3A_269 {strides = array<i32>} : memref<256x128xf32, #tpu.memory_space<vmem>>, vector<1x16xf32>,
        %get3A_270 = arith.index_cast %add3A_231 : i32 to index
        %get3A_271 = arith.constant 16 : index
        %get3A_272 = tpu.vector_load %arg7[%get3A_270, %get3A_271] {strides = array<i32>} : memref<256x64xf32, #tpu.memory_space<vmem>>, vector<1x16xf32>,
        %get3A_273 = vector.shape_cast %get3A_272 : vector<1x16xf32> to vector<16xf32>
        %mul3A_274 = arith.constant 8.000000e+00 : f32
        %mul3A_275 = vector.broadcast %mul3A_274 : f32 to vector<16xf32>
        %mul3A_276 = arith.mulf %get3A_273, %mul3A_275 : vector<16xf32>
        %swap3A_277 = arith.index_cast %add3A_257 : i32 to index
        %swap3A_278 = arith.constant 16 : index
        %swap3A_279 = tpu.vector_load %arg8[%swap3A_277, %swap3A_278] {strides = array<i32>} : memref<256x128xf32, #tpu.memory_space<vmem>>, vector<1x16xf32>,
        %swap3A_280 = vector.shape_cast %swap3A_279 : vector<1x16xf32> to vector<16xf32>
        %swap3A_281 = vector.shape_cast %mul3A_276 : vector<16xf32> to vector<1x16xf32>
        tpu.vector_store %arg8[%swap3A_277, %swap3A_278], %swap3A_281 {strides = array<i32>} : memref<256x128xf32, #tpu.memory_space<vmem>>, vector<1x16xf32>,
        %get3A_282 = arith.index_cast %add3A_231 : i32 to index
        %get3A_283 = arith.constant 32 : index
        %get3A_284 = tpu.vector_load %arg7[%get3A_282, %get3A_283] {strides = array<i32>} : memref<256x64xf32, #tpu.memory_space<vmem>>, vector<1x16xf32>,
        %get3A_285 = vector.shape_cast %get3A_284 : vector<1x16xf32> to vector<16xf32>
        %mul3A_286 = arith.constant 8.000000e+00 : f32
        %mul3A_287 = vector.broadcast %mul3A_286 : f32 to vector<16xf32>
        %mul3A_288 = arith.mulf %get3A_285, %mul3A_287 : vector<16xf32>
        %swap3A_289 = arith.index_cast %add3A_257 : i32 to index
        %swap3A_290 = arith.constant 32 : index
        %swap3A_291 = tpu.vector_load %arg8[%swap3A_289, %swap3A_290] {strides = array<i32>} : memref<256x128xf32, #tpu.memory_space<vmem>>, vector<1x16xf32>,
        %swap3A_292 = vector.shape_cast %swap3A_291 : vector<1x16xf32> to vector<16xf32>
        %swap3A_293 = vector.shape_cast %mul3A_288 : vector<16xf32> to vector<1x16xf32>
        tpu.vector_store %arg8[%swap3A_289, %swap3A_290], %swap3A_293 {strides = array<i32>} : memref<256x128xf32, #tpu.memory_space<vmem>>, vector<1x16xf32>,
        %get3A_294 = arith.index_cast %add3A_231 : i32 to index
        %get3A_295 = arith.constant 48 : index
        %get3A_296 = tpu.vector_load %arg7[%get3A_294, %get3A_295] {strides = array<i32>} : memref<256x64xf32, #tpu.memory_space<vmem>>, vector<1x16xf32>,
        %get3A_297 = vector.shape_cast %get3A_296 : vector<1x16xf32> to vector<16xf32>
        %mul3A_298 = arith.constant 8.000000e+00 : f32
        %mul3A_299 = vector.broadcast %mul3A_298 : f32 to vector<16xf32>
        %mul3A_300 = arith.mulf %get3A_297, %mul3A_299 : vector<16xf32>
        %swap3A_301 = arith.index_cast %add3A_257 : i32 to index
        %swap3A_302 = arith.constant 48 : index
        %swap3A_303 = tpu.vector_load %arg8[%swap3A_301, %swap3A_302] {strides = array<i32>} : memref<256x128xf32, #tpu.memory_space<vmem>>, vector<1x16xf32>,
        %swap3A_304 = vector.shape_cast %swap3A_303 : vector<1x16xf32> to vector<16xf32>
        %swap3A_305 = vector.shape_cast %mul3A_300 : vector<16xf32> to vector<1x16xf32>
        tpu.vector_store %arg8[%swap3A_301, %swap3A_302], %swap3A_305 {strides = array<i32>} : memref<256x128xf32, #tpu.memory_space<vmem>>, vector<1x16xf32>,
        %slice3A_306 = vector.extract_strided_slice %get3A_61 {offsets = [3], sizes = [1], strides = [1]} : vector<16xi32> to vector<1xi32>
        %squeeze3A_307 = vector.extract %slice3A_306[0] : i32 from vector<1xi32>
        %mul3A_308 = arith.constant 16 : i32
        %mul3A_309 = arith.muli %scan3A_56, %mul3A_308 : i32
        %add3A_310 = arith.constant 3 : i32
        %add3A_311 = arith.addi %mul3A_309, %add3A_310 : i32
        %mul3A_312 = arith.constant 8 : i32
        %mul3A_313 = arith.muli %add3A_311, %mul3A_312 : i32
        %and3A_314 = arith.constant 7 : i32
        %and3A_315 = arith.andi %squeeze3A_307, %and3A_314 : i32
        %add3A_316 = arith.addi %mul3A_313, %and3A_315 : i32
        %jit3A_317 = arith.constant 2 : i32
        %div3A_318 = arith.divsi %add3A_59, %jit3A_317 : i32
        %sign3A_319 = arith.constant 0 : i32
        %sign3A_320 = arith.cmpi sgt, %add3A_59, %sign3A_319 : i32
        %sign3A_321 = arith.extui %sign3A_320 : i1 to i32
        %sign3A_322 = arith.constant 0 : i32
        %sign3A_323 = arith.cmpi slt, %add3A_59, %sign3A_322 : i32
        %sign3A_324 = arith.extui %sign3A_323 : i1 to i32
        %sign3A_325 = arith.subi %sign3A_321, %sign3A_324 : i32
        %sign3A_326 = arith.constant 0 : i32
        %sign3A_327 = arith.cmpi sgt, %jit3A_317, %sign3A_326 : i32
        %sign3A_328 = arith.extui %sign3A_327 : i1 to i32
        %sign3A_329 = arith.constant 0 : i32
        %sign3A_330 = arith.cmpi slt, %jit3A_317, %sign3A_329 : i32
        %sign3A_331 = arith.extui %sign3A_330 : i1 to i32
        %sign3A_332 = arith.subi %sign3A_328, %sign3A_331 : i32
        %ne3A_333 = arith.cmpi ne, %sign3A_325, %sign3A_332 : i32
        %rem3A_334 = arith.remsi %add3A_59, %jit3A_317 : i32
        %ne3A_335 = arith.constant 0 : i32
        %ne3A_336 = arith.cmpi ne, %rem3A_334, %ne3A_335 : i32
        %and3A_337 = arith.andi %ne3A_333, %ne3A_336 : i1
        %sub3A_338 = arith.constant 1 : i32
        %sub3A_339 = arith.subi %div3A_318, %sub3A_338 : i32
        %select_n3A_340 = arith.select %and3A_337, %sub3A_339, %div3A_318 : i32
        %add3A_341 = arith.constant 1 : i32
        %add3A_342 = arith.addi %select_n3A_340, %add3A_341 : i32
        %get3A_343 = arith.index_cast %add3A_316 : i32 to index
        %get3A_344 = arith.constant 0 : index
        %get3A_345 = tpu.vector_load %arg7[%get3A_343, %get3A_344] {strides = array<i32>} : memref<256x64xf32, #tpu.memory_space<vmem>>, vector<1x16xf32>,
        %get3A_346 = vector.shape_cast %get3A_345 : vector<1x16xf32> to vector<16xf32>
        %mul3A_347 = arith.constant 8.000000e+00 : f32
        %mul3A_348 = vector.broadcast %mul3A_347 : f32 to vector<16xf32>
        %mul3A_349 = arith.mulf %get3A_346, %mul3A_348 : vector<16xf32>
        %swap3A_350 = arith.index_cast %add3A_342 : i32 to index
        %swap3A_351 = arith.constant 64 : index
        %swap3A_352 = tpu.vector_load %arg8[%swap3A_350, %swap3A_351] {strides = array<i32>} : memref<256x128xf32, #tpu.memory_space<vmem>>, vector<1x16xf32>,
        %swap3A_353 = vector.shape_cast %swap3A_352 : vector<1x16xf32> to vector<16xf32>
        %swap3A_354 = vector.shape_cast %mul3A_349 : vector<16xf32> to vector<1x16xf32>
        tpu.vector_store %arg8[%swap3A_350, %swap3A_351], %swap3A_354 {strides = array<i32>} : memref<256x128xf32, #tpu.memory_space<vmem>>, vector<1x16xf32>,
        %get3A_355 = arith.index_cast %add3A_316 : i32 to index
        %get3A_356 = arith.constant 16 : index
        %get3A_357 = tpu.vector_load %arg7[%get3A_355, %get3A_356] {strides = array<i32>} : memref<256x64xf32, #tpu.memory_space<vmem>>, vector<1x16xf32>,
        %get3A_358 = vector.shape_cast %get3A_357 : vector<1x16xf32> to vector<16xf32>
        %mul3A_359 = arith.constant 8.000000e+00 : f32
        %mul3A_360 = vector.broadcast %mul3A_359 : f32 to vector<16xf32>
        %mul3A_361 = arith.mulf %get3A_358, %mul3A_360 : vector<16xf32>
        %swap3A_362 = arith.index_cast %add3A_342 : i32 to index
        %swap3A_363 = arith.constant 80 : index
        %swap3A_364 = tpu.vector_load %arg8[%swap3A_362, %swap3A_363] {strides = array<i32>} : memref<256x128xf32, #tpu.memory_space<vmem>>, vector<1x16xf32>,
        %swap3A_365 = vector.shape_cast %swap3A_364 : vector<1x16xf32> to vector<16xf32>
        %swap3A_366 = vector.shape_cast %mul3A_361 : vector<16xf32> to vector<1x16xf32>
        tpu.vector_store %arg8[%swap3A_362, %swap3A_363], %swap3A_366 {strides = array<i32>} : memref<256x128xf32, #tpu.memory_space<vmem>>, vector<1x16xf32>,
        %get3A_367 = arith.index_cast %add3A_316 : i32 to index
        %get3A_368 = arith.constant 32 : index
        %get3A_369 = tpu.vector_load %arg7[%get3A_367, %get3A_368] {strides = array<i32>} : memref<256x64xf32, #tpu.memory_space<vmem>>, vector<1x16xf32>,
        %get3A_370 = vector.shape_cast %get3A_369 : vector<1x16xf32> to vector<16xf32>
        %mul3A_371 = arith.constant 8.000000e+00 : f32
        %mul3A_372 = vector.broadcast %mul3A_371 : f32 to vector<16xf32>
        %mul3A_373 = arith.mulf %get3A_370, %mul3A_372 : vector<16xf32>
        %swap3A_374 = arith.index_cast %add3A_342 : i32 to index
        %swap3A_375 = arith.constant 96 : index
        %swap3A_376 = tpu.vector_load %arg8[%swap3A_374, %swap3A_375] {strides = array<i32>} : memref<256x128xf32, #tpu.memory_space<vmem>>, vector<1x16xf32>,
        %swap3A_377 = vector.shape_cast %swap3A_376 : vector<1x16xf32> to vector<16xf32>
        %swap3A_378 = vector.shape_cast %mul3A_373 : vector<16xf32> to vector<1x16xf32>
        tpu.vector_store %arg8[%swap3A_374, %swap3A_375], %swap3A_378 {strides = array<i32>} : memref<256x128xf32, #tpu.memory_space<vmem>>, vector<1x16xf32>,
        %get3A_379 = arith.index_cast %add3A_316 : i32 to index
        %get3A_380 = arith.constant 48 : index
        %get3A_381 = tpu.vector_load %arg7[%get3A_379, %get3A_380] {strides = array<i32>} : memref<256x64xf32, #tpu.memory_space<vmem>>, vector<1x16xf32>,
        %get3A_382 = vector.shape_cast %get3A_381 : vector<1x16xf32> to vector<16xf32>
        %mul3A_383 = arith.constant 8.000000e+00 : f32
        %mul3A_384 = vector.broadcast %mul3A_383 : f32 to vector<16xf32>
        %mul3A_385 = arith.mulf %get3A_382, %mul3A_384 : vector<16xf32>
        %swap3A_386 = arith.index_cast %add3A_342 : i32 to index
        %swap3A_387 = arith.constant 112 : index
        %swap3A_388 = tpu.vector_load %arg8[%swap3A_386, %swap3A_387] {strides = array<i32>} : memref<256x128xf32, #tpu.memory_space<vmem>>, vector<1x16xf32>,
        %swap3A_389 = vector.shape_cast %swap3A_388 : vector<1x16xf32> to vector<16xf32>
        %swap3A_390 = vector.shape_cast %mul3A_385 : vector<16xf32> to vector<1x16xf32>
        tpu.vector_store %arg8[%swap3A_386, %swap3A_387], %swap3A_390 {strides = array<i32>} : memref<256x128xf32, #tpu.memory_space<vmem>>, vector<1x16xf32>,
        %slice3A_391 = vector.extract_strided_slice %get3A_61 {offsets = [4], sizes = [1], strides = [1]} : vector<16xi32> to vector<1xi32>
        %squeeze3A_392 = vector.extract %slice3A_391[0] : i32 from vector<1xi32>
        %mul3A_393 = arith.constant 16 : i32
        %mul3A_394 = arith.muli %scan3A_56, %mul3A_393 : i32
        %add3A_395 = arith.constant 4 : i32
        %add3A_396 = arith.addi %mul3A_394, %add3A_395 : i32
        %mul3A_397 = arith.constant 8 : i32
        %mul3A_398 = arith.muli %add3A_396, %mul3A_397 : i32
        %and3A_399 = arith.constant 7 : i32
        %and3A_400 = arith.andi %squeeze3A_392, %and3A_399 : i32
        %add3A_401 = arith.addi %mul3A_398, %and3A_400 : i32
        %jit3A_402 = arith.constant 2 : i32
        %div3A_403 = arith.divsi %add3A_59, %jit3A_402 : i32
        %sign3A_404 = arith.constant 0 : i32
        %sign3A_405 = arith.cmpi sgt, %add3A_59, %sign3A_404 : i32
        %sign3A_406 = arith.extui %sign3A_405 : i1 to i32
        %sign3A_407 = arith.constant 0 : i32
        %sign3A_408 = arith.cmpi slt, %add3A_59, %sign3A_407 : i32
        %sign3A_409 = arith.extui %sign3A_408 : i1 to i32
        %sign3A_410 = arith.subi %sign3A_406, %sign3A_409 : i32
        %sign3A_411 = arith.constant 0 : i32
        %sign3A_412 = arith.cmpi sgt, %jit3A_402, %sign3A_411 : i32
        %sign3A_413 = arith.extui %sign3A_412 : i1 to i32
        %sign3A_414 = arith.constant 0 : i32
        %sign3A_415 = arith.cmpi slt, %jit3A_402, %sign3A_414 : i32
        %sign3A_416 = arith.extui %sign3A_415 : i1 to i32
        %sign3A_417 = arith.subi %sign3A_413, %sign3A_416 : i32
        %ne3A_418 = arith.cmpi ne, %sign3A_410, %sign3A_417 : i32
        %rem3A_419 = arith.remsi %add3A_59, %jit3A_402 : i32
        %ne3A_420 = arith.constant 0 : i32
        %ne3A_421 = arith.cmpi ne, %rem3A_419, %ne3A_420 : i32
        %and3A_422 = arith.andi %ne3A_418, %ne3A_421 : i1
        %sub3A_423 = arith.constant 1 : i32
        %sub3A_424 = arith.subi %div3A_403, %sub3A_423 : i32
        %select_n3A_425 = arith.select %and3A_422, %sub3A_424, %div3A_403 : i32
        %add3A_426 = arith.constant 2 : i32
        %add3A_427 = arith.addi %select_n3A_425, %add3A_426 : i32
        %get3A_428 = arith.index_cast %add3A_401 : i32 to index
        %get3A_429 = arith.constant 0 : index
        %get3A_430 = tpu.vector_load %arg7[%get3A_428, %get3A_429] {strides = array<i32>} : memref<256x64xf32, #tpu.memory_space<vmem>>, vector<1x16xf32>,
        %get3A_431 = vector.shape_cast %get3A_430 : vector<1x16xf32> to vector<16xf32>
        %mul3A_432 = arith.constant 8.000000e+00 : f32
        %mul3A_433 = vector.broadcast %mul3A_432 : f32 to vector<16xf32>
        %mul3A_434 = arith.mulf %get3A_431, %mul3A_433 : vector<16xf32>
        %swap3A_435 = arith.index_cast %add3A_427 : i32 to index
        %swap3A_436 = arith.constant 0 : index
        %swap3A_437 = tpu.vector_load %arg8[%swap3A_435, %swap3A_436] {strides = array<i32>} : memref<256x128xf32, #tpu.memory_space<vmem>>, vector<1x16xf32>,
        %swap3A_438 = vector.shape_cast %swap3A_437 : vector<1x16xf32> to vector<16xf32>
        %swap3A_439 = vector.shape_cast %mul3A_434 : vector<16xf32> to vector<1x16xf32>
        tpu.vector_store %arg8[%swap3A_435, %swap3A_436], %swap3A_439 {strides = array<i32>} : memref<256x128xf32, #tpu.memory_space<vmem>>, vector<1x16xf32>,
        %get3A_440 = arith.index_cast %add3A_401 : i32 to index
        %get3A_441 = arith.constant 16 : index
        %get3A_442 = tpu.vector_load %arg7[%get3A_440, %get3A_441] {strides = array<i32>} : memref<256x64xf32, #tpu.memory_space<vmem>>, vector<1x16xf32>,
        %get3A_443 = vector.shape_cast %get3A_442 : vector<1x16xf32> to vector<16xf32>
        %mul3A_444 = arith.constant 8.000000e+00 : f32
        %mul3A_445 = vector.broadcast %mul3A_444 : f32 to vector<16xf32>
        %mul3A_446 = arith.mulf %get3A_443, %mul3A_445 : vector<16xf32>
        %swap3A_447 = arith.index_cast %add3A_427 : i32 to index
        %swap3A_448 = arith.constant 16 : index
        %swap3A_449 = tpu.vector_load %arg8[%swap3A_447, %swap3A_448] {strides = array<i32>} : memref<256x128xf32, #tpu.memory_space<vmem>>, vector<1x16xf32>,
        %swap3A_450 = vector.shape_cast %swap3A_449 : vector<1x16xf32> to vector<16xf32>
        %swap3A_451 = vector.shape_cast %mul3A_446 : vector<16xf32> to vector<1x16xf32>
        tpu.vector_store %arg8[%swap3A_447, %swap3A_448], %swap3A_451 {strides = array<i32>} : memref<256x128xf32, #tpu.memory_space<vmem>>, vector<1x16xf32>,
        %get3A_452 = arith.index_cast %add3A_401 : i32 to index
        %get3A_453 = arith.constant 32 : index
        %get3A_454 = tpu.vector_load %arg7[%get3A_452, %get3A_453] {strides = array<i32>} : memref<256x64xf32, #tpu.memory_space<vmem>>, vector<1x16xf32>,
        %get3A_455 = vector.shape_cast %get3A_454 : vector<1x16xf32> to vector<16xf32>
        %mul3A_456 = arith.constant 8.000000e+00 : f32
        %mul3A_457 = vector.broadcast %mul3A_456 : f32 to vector<16xf32>
        %mul3A_458 = arith.mulf %get3A_455, %mul3A_457 : vector<16xf32>
        %swap3A_459 = arith.index_cast %add3A_427 : i32 to index
        %swap3A_460 = arith.constant 32 : index
        %swap3A_461 = tpu.vector_load %arg8[%swap3A_459, %swap3A_460] {strides = array<i32>} : memref<256x128xf32, #tpu.memory_space<vmem>>, vector<1x16xf32>,
        %swap3A_462 = vector.shape_cast %swap3A_461 : vector<1x16xf32> to vector<16xf32>
        %swap3A_463 = vector.shape_cast %mul3A_458 : vector<16xf32> to vector<1x16xf32>
        tpu.vector_store %arg8[%swap3A_459, %swap3A_460], %swap3A_463 {strides = array<i32>} : memref<256x128xf32, #tpu.memory_space<vmem>>, vector<1x16xf32>,
        %get3A_464 = arith.index_cast %add3A_401 : i32 to index
        %get3A_465 = arith.constant 48 : index
        %get3A_466 = tpu.vector_load %arg7[%get3A_464, %get3A_465] {strides = array<i32>} : memref<256x64xf32, #tpu.memory_space<vmem>>, vector<1x16xf32>,
        %get3A_467 = vector.shape_cast %get3A_466 : vector<1x16xf32> to vector<16xf32>
        %mul3A_468 = arith.constant 8.000000e+00 : f32
        %mul3A_469 = vector.broadcast %mul3A_468 : f32 to vector<16xf32>
        %mul3A_470 = arith.mulf %get3A_467, %mul3A_469 : vector<16xf32>
        %swap3A_471 = arith.index_cast %add3A_427 : i32 to index
        %swap3A_472 = arith.constant 48 : index
        %swap3A_473 = tpu.vector_load %arg8[%swap3A_471, %swap3A_472] {strides = array<i32>} : memref<256x128xf32, #tpu.memory_space<vmem>>, vector<1x16xf32>,
        %swap3A_474 = vector.shape_cast %swap3A_473 : vector<1x16xf32> to vector<16xf32>
        %swap3A_475 = vector.shape_cast %mul3A_470 : vector<16xf32> to vector<1x16xf32>
        tpu.vector_store %arg8[%swap3A_471, %swap3A_472], %swap3A_475 {strides = array<i32>} : memref<256x128xf32, #tpu.memory_space<vmem>>, vector<1x16xf32>,
        %slice3A_476 = vector.extract_strided_slice %get3A_61 {offsets = [5], sizes = [1], strides = [1]} : vector<16xi32> to vector<1xi32>
        %squeeze3A_477 = vector.extract %slice3A_476[0] : i32 from vector<1xi32>
        %mul3A_478 = arith.constant 16 : i32
        %mul3A_479 = arith.muli %scan3A_56, %mul3A_478 : i32
        %add3A_480 = arith.constant 5 : i32
        %add3A_481 = arith.addi %mul3A_479, %add3A_480 : i32
        %mul3A_482 = arith.constant 8 : i32
        %mul3A_483 = arith.muli %add3A_481, %mul3A_482 : i32
        %and3A_484 = arith.constant 7 : i32
        %and3A_485 = arith.andi %squeeze3A_477, %and3A_484 : i32
        %add3A_486 = arith.addi %mul3A_483, %and3A_485 : i32
        %jit3A_487 = arith.constant 2 : i32
        %div3A_488 = arith.divsi %add3A_59, %jit3A_487 : i32
        %sign3A_489 = arith.constant 0 : i32
        %sign3A_490 = arith.cmpi sgt, %add3A_59, %sign3A_489 : i32
        %sign3A_491 = arith.extui %sign3A_490 : i1 to i32
        %sign3A_492 = arith.constant 0 : i32
        %sign3A_493 = arith.cmpi slt, %add3A_59, %sign3A_492 : i32
        %sign3A_494 = arith.extui %sign3A_493 : i1 to i32
        %sign3A_495 = arith.subi %sign3A_491, %sign3A_494 : i32
        %sign3A_496 = arith.constant 0 : i32
        %sign3A_497 = arith.cmpi sgt, %jit3A_487, %sign3A_496 : i32
        %sign3A_498 = arith.extui %sign3A_497 : i1 to i32
        %sign3A_499 = arith.constant 0 : i32
        %sign3A_500 = arith.cmpi slt, %jit3A_487, %sign3A_499 : i32
        %sign3A_501 = arith.extui %sign3A_500 : i1 to i32
        %sign3A_502 = arith.subi %sign3A_498, %sign3A_501 : i32
        %ne3A_503 = arith.cmpi ne, %sign3A_495, %sign3A_502 : i32
        %rem3A_504 = arith.remsi %add3A_59, %jit3A_487 : i32
        %ne3A_505 = arith.constant 0 : i32
        %ne3A_506 = arith.cmpi ne, %rem3A_504, %ne3A_505 : i32
        %and3A_507 = arith.andi %ne3A_503, %ne3A_506 : i1
        %sub3A_508 = arith.constant 1 : i32
        %sub3A_509 = arith.subi %div3A_488, %sub3A_508 : i32
        %select_n3A_510 = arith.select %and3A_507, %sub3A_509, %div3A_488 : i32
        %add3A_511 = arith.constant 2 : i32
        %add3A_512 = arith.addi %select_n3A_510, %add3A_511 : i32
        %get3A_513 = arith.index_cast %add3A_486 : i32 to index
        %get3A_514 = arith.constant 0 : index
        %get3A_515 = tpu.vector_load %arg7[%get3A_513, %get3A_514] {strides = array<i32>} : memref<256x64xf32, #tpu.memory_space<vmem>>, vector<1x16xf32>,
        %get3A_516 = vector.shape_cast %get3A_515 : vector<1x16xf32> to vector<16xf32>
        %mul3A_517 = arith.constant 8.000000e+00 : f32
        %mul3A_518 = vector.broadcast %mul3A_517 : f32 to vector<16xf32>
        %mul3A_519 = arith.mulf %get3A_516, %mul3A_518 : vector<16xf32>
        %swap3A_520 = arith.index_cast %add3A_512 : i32 to index
        %swap3A_521 = arith.constant 64 : index
        %swap3A_522 = tpu.vector_load %arg8[%swap3A_520, %swap3A_521] {strides = array<i32>} : memref<256x128xf32, #tpu.memory_space<vmem>>, vector<1x16xf32>,
        %swap3A_523 = vector.shape_cast %swap3A_522 : vector<1x16xf32> to vector<16xf32>
        %swap3A_524 = vector.shape_cast %mul3A_519 : vector<16xf32> to vector<1x16xf32>
        tpu.vector_store %arg8[%swap3A_520, %swap3A_521], %swap3A_524 {strides = array<i32>} : memref<256x128xf32, #tpu.memory_space<vmem>>, vector<1x16xf32>,
        %get3A_525 = arith.index_cast %add3A_486 : i32 to index
        %get3A_526 = arith.constant 16 : index
        %get3A_527 = tpu.vector_load %arg7[%get3A_525, %get3A_526] {strides = array<i32>} : memref<256x64xf32, #tpu.memory_space<vmem>>, vector<1x16xf32>,
        %get3A_528 = vector.shape_cast %get3A_527 : vector<1x16xf32> to vector<16xf32>
        %mul3A_529 = arith.constant 8.000000e+00 : f32
        %mul3A_530 = vector.broadcast %mul3A_529 : f32 to vector<16xf32>
        %mul3A_531 = arith.mulf %get3A_528, %mul3A_530 : vector<16xf32>
        %swap3A_532 = arith.index_cast %add3A_512 : i32 to index
        %swap3A_533 = arith.constant 80 : index
        %swap3A_534 = tpu.vector_load %arg8[%swap3A_532, %swap3A_533] {strides = array<i32>} : memref<256x128xf32, #tpu.memory_space<vmem>>, vector<1x16xf32>,
        %swap3A_535 = vector.shape_cast %swap3A_534 : vector<1x16xf32> to vector<16xf32>
        %swap3A_536 = vector.shape_cast %mul3A_531 : vector<16xf32> to vector<1x16xf32>
        tpu.vector_store %arg8[%swap3A_532, %swap3A_533], %swap3A_536 {strides = array<i32>} : memref<256x128xf32, #tpu.memory_space<vmem>>, vector<1x16xf32>,
        %get3A_537 = arith.index_cast %add3A_486 : i32 to index
        %get3A_538 = arith.constant 32 : index
        %get3A_539 = tpu.vector_load %arg7[%get3A_537, %get3A_538] {strides = array<i32>} : memref<256x64xf32, #tpu.memory_space<vmem>>, vector<1x16xf32>,
        %get3A_540 = vector.shape_cast %get3A_539 : vector<1x16xf32> to vector<16xf32>
        %mul3A_541 = arith.constant 8.000000e+00 : f32
        %mul3A_542 = vector.broadcast %mul3A_541 : f32 to vector<16xf32>
        %mul3A_543 = arith.mulf %get3A_540, %mul3A_542 : vector<16xf32>
        %swap3A_544 = arith.index_cast %add3A_512 : i32 to index
        %swap3A_545 = arith.constant 96 : index
        %swap3A_546 = tpu.vector_load %arg8[%swap3A_544, %swap3A_545] {strides = array<i32>} : memref<256x128xf32, #tpu.memory_space<vmem>>, vector<1x16xf32>,
        %swap3A_547 = vector.shape_cast %swap3A_546 : vector<1x16xf32> to vector<16xf32>
        %swap3A_548 = vector.shape_cast %mul3A_543 : vector<16xf32> to vector<1x16xf32>
        tpu.vector_store %arg8[%swap3A_544, %swap3A_545], %swap3A_548 {strides = array<i32>} : memref<256x128xf32, #tpu.memory_space<vmem>>, vector<1x16xf32>,
        %get3A_549 = arith.index_cast %add3A_486 : i32 to index
        %get3A_550 = arith.constant 48 : index
        %get3A_551 = tpu.vector_load %arg7[%get3A_549, %get3A_550] {strides = array<i32>} : memref<256x64xf32, #tpu.memory_space<vmem>>, vector<1x16xf32>,
        %get3A_552 = vector.shape_cast %get3A_551 : vector<1x16xf32> to vector<16xf32>
        %mul3A_553 = arith.constant 8.000000e+00 : f32
        %mul3A_554 = vector.broadcast %mul3A_553 : f32 to vector<16xf32>
        %mul3A_555 = arith.mulf %get3A_552, %mul3A_554 : vector<16xf32>
        %swap3A_556 = arith.index_cast %add3A_512 : i32 to index
        %swap3A_557 = arith.constant 112 : index
        %swap3A_558 = tpu.vector_load %arg8[%swap3A_556, %swap3A_557] {strides = array<i32>} : memref<256x128xf32, #tpu.memory_space<vmem>>, vector<1x16xf32>,
        %swap3A_559 = vector.shape_cast %swap3A_558 : vector<1x16xf32> to vector<16xf32>
        %swap3A_560 = vector.shape_cast %mul3A_555 : vector<16xf32> to vector<1x16xf32>
        tpu.vector_store %arg8[%swap3A_556, %swap3A_557], %swap3A_560 {strides = array<i32>} : memref<256x128xf32, #tpu.memory_space<vmem>>, vector<1x16xf32>,
        %slice3A_561 = vector.extract_strided_slice %get3A_61 {offsets = [6], sizes = [1], strides = [1]} : vector<16xi32> to vector<1xi32>
        %squeeze3A_562 = vector.extract %slice3A_561[0] : i32 from vector<1xi32>
        %mul3A_563 = arith.constant 16 : i32
        %mul3A_564 = arith.muli %scan3A_56, %mul3A_563 : i32
        %add3A_565 = arith.constant 6 : i32
        %add3A_566 = arith.addi %mul3A_564, %add3A_565 : i32
        %mul3A_567 = arith.constant 8 : i32
        %mul3A_568 = arith.muli %add3A_566, %mul3A_567 : i32
        %and3A_569 = arith.constant 7 : i32
        %and3A_570 = arith.andi %squeeze3A_562, %and3A_569 : i32
        %add3A_571 = arith.addi %mul3A_568, %and3A_570 : i32
        %jit3A_572 = arith.constant 2 : i32
        %div3A_573 = arith.divsi %add3A_59, %jit3A_572 : i32
        %sign3A_574 = arith.constant 0 : i32
        %sign3A_575 = arith.cmpi sgt, %add3A_59, %sign3A_574 : i32
        %sign3A_576 = arith.extui %sign3A_575 : i1 to i32
        %sign3A_577 = arith.constant 0 : i32
        %sign3A_578 = arith.cmpi slt, %add3A_59, %sign3A_577 : i32
        %sign3A_579 = arith.extui %sign3A_578 : i1 to i32
        %sign3A_580 = arith.subi %sign3A_576, %sign3A_579 : i32
        %sign3A_581 = arith.constant 0 : i32
        %sign3A_582 = arith.cmpi sgt, %jit3A_572, %sign3A_581 : i32
        %sign3A_583 = arith.extui %sign3A_582 : i1 to i32
        %sign3A_584 = arith.constant 0 : i32
        %sign3A_585 = arith.cmpi slt, %jit3A_572, %sign3A_584 : i32
        %sign3A_586 = arith.extui %sign3A_585 : i1 to i32
        %sign3A_587 = arith.subi %sign3A_583, %sign3A_586 : i32
        %ne3A_588 = arith.cmpi ne, %sign3A_580, %sign3A_587 : i32
        %rem3A_589 = arith.remsi %add3A_59, %jit3A_572 : i32
        %ne3A_590 = arith.constant 0 : i32
        %ne3A_591 = arith.cmpi ne, %rem3A_589, %ne3A_590 : i32
        %and3A_592 = arith.andi %ne3A_588, %ne3A_591 : i1
        %sub3A_593 = arith.constant 1 : i32
        %sub3A_594 = arith.subi %div3A_573, %sub3A_593 : i32
        %select_n3A_595 = arith.select %and3A_592, %sub3A_594, %div3A_573 : i32
        %add3A_596 = arith.constant 3 : i32
        %add3A_597 = arith.addi %select_n3A_595, %add3A_596 : i32
        %get3A_598 = arith.index_cast %add3A_571 : i32 to index
        %get3A_599 = arith.constant 0 : index
        %get3A_600 = tpu.vector_load %arg7[%get3A_598, %get3A_599] {strides = array<i32>} : memref<256x64xf32, #tpu.memory_space<vmem>>, vector<1x16xf32>,
        %get3A_601 = vector.shape_cast %get3A_600 : vector<1x16xf32> to vector<16xf32>
        %mul3A_602 = arith.constant 8.000000e+00 : f32
        %mul3A_603 = vector.broadcast %mul3A_602 : f32 to vector<16xf32>
        %mul3A_604 = arith.mulf %get3A_601, %mul3A_603 : vector<16xf32>
        %swap3A_605 = arith.index_cast %add3A_597 : i32 to index
        %swap3A_606 = arith.constant 0 : index
        %swap3A_607 = tpu.vector_load %arg8[%swap3A_605, %swap3A_606] {strides = array<i32>} : memref<256x128xf32, #tpu.memory_space<vmem>>, vector<1x16xf32>,
        %swap3A_608 = vector.shape_cast %swap3A_607 : vector<1x16xf32> to vector<16xf32>
        %swap3A_609 = vector.shape_cast %mul3A_604 : vector<16xf32> to vector<1x16xf32>
        tpu.vector_store %arg8[%swap3A_605, %swap3A_606], %swap3A_609 {strides = array<i32>} : memref<256x128xf32, #tpu.memory_space<vmem>>, vector<1x16xf32>,
        %get3A_610 = arith.index_cast %add3A_571 : i32 to index
        %get3A_611 = arith.constant 16 : index
        %get3A_612 = tpu.vector_load %arg7[%get3A_610, %get3A_611] {strides = array<i32>} : memref<256x64xf32, #tpu.memory_space<vmem>>, vector<1x16xf32>,
        %get3A_613 = vector.shape_cast %get3A_612 : vector<1x16xf32> to vector<16xf32>
        %mul3A_614 = arith.constant 8.000000e+00 : f32
        %mul3A_615 = vector.broadcast %mul3A_614 : f32 to vector<16xf32>
        %mul3A_616 = arith.mulf %get3A_613, %mul3A_615 : vector<16xf32>
        %swap3A_617 = arith.index_cast %add3A_597 : i32 to index
        %swap3A_618 = arith.constant 16 : index
        %swap3A_619 = tpu.vector_load %arg8[%swap3A_617, %swap3A_618] {strides = array<i32>} : memref<256x128xf32, #tpu.memory_space<vmem>>, vector<1x16xf32>,
        %swap3A_620 = vector.shape_cast %swap3A_619 : vector<1x16xf32> to vector<16xf32>
        %swap3A_621 = vector.shape_cast %mul3A_616 : vector<16xf32> to vector<1x16xf32>
        tpu.vector_store %arg8[%swap3A_617, %swap3A_618], %swap3A_621 {strides = array<i32>} : memref<256x128xf32, #tpu.memory_space<vmem>>, vector<1x16xf32>,
        %get3A_622 = arith.index_cast %add3A_571 : i32 to index
        %get3A_623 = arith.constant 32 : index
        %get3A_624 = tpu.vector_load %arg7[%get3A_622, %get3A_623] {strides = array<i32>} : memref<256x64xf32, #tpu.memory_space<vmem>>, vector<1x16xf32>,
        %get3A_625 = vector.shape_cast %get3A_624 : vector<1x16xf32> to vector<16xf32>
        %mul3A_626 = arith.constant 8.000000e+00 : f32
        %mul3A_627 = vector.broadcast %mul3A_626 : f32 to vector<16xf32>
        %mul3A_628 = arith.mulf %get3A_625, %mul3A_627 : vector<16xf32>
        %swap3A_629 = arith.index_cast %add3A_597 : i32 to index
        %swap3A_630 = arith.constant 32 : index
        %swap3A_631 = tpu.vector_load %arg8[%swap3A_629, %swap3A_630] {strides = array<i32>} : memref<256x128xf32, #tpu.memory_space<vmem>>, vector<1x16xf32>,
        %swap3A_632 = vector.shape_cast %swap3A_631 : vector<1x16xf32> to vector<16xf32>
        %swap3A_633 = vector.shape_cast %mul3A_628 : vector<16xf32> to vector<1x16xf32>
        tpu.vector_store %arg8[%swap3A_629, %swap3A_630], %swap3A_633 {strides = array<i32>} : memref<256x128xf32, #tpu.memory_space<vmem>>, vector<1x16xf32>,
        %get3A_634 = arith.index_cast %add3A_571 : i32 to index
        %get3A_635 = arith.constant 48 : index
        %get3A_636 = tpu.vector_load %arg7[%get3A_634, %get3A_635] {strides = array<i32>} : memref<256x64xf32, #tpu.memory_space<vmem>>, vector<1x16xf32>,
        %get3A_637 = vector.shape_cast %get3A_636 : vector<1x16xf32> to vector<16xf32>
        %mul3A_638 = arith.constant 8.000000e+00 : f32
        %mul3A_639 = vector.broadcast %mul3A_638 : f32 to vector<16xf32>
        %mul3A_640 = arith.mulf %get3A_637, %mul3A_639 : vector<16xf32>
        %swap3A_641 = arith.index_cast %add3A_597 : i32 to index
        %swap3A_642 = arith.constant 48 : index
        %swap3A_643 = tpu.vector_load %arg8[%swap3A_641, %swap3A_642] {strides = array<i32>} : memref<256x128xf32, #tpu.memory_space<vmem>>, vector<1x16xf32>,
        %swap3A_644 = vector.shape_cast %swap3A_643 : vector<1x16xf32> to vector<16xf32>
        %swap3A_645 = vector.shape_cast %mul3A_640 : vector<16xf32> to vector<1x16xf32>
        tpu.vector_store %arg8[%swap3A_641, %swap3A_642], %swap3A_645 {strides = array<i32>} : memref<256x128xf32, #tpu.memory_space<vmem>>, vector<1x16xf32>,
        %slice3A_646 = vector.extract_strided_slice %get3A_61 {offsets = [7], sizes = [1], strides = [1]} : vector<16xi32> to vector<1xi32>
        %squeeze3A_647 = vector.extract %slice3A_646[0] : i32 from vector<1xi32>
        %mul3A_648 = arith.constant 16 : i32
        %mul3A_649 = arith.muli %scan3A_56, %mul3A_648 : i32
        %add3A_650 = arith.constant 7 : i32
        %add3A_651 = arith.addi %mul3A_649, %add3A_650 : i32
        %mul3A_652 = arith.constant 8 : i32
        %mul3A_653 = arith.muli %add3A_651, %mul3A_652 : i32
        %and3A_654 = arith.constant 7 : i32
        %and3A_655 = arith.andi %squeeze3A_647, %and3A_654 : i32
        %add3A_656 = arith.addi %mul3A_653, %and3A_655 : i32
        %jit3A_657 = arith.constant 2 : i32
        %div3A_658 = arith.divsi %add3A_59, %jit3A_657 : i32
        %sign3A_659 = arith.constant 0 : i32
        %sign3A_660 = arith.cmpi sgt, %add3A_59, %sign3A_659 : i32
        %sign3A_661 = arith.extui %sign3A_660 : i1 to i32
        %sign3A_662 = arith.constant 0 : i32
        %sign3A_663 = arith.cmpi slt, %add3A_59, %sign3A_662 : i32
        %sign3A_664 = arith.extui %sign3A_663 : i1 to i32
        %sign3A_665 = arith.subi %sign3A_661, %sign3A_664 : i32
        %sign3A_666 = arith.constant 0 : i32
        %sign3A_667 = arith.cmpi sgt, %jit3A_657, %sign3A_666 : i32
        %sign3A_668 = arith.extui %sign3A_667 : i1 to i32
        %sign3A_669 = arith.constant 0 : i32
        %sign3A_670 = arith.cmpi slt, %jit3A_657, %sign3A_669 : i32
        %sign3A_671 = arith.extui %sign3A_670 : i1 to i32
        %sign3A_672 = arith.subi %sign3A_668, %sign3A_671 : i32
        %ne3A_673 = arith.cmpi ne, %sign3A_665, %sign3A_672 : i32
        %rem3A_674 = arith.remsi %add3A_59, %jit3A_657 : i32
        %ne3A_675 = arith.constant 0 : i32
        %ne3A_676 = arith.cmpi ne, %rem3A_674, %ne3A_675 : i32
        %and3A_677 = arith.andi %ne3A_673, %ne3A_676 : i1
        %sub3A_678 = arith.constant 1 : i32
        %sub3A_679 = arith.subi %div3A_658, %sub3A_678 : i32
        %select_n3A_680 = arith.select %and3A_677, %sub3A_679, %div3A_658 : i32
        %add3A_681 = arith.constant 3 : i32
        %add3A_682 = arith.addi %select_n3A_680, %add3A_681 : i32
        %get3A_683 = arith.index_cast %add3A_656 : i32 to index
        %get3A_684 = arith.constant 0 : index
        %get3A_685 = tpu.vector_load %arg7[%get3A_683, %get3A_684] {strides = array<i32>} : memref<256x64xf32, #tpu.memory_space<vmem>>, vector<1x16xf32>,
        %get3A_686 = vector.shape_cast %get3A_685 : vector<1x16xf32> to vector<16xf32>
        %mul3A_687 = arith.constant 8.000000e+00 : f32
        %mul3A_688 = vector.broadcast %mul3A_687 : f32 to vector<16xf32>
        %mul3A_689 = arith.mulf %get3A_686, %mul3A_688 : vector<16xf32>
        %swap3A_690 = arith.index_cast %add3A_682 : i32 to index
        %swap3A_691 = arith.constant 64 : index
        %swap3A_692 = tpu.vector_load %arg8[%swap3A_690, %swap3A_691] {strides = array<i32>} : memref<256x128xf32, #tpu.memory_space<vmem>>, vector<1x16xf32>,
        %swap3A_693 = vector.shape_cast %swap3A_692 : vector<1x16xf32> to vector<16xf32>
        %swap3A_694 = vector.shape_cast %mul3A_689 : vector<16xf32> to vector<1x16xf32>
        tpu.vector_store %arg8[%swap3A_690, %swap3A_691], %swap3A_694 {strides = array<i32>} : memref<256x128xf32, #tpu.memory_space<vmem>>, vector<1x16xf32>,
        %get3A_695 = arith.index_cast %add3A_656 : i32 to index
        %get3A_696 = arith.constant 16 : index
        %get3A_697 = tpu.vector_load %arg7[%get3A_695, %get3A_696] {strides = array<i32>} : memref<256x64xf32, #tpu.memory_space<vmem>>, vector<1x16xf32>,
        %get3A_698 = vector.shape_cast %get3A_697 : vector<1x16xf32> to vector<16xf32>
        %mul3A_699 = arith.constant 8.000000e+00 : f32
        %mul3A_700 = vector.broadcast %mul3A_699 : f32 to vector<16xf32>
        %mul3A_701 = arith.mulf %get3A_698, %mul3A_700 : vector<16xf32>
        %swap3A_702 = arith.index_cast %add3A_682 : i32 to index
        %swap3A_703 = arith.constant 80 : index
        %swap3A_704 = tpu.vector_load %arg8[%swap3A_702, %swap3A_703] {strides = array<i32>} : memref<256x128xf32, #tpu.memory_space<vmem>>, vector<1x16xf32>,
        %swap3A_705 = vector.shape_cast %swap3A_704 : vector<1x16xf32> to vector<16xf32>
        %swap3A_706 = vector.shape_cast %mul3A_701 : vector<16xf32> to vector<1x16xf32>
        tpu.vector_store %arg8[%swap3A_702, %swap3A_703], %swap3A_706 {strides = array<i32>} : memref<256x128xf32, #tpu.memory_space<vmem>>, vector<1x16xf32>,
        %get3A_707 = arith.index_cast %add3A_656 : i32 to index
        %get3A_708 = arith.constant 32 : index
        %get3A_709 = tpu.vector_load %arg7[%get3A_707, %get3A_708] {strides = array<i32>} : memref<256x64xf32, #tpu.memory_space<vmem>>, vector<1x16xf32>,
        %get3A_710 = vector.shape_cast %get3A_709 : vector<1x16xf32> to vector<16xf32>
        %mul3A_711 = arith.constant 8.000000e+00 : f32
        %mul3A_712 = vector.broadcast %mul3A_711 : f32 to vector<16xf32>
        %mul3A_713 = arith.mulf %get3A_710, %mul3A_712 : vector<16xf32>
        %swap3A_714 = arith.index_cast %add3A_682 : i32 to index
        %swap3A_715 = arith.constant 96 : index
        %swap3A_716 = tpu.vector_load %arg8[%swap3A_714, %swap3A_715] {strides = array<i32>} : memref<256x128xf32, #tpu.memory_space<vmem>>, vector<1x16xf32>,
        %swap3A_717 = vector.shape_cast %swap3A_716 : vector<1x16xf32> to vector<16xf32>
        %swap3A_718 = vector.shape_cast %mul3A_713 : vector<16xf32> to vector<1x16xf32>
        tpu.vector_store %arg8[%swap3A_714, %swap3A_715], %swap3A_718 {strides = array<i32>} : memref<256x128xf32, #tpu.memory_space<vmem>>, vector<1x16xf32>,
        %get3A_719 = arith.index_cast %add3A_656 : i32 to index
        %get3A_720 = arith.constant 48 : index
        %get3A_721 = tpu.vector_load %arg7[%get3A_719, %get3A_720] {strides = array<i32>} : memref<256x64xf32, #tpu.memory_space<vmem>>, vector<1x16xf32>,
        %get3A_722 = vector.shape_cast %get3A_721 : vector<1x16xf32> to vector<16xf32>
        %mul3A_723 = arith.constant 8.000000e+00 : f32
        %mul3A_724 = vector.broadcast %mul3A_723 : f32 to vector<16xf32>
        %mul3A_725 = arith.mulf %get3A_722, %mul3A_724 : vector<16xf32>
        %swap3A_726 = arith.index_cast %add3A_682 : i32 to index
        %swap3A_727 = arith.constant 112 : index
        %swap3A_728 = tpu.vector_load %arg8[%swap3A_726, %swap3A_727] {strides = array<i32>} : memref<256x128xf32, #tpu.memory_space<vmem>>, vector<1x16xf32>,
        %swap3A_729 = vector.shape_cast %swap3A_728 : vector<1x16xf32> to vector<16xf32>
        %swap3A_730 = vector.shape_cast %mul3A_725 : vector<16xf32> to vector<1x16xf32>
        tpu.vector_store %arg8[%swap3A_726, %swap3A_727], %swap3A_730 {strides = array<i32>} : memref<256x128xf32, #tpu.memory_space<vmem>>, vector<1x16xf32>,
        %slice3A_731 = vector.extract_strided_slice %get3A_61 {offsets = [8], sizes = [1], strides = [1]} : vector<16xi32> to vector<1xi32>
        %squeeze3A_732 = vector.extract %slice3A_731[0] : i32 from vector<1xi32>
        %mul3A_733 = arith.constant 16 : i32
        %mul3A_734 = arith.muli %scan3A_56, %mul3A_733 : i32
        %add3A_735 = arith.constant 8 : i32
        %add3A_736 = arith.addi %mul3A_734, %add3A_735 : i32
        %mul3A_737 = arith.constant 8 : i32
        %mul3A_738 = arith.muli %add3A_736, %mul3A_737 : i32
        %and3A_739 = arith.constant 7 : i32
        %and3A_740 = arith.andi %squeeze3A_732, %and3A_739 : i32
        %add3A_741 = arith.addi %mul3A_738, %and3A_740 : i32
        %jit3A_742 = arith.constant 2 : i32
        %div3A_743 = arith.divsi %add3A_59, %jit3A_742 : i32
        %sign3A_744 = arith.constant 0 : i32
        %sign3A_745 = arith.cmpi sgt, %add3A_59, %sign3A_744 : i32
        %sign3A_746 = arith.extui %sign3A_745 : i1 to i32
        %sign3A_747 = arith.constant 0 : i32
        %sign3A_748 = arith.cmpi slt, %add3A_59, %sign3A_747 : i32
        %sign3A_749 = arith.extui %sign3A_748 : i1 to i32
        %sign3A_750 = arith.subi %sign3A_746, %sign3A_749 : i32
        %sign3A_751 = arith.constant 0 : i32
        %sign3A_752 = arith.cmpi sgt, %jit3A_742, %sign3A_751 : i32
        %sign3A_753 = arith.extui %sign3A_752 : i1 to i32
        %sign3A_754 = arith.constant 0 : i32
        %sign3A_755 = arith.cmpi slt, %jit3A_742, %sign3A_754 : i32
        %sign3A_756 = arith.extui %sign3A_755 : i1 to i32
        %sign3A_757 = arith.subi %sign3A_753, %sign3A_756 : i32
        %ne3A_758 = arith.cmpi ne, %sign3A_750, %sign3A_757 : i32
        %rem3A_759 = arith.remsi %add3A_59, %jit3A_742 : i32
        %ne3A_760 = arith.constant 0 : i32
        %ne3A_761 = arith.cmpi ne, %rem3A_759, %ne3A_760 : i32
        %and3A_762 = arith.andi %ne3A_758, %ne3A_761 : i1
        %sub3A_763 = arith.constant 1 : i32
        %sub3A_764 = arith.subi %div3A_743, %sub3A_763 : i32
        %select_n3A_765 = arith.select %and3A_762, %sub3A_764, %div3A_743 : i32
        %add3A_766 = arith.constant 4 : i32
        %add3A_767 = arith.addi %select_n3A_765, %add3A_766 : i32
        %get3A_768 = arith.index_cast %add3A_741 : i32 to index
        %get3A_769 = arith.constant 0 : index
        %get3A_770 = tpu.vector_load %arg7[%get3A_768, %get3A_769] {strides = array<i32>} : memref<256x64xf32, #tpu.memory_space<vmem>>, vector<1x16xf32>,
        %get3A_771 = vector.shape_cast %get3A_770 : vector<1x16xf32> to vector<16xf32>
        %mul3A_772 = arith.constant 8.000000e+00 : f32
        %mul3A_773 = vector.broadcast %mul3A_772 : f32 to vector<16xf32>
        %mul3A_774 = arith.mulf %get3A_771, %mul3A_773 : vector<16xf32>
        %swap3A_775 = arith.index_cast %add3A_767 : i32 to index
        %swap3A_776 = arith.constant 0 : index
        %swap3A_777 = tpu.vector_load %arg8[%swap3A_775, %swap3A_776] {strides = array<i32>} : memref<256x128xf32, #tpu.memory_space<vmem>>, vector<1x16xf32>,
        %swap3A_778 = vector.shape_cast %swap3A_777 : vector<1x16xf32> to vector<16xf32>
        %swap3A_779 = vector.shape_cast %mul3A_774 : vector<16xf32> to vector<1x16xf32>
        tpu.vector_store %arg8[%swap3A_775, %swap3A_776], %swap3A_779 {strides = array<i32>} : memref<256x128xf32, #tpu.memory_space<vmem>>, vector<1x16xf32>,
        %get3A_780 = arith.index_cast %add3A_741 : i32 to index
        %get3A_781 = arith.constant 16 : index
        %get3A_782 = tpu.vector_load %arg7[%get3A_780, %get3A_781] {strides = array<i32>} : memref<256x64xf32, #tpu.memory_space<vmem>>, vector<1x16xf32>,
        %get3A_783 = vector.shape_cast %get3A_782 : vector<1x16xf32> to vector<16xf32>
        %mul3A_784 = arith.constant 8.000000e+00 : f32
        %mul3A_785 = vector.broadcast %mul3A_784 : f32 to vector<16xf32>
        %mul3A_786 = arith.mulf %get3A_783, %mul3A_785 : vector<16xf32>
        %swap3A_787 = arith.index_cast %add3A_767 : i32 to index
        %swap3A_788 = arith.constant 16 : index
        %swap3A_789 = tpu.vector_load %arg8[%swap3A_787, %swap3A_788] {strides = array<i32>} : memref<256x128xf32, #tpu.memory_space<vmem>>, vector<1x16xf32>,
        %swap3A_790 = vector.shape_cast %swap3A_789 : vector<1x16xf32> to vector<16xf32>
        %swap3A_791 = vector.shape_cast %mul3A_786 : vector<16xf32> to vector<1x16xf32>
        tpu.vector_store %arg8[%swap3A_787, %swap3A_788], %swap3A_791 {strides = array<i32>} : memref<256x128xf32, #tpu.memory_space<vmem>>, vector<1x16xf32>,
        %get3A_792 = arith.index_cast %add3A_741 : i32 to index
        %get3A_793 = arith.constant 32 : index
        %get3A_794 = tpu.vector_load %arg7[%get3A_792, %get3A_793] {strides = array<i32>} : memref<256x64xf32, #tpu.memory_space<vmem>>, vector<1x16xf32>,
        %get3A_795 = vector.shape_cast %get3A_794 : vector<1x16xf32> to vector<16xf32>
        %mul3A_796 = arith.constant 8.000000e+00 : f32
        %mul3A_797 = vector.broadcast %mul3A_796 : f32 to vector<16xf32>
        %mul3A_798 = arith.mulf %get3A_795, %mul3A_797 : vector<16xf32>
        %swap3A_799 = arith.index_cast %add3A_767 : i32 to index
        %swap3A_800 = arith.constant 32 : index
        %swap3A_801 = tpu.vector_load %arg8[%swap3A_799, %swap3A_800] {strides = array<i32>} : memref<256x128xf32, #tpu.memory_space<vmem>>, vector<1x16xf32>,
        %swap3A_802 = vector.shape_cast %swap3A_801 : vector<1x16xf32> to vector<16xf32>
        %swap3A_803 = vector.shape_cast %mul3A_798 : vector<16xf32> to vector<1x16xf32>
        tpu.vector_store %arg8[%swap3A_799, %swap3A_800], %swap3A_803 {strides = array<i32>} : memref<256x128xf32, #tpu.memory_space<vmem>>, vector<1x16xf32>,
        %get3A_804 = arith.index_cast %add3A_741 : i32 to index
        %get3A_805 = arith.constant 48 : index
        %get3A_806 = tpu.vector_load %arg7[%get3A_804, %get3A_805] {strides = array<i32>} : memref<256x64xf32, #tpu.memory_space<vmem>>, vector<1x16xf32>,
        %get3A_807 = vector.shape_cast %get3A_806 : vector<1x16xf32> to vector<16xf32>
        %mul3A_808 = arith.constant 8.000000e+00 : f32
        %mul3A_809 = vector.broadcast %mul3A_808 : f32 to vector<16xf32>
        %mul3A_810 = arith.mulf %get3A_807, %mul3A_809 : vector<16xf32>
        %swap3A_811 = arith.index_cast %add3A_767 : i32 to index
        %swap3A_812 = arith.constant 48 : index
        %swap3A_813 = tpu.vector_load %arg8[%swap3A_811, %swap3A_812] {strides = array<i32>} : memref<256x128xf32, #tpu.memory_space<vmem>>, vector<1x16xf32>,
        %swap3A_814 = vector.shape_cast %swap3A_813 : vector<1x16xf32> to vector<16xf32>
        %swap3A_815 = vector.shape_cast %mul3A_810 : vector<16xf32> to vector<1x16xf32>
        tpu.vector_store %arg8[%swap3A_811, %swap3A_812], %swap3A_815 {strides = array<i32>} : memref<256x128xf32, #tpu.memory_space<vmem>>, vector<1x16xf32>,
        %slice3A_816 = vector.extract_strided_slice %get3A_61 {offsets = [9], sizes = [1], strides = [1]} : vector<16xi32> to vector<1xi32>
        %squeeze3A_817 = vector.extract %slice3A_816[0] : i32 from vector<1xi32>
        %mul3A_818 = arith.constant 16 : i32
        %mul3A_819 = arith.muli %scan3A_56, %mul3A_818 : i32
        %add3A_820 = arith.constant 9 : i32
        %add3A_821 = arith.addi %mul3A_819, %add3A_820 : i32
        %mul3A_822 = arith.constant 8 : i32
        %mul3A_823 = arith.muli %add3A_821, %mul3A_822 : i32
        %and3A_824 = arith.constant 7 : i32
        %and3A_825 = arith.andi %squeeze3A_817, %and3A_824 : i32
        %add3A_826 = arith.addi %mul3A_823, %and3A_825 : i32
        %jit3A_827 = arith.constant 2 : i32
        %div3A_828 = arith.divsi %add3A_59, %jit3A_827 : i32
        %sign3A_829 = arith.constant 0 : i32
        %sign3A_830 = arith.cmpi sgt, %add3A_59, %sign3A_829 : i32
        %sign3A_831 = arith.extui %sign3A_830 : i1 to i32
        %sign3A_832 = arith.constant 0 : i32
        %sign3A_833 = arith.cmpi slt, %add3A_59, %sign3A_832 : i32
        %sign3A_834 = arith.extui %sign3A_833 : i1 to i32
        %sign3A_835 = arith.subi %sign3A_831, %sign3A_834 : i32
        %sign3A_836 = arith.constant 0 : i32
        %sign3A_837 = arith.cmpi sgt, %jit3A_827, %sign3A_836 : i32
        %sign3A_838 = arith.extui %sign3A_837 : i1 to i32
        %sign3A_839 = arith.constant 0 : i32
        %sign3A_840 = arith.cmpi slt, %jit3A_827, %sign3A_839 : i32
        %sign3A_841 = arith.extui %sign3A_840 : i1 to i32
        %sign3A_842 = arith.subi %sign3A_838, %sign3A_841 : i32
        %ne3A_843 = arith.cmpi ne, %sign3A_835, %sign3A_842 : i32
        %rem3A_844 = arith.remsi %add3A_59, %jit3A_827 : i32
        %ne3A_845 = arith.constant 0 : i32
        %ne3A_846 = arith.cmpi ne, %rem3A_844, %ne3A_845 : i32
        %and3A_847 = arith.andi %ne3A_843, %ne3A_846 : i1
        %sub3A_848 = arith.constant 1 : i32
        %sub3A_849 = arith.subi %div3A_828, %sub3A_848 : i32
        %select_n3A_850 = arith.select %and3A_847, %sub3A_849, %div3A_828 : i32
        %add3A_851 = arith.constant 4 : i32
        %add3A_852 = arith.addi %select_n3A_850, %add3A_851 : i32
        %get3A_853 = arith.index_cast %add3A_826 : i32 to index
        %get3A_854 = arith.constant 0 : index
        %get3A_855 = tpu.vector_load %arg7[%get3A_853, %get3A_854] {strides = array<i32>} : memref<256x64xf32, #tpu.memory_space<vmem>>, vector<1x16xf32>,
        %get3A_856 = vector.shape_cast %get3A_855 : vector<1x16xf32> to vector<16xf32>
        %mul3A_857 = arith.constant 8.000000e+00 : f32
        %mul3A_858 = vector.broadcast %mul3A_857 : f32 to vector<16xf32>
        %mul3A_859 = arith.mulf %get3A_856, %mul3A_858 : vector<16xf32>
        %swap3A_860 = arith.index_cast %add3A_852 : i32 to index
        %swap3A_861 = arith.constant 64 : index
        %swap3A_862 = tpu.vector_load %arg8[%swap3A_860, %swap3A_861] {strides = array<i32>} : memref<256x128xf32, #tpu.memory_space<vmem>>, vector<1x16xf32>,
        %swap3A_863 = vector.shape_cast %swap3A_862 : vector<1x16xf32> to vector<16xf32>
        %swap3A_864 = vector.shape_cast %mul3A_859 : vector<16xf32> to vector<1x16xf32>
        tpu.vector_store %arg8[%swap3A_860, %swap3A_861], %swap3A_864 {strides = array<i32>} : memref<256x128xf32, #tpu.memory_space<vmem>>, vector<1x16xf32>,
        %get3A_865 = arith.index_cast %add3A_826 : i32 to index
        %get3A_866 = arith.constant 16 : index
        %get3A_867 = tpu.vector_load %arg7[%get3A_865, %get3A_866] {strides = array<i32>} : memref<256x64xf32, #tpu.memory_space<vmem>>, vector<1x16xf32>,
        %get3A_868 = vector.shape_cast %get3A_867 : vector<1x16xf32> to vector<16xf32>
        %mul3A_869 = arith.constant 8.000000e+00 : f32
        %mul3A_870 = vector.broadcast %mul3A_869 : f32 to vector<16xf32>
        %mul3A_871 = arith.mulf %get3A_868, %mul3A_870 : vector<16xf32>
        %swap3A_872 = arith.index_cast %add3A_852 : i32 to index
        %swap3A_873 = arith.constant 80 : index
        %swap3A_874 = tpu.vector_load %arg8[%swap3A_872, %swap3A_873] {strides = array<i32>} : memref<256x128xf32, #tpu.memory_space<vmem>>, vector<1x16xf32>,
        %swap3A_875 = vector.shape_cast %swap3A_874 : vector<1x16xf32> to vector<16xf32>
        %swap3A_876 = vector.shape_cast %mul3A_871 : vector<16xf32> to vector<1x16xf32>
        tpu.vector_store %arg8[%swap3A_872, %swap3A_873], %swap3A_876 {strides = array<i32>} : memref<256x128xf32, #tpu.memory_space<vmem>>, vector<1x16xf32>,
        %get3A_877 = arith.index_cast %add3A_826 : i32 to index
        %get3A_878 = arith.constant 32 : index
        %get3A_879 = tpu.vector_load %arg7[%get3A_877, %get3A_878] {strides = array<i32>} : memref<256x64xf32, #tpu.memory_space<vmem>>, vector<1x16xf32>,
        %get3A_880 = vector.shape_cast %get3A_879 : vector<1x16xf32> to vector<16xf32>
        %mul3A_881 = arith.constant 8.000000e+00 : f32
        %mul3A_882 = vector.broadcast %mul3A_881 : f32 to vector<16xf32>
        %mul3A_883 = arith.mulf %get3A_880, %mul3A_882 : vector<16xf32>
        %swap3A_884 = arith.index_cast %add3A_852 : i32 to index
        %swap3A_885 = arith.constant 96 : index
        %swap3A_886 = tpu.vector_load %arg8[%swap3A_884, %swap3A_885] {strides = array<i32>} : memref<256x128xf32, #tpu.memory_space<vmem>>, vector<1x16xf32>,
        %swap3A_887 = vector.shape_cast %swap3A_886 : vector<1x16xf32> to vector<16xf32>
        %swap3A_888 = vector.shape_cast %mul3A_883 : vector<16xf32> to vector<1x16xf32>
        tpu.vector_store %arg8[%swap3A_884, %swap3A_885], %swap3A_888 {strides = array<i32>} : memref<256x128xf32, #tpu.memory_space<vmem>>, vector<1x16xf32>,
        %get3A_889 = arith.index_cast %add3A_826 : i32 to index
        %get3A_890 = arith.constant 48 : index
        %get3A_891 = tpu.vector_load %arg7[%get3A_889, %get3A_890] {strides = array<i32>} : memref<256x64xf32, #tpu.memory_space<vmem>>, vector<1x16xf32>,
        %get3A_892 = vector.shape_cast %get3A_891 : vector<1x16xf32> to vector<16xf32>
        %mul3A_893 = arith.constant 8.000000e+00 : f32
        %mul3A_894 = vector.broadcast %mul3A_893 : f32 to vector<16xf32>
        %mul3A_895 = arith.mulf %get3A_892, %mul3A_894 : vector<16xf32>
        %swap3A_896 = arith.index_cast %add3A_852 : i32 to index
        %swap3A_897 = arith.constant 112 : index
        %swap3A_898 = tpu.vector_load %arg8[%swap3A_896, %swap3A_897] {strides = array<i32>} : memref<256x128xf32, #tpu.memory_space<vmem>>, vector<1x16xf32>,
        %swap3A_899 = vector.shape_cast %swap3A_898 : vector<1x16xf32> to vector<16xf32>
        %swap3A_900 = vector.shape_cast %mul3A_895 : vector<16xf32> to vector<1x16xf32>
        tpu.vector_store %arg8[%swap3A_896, %swap3A_897], %swap3A_900 {strides = array<i32>} : memref<256x128xf32, #tpu.memory_space<vmem>>, vector<1x16xf32>,
        %slice3A_901 = vector.extract_strided_slice %get3A_61 {offsets = [10], sizes = [1], strides = [1]} : vector<16xi32> to vector<1xi32>
        %squeeze3A_902 = vector.extract %slice3A_901[0] : i32 from vector<1xi32>
        %mul3A_903 = arith.constant 16 : i32
        %mul3A_904 = arith.muli %scan3A_56, %mul3A_903 : i32
        %add3A_905 = arith.constant 10 : i32
        %add3A_906 = arith.addi %mul3A_904, %add3A_905 : i32
        %mul3A_907 = arith.constant 8 : i32
        %mul3A_908 = arith.muli %add3A_906, %mul3A_907 : i32
        %and3A_909 = arith.constant 7 : i32
        %and3A_910 = arith.andi %squeeze3A_902, %and3A_909 : i32
        %add3A_911 = arith.addi %mul3A_908, %and3A_910 : i32
        %jit3A_912 = arith.constant 2 : i32
        %div3A_913 = arith.divsi %add3A_59, %jit3A_912 : i32
        %sign3A_914 = arith.constant 0 : i32
        %sign3A_915 = arith.cmpi sgt, %add3A_59, %sign3A_914 : i32
        %sign3A_916 = arith.extui %sign3A_915 : i1 to i32
        %sign3A_917 = arith.constant 0 : i32
        %sign3A_918 = arith.cmpi slt, %add3A_59, %sign3A_917 : i32
        %sign3A_919 = arith.extui %sign3A_918 : i1 to i32
        %sign3A_920 = arith.subi %sign3A_916, %sign3A_919 : i32
        %sign3A_921 = arith.constant 0 : i32
        %sign3A_922 = arith.cmpi sgt, %jit3A_912, %sign3A_921 : i32
        %sign3A_923 = arith.extui %sign3A_922 : i1 to i32
        %sign3A_924 = arith.constant 0 : i32
        %sign3A_925 = arith.cmpi slt, %jit3A_912, %sign3A_924 : i32
        %sign3A_926 = arith.extui %sign3A_925 : i1 to i32
        %sign3A_927 = arith.subi %sign3A_923, %sign3A_926 : i32
        %ne3A_928 = arith.cmpi ne, %sign3A_920, %sign3A_927 : i32
        %rem3A_929 = arith.remsi %add3A_59, %jit3A_912 : i32
        %ne3A_930 = arith.constant 0 : i32
        %ne3A_931 = arith.cmpi ne, %rem3A_929, %ne3A_930 : i32
        %and3A_932 = arith.andi %ne3A_928, %ne3A_931 : i1
        %sub3A_933 = arith.constant 1 : i32
        %sub3A_934 = arith.subi %div3A_913, %sub3A_933 : i32
        %select_n3A_935 = arith.select %and3A_932, %sub3A_934, %div3A_913 : i32
        %add3A_936 = arith.constant 5 : i32
        %add3A_937 = arith.addi %select_n3A_935, %add3A_936 : i32
        %get3A_938 = arith.index_cast %add3A_911 : i32 to index
        %get3A_939 = arith.constant 0 : index
        %get3A_940 = tpu.vector_load %arg7[%get3A_938, %get3A_939] {strides = array<i32>} : memref<256x64xf32, #tpu.memory_space<vmem>>, vector<1x16xf32>,
        %get3A_941 = vector.shape_cast %get3A_940 : vector<1x16xf32> to vector<16xf32>
        %mul3A_942 = arith.constant 8.000000e+00 : f32
        %mul3A_943 = vector.broadcast %mul3A_942 : f32 to vector<16xf32>
        %mul3A_944 = arith.mulf %get3A_941, %mul3A_943 : vector<16xf32>
        %swap3A_945 = arith.index_cast %add3A_937 : i32 to index
        %swap3A_946 = arith.constant 0 : index
        %swap3A_947 = tpu.vector_load %arg8[%swap3A_945, %swap3A_946] {strides = array<i32>} : memref<256x128xf32, #tpu.memory_space<vmem>>, vector<1x16xf32>,
        %swap3A_948 = vector.shape_cast %swap3A_947 : vector<1x16xf32> to vector<16xf32>
        %swap3A_949 = vector.shape_cast %mul3A_944 : vector<16xf32> to vector<1x16xf32>
        tpu.vector_store %arg8[%swap3A_945, %swap3A_946], %swap3A_949 {strides = array<i32>} : memref<256x128xf32, #tpu.memory_space<vmem>>, vector<1x16xf32>,
        %get3A_950 = arith.index_cast %add3A_911 : i32 to index
        %get3A_951 = arith.constant 16 : index
        %get3A_952 = tpu.vector_load %arg7[%get3A_950, %get3A_951] {strides = array<i32>} : memref<256x64xf32, #tpu.memory_space<vmem>>, vector<1x16xf32>,
        %get3A_953 = vector.shape_cast %get3A_952 : vector<1x16xf32> to vector<16xf32>
        %mul3A_954 = arith.constant 8.000000e+00 : f32
        %mul3A_955 = vector.broadcast %mul3A_954 : f32 to vector<16xf32>
        %mul3A_956 = arith.mulf %get3A_953, %mul3A_955 : vector<16xf32>
        %swap3A_957 = arith.index_cast %add3A_937 : i32 to index
        %swap3A_958 = arith.constant 16 : index
        %swap3A_959 = tpu.vector_load %arg8[%swap3A_957, %swap3A_958] {strides = array<i32>} : memref<256x128xf32, #tpu.memory_space<vmem>>, vector<1x16xf32>,
        %swap3A_960 = vector.shape_cast %swap3A_959 : vector<1x16xf32> to vector<16xf32>
        %swap3A_961 = vector.shape_cast %mul3A_956 : vector<16xf32> to vector<1x16xf32>
        tpu.vector_store %arg8[%swap3A_957, %swap3A_958], %swap3A_961 {strides = array<i32>} : memref<256x128xf32, #tpu.memory_space<vmem>>, vector<1x16xf32>,
        %get3A_962 = arith.index_cast %add3A_911 : i32 to index
        %get3A_963 = arith.constant 32 : index
        %get3A_964 = tpu.vector_load %arg7[%get3A_962, %get3A_963] {strides = array<i32>} : memref<256x64xf32, #tpu.memory_space<vmem>>, vector<1x16xf32>,
        %get3A_965 = vector.shape_cast %get3A_964 : vector<1x16xf32> to vector<16xf32>
        %mul3A_966 = arith.constant 8.000000e+00 : f32
        %mul3A_967 = vector.broadcast %mul3A_966 : f32 to vector<16xf32>
        %mul3A_968 = arith.mulf %get3A_965, %mul3A_967 : vector<16xf32>
        %swap3A_969 = arith.index_cast %add3A_937 : i32 to index
        %swap3A_970 = arith.constant 32 : index
        %swap3A_971 = tpu.vector_load %arg8[%swap3A_969, %swap3A_970] {strides = array<i32>} : memref<256x128xf32, #tpu.memory_space<vmem>>, vector<1x16xf32>,
        %swap3A_972 = vector.shape_cast %swap3A_971 : vector<1x16xf32> to vector<16xf32>
        %swap3A_973 = vector.shape_cast %mul3A_968 : vector<16xf32> to vector<1x16xf32>
        tpu.vector_store %arg8[%swap3A_969, %swap3A_970], %swap3A_973 {strides = array<i32>} : memref<256x128xf32, #tpu.memory_space<vmem>>, vector<1x16xf32>,
        %get3A_974 = arith.index_cast %add3A_911 : i32 to index
        %get3A_975 = arith.constant 48 : index
        %get3A_976 = tpu.vector_load %arg7[%get3A_974, %get3A_975] {strides = array<i32>} : memref<256x64xf32, #tpu.memory_space<vmem>>, vector<1x16xf32>,
        %get3A_977 = vector.shape_cast %get3A_976 : vector<1x16xf32> to vector<16xf32>
        %mul3A_978 = arith.constant 8.000000e+00 : f32
        %mul3A_979 = vector.broadcast %mul3A_978 : f32 to vector<16xf32>
        %mul3A_980 = arith.mulf %get3A_977, %mul3A_979 : vector<16xf32>
        %swap3A_981 = arith.index_cast %add3A_937 : i32 to index
        %swap3A_982 = arith.constant 48 : index
        %swap3A_983 = tpu.vector_load %arg8[%swap3A_981, %swap3A_982] {strides = array<i32>} : memref<256x128xf32, #tpu.memory_space<vmem>>, vector<1x16xf32>,
        %swap3A_984 = vector.shape_cast %swap3A_983 : vector<1x16xf32> to vector<16xf32>
        %swap3A_985 = vector.shape_cast %mul3A_980 : vector<16xf32> to vector<1x16xf32>
        tpu.vector_store %arg8[%swap3A_981, %swap3A_982], %swap3A_985 {strides = array<i32>} : memref<256x128xf32, #tpu.memory_space<vmem>>, vector<1x16xf32>,
        %slice3A_986 = vector.extract_strided_slice %get3A_61 {offsets = [11], sizes = [1], strides = [1]} : vector<16xi32> to vector<1xi32>
        %squeeze3A_987 = vector.extract %slice3A_986[0] : i32 from vector<1xi32>
        %mul3A_988 = arith.constant 16 : i32
        %mul3A_989 = arith.muli %scan3A_56, %mul3A_988 : i32
        %add3A_990 = arith.constant 11 : i32
        %add3A_991 = arith.addi %mul3A_989, %add3A_990 : i32
        %mul3A_992 = arith.constant 8 : i32
        %mul3A_993 = arith.muli %add3A_991, %mul3A_992 : i32
        %and3A_994 = arith.constant 7 : i32
        %and3A_995 = arith.andi %squeeze3A_987, %and3A_994 : i32
        %add3A_996 = arith.addi %mul3A_993, %and3A_995 : i32
        %jit3A_997 = arith.constant 2 : i32
        %div3A_998 = arith.divsi %add3A_59, %jit3A_997 : i32
        %sign3A_999 = arith.constant 0 : i32
        %sign3A_1000 = arith.cmpi sgt, %add3A_59, %sign3A_999 : i32
        %sign3A_1001 = arith.extui %sign3A_1000 : i1 to i32
        %sign3A_1002 = arith.constant 0 : i32
        %sign3A_1003 = arith.cmpi slt, %add3A_59, %sign3A_1002 : i32
        %sign3A_1004 = arith.extui %sign3A_1003 : i1 to i32
        %sign3A_1005 = arith.subi %sign3A_1001, %sign3A_1004 : i32
        %sign3A_1006 = arith.constant 0 : i32
        %sign3A_1007 = arith.cmpi sgt, %jit3A_997, %sign3A_1006 : i32
        %sign3A_1008 = arith.extui %sign3A_1007 : i1 to i32
        %sign3A_1009 = arith.constant 0 : i32
        %sign3A_1010 = arith.cmpi slt, %jit3A_997, %sign3A_1009 : i32
        %sign3A_1011 = arith.extui %sign3A_1010 : i1 to i32
        %sign3A_1012 = arith.subi %sign3A_1008, %sign3A_1011 : i32
        %ne3A_1013 = arith.cmpi ne, %sign3A_1005, %sign3A_1012 : i32
        %rem3A_1014 = arith.remsi %add3A_59, %jit3A_997 : i32
        %ne3A_1015 = arith.constant 0 : i32
        %ne3A_1016 = arith.cmpi ne, %rem3A_1014, %ne3A_1015 : i32
        %and3A_1017 = arith.andi %ne3A_1013, %ne3A_1016 : i1
        %sub3A_1018 = arith.constant 1 : i32
        %sub3A_1019 = arith.subi %div3A_998, %sub3A_1018 : i32
        %select_n3A_1020 = arith.select %and3A_1017, %sub3A_1019, %div3A_998 : i32
        %add3A_1021 = arith.constant 5 : i32
        %add3A_1022 = arith.addi %select_n3A_1020, %add3A_1021 : i32
        %get3A_1023 = arith.index_cast %add3A_996 : i32 to index
        %get3A_1024 = arith.constant 0 : index
        %get3A_1025 = tpu.vector_load %arg7[%get3A_1023, %get3A_1024] {strides = array<i32>} : memref<256x64xf32, #tpu.memory_space<vmem>>, vector<1x16xf32>,
        %get3A_1026 = vector.shape_cast %get3A_1025 : vector<1x16xf32> to vector<16xf32>
        %mul3A_1027 = arith.constant 8.000000e+00 : f32
        %mul3A_1028 = vector.broadcast %mul3A_1027 : f32 to vector<16xf32>
        %mul3A_1029 = arith.mulf %get3A_1026, %mul3A_1028 : vector<16xf32>
        %swap3A_1030 = arith.index_cast %add3A_1022 : i32 to index
        %swap3A_1031 = arith.constant 64 : index
        %swap3A_1032 = tpu.vector_load %arg8[%swap3A_1030, %swap3A_1031] {strides = array<i32>} : memref<256x128xf32, #tpu.memory_space<vmem>>, vector<1x16xf32>,
        %swap3A_1033 = vector.shape_cast %swap3A_1032 : vector<1x16xf32> to vector<16xf32>
        %swap3A_1034 = vector.shape_cast %mul3A_1029 : vector<16xf32> to vector<1x16xf32>
        tpu.vector_store %arg8[%swap3A_1030, %swap3A_1031], %swap3A_1034 {strides = array<i32>} : memref<256x128xf32, #tpu.memory_space<vmem>>, vector<1x16xf32>,
        %get3A_1035 = arith.index_cast %add3A_996 : i32 to index
        %get3A_1036 = arith.constant 16 : index
        %get3A_1037 = tpu.vector_load %arg7[%get3A_1035, %get3A_1036] {strides = array<i32>} : memref<256x64xf32, #tpu.memory_space<vmem>>, vector<1x16xf32>,
        %get3A_1038 = vector.shape_cast %get3A_1037 : vector<1x16xf32> to vector<16xf32>
        %mul3A_1039 = arith.constant 8.000000e+00 : f32
        %mul3A_1040 = vector.broadcast %mul3A_1039 : f32 to vector<16xf32>
        %mul3A_1041 = arith.mulf %get3A_1038, %mul3A_1040 : vector<16xf32>
        %swap3A_1042 = arith.index_cast %add3A_1022 : i32 to index
        %swap3A_1043 = arith.constant 80 : index
        %swap3A_1044 = tpu.vector_load %arg8[%swap3A_1042, %swap3A_1043] {strides = array<i32>} : memref<256x128xf32, #tpu.memory_space<vmem>>, vector<1x16xf32>,
        %swap3A_1045 = vector.shape_cast %swap3A_1044 : vector<1x16xf32> to vector<16xf32>
        %swap3A_1046 = vector.shape_cast %mul3A_1041 : vector<16xf32> to vector<1x16xf32>
        tpu.vector_store %arg8[%swap3A_1042, %swap3A_1043], %swap3A_1046 {strides = array<i32>} : memref<256x128xf32, #tpu.memory_space<vmem>>, vector<1x16xf32>,
        %get3A_1047 = arith.index_cast %add3A_996 : i32 to index
        %get3A_1048 = arith.constant 32 : index
        %get3A_1049 = tpu.vector_load %arg7[%get3A_1047, %get3A_1048] {strides = array<i32>} : memref<256x64xf32, #tpu.memory_space<vmem>>, vector<1x16xf32>,
        %get3A_1050 = vector.shape_cast %get3A_1049 : vector<1x16xf32> to vector<16xf32>
        %mul3A_1051 = arith.constant 8.000000e+00 : f32
        %mul3A_1052 = vector.broadcast %mul3A_1051 : f32 to vector<16xf32>
        %mul3A_1053 = arith.mulf %get3A_1050, %mul3A_1052 : vector<16xf32>
        %swap3A_1054 = arith.index_cast %add3A_1022 : i32 to index
        %swap3A_1055 = arith.constant 96 : index
        %swap3A_1056 = tpu.vector_load %arg8[%swap3A_1054, %swap3A_1055] {strides = array<i32>} : memref<256x128xf32, #tpu.memory_space<vmem>>, vector<1x16xf32>,
        %swap3A_1057 = vector.shape_cast %swap3A_1056 : vector<1x16xf32> to vector<16xf32>
        %swap3A_1058 = vector.shape_cast %mul3A_1053 : vector<16xf32> to vector<1x16xf32>
        tpu.vector_store %arg8[%swap3A_1054, %swap3A_1055], %swap3A_1058 {strides = array<i32>} : memref<256x128xf32, #tpu.memory_space<vmem>>, vector<1x16xf32>,
        %get3A_1059 = arith.index_cast %add3A_996 : i32 to index
        %get3A_1060 = arith.constant 48 : index
        %get3A_1061 = tpu.vector_load %arg7[%get3A_1059, %get3A_1060] {strides = array<i32>} : memref<256x64xf32, #tpu.memory_space<vmem>>, vector<1x16xf32>,
        %get3A_1062 = vector.shape_cast %get3A_1061 : vector<1x16xf32> to vector<16xf32>
        %mul3A_1063 = arith.constant 8.000000e+00 : f32
        %mul3A_1064 = vector.broadcast %mul3A_1063 : f32 to vector<16xf32>
        %mul3A_1065 = arith.mulf %get3A_1062, %mul3A_1064 : vector<16xf32>
        %swap3A_1066 = arith.index_cast %add3A_1022 : i32 to index
        %swap3A_1067 = arith.constant 112 : index
        %swap3A_1068 = tpu.vector_load %arg8[%swap3A_1066, %swap3A_1067] {strides = array<i32>} : memref<256x128xf32, #tpu.memory_space<vmem>>, vector<1x16xf32>,
        %swap3A_1069 = vector.shape_cast %swap3A_1068 : vector<1x16xf32> to vector<16xf32>
        %swap3A_1070 = vector.shape_cast %mul3A_1065 : vector<16xf32> to vector<1x16xf32>
        tpu.vector_store %arg8[%swap3A_1066, %swap3A_1067], %swap3A_1070 {strides = array<i32>} : memref<256x128xf32, #tpu.memory_space<vmem>>, vector<1x16xf32>,
        %slice3A_1071 = vector.extract_strided_slice %get3A_61 {offsets = [12], sizes = [1], strides = [1]} : vector<16xi32> to vector<1xi32>
        %squeeze3A_1072 = vector.extract %slice3A_1071[0] : i32 from vector<1xi32>
        %mul3A_1073 = arith.constant 16 : i32
        %mul3A_1074 = arith.muli %scan3A_56, %mul3A_1073 : i32
        %add3A_1075 = arith.constant 12 : i32
        %add3A_1076 = arith.addi %mul3A_1074, %add3A_1075 : i32
        %mul3A_1077 = arith.constant 8 : i32
        %mul3A_1078 = arith.muli %add3A_1076, %mul3A_1077 : i32
        %and3A_1079 = arith.constant 7 : i32
        %and3A_1080 = arith.andi %squeeze3A_1072, %and3A_1079 : i32
        %add3A_1081 = arith.addi %mul3A_1078, %and3A_1080 : i32
        %jit3A_1082 = arith.constant 2 : i32
        %div3A_1083 = arith.divsi %add3A_59, %jit3A_1082 : i32
        %sign3A_1084 = arith.constant 0 : i32
        %sign3A_1085 = arith.cmpi sgt, %add3A_59, %sign3A_1084 : i32
        %sign3A_1086 = arith.extui %sign3A_1085 : i1 to i32
        %sign3A_1087 = arith.constant 0 : i32
        %sign3A_1088 = arith.cmpi slt, %add3A_59, %sign3A_1087 : i32
        %sign3A_1089 = arith.extui %sign3A_1088 : i1 to i32
        %sign3A_1090 = arith.subi %sign3A_1086, %sign3A_1089 : i32
        %sign3A_1091 = arith.constant 0 : i32
        %sign3A_1092 = arith.cmpi sgt, %jit3A_1082, %sign3A_1091 : i32
        %sign3A_1093 = arith.extui %sign3A_1092 : i1 to i32
        %sign3A_1094 = arith.constant 0 : i32
        %sign3A_1095 = arith.cmpi slt, %jit3A_1082, %sign3A_1094 : i32
        %sign3A_1096 = arith.extui %sign3A_1095 : i1 to i32
        %sign3A_1097 = arith.subi %sign3A_1093, %sign3A_1096 : i32
        %ne3A_1098 = arith.cmpi ne, %sign3A_1090, %sign3A_1097 : i32
        %rem3A_1099 = arith.remsi %add3A_59, %jit3A_1082 : i32
        %ne3A_1100 = arith.constant 0 : i32
        %ne3A_1101 = arith.cmpi ne, %rem3A_1099, %ne3A_1100 : i32
        %and3A_1102 = arith.andi %ne3A_1098, %ne3A_1101 : i1
        %sub3A_1103 = arith.constant 1 : i32
        %sub3A_1104 = arith.subi %div3A_1083, %sub3A_1103 : i32
        %select_n3A_1105 = arith.select %and3A_1102, %sub3A_1104, %div3A_1083 : i32
        %add3A_1106 = arith.constant 6 : i32
        %add3A_1107 = arith.addi %select_n3A_1105, %add3A_1106 : i32
        %get3A_1108 = arith.index_cast %add3A_1081 : i32 to index
        %get3A_1109 = arith.constant 0 : index
        %get3A_1110 = tpu.vector_load %arg7[%get3A_1108, %get3A_1109] {strides = array<i32>} : memref<256x64xf32, #tpu.memory_space<vmem>>, vector<1x16xf32>,
        %get3A_1111 = vector.shape_cast %get3A_1110 : vector<1x16xf32> to vector<16xf32>
        %mul3A_1112 = arith.constant 8.000000e+00 : f32
        %mul3A_1113 = vector.broadcast %mul3A_1112 : f32 to vector<16xf32>
        %mul3A_1114 = arith.mulf %get3A_1111, %mul3A_1113 : vector<16xf32>
        %swap3A_1115 = arith.index_cast %add3A_1107 : i32 to index
        %swap3A_1116 = arith.constant 0 : index
        %swap3A_1117 = tpu.vector_load %arg8[%swap3A_1115, %swap3A_1116] {strides = array<i32>} : memref<256x128xf32, #tpu.memory_space<vmem>>, vector<1x16xf32>,
        %swap3A_1118 = vector.shape_cast %swap3A_1117 : vector<1x16xf32> to vector<16xf32>
        %swap3A_1119 = vector.shape_cast %mul3A_1114 : vector<16xf32> to vector<1x16xf32>
        tpu.vector_store %arg8[%swap3A_1115, %swap3A_1116], %swap3A_1119 {strides = array<i32>} : memref<256x128xf32, #tpu.memory_space<vmem>>, vector<1x16xf32>,
        %get3A_1120 = arith.index_cast %add3A_1081 : i32 to index
        %get3A_1121 = arith.constant 16 : index
        %get3A_1122 = tpu.vector_load %arg7[%get3A_1120, %get3A_1121] {strides = array<i32>} : memref<256x64xf32, #tpu.memory_space<vmem>>, vector<1x16xf32>,
        %get3A_1123 = vector.shape_cast %get3A_1122 : vector<1x16xf32> to vector<16xf32>
        %mul3A_1124 = arith.constant 8.000000e+00 : f32
        %mul3A_1125 = vector.broadcast %mul3A_1124 : f32 to vector<16xf32>
        %mul3A_1126 = arith.mulf %get3A_1123, %mul3A_1125 : vector<16xf32>
        %swap3A_1127 = arith.index_cast %add3A_1107 : i32 to index
        %swap3A_1128 = arith.constant 16 : index
        %swap3A_1129 = tpu.vector_load %arg8[%swap3A_1127, %swap3A_1128] {strides = array<i32>} : memref<256x128xf32, #tpu.memory_space<vmem>>, vector<1x16xf32>,
        %swap3A_1130 = vector.shape_cast %swap3A_1129 : vector<1x16xf32> to vector<16xf32>
        %swap3A_1131 = vector.shape_cast %mul3A_1126 : vector<16xf32> to vector<1x16xf32>
        tpu.vector_store %arg8[%swap3A_1127, %swap3A_1128], %swap3A_1131 {strides = array<i32>} : memref<256x128xf32, #tpu.memory_space<vmem>>, vector<1x16xf32>,
        %get3A_1132 = arith.index_cast %add3A_1081 : i32 to index
        %get3A_1133 = arith.constant 32 : index
        %get3A_1134 = tpu.vector_load %arg7[%get3A_1132, %get3A_1133] {strides = array<i32>} : memref<256x64xf32, #tpu.memory_space<vmem>>, vector<1x16xf32>,
        %get3A_1135 = vector.shape_cast %get3A_1134 : vector<1x16xf32> to vector<16xf32>
        %mul3A_1136 = arith.constant 8.000000e+00 : f32
        %mul3A_1137 = vector.broadcast %mul3A_1136 : f32 to vector<16xf32>
        %mul3A_1138 = arith.mulf %get3A_1135, %mul3A_1137 : vector<16xf32>
        %swap3A_1139 = arith.index_cast %add3A_1107 : i32 to index
        %swap3A_1140 = arith.constant 32 : index
        %swap3A_1141 = tpu.vector_load %arg8[%swap3A_1139, %swap3A_1140] {strides = array<i32>} : memref<256x128xf32, #tpu.memory_space<vmem>>, vector<1x16xf32>,
        %swap3A_1142 = vector.shape_cast %swap3A_1141 : vector<1x16xf32> to vector<16xf32>
        %swap3A_1143 = vector.shape_cast %mul3A_1138 : vector<16xf32> to vector<1x16xf32>
        tpu.vector_store %arg8[%swap3A_1139, %swap3A_1140], %swap3A_1143 {strides = array<i32>} : memref<256x128xf32, #tpu.memory_space<vmem>>, vector<1x16xf32>,
        %get3A_1144 = arith.index_cast %add3A_1081 : i32 to index
        %get3A_1145 = arith.constant 48 : index
        %get3A_1146 = tpu.vector_load %arg7[%get3A_1144, %get3A_1145] {strides = array<i32>} : memref<256x64xf32, #tpu.memory_space<vmem>>, vector<1x16xf32>,
        %get3A_1147 = vector.shape_cast %get3A_1146 : vector<1x16xf32> to vector<16xf32>
        %mul3A_1148 = arith.constant 8.000000e+00 : f32
        %mul3A_1149 = vector.broadcast %mul3A_1148 : f32 to vector<16xf32>
        %mul3A_1150 = arith.mulf %get3A_1147, %mul3A_1149 : vector<16xf32>
        %swap3A_1151 = arith.index_cast %add3A_1107 : i32 to index
        %swap3A_1152 = arith.constant 48 : index
        %swap3A_1153 = tpu.vector_load %arg8[%swap3A_1151, %swap3A_1152] {strides = array<i32>} : memref<256x128xf32, #tpu.memory_space<vmem>>, vector<1x16xf32>,
        %swap3A_1154 = vector.shape_cast %swap3A_1153 : vector<1x16xf32> to vector<16xf32>
        %swap3A_1155 = vector.shape_cast %mul3A_1150 : vector<16xf32> to vector<1x16xf32>
        tpu.vector_store %arg8[%swap3A_1151, %swap3A_1152], %swap3A_1155 {strides = array<i32>} : memref<256x128xf32, #tpu.memory_space<vmem>>, vector<1x16xf32>,
        %slice3A_1156 = vector.extract_strided_slice %get3A_61 {offsets = [13], sizes = [1], strides = [1]} : vector<16xi32> to vector<1xi32>
        %squeeze3A_1157 = vector.extract %slice3A_1156[0] : i32 from vector<1xi32>
        %mul3A_1158 = arith.constant 16 : i32
        %mul3A_1159 = arith.muli %scan3A_56, %mul3A_1158 : i32
        %add3A_1160 = arith.constant 13 : i32
        %add3A_1161 = arith.addi %mul3A_1159, %add3A_1160 : i32
        %mul3A_1162 = arith.constant 8 : i32
        %mul3A_1163 = arith.muli %add3A_1161, %mul3A_1162 : i32
        %and3A_1164 = arith.constant 7 : i32
        %and3A_1165 = arith.andi %squeeze3A_1157, %and3A_1164 : i32
        %add3A_1166 = arith.addi %mul3A_1163, %and3A_1165 : i32
        %jit3A_1167 = arith.constant 2 : i32
        %div3A_1168 = arith.divsi %add3A_59, %jit3A_1167 : i32
        %sign3A_1169 = arith.constant 0 : i32
        %sign3A_1170 = arith.cmpi sgt, %add3A_59, %sign3A_1169 : i32
        %sign3A_1171 = arith.extui %sign3A_1170 : i1 to i32
        %sign3A_1172 = arith.constant 0 : i32
        %sign3A_1173 = arith.cmpi slt, %add3A_59, %sign3A_1172 : i32
        %sign3A_1174 = arith.extui %sign3A_1173 : i1 to i32
        %sign3A_1175 = arith.subi %sign3A_1171, %sign3A_1174 : i32
        %sign3A_1176 = arith.constant 0 : i32
        %sign3A_1177 = arith.cmpi sgt, %jit3A_1167, %sign3A_1176 : i32
        %sign3A_1178 = arith.extui %sign3A_1177 : i1 to i32
        %sign3A_1179 = arith.constant 0 : i32
        %sign3A_1180 = arith.cmpi slt, %jit3A_1167, %sign3A_1179 : i32
        %sign3A_1181 = arith.extui %sign3A_1180 : i1 to i32
        %sign3A_1182 = arith.subi %sign3A_1178, %sign3A_1181 : i32
        %ne3A_1183 = arith.cmpi ne, %sign3A_1175, %sign3A_1182 : i32
        %rem3A_1184 = arith.remsi %add3A_59, %jit3A_1167 : i32
        %ne3A_1185 = arith.constant 0 : i32
        %ne3A_1186 = arith.cmpi ne, %rem3A_1184, %ne3A_1185 : i32
        %and3A_1187 = arith.andi %ne3A_1183, %ne3A_1186 : i1
        %sub3A_1188 = arith.constant 1 : i32
        %sub3A_1189 = arith.subi %div3A_1168, %sub3A_1188 : i32
        %select_n3A_1190 = arith.select %and3A_1187, %sub3A_1189, %div3A_1168 : i32
        %add3A_1191 = arith.constant 6 : i32
        %add3A_1192 = arith.addi %select_n3A_1190, %add3A_1191 : i32
        %get3A_1193 = arith.index_cast %add3A_1166 : i32 to index
        %get3A_1194 = arith.constant 0 : index
        %get3A_1195 = tpu.vector_load %arg7[%get3A_1193, %get3A_1194] {strides = array<i32>} : memref<256x64xf32, #tpu.memory_space<vmem>>, vector<1x16xf32>,
        %get3A_1196 = vector.shape_cast %get3A_1195 : vector<1x16xf32> to vector<16xf32>
        %mul3A_1197 = arith.constant 8.000000e+00 : f32
        %mul3A_1198 = vector.broadcast %mul3A_1197 : f32 to vector<16xf32>
        %mul3A_1199 = arith.mulf %get3A_1196, %mul3A_1198 : vector<16xf32>
        %swap3A_1200 = arith.index_cast %add3A_1192 : i32 to index
        %swap3A_1201 = arith.constant 64 : index
        %swap3A_1202 = tpu.vector_load %arg8[%swap3A_1200, %swap3A_1201] {strides = array<i32>} : memref<256x128xf32, #tpu.memory_space<vmem>>, vector<1x16xf32>,
        %swap3A_1203 = vector.shape_cast %swap3A_1202 : vector<1x16xf32> to vector<16xf32>
        %swap3A_1204 = vector.shape_cast %mul3A_1199 : vector<16xf32> to vector<1x16xf32>
        tpu.vector_store %arg8[%swap3A_1200, %swap3A_1201], %swap3A_1204 {strides = array<i32>} : memref<256x128xf32, #tpu.memory_space<vmem>>, vector<1x16xf32>,
        %get3A_1205 = arith.index_cast %add3A_1166 : i32 to index
        %get3A_1206 = arith.constant 16 : index
        %get3A_1207 = tpu.vector_load %arg7[%get3A_1205, %get3A_1206] {strides = array<i32>} : memref<256x64xf32, #tpu.memory_space<vmem>>, vector<1x16xf32>,
        %get3A_1208 = vector.shape_cast %get3A_1207 : vector<1x16xf32> to vector<16xf32>
        %mul3A_1209 = arith.constant 8.000000e+00 : f32
        %mul3A_1210 = vector.broadcast %mul3A_1209 : f32 to vector<16xf32>
        %mul3A_1211 = arith.mulf %get3A_1208, %mul3A_1210 : vector<16xf32>
        %swap3A_1212 = arith.index_cast %add3A_1192 : i32 to index
        %swap3A_1213 = arith.constant 80 : index
        %swap3A_1214 = tpu.vector_load %arg8[%swap3A_1212, %swap3A_1213] {strides = array<i32>} : memref<256x128xf32, #tpu.memory_space<vmem>>, vector<1x16xf32>,
        %swap3A_1215 = vector.shape_cast %swap3A_1214 : vector<1x16xf32> to vector<16xf32>
        %swap3A_1216 = vector.shape_cast %mul3A_1211 : vector<16xf32> to vector<1x16xf32>
        tpu.vector_store %arg8[%swap3A_1212, %swap3A_1213], %swap3A_1216 {strides = array<i32>} : memref<256x128xf32, #tpu.memory_space<vmem>>, vector<1x16xf32>,
        %get3A_1217 = arith.index_cast %add3A_1166 : i32 to index
        %get3A_1218 = arith.constant 32 : index
        %get3A_1219 = tpu.vector_load %arg7[%get3A_1217, %get3A_1218] {strides = array<i32>} : memref<256x64xf32, #tpu.memory_space<vmem>>, vector<1x16xf32>,
        %get3A_1220 = vector.shape_cast %get3A_1219 : vector<1x16xf32> to vector<16xf32>
        %mul3A_1221 = arith.constant 8.000000e+00 : f32
        %mul3A_1222 = vector.broadcast %mul3A_1221 : f32 to vector<16xf32>
        %mul3A_1223 = arith.mulf %get3A_1220, %mul3A_1222 : vector<16xf32>
        %swap3A_1224 = arith.index_cast %add3A_1192 : i32 to index
        %swap3A_1225 = arith.constant 96 : index
        %swap3A_1226 = tpu.vector_load %arg8[%swap3A_1224, %swap3A_1225] {strides = array<i32>} : memref<256x128xf32, #tpu.memory_space<vmem>>, vector<1x16xf32>,
        %swap3A_1227 = vector.shape_cast %swap3A_1226 : vector<1x16xf32> to vector<16xf32>
        %swap3A_1228 = vector.shape_cast %mul3A_1223 : vector<16xf32> to vector<1x16xf32>
        tpu.vector_store %arg8[%swap3A_1224, %swap3A_1225], %swap3A_1228 {strides = array<i32>} : memref<256x128xf32, #tpu.memory_space<vmem>>, vector<1x16xf32>,
        %get3A_1229 = arith.index_cast %add3A_1166 : i32 to index
        %get3A_1230 = arith.constant 48 : index
        %get3A_1231 = tpu.vector_load %arg7[%get3A_1229, %get3A_1230] {strides = array<i32>} : memref<256x64xf32, #tpu.memory_space<vmem>>, vector<1x16xf32>,
        %get3A_1232 = vector.shape_cast %get3A_1231 : vector<1x16xf32> to vector<16xf32>
        %mul3A_1233 = arith.constant 8.000000e+00 : f32
        %mul3A_1234 = vector.broadcast %mul3A_1233 : f32 to vector<16xf32>
        %mul3A_1235 = arith.mulf %get3A_1232, %mul3A_1234 : vector<16xf32>
        %swap3A_1236 = arith.index_cast %add3A_1192 : i32 to index
        %swap3A_1237 = arith.constant 112 : index
        %swap3A_1238 = tpu.vector_load %arg8[%swap3A_1236, %swap3A_1237] {strides = array<i32>} : memref<256x128xf32, #tpu.memory_space<vmem>>, vector<1x16xf32>,
        %swap3A_1239 = vector.shape_cast %swap3A_1238 : vector<1x16xf32> to vector<16xf32>
        %swap3A_1240 = vector.shape_cast %mul3A_1235 : vector<16xf32> to vector<1x16xf32>
        tpu.vector_store %arg8[%swap3A_1236, %swap3A_1237], %swap3A_1240 {strides = array<i32>} : memref<256x128xf32, #tpu.memory_space<vmem>>, vector<1x16xf32>,
        %slice3A_1241 = vector.extract_strided_slice %get3A_61 {offsets = [14], sizes = [1], strides = [1]} : vector<16xi32> to vector<1xi32>
        %squeeze3A_1242 = vector.extract %slice3A_1241[0] : i32 from vector<1xi32>
        %mul3A_1243 = arith.constant 16 : i32
        %mul3A_1244 = arith.muli %scan3A_56, %mul3A_1243 : i32
        %add3A_1245 = arith.constant 14 : i32
        %add3A_1246 = arith.addi %mul3A_1244, %add3A_1245 : i32
        %mul3A_1247 = arith.constant 8 : i32
        %mul3A_1248 = arith.muli %add3A_1246, %mul3A_1247 : i32
        %and3A_1249 = arith.constant 7 : i32
        %and3A_1250 = arith.andi %squeeze3A_1242, %and3A_1249 : i32
        %add3A_1251 = arith.addi %mul3A_1248, %and3A_1250 : i32
        %jit3A_1252 = arith.constant 2 : i32
        %div3A_1253 = arith.divsi %add3A_59, %jit3A_1252 : i32
        %sign3A_1254 = arith.constant 0 : i32
        %sign3A_1255 = arith.cmpi sgt, %add3A_59, %sign3A_1254 : i32
        %sign3A_1256 = arith.extui %sign3A_1255 : i1 to i32
        %sign3A_1257 = arith.constant 0 : i32
        %sign3A_1258 = arith.cmpi slt, %add3A_59, %sign3A_1257 : i32
        %sign3A_1259 = arith.extui %sign3A_1258 : i1 to i32
        %sign3A_1260 = arith.subi %sign3A_1256, %sign3A_1259 : i32
        %sign3A_1261 = arith.constant 0 : i32
        %sign3A_1262 = arith.cmpi sgt, %jit3A_1252, %sign3A_1261 : i32
        %sign3A_1263 = arith.extui %sign3A_1262 : i1 to i32
        %sign3A_1264 = arith.constant 0 : i32
        %sign3A_1265 = arith.cmpi slt, %jit3A_1252, %sign3A_1264 : i32
        %sign3A_1266 = arith.extui %sign3A_1265 : i1 to i32
        %sign3A_1267 = arith.subi %sign3A_1263, %sign3A_1266 : i32
        %ne3A_1268 = arith.cmpi ne, %sign3A_1260, %sign3A_1267 : i32
        %rem3A_1269 = arith.remsi %add3A_59, %jit3A_1252 : i32
        %ne3A_1270 = arith.constant 0 : i32
        %ne3A_1271 = arith.cmpi ne, %rem3A_1269, %ne3A_1270 : i32
        %and3A_1272 = arith.andi %ne3A_1268, %ne3A_1271 : i1
        %sub3A_1273 = arith.constant 1 : i32
        %sub3A_1274 = arith.subi %div3A_1253, %sub3A_1273 : i32
        %select_n3A_1275 = arith.select %and3A_1272, %sub3A_1274, %div3A_1253 : i32
        %add3A_1276 = arith.constant 7 : i32
        %add3A_1277 = arith.addi %select_n3A_1275, %add3A_1276 : i32
        %get3A_1278 = arith.index_cast %add3A_1251 : i32 to index
        %get3A_1279 = arith.constant 0 : index
        %get3A_1280 = tpu.vector_load %arg7[%get3A_1278, %get3A_1279] {strides = array<i32>} : memref<256x64xf32, #tpu.memory_space<vmem>>, vector<1x16xf32>,
        %get3A_1281 = vector.shape_cast %get3A_1280 : vector<1x16xf32> to vector<16xf32>
        %mul3A_1282 = arith.constant 8.000000e+00 : f32
        %mul3A_1283 = vector.broadcast %mul3A_1282 : f32 to vector<16xf32>
        %mul3A_1284 = arith.mulf %get3A_1281, %mul3A_1283 : vector<16xf32>
        %swap3A_1285 = arith.index_cast %add3A_1277 : i32 to index
        %swap3A_1286 = arith.constant 0 : index
        %swap3A_1287 = tpu.vector_load %arg8[%swap3A_1285, %swap3A_1286] {strides = array<i32>} : memref<256x128xf32, #tpu.memory_space<vmem>>, vector<1x16xf32>,
        %swap3A_1288 = vector.shape_cast %swap3A_1287 : vector<1x16xf32> to vector<16xf32>
        %swap3A_1289 = vector.shape_cast %mul3A_1284 : vector<16xf32> to vector<1x16xf32>
        tpu.vector_store %arg8[%swap3A_1285, %swap3A_1286], %swap3A_1289 {strides = array<i32>} : memref<256x128xf32, #tpu.memory_space<vmem>>, vector<1x16xf32>,
        %get3A_1290 = arith.index_cast %add3A_1251 : i32 to index
        %get3A_1291 = arith.constant 16 : index
        %get3A_1292 = tpu.vector_load %arg7[%get3A_1290, %get3A_1291] {strides = array<i32>} : memref<256x64xf32, #tpu.memory_space<vmem>>, vector<1x16xf32>,
        %get3A_1293 = vector.shape_cast %get3A_1292 : vector<1x16xf32> to vector<16xf32>
        %mul3A_1294 = arith.constant 8.000000e+00 : f32
        %mul3A_1295 = vector.broadcast %mul3A_1294 : f32 to vector<16xf32>
        %mul3A_1296 = arith.mulf %get3A_1293, %mul3A_1295 : vector<16xf32>
        %swap3A_1297 = arith.index_cast %add3A_1277 : i32 to index
        %swap3A_1298 = arith.constant 16 : index
        %swap3A_1299 = tpu.vector_load %arg8[%swap3A_1297, %swap3A_1298] {strides = array<i32>} : memref<256x128xf32, #tpu.memory_space<vmem>>, vector<1x16xf32>,
        %swap3A_1300 = vector.shape_cast %swap3A_1299 : vector<1x16xf32> to vector<16xf32>
        %swap3A_1301 = vector.shape_cast %mul3A_1296 : vector<16xf32> to vector<1x16xf32>
        tpu.vector_store %arg8[%swap3A_1297, %swap3A_1298], %swap3A_1301 {strides = array<i32>} : memref<256x128xf32, #tpu.memory_space<vmem>>, vector<1x16xf32>,
        %get3A_1302 = arith.index_cast %add3A_1251 : i32 to index
        %get3A_1303 = arith.constant 32 : index
        %get3A_1304 = tpu.vector_load %arg7[%get3A_1302, %get3A_1303] {strides = array<i32>} : memref<256x64xf32, #tpu.memory_space<vmem>>, vector<1x16xf32>,
        %get3A_1305 = vector.shape_cast %get3A_1304 : vector<1x16xf32> to vector<16xf32>
        %mul3A_1306 = arith.constant 8.000000e+00 : f32
        %mul3A_1307 = vector.broadcast %mul3A_1306 : f32 to vector<16xf32>
        %mul3A_1308 = arith.mulf %get3A_1305, %mul3A_1307 : vector<16xf32>
        %swap3A_1309 = arith.index_cast %add3A_1277 : i32 to index
        %swap3A_1310 = arith.constant 32 : index
        %swap3A_1311 = tpu.vector_load %arg8[%swap3A_1309, %swap3A_1310] {strides = array<i32>} : memref<256x128xf32, #tpu.memory_space<vmem>>, vector<1x16xf32>,
        %swap3A_1312 = vector.shape_cast %swap3A_1311 : vector<1x16xf32> to vector<16xf32>
        %swap3A_1313 = vector.shape_cast %mul3A_1308 : vector<16xf32> to vector<1x16xf32>
        tpu.vector_store %arg8[%swap3A_1309, %swap3A_1310], %swap3A_1313 {strides = array<i32>} : memref<256x128xf32, #tpu.memory_space<vmem>>, vector<1x16xf32>,
        %get3A_1314 = arith.index_cast %add3A_1251 : i32 to index
        %get3A_1315 = arith.constant 48 : index
        %get3A_1316 = tpu.vector_load %arg7[%get3A_1314, %get3A_1315] {strides = array<i32>} : memref<256x64xf32, #tpu.memory_space<vmem>>, vector<1x16xf32>,
        %get3A_1317 = vector.shape_cast %get3A_1316 : vector<1x16xf32> to vector<16xf32>
        %mul3A_1318 = arith.constant 8.000000e+00 : f32
        %mul3A_1319 = vector.broadcast %mul3A_1318 : f32 to vector<16xf32>
        %mul3A_1320 = arith.mulf %get3A_1317, %mul3A_1319 : vector<16xf32>
        %swap3A_1321 = arith.index_cast %add3A_1277 : i32 to index
        %swap3A_1322 = arith.constant 48 : index
        %swap3A_1323 = tpu.vector_load %arg8[%swap3A_1321, %swap3A_1322] {strides = array<i32>} : memref<256x128xf32, #tpu.memory_space<vmem>>, vector<1x16xf32>,
        %swap3A_1324 = vector.shape_cast %swap3A_1323 : vector<1x16xf32> to vector<16xf32>
        %swap3A_1325 = vector.shape_cast %mul3A_1320 : vector<16xf32> to vector<1x16xf32>
        tpu.vector_store %arg8[%swap3A_1321, %swap3A_1322], %swap3A_1325 {strides = array<i32>} : memref<256x128xf32, #tpu.memory_space<vmem>>, vector<1x16xf32>,
        %slice3A_1326 = vector.extract_strided_slice %get3A_61 {offsets = [15], sizes = [1], strides = [1]} : vector<16xi32> to vector<1xi32>
        %squeeze3A_1327 = vector.extract %slice3A_1326[0] : i32 from vector<1xi32>
        %mul3A_1328 = arith.constant 16 : i32
        %mul3A_1329 = arith.muli %scan3A_56, %mul3A_1328 : i32
        %add3A_1330 = arith.constant 15 : i32
        %add3A_1331 = arith.addi %mul3A_1329, %add3A_1330 : i32
        %mul3A_1332 = arith.constant 8 : i32
        %mul3A_1333 = arith.muli %add3A_1331, %mul3A_1332 : i32
        %and3A_1334 = arith.constant 7 : i32
        %and3A_1335 = arith.andi %squeeze3A_1327, %and3A_1334 : i32
        %add3A_1336 = arith.addi %mul3A_1333, %and3A_1335 : i32
        %jit3A_1337 = arith.constant 2 : i32
        %div3A_1338 = arith.divsi %add3A_59, %jit3A_1337 : i32
        %sign3A_1339 = arith.constant 0 : i32
        %sign3A_1340 = arith.cmpi sgt, %add3A_59, %sign3A_1339 : i32
        %sign3A_1341 = arith.extui %sign3A_1340 : i1 to i32
        %sign3A_1342 = arith.constant 0 : i32
        %sign3A_1343 = arith.cmpi slt, %add3A_59, %sign3A_1342 : i32
        %sign3A_1344 = arith.extui %sign3A_1343 : i1 to i32
        %sign3A_1345 = arith.subi %sign3A_1341, %sign3A_1344 : i32
        %sign3A_1346 = arith.constant 0 : i32
        %sign3A_1347 = arith.cmpi sgt, %jit3A_1337, %sign3A_1346 : i32
        %sign3A_1348 = arith.extui %sign3A_1347 : i1 to i32
        %sign3A_1349 = arith.constant 0 : i32
        %sign3A_1350 = arith.cmpi slt, %jit3A_1337, %sign3A_1349 : i32
        %sign3A_1351 = arith.extui %sign3A_1350 : i1 to i32
        %sign3A_1352 = arith.subi %sign3A_1348, %sign3A_1351 : i32
        %ne3A_1353 = arith.cmpi ne, %sign3A_1345, %sign3A_1352 : i32
        %rem3A_1354 = arith.remsi %add3A_59, %jit3A_1337 : i32
        %ne3A_1355 = arith.constant 0 : i32
        %ne3A_1356 = arith.cmpi ne, %rem3A_1354, %ne3A_1355 : i32
        %and3A_1357 = arith.andi %ne3A_1353, %ne3A_1356 : i1
        %sub3A_1358 = arith.constant 1 : i32
        %sub3A_1359 = arith.subi %div3A_1338, %sub3A_1358 : i32
        %select_n3A_1360 = arith.select %and3A_1357, %sub3A_1359, %div3A_1338 : i32
        %add3A_1361 = arith.constant 7 : i32
        %add3A_1362 = arith.addi %select_n3A_1360, %add3A_1361 : i32
        %get3A_1363 = arith.index_cast %add3A_1336 : i32 to index
        %get3A_1364 = arith.constant 0 : index
        %get3A_1365 = tpu.vector_load %arg7[%get3A_1363, %get3A_1364] {strides = array<i32>} : memref<256x64xf32, #tpu.memory_space<vmem>>, vector<1x16xf32>,
        %get3A_1366 = vector.shape_cast %get3A_1365 : vector<1x16xf32> to vector<16xf32>
        %mul3A_1367 = arith.constant 8.000000e+00 : f32
        %mul3A_1368 = vector.broadcast %mul3A_1367 : f32 to vector<16xf32>
        %mul3A_1369 = arith.mulf %get3A_1366, %mul3A_1368 : vector<16xf32>
        %swap3A_1370 = arith.index_cast %add3A_1362 : i32 to index
        %swap3A_1371 = arith.constant 64 : index
        %swap3A_1372 = tpu.vector_load %arg8[%swap3A_1370, %swap3A_1371] {strides = array<i32>} : memref<256x128xf32, #tpu.memory_space<vmem>>, vector<1x16xf32>,
        %swap3A_1373 = vector.shape_cast %swap3A_1372 : vector<1x16xf32> to vector<16xf32>
        %swap3A_1374 = vector.shape_cast %mul3A_1369 : vector<16xf32> to vector<1x16xf32>
        tpu.vector_store %arg8[%swap3A_1370, %swap3A_1371], %swap3A_1374 {strides = array<i32>} : memref<256x128xf32, #tpu.memory_space<vmem>>, vector<1x16xf32>,
        %get3A_1375 = arith.index_cast %add3A_1336 : i32 to index
        %get3A_1376 = arith.constant 16 : index
        %get3A_1377 = tpu.vector_load %arg7[%get3A_1375, %get3A_1376] {strides = array<i32>} : memref<256x64xf32, #tpu.memory_space<vmem>>, vector<1x16xf32>,
        %get3A_1378 = vector.shape_cast %get3A_1377 : vector<1x16xf32> to vector<16xf32>
        %mul3A_1379 = arith.constant 8.000000e+00 : f32
        %mul3A_1380 = vector.broadcast %mul3A_1379 : f32 to vector<16xf32>
        %mul3A_1381 = arith.mulf %get3A_1378, %mul3A_1380 : vector<16xf32>
        %swap3A_1382 = arith.index_cast %add3A_1362 : i32 to index
        %swap3A_1383 = arith.constant 80 : index
        %swap3A_1384 = tpu.vector_load %arg8[%swap3A_1382, %swap3A_1383] {strides = array<i32>} : memref<256x128xf32, #tpu.memory_space<vmem>>, vector<1x16xf32>,
        %swap3A_1385 = vector.shape_cast %swap3A_1384 : vector<1x16xf32> to vector<16xf32>
        %swap3A_1386 = vector.shape_cast %mul3A_1381 : vector<16xf32> to vector<1x16xf32>
        tpu.vector_store %arg8[%swap3A_1382, %swap3A_1383], %swap3A_1386 {strides = array<i32>} : memref<256x128xf32, #tpu.memory_space<vmem>>, vector<1x16xf32>,
        %get3A_1387 = arith.index_cast %add3A_1336 : i32 to index
        %get3A_1388 = arith.constant 32 : index
        %get3A_1389 = tpu.vector_load %arg7[%get3A_1387, %get3A_1388] {strides = array<i32>} : memref<256x64xf32, #tpu.memory_space<vmem>>, vector<1x16xf32>,
        %get3A_1390 = vector.shape_cast %get3A_1389 : vector<1x16xf32> to vector<16xf32>
        %mul3A_1391 = arith.constant 8.000000e+00 : f32
        %mul3A_1392 = vector.broadcast %mul3A_1391 : f32 to vector<16xf32>
        %mul3A_1393 = arith.mulf %get3A_1390, %mul3A_1392 : vector<16xf32>
        %swap3A_1394 = arith.index_cast %add3A_1362 : i32 to index
        %swap3A_1395 = arith.constant 96 : index
        %swap3A_1396 = tpu.vector_load %arg8[%swap3A_1394, %swap3A_1395] {strides = array<i32>} : memref<256x128xf32, #tpu.memory_space<vmem>>, vector<1x16xf32>,
        %swap3A_1397 = vector.shape_cast %swap3A_1396 : vector<1x16xf32> to vector<16xf32>
        %swap3A_1398 = vector.shape_cast %mul3A_1393 : vector<16xf32> to vector<1x16xf32>
        tpu.vector_store %arg8[%swap3A_1394, %swap3A_1395], %swap3A_1398 {strides = array<i32>} : memref<256x128xf32, #tpu.memory_space<vmem>>, vector<1x16xf32>,
        %get3A_1399 = arith.index_cast %add3A_1336 : i32 to index
        %get3A_1400 = arith.constant 48 : index
        %get3A_1401 = tpu.vector_load %arg7[%get3A_1399, %get3A_1400] {strides = array<i32>} : memref<256x64xf32, #tpu.memory_space<vmem>>, vector<1x16xf32>,
        %get3A_1402 = vector.shape_cast %get3A_1401 : vector<1x16xf32> to vector<16xf32>
        %mul3A_1403 = arith.constant 8.000000e+00 : f32
        %mul3A_1404 = vector.broadcast %mul3A_1403 : f32 to vector<16xf32>
        %mul3A_1405 = arith.mulf %get3A_1402, %mul3A_1404 : vector<16xf32>
        %swap3A_1406 = arith.index_cast %add3A_1362 : i32 to index
        %swap3A_1407 = arith.constant 112 : index
        %swap3A_1408 = tpu.vector_load %arg8[%swap3A_1406, %swap3A_1407] {strides = array<i32>} : memref<256x128xf32, #tpu.memory_space<vmem>>, vector<1x16xf32>,
        %swap3A_1409 = vector.shape_cast %swap3A_1408 : vector<1x16xf32> to vector<16xf32>
        %swap3A_1410 = vector.shape_cast %mul3A_1405 : vector<16xf32> to vector<1x16xf32>
        tpu.vector_store %arg8[%swap3A_1406, %swap3A_1407], %swap3A_1410 {strides = array<i32>} : memref<256x128xf32, #tpu.memory_space<vmem>>, vector<1x16xf32>,
      }
      %scan3A_55 = arith.constant 2 : i32
    }
    %scan3A_14 = arith.constant 8 : i32
    "tpu.region"() ({
      %run_scoped3A = tpu.sem_alloc : memref<!tpu.dma_semaphore, #tpu.memory_space<semaphore_mem>>
      %dma_start3A = arith.constant 0 : i32
      %dma_start3A_15 = tpu.memref_slice %arg4[%multiple_of3A_5, %dma_start3A] : memref<8192x128xf32, #tpu.memory_space<hbm>> -> memref<256x128xf32, #tpu.memory_space<hbm>>
      %dma_start3A_16 = arith.constant 0 : i32
      %dma_start3A_17 = tpu.memref_slice %arg4[%multiple_of3A_5, %dma_start3A_16] : memref<8192x128xf32, #tpu.memory_space<hbm>> -> memref<256x128xf32, #tpu.memory_space<hbm>>
      tpu.enqueue_dma source(%arg8 : memref<256x128xf32, #tpu.memory_space<vmem>>) target(%dma_start3A_17 : memref<256x128xf32, #tpu.memory_space<hbm>>) target_semaphore(%run_scoped3A : memref<!tpu.dma_semaphore, #tpu.memory_space<semaphore_mem>>)
      %dma_wait3A = arith.constant 0 : i32
      %dma_wait3A_18 = tpu.memref_slice %arg4[%multiple_of3A_5, %dma_wait3A] : memref<8192x128xf32, #tpu.memory_space<hbm>> -> memref<256x128xf32, #tpu.memory_space<hbm>>
      %dma_wait3A_19 = arith.constant 0 : i32
      %dma_wait3A_20 = tpu.memref_slice %arg4[%multiple_of3A_5, %dma_wait3A_19] : memref<8192x128xf32, #tpu.memory_space<hbm>> -> memref<256x128xf32, #tpu.memory_space<hbm>>
      tpu.wait_dma2 semaphore(%run_scoped3A : memref<!tpu.dma_semaphore, #tpu.memory_space<semaphore_mem>>) src(%arg8 : memref<256x128xf32, #tpu.memory_space<vmem>>) dst(%dma_wait3A_20 : memref<256x128xf32, #tpu.memory_space<hbm>>)
      tpu.yield
    }) : () -> ()
    return
  }
}

</mosaic_0001>

<sc_bundles>
// kernel: kernel.3.cloned.1.call-start
scs
__scs_entry_jumppad:
0x0: {  	(pc) =	sbr.rel $0x88, $3  }
0x1: {  	(tag) =	ssettag $0x0;
	lr =	simm.s32 $0x1  }
0x2: {  	[smem:$0x3F9F] =	sst lr;
	_ =	strace $0xD0000000  }
0x3: {  	_ = 	snop  }
0x4: {  	_ = 	snop  }
0x5: {  	_ = 	snop  }
0x6: {  	_ = 	snop  }
0x7: {  	_ = 	snop  }
__scs_overlays_trampoline_lowered:
0x8: {  	[smem:$0x3FAE] =	sst s0  }
0x9: {  	[smem:$0x3FAF] =	sst s1  }
0xa: {  	[smem:$0x3FB0] =	sst s2  }
0xb: {  	[smem:$0x3FB1] =	sst s3  }
0xc: {  	[smem:$0x3FB2] =	sst s4  }
0xd: {  	[smem:$0x3FB3] =	sst s5  }
0xe: {  	[smem:$0x3FB4] =	sst s6  }
0xf: {  	[smem:$0x3FB5] =	sst s7  }
0x10: {  	[smem:$0x3FB6] =	sst s8  }
0x11: {  	[smem:$0x3FB7] =	sst s9;
	s0 =	simm.s32 @!p0 $0x0  }
0x12: {  	s1 =	sld [smem:$0x3F9D];
	s0 =	simm.s32 @p0 $0x1  }
0x13: {  	[smem:$0x3FB8] =	sst s0;
	s0 =	simm.s32 @!p1 $0x0  }
0x14: {  	s2 =	sld [smem:$0x3F9C];
	s0 =	simm.s32 @p1 $0x1  }
0x15: {  	[smem:$0x3FB9] =	sst s0;
	s0 =	simm.s32 @!p2 $0x0  }
0x16: {  	s3 =	sld [smem:$0x3FDB];
	s0 =	simm.s32 @p2 $0x1  }
0x17: {  	s4 =	simm.s32 $0x1BF5;
	[smem:$0x3FBB] =	sst s0  }
0x18: {  	s0 =	sld [smem:$0x3F9E];
	_ =	swait.ge [sflag:s4], $0x0  }
0x19: {  	s7 =	sld [smem:$0x3F9F]  }
0x1a: {  	s8 =	sadd.s32 $0xFFFFE003, lr  }
0x1b: {  	s9 =	sadd.s32 $0xFFFFFEF7, lr;
	s5 =	simm.s32 $0xFFFFFFFF;
	p2 =	slt.u32 s8, $0xFFFFF086  }
0x1c: {  	p1 =	slt.u32 s9, $0xF7A;
	s5 =	simm.s32 @!p2 $0x0  }
0x1d: {  	s5 =	simm.s32 @p1 $0x1;
	p0 =	seq.s32 s7, s2  }
0x1e: {  	s7 =	smul.u32 @!p0 $0xF7A, s2;
	p2 =	seq.s32 @!p0 s5, $0x0  }
0x1f: {  	s9 =	smul.u32 $0xF7A, s1;
	s8 =	simm.s32 @!p0 $0x1BF5;
	p2 =	por !p2, p0  }
0x20: {  	[sflag:s8] =	ssyncset.s32 @!p0 $0xFFFFF086;
	s6 =	sadd.s32 @!p0 s3, s7;
	s7 =	simm.s32 @!p0 $0x108  }
0x21: {  	s3 =	sadd.s32 s3, s9;
	s6 =	sadd.s32 @!p0 $0x88, s6;
	s7 =	simm.s32 @p2 $0x1082  }
0x22: {  	[simem:s7], [sflag:s8] =	dma.local @!p0 [hbm:s6], $0xF7A  }
0x23: {  	s9 =	sor.u32 $0xD0000000, s2;
	s6 =	simm.s32 $0x108;
	_ =	swait.ge @!p0 [sflag:s8], $0x0  }
0x24: {  	s3 =	sadd.s32 $0x88, s3;
	s6 =	simm.s32 @!p1 $0x1082;
	[sflag:s4] =	ssyncset.s32 $0xFFFFF086  }
0x25: {  	[simem:s6], [sflag:s4] =	dma.local [hbm:s3], $0xF7A  }
0x26: {  	[smem:$0x3F9F] =	sst s1;
	(tag) =	ssettag s2;
	_ =	strace s9  }
0x27: {  	s1 =	sld [smem:$0x3FAF]  }
0x28: {  	s2 =	sld [smem:$0x3FB0]  }
0x29: {  	s4 =	sld [smem:$0x3FB2]  }
0x2a: {  	p0 =	seq.s32 s5, $0x0;
	s5 =	sld [smem:$0x3FB3]  }
0x2b: {  	s6 =	sld [smem:$0x3FB4]  }
0x2c: {  	s7 =	sld [smem:$0x3FB5]  }
0x2d: {  	s3 =	simm.s32 $0x108;
	s8 =	sld [smem:$0x3FB6]  }
0x2e: {  	s3 =	simm.s32 @!p0 $0x1082;
	s9 =	sld [smem:$0x3FB7]  }
0x2f: {  	lr =	sadd.s32 s0, s3;
	s0 =	sld [smem:$0x3FAE]  }
0x30: {  	s3 =	sld [smem:$0x3FB1]  }
0x31: {  	[smem:$0x3FBA] =	sst s10  }
0x32: {  	s10 =	sld [smem:$0x3FB8];
	_ =	sdelay $0x3  }
0x33: {  	p0 =	seq.s32 s10, $0x1;
	s10 =	sld [smem:$0x3FBA];
	_ =	sdelay $0x3  }
0x34: {  	[smem:$0x3FBA] =	sst s10  }
0x35: {  	s10 =	sld [smem:$0x3FB9];
	_ =	sdelay $0x3  }
0x36: {  	p1 =	seq.s32 s10, $0x1;
	s10 =	sld [smem:$0x3FBA];
	_ =	sdelay $0x3  }
0x37: {  	[smem:$0x3FBA] =	sst s10  }
0x38: {  	s10 =	sld [smem:$0x3FBB]  }
0x39: {  	_ = 	snop;
	(pc) =	sbr.ind lr, $3  }
0x3a: {  	_ = 	snop  }
0x3b: {  	_ = 	snop  }
0x3c: {  	p2 =	seq.s32 s10, $0x1;
	s10 =	sld [smem:$0x3FBA]  }
0x3d: {  	_ =	shalt  }
0x3e: {  	_ =	shalt  }
0x3f: {  	_ =	shalt  }
0x40: {  	_ =	shalt  }
0x41: {  	_ =	shalt  }
0x42: {  	_ =	shalt  }
0x43: {  	_ =	shalt  }
0x44: {  	_ =	shalt  }
0x45: {  	_ =	shalt  }
0x46: {  	_ =	shalt  }
0x47: {  	_ =	shalt  }
0x48: {  	_ =	shalt  }
0x49: {  	_ =	shalt  }
0x4a: {  	_ =	shalt  }
0x4b: {  	_ =	shalt  }
0x4c: {  	_ =	shalt  }
0x4d: {  	_ =	shalt  }
0x4e: {  	_ =	shalt  }
0x4f: {  	_ =	shalt  }
0x50: {  	_ =	shalt  }
0x51: {  	_ =	shalt  }
0x52: {  	_ =	shalt  }
0x53: {  	_ =	shalt  }
0x54: {  	_ =	shalt  }
0x55: {  	_ =	shalt  }
0x56: {  	_ =	shalt  }
0x57: {  	_ =	shalt  }
0x58: {  	_ =	shalt  }
0x59: {  	_ =	shalt  }
0x5a: {  	_ =	shalt  }
0x5b: {  	_ =	shalt  }
0x5c: {  	_ =	shalt  }
0x5d: {  	_ =	shalt  }
0x5e: {  	_ =	shalt  }
0x5f: {  	_ =	shalt  }
0x60: {  	_ =	shalt  }
0x61: {  	_ =	shalt  }
0x62: {  	_ =	shalt  }
0x63: {  	_ =	shalt  }
0x64: {  	_ =	shalt  }
0x65: {  	_ =	shalt  }
0x66: {  	_ =	shalt  }
0x67: {  	_ =	shalt  }
0x68: {  	_ =	shalt  }
0x69: {  	_ =	shalt  }
0x6a: {  	_ =	shalt  }
0x6b: {  	_ =	shalt  }
0x6c: {  	_ =	shalt  }
0x6d: {  	_ =	shalt  }
0x6e: {  	_ =	shalt  }
0x6f: {  	_ =	shalt  }
0x70: {  	_ =	shalt  }
0x71: {  	_ =	shalt  }
0x72: {  	_ =	shalt  }
0x73: {  	_ =	shalt  }
0x74: {  	_ =	shalt  }
0x75: {  	_ =	shalt  }
0x76: {  	_ =	shalt  }
0x77: {  	_ =	shalt  }
0x78: {  	_ =	shalt  }
0x79: {  	_ =	shalt  }
0x7a: {  	_ =	shalt  }
0x7b: {  	_ =	shalt  }
0x7c: {  	_ =	shalt  }
0x7d: {  	_ =	shalt  }
0x7e: {  	_ =	shalt  }
0x7f: {  	_ =	shalt  }
0x80: {  	_ =	shalt  }
0x81: {  	_ =	shalt  }
0x82: {  	_ =	shalt  }
0x83: {  	_ =	shalt  }
0x84: {  	_ =	shalt  }
0x85: {  	_ =	shalt  }
0x86: {  	_ =	shalt  }
0x87: {  	_ =	shalt  }
.Lfunc_end0:
.L_simem_size_0:
called_computation_lowered:
.L_overlay_start_0:
0x88: {  	s2 =	sld [smem:$0x3FD9]  }
0x89: {  	s3 =	sld [smem:$0x3FFE];
	_ =	sdelay $0x1  }
0x8a: {  	s1 =	srdreg.scid  }
0x8b: {  	s0 =	sand.u32 $0x1, s1  }
0x8c: {  	s17 =	sshll.u32 s0, $0xA;
	s2 =	sadd.s32 s3, s2  }
0x8d: {  	s2 =	sadd.s32 s2, s17  }
0x8e: {  	[smem:$0x3FC6] =	sst s2  }
0x8f: {  	_ = 	snop  }
0x90: {  	s2 =	sld [smem:$0x3FD0];
	(tm) =	ssettm $0x1  }
0x91: {  	s18 =	sld [smem:$0x3FFB];
	_ =	sdelay $0x3  }
0x92: {  	_ =	strace s18  }
0x93: {  	s3 =	sld [smem:$0x3FFC];
	_ =	sdelay $0x3  }
0x94: {  	_ =	strace s3  }
0x95: {  	s3 =	sld [smem:$0x3FFD];
	_ =	sdelay $0x3  }
0x96: {  	_ =	strace s3  }
0x97: {  	_ =	strace $0x8FFFFFFF  }
0x98: {  	s19 =	sld [smem:$0x3FDB];
	_ =	sdelay $0x1  }
0x99: {  	s4 =	simm.s32 $_scs_section_size  }
0x9a: {  	s5 =	simm.s32 $_size__tile_overlayer_lowered;
	s6 =	simm.s32 $_tile_overlayer_lowered  }
0x9b: {  	s22 =	simm.s32 $0x1BFF;
	s21 =	sshll.u32 s6, $0x1;
	s3 =	sadd.s32 s4, s19  }
0x9c: {  	s7 =	simm.s32 $0x0;
	s20 =	sshll.u32 s5, $0x1;
	s5 =	sadd.s32 s21, s3  }
0x9d: {  	[timem:s7], [sflag:s22] =	dma.local [hbm:s5], s20  }
0x9e: {  	_ =	swait.ge [sflag:s22], s20  }
0x9f: {  	s4 =	ssub.s32 $0x0, s20;
	[sflag:s22] =	ssyncset.done $0x0  }
0xa0: {  	[sflag:s22] =	ssyncadd.s32 s4;
	_ =	sdelay $0x1  }
0xa1: {  	s23 =	simm.s32 $0x1B8B  }
0xa2: {  	_ =	swait.ge [sflag:s23], $0x1  }
0xa3: {  	[sflag:s23] =	ssyncset.done $0x0  }
0xa4: {  	s25 =	simm.s32 $0x1B8E;
	s24 =	sld [smem:$0x3FFE];
	[sflag:s23] =	ssyncadd.s32 $0xFFFFFFFF  }
0xa5: {  	s26 =	simm.s32 $execute0_lowered;
	[smem:$0x3FD2] =	sst s25  }
0xa6: {  	s5 =	sshll.u32 s26, $0x1;
	_ =	strace $0x80000046;
	[dreg:$0x1] =	wrdreg $0xFFFFFFFF  }
0xa7: {  	s28 =	simm.s32 $_size_execute0_lowered;
	s3 =	sadd.s32 s3, s5;
	[dreg:$0x0] =	wrdreg $0x0  }
0xa8: {  	s5 =	sshll.u32 s28, $0x1;
	[dreg:$0x2] =	wrdreg s3  }
0xa9: {  	[dreg:$0x3] =	wrdreg s5  }
0xaa: {  	[dreg:$0x4] =	wrdreg $0xC0  }
0xab: {  	_ =	task [dreg:s7], $0x5FFFF  }
0xac: {  	[dreg:$0x1] =	wrdreg $0xFFFFFFFF  }
0xad: {  	[dreg:$0x0] =	wrdreg $0x60  }
0xae: {  	[dreg:$0x2] =	wrdreg s24  }
0xaf: {  	[dreg:$0x3] =	wrdreg s2  }
0xb0: {  	[dreg:$0x4] =	wrdreg $0x9  }
0xb1: {  	_ =	task.clear_ibuf [dreg:s7], $0x5FFFF;
	_ =	strace $0x90000046  }
0xb2: {  	s29 =	simm.s32 $0x9;
	_ =	strace $0x80000048  }
0xb3: {  	_ =	swait.ge [sflag:s29], $0x1  }
0xb4: {  	[sflag:s29] =	ssyncadd.s32 $0xFFFFFFFF  }
0xb5: {  	_ =	strace $0x90000048  }
0xb6: {  	_ =	sfence  }
0xb7: {  	s30 =	sld [smem:$0x0];
	_ =	sdelay $0x2  }
0xb8: {  	s31 =	sshll.u32 s1, $0xD;
	s1 =	sshrl.u32 s1, $0x2  }
0xb9: {  	s3 =	sand.u32 $0x4000, s31;
	s1 =	sadd.s32 s1, s30  }
0xba: {  	s0 =	sor.u32 s3, s0;
	s1 =	sshll.u32 s1, $0x11  }
0xbb: {  	s0 =	sor.u32 s1, s0  }
0xbc: {  	s0 =	sadd.s32 $0x8F2B, s0  }
0xbd: {  	[sflag:s0] =	ssyncadd.remote.s32 $0x1  }
0xbe: {  	_ =	sfence.sel $0xFFFF  }
0xbf: {  	[dreg:$0x0] =	wrdreg $0xFFFFFFFF;
	(pc) =	sbr.abs _section_cstart, $3  }
0xc0: {  	[dreg:$0x1] =	wrdreg $0xFFFFFFFF  }
0xc1: {  	_ =	task.clear_ibuf [dreg:s7], $0x2FFFF;
	_ =	strace $0x9FFFFFFF  }
0xc2: {  	(tm) =	ssettm $0x7FFFFFFF  }
0xc3: {  	_ =	shalt  }
tec
execute0_lowered:
.L_overlay_start_1:
0x0: {  	(tag) =	ssettag $0x1  }
0x1: {  	s0 =	srdreg.scid;
	s3 =	rddreg [dreg:$0x0]  }
0x2: {  	s5 =	rddreg [dreg:$0x1];
	s1 =	stileid.u32;
	s2 =	simm.s32 $0x0  }
0x3: {  	s9 =	simm.s32 $0x2;
	s10 =	simm.s32 $0x10200;
	s4 =	sand.u32 $0x1, s0  }
0x4: {  	s11 =	simm.s32 $0x0;
	s0 =	rddreg [dreg:$0x2];
	s6 =	sshll.u32 s4, $0x4  }
0x5: {  	[smem:$0x7FF] =	sst s2;
	s4 =	ssub.s32 $0x2, s4;
	s6 =	sor.u32 s1, s6  }
0x6: {  	_ =	strace $0x80000047;
	s8 =	sshrl.u32 s4, $0x1;
	s7 =	sshll.u32 s6, $0x6  }
0x7: {  	s6 =	sshll.u32 s6, $0xC;
	s8 =	ssub.s32 s4, s8;
	s7 =	sadd.s32 s7, s3  }
0x8: {  	s3 =	sadd.s32 $0xC00, s3;
	s5 =	sadd.s32 s5, s6;
	s6 =	smax.u32 s8, $0x1  }
0x9: {  	s8 =	simm.s32 $0x1;
	s4 =	sadd.s32 $0x400, s7;
	s7 =	simm.s32 $0x3  }
.LBB2_1:
0xa: {  	[tilespmem:s2], [sflag:$0x3] =	stream.linear.gather [hbm4b:s4+s2], $0x200, $0x38;
	[tilespmem:$0x18200] =	vst v63  }
0xb: {  	_ =	swait.ge [sflag:s7], $0x200  }
0xc: {  	[sflag:s7] =	ssyncset.done $0x0  }
0xd: {  	p0 =	por $0x1, $0x1;
	s13 =	simm.s32 $0x0;
	[sflag:s7] =	ssyncadd.s32 $0xFFFFFE00  }
.LBB2_2:
0xe: {  	s12 =	sshll.u32 s13, $0x4  }
0xf: {  	s12 =	sand.u32 $0x3FFFFFF0, s12  }
0x10: {  	v0 =	vld [tilespmem:s12+$0x0];
	_ =	sdelay $0x4  }
0x11: {  	v0 =	vshll.u32 v0, $0x4  }
0x12: {  	(v2sf) =	vpush v0, $0x0;
	_ =	sdelay $0x1  }
0x13: {  	(v2sf) =	vpush v0, $0x1;
	_ =	sdelay $0x1  }
0x14: {  	(v2sf) =	vpush v0, $0x2;
	_ =	sdelay $0x4  }
0x15: {  	(v2sf) =	vpush v0, $0x3;
	_ =	sdelay $0x5  }
0x16: {  	s14 =	spop (v2sf);
	(v2sf) =	vpush v0, $0x4;
	_ =	sdelay $0x1  }
0x17: {  	s17 =	spop (v2sf);
	(v2sf) =	vpush v0, $0x5;
	_ =	sdelay $0x1  }
0x18: {  	s19 =	spop (v2sf);
	(v2sf) =	vpush v0, $0x6  }
0x19: {  	s13 =	sshll.u32 s13, $0xE  }
0x1a: {  	s13 =	sand.u32 $0x3FFFC000, s13;
	s15 =	sand.u32 $0xFFFFF80, s14  }
0x1b: {  	s16 =	sor.u32 $0x200, s13;
	s12 =	simm.s32 $0x0;
	s15 =	sadd.s32 s3, s15  }
0x1c: {  	[tilespmem:s16], [sflag:$0x1] =	stream.linear.gather [hbm4b:s15+s12], $0x400, $0x38;
	[tilespmem:$0x18200] =	vst v63  }
0x1d: {  	s14 =	sand.u32 $0xFFFFF80, s17;
	s21 =	spop (v2sf);
	(v2sf) =	vpush v0, $0x7  }
0x1e: {  	s18 =	sor.u32 $0x600, s13;
	s14 =	sadd.s32 s3, s14  }
0x1f: {  	[tilespmem:s18], [sflag:$0x1] =	stream.linear.gather [hbm4b:s14+s12], $0x400, $0x38;
	[tilespmem:$0x18200] =	vst v63  }
0x20: {  	s14 =	sand.u32 $0xFFFFF80, s19  }
0x21: {  	s20 =	sor.u32 $0xA00, s13;
	s14 =	sadd.s32 s3, s14  }
0x22: {  	[tilespmem:s20], [sflag:$0x1] =	stream.linear.gather [hbm4b:s14+s12], $0x400, $0x38;
	[tilespmem:$0x18200] =	vst v63  }
0x23: {  	s23 =	spop (v2sf);
	(v2sf) =	vpush v0, $0x8  }
0x24: {  	s14 =	sand.u32 $0xFFFFF80, s21  }
0x25: {  	s22 =	sor.u32 $0xE00, s13;
	s14 =	sadd.s32 s3, s14;
	s25 =	spop (v2sf);
	(v2sf) =	vpush v0, $0x9  }
0x26: {  	[tilespmem:s22], [sflag:$0x1] =	stream.linear.gather [hbm4b:s14+s12], $0x400, $0x38;
	[tilespmem:$0x18200] =	vst v63  }
0x27: {  	s28 =	spop (v2sf);
	(v2sf) =	vpush v0, $0xA  }
0x28: {  	s14 =	sand.u32 $0xFFFFF80, s23  }
0x29: {  	s24 =	sor.u32 $0x1200, s13;
	s14 =	sadd.s32 s3, s14  }
0x2a: {  	[tilespmem:s24], [sflag:$0x1] =	stream.linear.gather [hbm4b:s14+s12], $0x400, $0x38;
	[tilespmem:$0x18200] =	vst v63  }
0x2b: {  	s14 =	sand.u32 $0xFFFFF80, s25  }
0x2c: {  	s26 =	sor.u32 $0x1600, s13;
	s30 =	spop (v2sf);
	s14 =	sadd.s32 s3, s14  }
0x2d: {  	(v2sf) =	vpush v0, $0xB;
	[tilespmem:s26], [sflag:$0x1] =	stream.linear.gather [hbm4b:s14+s12], $0x400, $0x38;
	[tilespmem:$0x18200] =	vst v63  }
0x2e: {  	s14 =	sand.u32 $0xFFFFF80, s28  }
0x2f: {  	s29 =	sor.u32 $0x1A00, s13;
	s14 =	sadd.s32 s3, s14  }
0x30: {  	[tilespmem:s29], [sflag:$0x1] =	stream.linear.gather [hbm4b:s14+s12], $0x400, $0x38;
	[tilespmem:$0x18200] =	vst v63  }
0x31: {  	s14 =	sand.u32 $0xFFFFF80, s30  }
0x32: {  	s31 =	sor.u32 $0x1E00, s13;
	s14 =	sadd.s32 s3, s14;
	s16 =	spop (v2sf);
	(v2sf) =	vpush v0, $0xC  }
0x33: {  	[tilespmem:s31], [sflag:$0x1] =	stream.linear.gather [hbm4b:s14+s12], $0x400, $0x38;
	[tilespmem:$0x18200] =	vst v63  }
0x34: {  	s18 =	spop (v2sf);
	(v2sf) =	vpush v0, $0xD  }
0x35: {  	s14 =	sand.u32 $0xFFFFF80, s16  }
0x36: {  	s17 =	sor.u32 $0x2200, s13;
	s14 =	sadd.s32 s3, s14;
	s20 =	spop (v2sf)  }
0x37: {  	(v2sf) =	vpush v0, $0xE;
	[tilespmem:s17], [sflag:$0x1] =	stream.linear.gather [hbm4b:s14+s12], $0x400, $0x38;
	[tilespmem:$0x18200] =	vst v63  }
0x38: {  	s14 =	sand.u32 $0xFFFFF80, s18  }
0x39: {  	s19 =	sor.u32 $0x2600, s13;
	s14 =	sadd.s32 s3, s14  }
0x3a: {  	[tilespmem:s19], [sflag:$0x1] =	stream.linear.gather [hbm4b:s14+s12], $0x400, $0x38;
	[tilespmem:$0x18200] =	vst v63  }
0x3b: {  	s14 =	sand.u32 $0xFFFFF80, s20  }
0x3c: {  	s21 =	sor.u32 $0x2A00, s13;
	s22 =	spop (v2sf);
	(v2sf) =	vpush v0, $0xF;
	s14 =	sadd.s32 s3, s14  }
0x3d: {  	[tilespmem:s21], [sflag:$0x1] =	stream.linear.gather [hbm4b:s14+s12], $0x400, $0x38;
	[tilespmem:$0x18200] =	vst v63  }
0x3e: {  	s14 =	sand.u32 $0xFFFFF80, s22  }
0x3f: {  	s23 =	sor.u32 $0x2E00, s13;
	s14 =	sadd.s32 s3, s14  }
0x40: {  	[tilespmem:s23], [sflag:$0x1] =	stream.linear.gather [hbm4b:s14+s12], $0x400, $0x38;
	[tilespmem:$0x18200] =	vst v63  }
0x41: {  	s24 =	spop (v2sf)  }
0x42: {  	s14 =	sand.u32 $0xFFFFF80, s24  }
0x43: {  	s25 =	sor.u32 $0x3200, s13;
	s26 =	spop (v2sf);
	s14 =	sadd.s32 s3, s14  }
0x44: {  	[tilespmem:s25], [sflag:$0x1] =	stream.linear.gather [hbm4b:s14+s12], $0x400, $0x38;
	[tilespmem:$0x18200] =	vst v63  }
0x45: {  	s14 =	sand.u32 $0xFFFFF80, s26  }
0x46: {  	s28 =	sor.u32 $0x3600, s13;
	s29 =	spop (v2sf);
	s14 =	sadd.s32 s3, s14  }
0x47: {  	[tilespmem:s28], [sflag:$0x1] =	stream.linear.gather [hbm4b:s14+s12], $0x400, $0x38;
	[tilespmem:$0x18200] =	vst v63  }
0x48: {  	s14 =	sand.u32 $0xFFFFF80, s29  }
0x49: {  	p1 =	por p0, p0;
	s30 =	sor.u32 $0x3A00, s13;
	s14 =	sadd.s32 s3, s14  }
0x4a: {  	[tilespmem:s30], [sflag:$0x1] =	stream.linear.gather [hbm4b:s14+s12], $0x400, $0x38;
	[tilespmem:$0x18200] =	vst v63  }
.Ltmp0:
0x4b: {  	s31 =	spop (v2sf);
	(pc) =	sbr.rel @p1 .LBB2_2-.Ltmp0, $4  }
0x4c: {  	s14 =	sand.u32 $0xFFFFF80, s31  }
0x4d: {  	s13 =	sor.u32 $0x3E00, s13;
	s14 =	sadd.s32 s3, s14  }
0x4e: {  	[tilespmem:s13], [sflag:$0x1] =	stream.linear.gather [hbm4b:s14+s12], $0x400, $0x38;
	[tilespmem:$0x18200] =	vst v63  }
0x4f: {  	p0 =	por $0x0, $0x0;
	s13 =	simm.s32 $0x1  }
.LBB2_3:
0x50: {  	s14 =	sshll.u32 s12, $0x6  }
0x51: {  	s13 =	sor.u32 $0x20, s14  }
0x52: {  	v0 =	vmov s13;
	_ =	sdelay $0x1  }
0x53: {  	p0 =	por $0x1, $0x1;
	s15 =	simm.s32 $0x0  }
.LBB2_4:
0x54: {  	s16 =	sshll.u32 s15, $0x4  }
0x55: {  	s16 =	sand.u32 $0x3FFFFFF0, s16  }
0x56: {  	v1 =	vld.idx.msk [tilespmem:v0+s16+$0x0 ss:$0x1], $0xffff;
	_ =	sdelay $0x4  }
0x57: {  	v1 =	vshll.u32 v1, $0x4  }
0x58: {  	(v2sf) =	vpush v1, $0x0;
	_ =	sdelay $0x1  }
0x59: {  	(v2sf) =	vpush v1, $0x1;
	_ =	sdelay $0x2  }
0x5a: {  	(v2sf) =	vpush v1, $0x2;
	_ =	sdelay $0x3  }
0x5b: {  	(v2sf) =	vpush v1, $0x3;
	_ =	sdelay $0x5  }
0x5c: {  	s29 =	spop (v2sf);
	(v2sf) =	vpush v1, $0x4  }
0x5d: {  	s28 =	sshll.u32 s15, $0xE  }
0x5e: {  	s15 =	sand.u32 $0x3FFFC000, s28;
	s16 =	sand.u32 $0xFFFFF80, s29;
	s30 =	spop (v2sf);
	(v2sf) =	vpush v1, $0x5  }
0x5f: {  	s17 =	sadd.s32 $0x8200, s15;
	s16 =	sadd.s32 s3, s16  }
0x60: {  	[tilespmem:s17], [sflag:$0x2] =	stream.linear.gather [hbm4b:s16+s2], $0x400, $0x38;
	[tilespmem:$0x18200] =	vst v63  }
0x61: {  	s17 =	spop (v2sf);
	(v2sf) =	vpush v1, $0x6;
	_ =	sdelay $0x3  }
0x62: {  	s19 =	spop (v2sf);
	(v2sf) =	vpush v1, $0x7;
	_ =	sdelay $0x1  }
0x63: {  	s16 =	sand.u32 $0xFFFFF80, s30  }
0x64: {  	s31 =	sadd.s32 $0x8600, s15;
	s16 =	sadd.s32 s3, s16  }
0x65: {  	[tilespmem:s31], [sflag:$0x2] =	stream.linear.gather [hbm4b:s16+s2], $0x400, $0x38;
	[tilespmem:$0x18200] =	vst v63  }
0x66: {  	s16 =	sand.u32 $0xFFFFF80, s17  }
0x67: {  	s18 =	sadd.s32 $0x8A00, s15;
	s16 =	sadd.s32 s3, s16;
	s21 =	spop (v2sf);
	(v2sf) =	vpush v1, $0x8  }
0x68: {  	[tilespmem:s18], [sflag:$0x2] =	stream.linear.gather [hbm4b:s16+s2], $0x400, $0x38;
	[tilespmem:$0x18200] =	vst v63  }
0x69: {  	s16 =	sand.u32 $0xFFFFF80, s19;
	s23 =	spop (v2sf);
	(v2sf) =	vpush v1, $0x9  }
0x6a: {  	s20 =	sadd.s32 $0x8E00, s15;
	s16 =	sadd.s32 s3, s16  }
0x6b: {  	[tilespmem:s20], [sflag:$0x2] =	stream.linear.gather [hbm4b:s16+s2], $0x400, $0x38;
	[tilespmem:$0x18200] =	vst v63  }
0x6c: {  	s16 =	sand.u32 $0xFFFFF80, s21;
	s25 =	spop (v2sf);
	(v2sf) =	vpush v1, $0xA  }
0x6d: {  	s22 =	sadd.s32 $0x9200, s15;
	s16 =	sadd.s32 s3, s16  }
0x6e: {  	[tilespmem:s22], [sflag:$0x2] =	stream.linear.gather [hbm4b:s16+s2], $0x400, $0x38;
	[tilespmem:$0x18200] =	vst v63  }
0x6f: {  	s16 =	sand.u32 $0xFFFFF80, s23  }
0x70: {  	s24 =	sadd.s32 $0x9600, s15;
	s16 =	sadd.s32 s3, s16;
	s28 =	spop (v2sf)  }
0x71: {  	(v2sf) =	vpush v1, $0xB;
	[tilespmem:s24], [sflag:$0x2] =	stream.linear.gather [hbm4b:s16+s2], $0x400, $0x38;
	[tilespmem:$0x18200] =	vst v63  }
0x72: {  	s16 =	sand.u32 $0xFFFFF80, s25  }
0x73: {  	s26 =	sadd.s32 $0x9A00, s15;
	s16 =	sadd.s32 s3, s16  }
0x74: {  	[tilespmem:s26], [sflag:$0x2] =	stream.linear.gather [hbm4b:s16+s2], $0x400, $0x38;
	[tilespmem:$0x18200] =	vst v63  }
0x75: {  	s16 =	sand.u32 $0xFFFFF80, s28  }
0x76: {  	s29 =	sadd.s32 $0x9E00, s15;
	s16 =	sadd.s32 s3, s16;
	s30 =	spop (v2sf);
	(v2sf) =	vpush v1, $0xC  }
0x77: {  	[tilespmem:s29], [sflag:$0x2] =	stream.linear.gather [hbm4b:s16+s2], $0x400, $0x38;
	[tilespmem:$0x18200] =	vst v63  }
0x78: {  	s16 =	sand.u32 $0xFFFFF80, s30;
	s18 =	spop (v2sf);
	(v2sf) =	vpush v1, $0xD  }
0x79: {  	s31 =	sadd.s32 $0xA200, s15;
	s16 =	sadd.s32 s3, s16  }
0x7a: {  	[tilespmem:s31], [sflag:$0x2] =	stream.linear.gather [hbm4b:s16+s2], $0x400, $0x38;
	[tilespmem:$0x18200] =	vst v63  }
0x7b: {  	s20 =	spop (v2sf);
	(v2sf) =	vpush v1, $0xE  }
0x7c: {  	s16 =	sand.u32 $0xFFFFF80, s18  }
0x7d: {  	s19 =	sadd.s32 $0xA600, s15;
	s16 =	sadd.s32 s3, s16  }
0x7e: {  	[tilespmem:s19], [sflag:$0x2] =	stream.linear.gather [hbm4b:s16+s2], $0x400, $0x38;
	[tilespmem:$0x18200] =	vst v63  }
0x7f: {  	s16 =	sand.u32 $0xFFFFF80, s20  }
0x80: {  	s21 =	sadd.s32 $0xAA00, s15;
	s22 =	spop (v2sf);
	(v2sf) =	vpush v1, $0xF;
	s16 =	sadd.s32 s3, s16  }
0x81: {  	[tilespmem:s21], [sflag:$0x2] =	stream.linear.gather [hbm4b:s16+s2], $0x400, $0x38;
	[tilespmem:$0x18200] =	vst v63  }
0x82: {  	s16 =	sand.u32 $0xFFFFF80, s22  }
0x83: {  	s23 =	sadd.s32 $0xAE00, s15;
	s16 =	sadd.s32 s3, s16  }
0x84: {  	[tilespmem:s23], [sflag:$0x2] =	stream.linear.gather [hbm4b:s16+s2], $0x400, $0x38;
	[tilespmem:$0x18200] =	vst v63  }
0x85: {  	s24 =	spop (v2sf)  }
0x86: {  	s16 =	sand.u32 $0xFFFFF80, s24  }
0x87: {  	s25 =	sadd.s32 $0xB200, s15;
	s26 =	spop (v2sf);
	s16 =	sadd.s32 s3, s16  }
0x88: {  	[tilespmem:s25], [sflag:$0x2] =	stream.linear.gather [hbm4b:s16+s2], $0x400, $0x38;
	[tilespmem:$0x18200] =	vst v63  }
0x89: {  	s16 =	sand.u32 $0xFFFFF80, s26  }
0x8a: {  	s28 =	sadd.s32 $0xB600, s15;
	s29 =	spop (v2sf);
	s16 =	sadd.s32 s3, s16  }
0x8b: {  	[tilespmem:s28], [sflag:$0x2] =	stream.linear.gather [hbm4b:s16+s2], $0x400, $0x38;
	[tilespmem:$0x18200] =	vst v63  }
0x8c: {  	s16 =	sand.u32 $0xFFFFF80, s29  }
0x8d: {  	p1 =	por p0, p0;
	s30 =	sadd.s32 $0xBA00, s15;
	s16 =	sadd.s32 s3, s16  }
0x8e: {  	[tilespmem:s30], [sflag:$0x2] =	stream.linear.gather [hbm4b:s16+s2], $0x400, $0x38;
	[tilespmem:$0x18200] =	vst v63  }
.Ltmp1:
0x8f: {  	s31 =	spop (v2sf);
	(pc) =	sbr.rel @p1 .LBB2_4-.Ltmp1, $4  }
0x90: {  	s16 =	sand.u32 $0xFFFFF80, s31  }
0x91: {  	s15 =	sadd.s32 $0xBE00, s15;
	s16 =	sadd.s32 s3, s16  }
0x92: {  	[tilespmem:s15], [sflag:$0x2] =	stream.linear.gather [hbm4b:s16+s2], $0x400, $0x38;
	[tilespmem:$0x18200] =	vst v63  }
0x93: {  	p0 =	por $0x0, $0x0;
	s15 =	simm.s32 $0x1  }
0x94: {  	_ =	swait.ge [sflag:s8], $0x8000  }
0x95: {  	[sflag:s8] =	ssyncset.done $0x0  }
0x96: {  	s15 =	simm.s32 $0x0;
	p0 =	por $0x1, $0x1;
	[sflag:s8] =	ssyncadd.s32 $0xFFFF8000  }
.LBB2_6:
0x97: {  	s16 =	sshll.u32 s15, $0x4  }
0x98: {  	s17 =	sor.u32 s14, s16  }
0x99: {  	v0 =	vld [tilespmem:s17+$0x0];
	_ =	sdelay $0x4  }
0x9a: {  	v0 =	vshll.u32 v0, $0x7  }
0x9b: {  	(v2sf) =	vpush v0, $0x0;
	_ =	sdelay $0xd  }
0x9c: {  	s26 =	sshll.u32 s15, $0xE  }
0x9d: {  	s15 =	sand.u32 $0x3FFFC000, s26;
	s28 =	spop (v2sf)  }
0x9e: {  	s16 =	sor.u32 $0x200, s15;
	s18 =	sand.u32 $0x380, s28  }
0x9f: {  	s18 =	sadd.s32 s18, s16  }
0xa0: {  	v1 =	vld [tilespmem:s18+$0x0];
	_ =	sdelay $0x4  }
0xa1: {  	s29 =	sshll.u32 s17, $0x6;
	v1 =	vmul.f32 $8.000000000e+00, v1  }
0xa2: {  	s15 =	sand.u32 $0x3FFFFFC0, s29  }
0xa3: {  	[tilespmem:s15+$0x10200] =	vst v1  }
0xa4: {  	v1 =	vld [tilespmem:s18+$0x10];
	_ =	sdelay $0x4  }
0xa5: {  	v1 =	vmul.f32 $8.000000000e+00, v1  }
0xa6: {  	(v2sf) =	vpush v0, $0x1  }
0xa7: {  	[tilespmem:s15+$0x10210] =	vst v1  }
0xa8: {  	v1 =	vld [tilespmem:s18+$0x20];
	_ =	sdelay $0x4  }
0xa9: {  	v1 =	vmul.f32 $8.000000000e+00, v1;
	_ =	sdelay $0x1  }
0xaa: {  	[tilespmem:s15+$0x10220] =	vst v1  }
0xab: {  	v1 =	vld [tilespmem:s18+$0x30];
	_ =	sdelay $0x4  }
0xac: {  	s30 =	spop (v2sf);
	v1 =	vmul.f32 $8.000000000e+00, v1  }
0xad: {  	s17 =	sand.u32 $0x380, s30  }
0xae: {  	s17 =	sadd.s32 s17, s16;
	[tilespmem:s15+$0x10230] =	vst v1  }
0xaf: {  	v1 =	vld [tilespmem:s17+$0x400];
	_ =	sdelay $0x4  }
0xb0: {  	v1 =	vmul.f32 $8.000000000e+00, v1;
	_ =	sdelay $0x1  }
0xb1: {  	[tilespmem:s15+$0x10240] =	vst v1  }
0xb2: {  	v1 =	vld [tilespmem:s17+$0x410];
	_ =	sdelay $0x4  }
0xb3: {  	v1 =	vmul.f32 $8.000000000e+00, v1  }
0xb4: {  	(v2sf) =	vpush v0, $0x2  }
0xb5: {  	[tilespmem:s15+$0x10250] =	vst v1  }
0xb6: {  	v1 =	vld [tilespmem:s17+$0x420];
	_ =	sdelay $0x4  }
0xb7: {  	v1 =	vmul.f32 $8.000000000e+00, v1;
	_ =	sdelay $0x1  }
0xb8: {  	[tilespmem:s15+$0x10260] =	vst v1  }
0xb9: {  	v1 =	vld [tilespmem:s17+$0x430];
	_ =	sdelay $0x4  }
0xba: {  	s31 =	spop (v2sf);
	v1 =	vmul.f32 $8.000000000e+00, v1  }
0xbb: {  	s17 =	sand.u32 $0x380, s31  }
0xbc: {  	s17 =	sadd.s32 s17, s16;
	[tilespmem:s15+$0x10270] =	vst v1  }
0xbd: {  	v1 =	vld [tilespmem:s17+$0x800];
	_ =	sdelay $0x4  }
0xbe: {  	v1 =	vmul.f32 $8.000000000e+00, v1;
	_ =	sdelay $0x1  }
0xbf: {  	[tilespmem:s15+$0x10280] =	vst v1  }
0xc0: {  	v1 =	vld [tilespmem:s17+$0x810];
	_ =	sdelay $0x4  }
0xc1: {  	v1 =	vmul.f32 $8.000000000e+00, v1  }
0xc2: {  	(v2sf) =	vpush v0, $0x3  }
0xc3: {  	[tilespmem:s15+$0x10290] =	vst v1  }
0xc4: {  	v1 =	vld [tilespmem:s17+$0x820];
	_ =	sdelay $0x4  }
0xc5: {  	v1 =	vmul.f32 $8.000000000e+00, v1;
	_ =	sdelay $0x1  }
0xc6: {  	[tilespmem:s15+$0x102A0] =	vst v1  }
0xc7: {  	v1 =	vld [tilespmem:s17+$0x830];
	_ =	sdelay $0x4  }
0xc8: {  	s18 =	spop (v2sf);
	v1 =	vmul.f32 $8.000000000e+00, v1  }
0xc9: {  	s17 =	sand.u32 $0x380, s18  }
0xca: {  	s17 =	sadd.s32 s17, s16;
	[tilespmem:s15+$0x102B0] =	vst v1  }
0xcb: {  	v1 =	vld [tilespmem:s17+$0xC00];
	_ =	sdelay $0x4  }
0xcc: {  	v1 =	vmul.f32 $8.000000000e+00, v1;
	_ =	sdelay $0x1  }
0xcd: {  	[tilespmem:s15+$0x102C0] =	vst v1  }
0xce: {  	v1 =	vld [tilespmem:s17+$0xC10];
	_ =	sdelay $0x4  }
0xcf: {  	v1 =	vmul.f32 $8.000000000e+00, v1  }
0xd0: {  	(v2sf) =	vpush v0, $0x4  }
0xd1: {  	[tilespmem:s15+$0x102D0] =	vst v1  }
0xd2: {  	v1 =	vld [tilespmem:s17+$0xC20];
	_ =	sdelay $0x4  }
0xd3: {  	v1 =	vmul.f32 $8.000000000e+00, v1;
	_ =	sdelay $0x1  }
0xd4: {  	[tilespmem:s15+$0x102E0] =	vst v1  }
0xd5: {  	v1 =	vld [tilespmem:s17+$0xC30];
	_ =	sdelay $0x4  }
0xd6: {  	s19 =	spop (v2sf);
	v1 =	vmul.f32 $8.000000000e+00, v1  }
0xd7: {  	s17 =	sand.u32 $0x380, s19  }
0xd8: {  	s17 =	sadd.s32 s17, s16;
	[tilespmem:s15+$0x102F0] =	vst v1  }
0xd9: {  	v1 =	vld [tilespmem:s17+$0x1000];
	_ =	sdelay $0x4  }
0xda: {  	v1 =	vmul.f32 $8.000000000e+00, v1;
	_ =	sdelay $0x1  }
0xdb: {  	[tilespmem:s15+$0x10300] =	vst v1  }
0xdc: {  	v1 =	vld [tilespmem:s17+$0x1010];
	_ =	sdelay $0x4  }
0xdd: {  	v1 =	vmul.f32 $8.000000000e+00, v1  }
0xde: {  	(v2sf) =	vpush v0, $0x5  }
0xdf: {  	[tilespmem:s15+$0x10310] =	vst v1  }
0xe0: {  	v1 =	vld [tilespmem:s17+$0x1020];
	_ =	sdelay $0x4  }
0xe1: {  	v1 =	vmul.f32 $8.000000000e+00, v1;
	_ =	sdelay $0x1  }
0xe2: {  	[tilespmem:s15+$0x10320] =	vst v1  }
0xe3: {  	v1 =	vld [tilespmem:s17+$0x1030];
	_ =	sdelay $0x4  }
0xe4: {  	s20 =	spop (v2sf);
	v1 =	vmul.f32 $8.000000000e+00, v1  }
0xe5: {  	s17 =	sand.u32 $0x380, s20  }
0xe6: {  	s17 =	sadd.s32 s17, s16;
	[tilespmem:s15+$0x10330] =	vst v1  }
0xe7: {  	v1 =	vld [tilespmem:s17+$0x1400];
	_ =	sdelay $0x4  }
0xe8: {  	v1 =	vmul.f32 $8.000000000e+00, v1;
	_ =	sdelay $0x1  }
0xe9: {  	[tilespmem:s15+$0x10340] =	vst v1  }
0xea: {  	v1 =	vld [tilespmem:s17+$0x1410];
	_ =	sdelay $0x4  }
0xeb: {  	v1 =	vmul.f32 $8.000000000e+00, v1  }
0xec: {  	(v2sf) =	vpush v0, $0x6  }
0xed: {  	[tilespmem:s15+$0x10350] =	vst v1  }
0xee: {  	v1 =	vld [tilespmem:s17+$0x1420];
	_ =	sdelay $0x4  }
0xef: {  	v1 =	vmul.f32 $8.000000000e+00, v1;
	_ =	sdelay $0x1  }
0xf0: {  	[tilespmem:s15+$0x10360] =	vst v1  }
0xf1: {  	v1 =	vld [tilespmem:s17+$0x1430];
	_ =	sdelay $0x4  }
0xf2: {  	s21 =	spop (v2sf);
	v1 =	vmul.f32 $8.000000000e+00, v1  }
0xf3: {  	s17 =	sand.u32 $0x380, s21  }
0xf4: {  	s17 =	sadd.s32 s17, s16;
	[tilespmem:s15+$0x10370] =	vst v1  }
0xf5: {  	v1 =	vld [tilespmem:s17+$0x1800];
	_ =	sdelay $0x4  }
0xf6: {  	v1 =	vmul.f32 $8.000000000e+00, v1;
	_ =	sdelay $0x1  }
0xf7: {  	[tilespmem:s15+$0x10380] =	vst v1  }
0xf8: {  	v1 =	vld [tilespmem:s17+$0x1810];
	_ =	sdelay $0x4  }
0xf9: {  	v1 =	vmul.f32 $8.000000000e+00, v1  }
0xfa: {  	(v2sf) =	vpush v0, $0x7  }
0xfb: {  	[tilespmem:s15+$0x10390] =	vst v1  }
0xfc: {  	v1 =	vld [tilespmem:s17+$0x1820];
	_ =	sdelay $0x4  }
0xfd: {  	v1 =	vmul.f32 $8.000000000e+00, v1;
	_ =	sdelay $0x1  }
0xfe: {  	[tilespmem:s15+$0x103A0] =	vst v1  }
0xff: {  	v1 =	vld [tilespmem:s17+$0x1830];
	_ =	sdelay $0x4  }
0x100: {  	s22 =	spop (v2sf);
	v1 =	vmul.f32 $8.000000000e+00, v1  }
0x101: {  	s17 =	sand.u32 $0x380, s22  }
0x102: {  	s17 =	sadd.s32 s17, s16;
	[tilespmem:s15+$0x103B0] =	vst v1  }
0x103: {  	v1 =	vld [tilespmem:s17+$0x1C00];
	_ =	sdelay $0x4  }
0x104: {  	v1 =	vmul.f32 $8.000000000e+00, v1;
	_ =	sdelay $0x1  }
0x105: {  	[tilespmem:s15+$0x103C0] =	vst v1  }
0x106: {  	v1 =	vld [tilespmem:s17+$0x1C10];
	_ =	sdelay $0x4  }
0x107: {  	v1 =	vmul.f32 $8.000000000e+00, v1  }
0x108: {  	(v2sf) =	vpush v0, $0x8  }
0x109: {  	[tilespmem:s15+$0x103D0] =	vst v1  }
0x10a: {  	v1 =	vld [tilespmem:s17+$0x1C20];
	_ =	sdelay $0x4  }
0x10b: {  	v1 =	vmul.f32 $8.000000000e+00, v1;
	_ =	sdelay $0x1  }
0x10c: {  	[tilespmem:s15+$0x103E0] =	vst v1  }
0x10d: {  	v1 =	vld [tilespmem:s17+$0x1C30];
	_ =	sdelay $0x4  }
0x10e: {  	s23 =	spop (v2sf);
	v1 =	vmul.f32 $8.000000000e+00, v1  }
0x10f: {  	s17 =	sand.u32 $0x380, s23  }
0x110: {  	s17 =	sadd.s32 s17, s16;
	[tilespmem:s15+$0x103F0] =	vst v1  }
0x111: {  	v1 =	vld [tilespmem:s17+$0x2000];
	_ =	sdelay $0x4  }
0x112: {  	v1 =	vmul.f32 $8.000000000e+00, v1;
	_ =	sdelay $0x1  }
0x113: {  	[tilespmem:s15+$0x10400] =	vst v1  }
0x114: {  	v1 =	vld [tilespmem:s17+$0x2010];
	_ =	sdelay $0x4  }
0x115: {  	v1 =	vmul.f32 $8.000000000e+00, v1  }
0x116: {  	(v2sf) =	vpush v0, $0x9  }
0x117: {  	[tilespmem:s15+$0x10410] =	vst v1  }
0x118: {  	v1 =	vld [tilespmem:s17+$0x2020];
	_ =	sdelay $0x4  }
0x119: {  	v1 =	vmul.f32 $8.000000000e+00, v1;
	_ =	sdelay $0x1  }
0x11a: {  	[tilespmem:s15+$0x10420] =	vst v1  }
0x11b: {  	v1 =	vld [tilespmem:s17+$0x2030];
	_ =	sdelay $0x4  }
0x11c: {  	s24 =	spop (v2sf);
	v1 =	vmul.f32 $8.000000000e+00, v1  }
0x11d: {  	s17 =	sand.u32 $0x380, s24  }
0x11e: {  	s17 =	sadd.s32 s17, s16;
	[tilespmem:s15+$0x10430] =	vst v1  }
0x11f: {  	v1 =	vld [tilespmem:s17+$0x2400];
	_ =	sdelay $0x4  }
0x120: {  	v1 =	vmul.f32 $8.000000000e+00, v1;
	_ =	sdelay $0x1  }
0x121: {  	[tilespmem:s15+$0x10440] =	vst v1  }
0x122: {  	v1 =	vld [tilespmem:s17+$0x2410];
	_ =	sdelay $0x4  }
0x123: {  	v1 =	vmul.f32 $8.000000000e+00, v1  }
0x124: {  	(v2sf) =	vpush v0, $0xA  }
0x125: {  	[tilespmem:s15+$0x10450] =	vst v1  }
0x126: {  	v1 =	vld [tilespmem:s17+$0x2420];
	_ =	sdelay $0x4  }
0x127: {  	v1 =	vmul.f32 $8.000000000e+00, v1;
	_ =	sdelay $0x1  }
0x128: {  	[tilespmem:s15+$0x10460] =	vst v1  }
0x129: {  	v1 =	vld [tilespmem:s17+$0x2430];
	_ =	sdelay $0x4  }
0x12a: {  	s25 =	spop (v2sf);
	v1 =	vmul.f32 $8.000000000e+00, v1  }
0x12b: {  	s17 =	sand.u32 $0x380, s25  }
0x12c: {  	s17 =	sadd.s32 s17, s16;
	[tilespmem:s15+$0x10470] =	vst v1  }
0x12d: {  	v1 =	vld [tilespmem:s17+$0x2800];
	_ =	sdelay $0x4  }
0x12e: {  	v1 =	vmul.f32 $8.000000000e+00, v1;
	_ =	sdelay $0x1  }
0x12f: {  	[tilespmem:s15+$0x10480] =	vst v1  }
0x130: {  	v1 =	vld [tilespmem:s17+$0x2810];
	_ =	sdelay $0x4  }
0x131: {  	v1 =	vmul.f32 $8.000000000e+00, v1  }
0x132: {  	(v2sf) =	vpush v0, $0xB  }
0x133: {  	[tilespmem:s15+$0x10490] =	vst v1  }
0x134: {  	v1 =	vld [tilespmem:s17+$0x2820];
	_ =	sdelay $0x4  }
0x135: {  	v1 =	vmul.f32 $8.000000000e+00, v1;
	_ =	sdelay $0x1  }
0x136: {  	[tilespmem:s15+$0x104A0] =	vst v1  }
0x137: {  	v1 =	vld [tilespmem:s17+$0x2830];
	_ =	sdelay $0x4  }
0x138: {  	s26 =	spop (v2sf);
	v1 =	vmul.f32 $8.000000000e+00, v1  }
0x139: {  	s17 =	sand.u32 $0x380, s26  }
0x13a: {  	s17 =	sadd.s32 s17, s16;
	[tilespmem:s15+$0x104B0] =	vst v1  }
0x13b: {  	v1 =	vld [tilespmem:s17+$0x2C00];
	_ =	sdelay $0x4  }
0x13c: {  	v1 =	vmul.f32 $8.000000000e+00, v1;
	_ =	sdelay $0x1  }
0x13d: {  	[tilespmem:s15+$0x104C0] =	vst v1  }
0x13e: {  	v1 =	vld [tilespmem:s17+$0x2C10];
	_ =	sdelay $0x4  }
0x13f: {  	v1 =	vmul.f32 $8.000000000e+00, v1  }
0x140: {  	(v2sf) =	vpush v0, $0xC  }
0x141: {  	[tilespmem:s15+$0x104D0] =	vst v1  }
0x142: {  	v1 =	vld [tilespmem:s17+$0x2C20];
	_ =	sdelay $0x4  }
0x143: {  	v1 =	vmul.f32 $8.000000000e+00, v1;
	_ =	sdelay $0x1  }
0x144: {  	[tilespmem:s15+$0x104E0] =	vst v1  }
0x145: {  	v1 =	vld [tilespmem:s17+$0x2C30];
	_ =	sdelay $0x4  }
0x146: {  	s28 =	spop (v2sf);
	v1 =	vmul.f32 $8.000000000e+00, v1  }
0x147: {  	s17 =	sand.u32 $0x380, s28  }
0x148: {  	s17 =	sadd.s32 s17, s16;
	[tilespmem:s15+$0x104F0] =	vst v1  }
0x149: {  	v1 =	vld [tilespmem:s17+$0x3000];
	_ =	sdelay $0x4  }
0x14a: {  	v1 =	vmul.f32 $8.000000000e+00, v1;
	_ =	sdelay $0x1  }
0x14b: {  	[tilespmem:s15+$0x10500] =	vst v1  }
0x14c: {  	v1 =	vld [tilespmem:s17+$0x3010];
	_ =	sdelay $0x4  }
0x14d: {  	v1 =	vmul.f32 $8.000000000e+00, v1  }
0x14e: {  	(v2sf) =	vpush v0, $0xD  }
0x14f: {  	[tilespmem:s15+$0x10510] =	vst v1  }
0x150: {  	v1 =	vld [tilespmem:s17+$0x3020];
	_ =	sdelay $0x4  }
0x151: {  	v1 =	vmul.f32 $8.000000000e+00, v1;
	_ =	sdelay $0x1  }
0x152: {  	[tilespmem:s15+$0x10520] =	vst v1  }
0x153: {  	v1 =	vld [tilespmem:s17+$0x3030];
	_ =	sdelay $0x4  }
0x154: {  	s29 =	spop (v2sf);
	v1 =	vmul.f32 $8.000000000e+00, v1  }
0x155: {  	s17 =	sand.u32 $0x380, s29  }
0x156: {  	s17 =	sadd.s32 s17, s16;
	[tilespmem:s15+$0x10530] =	vst v1  }
0x157: {  	v1 =	vld [tilespmem:s17+$0x3400];
	_ =	sdelay $0x4  }
0x158: {  	v1 =	vmul.f32 $8.000000000e+00, v1;
	_ =	sdelay $0x1  }
0x159: {  	[tilespmem:s15+$0x10540] =	vst v1  }
0x15a: {  	v1 =	vld [tilespmem:s17+$0x3410];
	_ =	sdelay $0x4  }
0x15b: {  	v1 =	vmul.f32 $8.000000000e+00, v1  }
0x15c: {  	(v2sf) =	vpush v0, $0xE  }
0x15d: {  	[tilespmem:s15+$0x10550] =	vst v1  }
0x15e: {  	v1 =	vld [tilespmem:s17+$0x3420];
	_ =	sdelay $0x4  }
0x15f: {  	v1 =	vmul.f32 $8.000000000e+00, v1;
	_ =	sdelay $0x1  }
0x160: {  	[tilespmem:s15+$0x10560] =	vst v1  }
0x161: {  	v1 =	vld [tilespmem:s17+$0x3430];
	_ =	sdelay $0x4  }
0x162: {  	s30 =	spop (v2sf);
	v1 =	vmul.f32 $8.000000000e+00, v1  }
0x163: {  	s17 =	sand.u32 $0x380, s30  }
0x164: {  	s17 =	sadd.s32 s17, s16;
	[tilespmem:s15+$0x10570] =	vst v1  }
0x165: {  	v1 =	vld [tilespmem:s17+$0x3800];
	_ =	sdelay $0x4  }
0x166: {  	v1 =	vmul.f32 $8.000000000e+00, v1;
	_ =	sdelay $0x1  }
0x167: {  	[tilespmem:s15+$0x10580] =	vst v1  }
0x168: {  	v1 =	vld [tilespmem:s17+$0x3810];
	_ =	sdelay $0x4  }
0x169: {  	v1 =	vmul.f32 $8.000000000e+00, v1  }
0x16a: {  	(v2sf) =	vpush v0, $0xF  }
0x16b: {  	[tilespmem:s15+$0x10590] =	vst v1  }
0x16c: {  	v63 =	vld [tilespmem:s17+$0x3820];
	_ =	sdelay $0x4  }
0x16d: {  	v0 =	vmul.f32 $8.000000000e+00, v63;
	_ =	sdelay $0x1  }
0x16e: {  	[tilespmem:s15+$0x105A0] =	vst v0  }
0x16f: {  	v0 =	vld [tilespmem:s17+$0x3830];
	_ =	sdelay $0x4  }
0x170: {  	s31 =	spop (v2sf);
	v0 =	vmul.f32 $8.000000000e+00, v0  }
0x171: {  	s17 =	sand.u32 $0x380, s31  }
0x172: {  	s16 =	sadd.s32 s17, s16;
	[tilespmem:s15+$0x105B0] =	vst v0  }
0x173: {  	v0 =	vld [tilespmem:s16+$0x3C00];
	_ =	sdelay $0x4  }
0x174: {  	v0 =	vmul.f32 $8.000000000e+00, v0;
	_ =	sdelay $0x1  }
0x175: {  	[tilespmem:s15+$0x105C0] =	vst v0  }
0x176: {  	v0 =	vld [tilespmem:s16+$0x3C10];
	_ =	sdelay $0x4  }
0x177: {  	v0 =	vmul.f32 $8.000000000e+00, v0;
	_ =	sdelay $0x1  }
0x178: {  	[tilespmem:s15+$0x105D0] =	vst v0  }
0x179: {  	v0 =	vld [tilespmem:s16+$0x3C20];
	_ =	sdelay $0x4  }
0x17a: {  	v0 =	vmul.f32 $8.000000000e+00, v0;
	_ =	sdelay $0x1  }
0x17b: {  	[tilespmem:s15+$0x105E0] =	vst v0  }
0x17c: {  	v0 =	vld [tilespmem:s16+$0x3C30];
	_ =	sdelay $0x1  }
0x17d: {  	p1 =	por p0, p0  }
.Ltmp2:
0x17e: {  	_ = 	snop;
	(pc) =	sbr.rel @p1 .LBB2_6-.Ltmp2, $3  }
0x17f: {  	_ = 	snop  }
0x180: {  	v0 =	vmul.f32 $8.000000000e+00, v0;
	_ =	sdelay $0x1  }
0x181: {  	p0 =	por $0x0, $0x0;
	[tilespmem:s15+$0x105F0] =	vst v0;
	s15 =	simm.s32 $0x1  }
0x182: {  	p0 =	seq.s32 s12, $0x7  }
.Ltmp3:
0x183: {  	_ = 	snop;
	(pc) =	sbr.rel @p0 .LBB2_10-.Ltmp3, $1  }
0x184: {  	_ =	sdelay $0x3  }
0x185: {  	s14 =	sand.u32 $0x3FFFFFC0, s14  }
0x186: {  	s15 =	sadd.s32 $0x40, s14  }
0x187: {  	v0 =	vmov s15;
	_ =	sdelay $0x1  }
0x188: {  	p0 =	por $0x1, $0x1;
	s14 =	simm.s32 $0x0  }
.LBB2_9:
0x189: {  	s15 =	sshll.u32 s14, $0x4  }
0x18a: {  	s15 =	sand.u32 $0x3FFFFFF0, s15  }
0x18b: {  	v1 =	vld.idx.msk [tilespmem:v0+s15+$0x0 ss:$0x1], $0xffff;
	_ =	sdelay $0x4  }
0x18c: {  	v1 =	vshll.u32 v1, $0x4  }
0x18d: {  	(v2sf) =	vpush v1, $0x0;
	_ =	sdelay $0x1  }
0x18e: {  	(v2sf) =	vpush v1, $0x1;
	_ =	sdelay $0x1  }
0x18f: {  	(v2sf) =	vpush v1, $0x2;
	_ =	sdelay $0x4  }
0x190: {  	(v2sf) =	vpush v1, $0x3;
	_ =	sdelay $0x5  }
0x191: {  	s16 =	spop (v2sf);
	(v2sf) =	vpush v1, $0x4;
	_ =	sdelay $0x1  }
0x192: {  	s17 =	spop (v2sf);
	(v2sf) =	vpush v1, $0x5;
	_ =	sdelay $0x1  }
0x193: {  	s19 =	spop (v2sf);
	(v2sf) =	vpush v1, $0x6  }
0x194: {  	s15 =	sshll.u32 s14, $0xE  }
0x195: {  	s14 =	sand.u32 $0x3FFFC000, s15;
	s15 =	sand.u32 $0xFFFFF80, s16  }
0x196: {  	s16 =	sor.u32 $0x200, s14;
	s15 =	sadd.s32 s3, s15  }
0x197: {  	[tilespmem:s16], [sflag:$0x1] =	stream.linear.gather [hbm4b:s15+s2], $0x400, $0x38;
	[tilespmem:$0x18200] =	vst v63  }
0x198: {  	s15 =	sand.u32 $0xFFFFF80, s17;
	s21 =	spop (v2sf);
	(v2sf) =	vpush v1, $0x7  }
0x199: {  	s18 =	sor.u32 $0x600, s14;
	s15 =	sadd.s32 s3, s15  }
0x19a: {  	[tilespmem:s18], [sflag:$0x1] =	stream.linear.gather [hbm4b:s15+s2], $0x400, $0x38;
	[tilespmem:$0x18200] =	vst v63  }
0x19b: {  	s15 =	sand.u32 $0xFFFFF80, s19  }
0x19c: {  	s20 =	sor.u32 $0xA00, s14;
	s15 =	sadd.s32 s3, s15  }
0x19d: {  	[tilespmem:s20], [sflag:$0x1] =	stream.linear.gather [hbm4b:s15+s2], $0x400, $0x38;
	[tilespmem:$0x18200] =	vst v63  }
0x19e: {  	s23 =	spop (v2sf);
	(v2sf) =	vpush v1, $0x8  }
0x19f: {  	s15 =	sand.u32 $0xFFFFF80, s21  }
0x1a0: {  	s22 =	sor.u32 $0xE00, s14;
	s15 =	sadd.s32 s3, s15;
	s25 =	spop (v2sf);
	(v2sf) =	vpush v1, $0x9  }
0x1a1: {  	[tilespmem:s22], [sflag:$0x1] =	stream.linear.gather [hbm4b:s15+s2], $0x400, $0x38;
	[tilespmem:$0x18200] =	vst v63  }
0x1a2: {  	s28 =	spop (v2sf);
	(v2sf) =	vpush v1, $0xA  }
0x1a3: {  	s15 =	sand.u32 $0xFFFFF80, s23  }
0x1a4: {  	s24 =	sor.u32 $0x1200, s14;
	s15 =	sadd.s32 s3, s15  }
0x1a5: {  	[tilespmem:s24], [sflag:$0x1] =	stream.linear.gather [hbm4b:s15+s2], $0x400, $0x38;
	[tilespmem:$0x18200] =	vst v63  }
0x1a6: {  	s15 =	sand.u32 $0xFFFFF80, s25  }
0x1a7: {  	s26 =	sor.u32 $0x1600, s14;
	s30 =	spop (v2sf);
	s15 =	sadd.s32 s3, s15  }
0x1a8: {  	(v2sf) =	vpush v1, $0xB;
	[tilespmem:s26], [sflag:$0x1] =	stream.linear.gather [hbm4b:s15+s2], $0x400, $0x38;
	[tilespmem:$0x18200] =	vst v63  }
0x1a9: {  	s15 =	sand.u32 $0xFFFFF80, s28  }
0x1aa: {  	s29 =	sor.u32 $0x1A00, s14;
	s15 =	sadd.s32 s3, s15  }
0x1ab: {  	[tilespmem:s29], [sflag:$0x1] =	stream.linear.gather [hbm4b:s15+s2], $0x400, $0x38;
	[tilespmem:$0x18200] =	vst v63  }
0x1ac: {  	s15 =	sand.u32 $0xFFFFF80, s30  }
0x1ad: {  	s31 =	sor.u32 $0x1E00, s14;
	s15 =	sadd.s32 s3, s15;
	s16 =	spop (v2sf);
	(v2sf) =	vpush v1, $0xC  }
0x1ae: {  	[tilespmem:s31], [sflag:$0x1] =	stream.linear.gather [hbm4b:s15+s2], $0x400, $0x38;
	[tilespmem:$0x18200] =	vst v63  }
0x1af: {  	s18 =	spop (v2sf);
	(v2sf) =	vpush v1, $0xD  }
0x1b0: {  	s15 =	sand.u32 $0xFFFFF80, s16  }
0x1b1: {  	s17 =	sor.u32 $0x2200, s14;
	s15 =	sadd.s32 s3, s15;
	s20 =	spop (v2sf)  }
0x1b2: {  	(v2sf) =	vpush v1, $0xE;
	[tilespmem:s17], [sflag:$0x1] =	stream.linear.gather [hbm4b:s15+s2], $0x400, $0x38;
	[tilespmem:$0x18200] =	vst v63  }
0x1b3: {  	s15 =	sand.u32 $0xFFFFF80, s18  }
0x1b4: {  	s19 =	sor.u32 $0x2600, s14;
	s15 =	sadd.s32 s3, s15  }
0x1b5: {  	[tilespmem:s19], [sflag:$0x1] =	stream.linear.gather [hbm4b:s15+s2], $0x400, $0x38;
	[tilespmem:$0x18200] =	vst v63  }
0x1b6: {  	s15 =	sand.u32 $0xFFFFF80, s20  }
0x1b7: {  	s21 =	sor.u32 $0x2A00, s14;
	s22 =	spop (v2sf);
	(v2sf) =	vpush v1, $0xF;
	s15 =	sadd.s32 s3, s15  }
0x1b8: {  	[tilespmem:s21], [sflag:$0x1] =	stream.linear.gather [hbm4b:s15+s2], $0x400, $0x38;
	[tilespmem:$0x18200] =	vst v63  }
0x1b9: {  	s15 =	sand.u32 $0xFFFFF80, s22  }
0x1ba: {  	s23 =	sor.u32 $0x2E00, s14;
	s15 =	sadd.s32 s3, s15  }
0x1bb: {  	[tilespmem:s23], [sflag:$0x1] =	stream.linear.gather [hbm4b:s15+s2], $0x400, $0x38;
	[tilespmem:$0x18200] =	vst v63  }
0x1bc: {  	s24 =	spop (v2sf)  }
0x1bd: {  	s15 =	sand.u32 $0xFFFFF80, s24  }
0x1be: {  	s25 =	sor.u32 $0x3200, s14;
	s26 =	spop (v2sf);
	s15 =	sadd.s32 s3, s15  }
0x1bf: {  	[tilespmem:s25], [sflag:$0x1] =	stream.linear.gather [hbm4b:s15+s2], $0x400, $0x38;
	[tilespmem:$0x18200] =	vst v63  }
0x1c0: {  	s15 =	sand.u32 $0xFFFFF80, s26  }
0x1c1: {  	s28 =	sor.u32 $0x3600, s14;
	s29 =	spop (v2sf);
	s15 =	sadd.s32 s3, s15  }
0x1c2: {  	[tilespmem:s28], [sflag:$0x1] =	stream.linear.gather [hbm4b:s15+s2], $0x400, $0x38;
	[tilespmem:$0x18200] =	vst v63  }
0x1c3: {  	s15 =	sand.u32 $0xFFFFF80, s29  }
0x1c4: {  	p1 =	por p0, p0;
	s30 =	sor.u32 $0x3A00, s14;
	s15 =	sadd.s32 s3, s15  }
0x1c5: {  	[tilespmem:s30], [sflag:$0x1] =	stream.linear.gather [hbm4b:s15+s2], $0x400, $0x38;
	[tilespmem:$0x18200] =	vst v63  }
.Ltmp4:
0x1c6: {  	s31 =	spop (v2sf);
	(pc) =	sbr.rel @p1 .LBB2_9-.Ltmp4, $4  }
0x1c7: {  	s15 =	sand.u32 $0xFFFFF80, s31  }
0x1c8: {  	s14 =	sor.u32 $0x3E00, s14;
	s15 =	sadd.s32 s3, s15  }
0x1c9: {  	[tilespmem:s14], [sflag:$0x1] =	stream.linear.gather [hbm4b:s15+s2], $0x400, $0x38;
	[tilespmem:$0x18200] =	vst v63  }
0x1ca: {  	p0 =	por $0x0, $0x0;
	s14 =	simm.s32 $0x1  }
.LBB2_10:
0x1cb: {  	_ =	swait.ge [sflag:s9], $0x8000  }
0x1cc: {  	[sflag:s9] =	ssyncset.done $0x0  }
0x1cd: {  	s14 =	simm.s32 $0x0;
	p0 =	por $0x1, $0x1;
	[sflag:s9] =	ssyncadd.s32 $0xFFFF8000  }
.LBB2_11:
0x1ce: {  	s15 =	sshll.u32 s14, $0x4  }
0x1cf: {  	s16 =	sor.u32 s13, s15  }
0x1d0: {  	v0 =	vld [tilespmem:s16+$0x0];
	_ =	sdelay $0x4  }
0x1d1: {  	v0 =	vshll.u32 v0, $0x7  }
0x1d2: {  	(v2sf) =	vpush v0, $0x0;
	_ =	sdelay $0xd  }
0x1d3: {  	s28 =	sshll.u32 s14, $0xE  }
0x1d4: {  	s14 =	sand.u32 $0x3FFFC000, s28;
	s29 =	spop (v2sf)  }
0x1d5: {  	s15 =	sadd.s32 $0x8200, s14;
	s17 =	sand.u32 $0x380, s29  }
0x1d6: {  	s17 =	sadd.s32 s17, s15  }
0x1d7: {  	v1 =	vld [tilespmem:s17+$0x0];
	_ =	sdelay $0x4  }
0x1d8: {  	s30 =	sshll.u32 s16, $0x6;
	v1 =	vmul.f32 $8.000000000e+00, v1  }
0x1d9: {  	s14 =	sand.u32 $0x3FFFFFC0, s30  }
0x1da: {  	[tilespmem:s14+$0x10200] =	vst v1  }
0x1db: {  	v1 =	vld [tilespmem:s17+$0x10];
	_ =	sdelay $0x4  }
0x1dc: {  	v1 =	vmul.f32 $8.000000000e+00, v1  }
0x1dd: {  	(v2sf) =	vpush v0, $0x1  }
0x1de: {  	[tilespmem:s14+$0x10210] =	vst v1  }
0x1df: {  	v1 =	vld [tilespmem:s17+$0x20];
	_ =	sdelay $0x4  }
0x1e0: {  	v1 =	vmul.f32 $8.000000000e+00, v1;
	_ =	sdelay $0x1  }
0x1e1: {  	[tilespmem:s14+$0x10220] =	vst v1  }
0x1e2: {  	v1 =	vld [tilespmem:s17+$0x30];
	_ =	sdelay $0x4  }
0x1e3: {  	s31 =	spop (v2sf);
	v1 =	vmul.f32 $8.000000000e+00, v1  }
0x1e4: {  	s16 =	sand.u32 $0x380, s31  }
0x1e5: {  	s16 =	sadd.s32 s16, s15;
	[tilespmem:s14+$0x10230] =	vst v1  }
0x1e6: {  	v1 =	vld [tilespmem:s16+$0x400];
	_ =	sdelay $0x4  }
0x1e7: {  	v1 =	vmul.f32 $8.000000000e+00, v1;
	_ =	sdelay $0x1  }
0x1e8: {  	[tilespmem:s14+$0x10240] =	vst v1  }
0x1e9: {  	v1 =	vld [tilespmem:s16+$0x410];
	_ =	sdelay $0x4  }
0x1ea: {  	v1 =	vmul.f32 $8.000000000e+00, v1  }
0x1eb: {  	(v2sf) =	vpush v0, $0x2  }
0x1ec: {  	[tilespmem:s14+$0x10250] =	vst v1  }
0x1ed: {  	v1 =	vld [tilespmem:s16+$0x420];
	_ =	sdelay $0x4  }
0x1ee: {  	v1 =	vmul.f32 $8.000000000e+00, v1;
	_ =	sdelay $0x1  }
0x1ef: {  	[tilespmem:s14+$0x10260] =	vst v1  }
0x1f0: {  	v1 =	vld [tilespmem:s16+$0x430];
	_ =	sdelay $0x4  }
0x1f1: {  	s17 =	spop (v2sf);
	v1 =	vmul.f32 $8.000000000e+00, v1  }
0x1f2: {  	s16 =	sand.u32 $0x380, s17  }
0x1f3: {  	s16 =	sadd.s32 s16, s15;
	[tilespmem:s14+$0x10270] =	vst v1  }
0x1f4: {  	v1 =	vld [tilespmem:s16+$0x800];
	_ =	sdelay $0x4  }
0x1f5: {  	v1 =	vmul.f32 $8.000000000e+00, v1;
	_ =	sdelay $0x1  }
0x1f6: {  	[tilespmem:s14+$0x10280] =	vst v1  }
0x1f7: {  	v1 =	vld [tilespmem:s16+$0x810];
	_ =	sdelay $0x4  }
0x1f8: {  	v1 =	vmul.f32 $8.000000000e+00, v1  }
0x1f9: {  	(v2sf) =	vpush v0, $0x3  }
0x1fa: {  	[tilespmem:s14+$0x10290] =	vst v1  }
0x1fb: {  	v1 =	vld [tilespmem:s16+$0x820];
	_ =	sdelay $0x4  }
0x1fc: {  	v1 =	vmul.f32 $8.000000000e+00, v1;
	_ =	sdelay $0x1  }
0x1fd: {  	[tilespmem:s14+$0x102A0] =	vst v1  }
0x1fe: {  	v1 =	vld [tilespmem:s16+$0x830];
	_ =	sdelay $0x4  }
0x1ff: {  	s18 =	spop (v2sf);
	v1 =	vmul.f32 $8.000000000e+00, v1  }
0x200: {  	s16 =	sand.u32 $0x380, s18  }
0x201: {  	s16 =	sadd.s32 s16, s15;
	[tilespmem:s14+$0x102B0] =	vst v1  }
0x202: {  	v1 =	vld [tilespmem:s16+$0xC00];
	_ =	sdelay $0x4  }
0x203: {  	v1 =	vmul.f32 $8.000000000e+00, v1;
	_ =	sdelay $0x1  }
0x204: {  	[tilespmem:s14+$0x102C0] =	vst v1  }
0x205: {  	v1 =	vld [tilespmem:s16+$0xC10];
	_ =	sdelay $0x4  }
0x206: {  	v1 =	vmul.f32 $8.000000000e+00, v1  }
0x207: {  	(v2sf) =	vpush v0, $0x4  }
0x208: {  	[tilespmem:s14+$0x102D0] =	vst v1  }
0x209: {  	v1 =	vld [tilespmem:s16+$0xC20];
	_ =	sdelay $0x4  }
0x20a: {  	v1 =	vmul.f32 $8.000000000e+00, v1;
	_ =	sdelay $0x1  }
0x20b: {  	[tilespmem:s14+$0x102E0] =	vst v1  }
0x20c: {  	v1 =	vld [tilespmem:s16+$0xC30];
	_ =	sdelay $0x4  }
0x20d: {  	s19 =	spop (v2sf);
	v1 =	vmul.f32 $8.000000000e+00, v1  }
0x20e: {  	s16 =	sand.u32 $0x380, s19  }
0x20f: {  	s16 =	sadd.s32 s16, s15;
	[tilespmem:s14+$0x102F0] =	vst v1  }
0x210: {  	v1 =	vld [tilespmem:s16+$0x1000];
	_ =	sdelay $0x4  }
0x211: {  	v1 =	vmul.f32 $8.000000000e+00, v1;
	_ =	sdelay $0x1  }
0x212: {  	[tilespmem:s14+$0x10300] =	vst v1  }
0x213: {  	v1 =	vld [tilespmem:s16+$0x1010];
	_ =	sdelay $0x4  }
0x214: {  	v1 =	vmul.f32 $8.000000000e+00, v1  }
0x215: {  	(v2sf) =	vpush v0, $0x5  }
0x216: {  	[tilespmem:s14+$0x10310] =	vst v1  }
0x217: {  	v1 =	vld [tilespmem:s16+$0x1020];
	_ =	sdelay $0x4  }
0x218: {  	v1 =	vmul.f32 $8.000000000e+00, v1;
	_ =	sdelay $0x1  }
0x219: {  	[tilespmem:s14+$0x10320] =	vst v1  }
0x21a: {  	v1 =	vld [tilespmem:s16+$0x1030];
	_ =	sdelay $0x4  }
0x21b: {  	s20 =	spop (v2sf);
	v1 =	vmul.f32 $8.000000000e+00, v1  }
0x21c: {  	s16 =	sand.u32 $0x380, s20  }
0x21d: {  	s16 =	sadd.s32 s16, s15;
	[tilespmem:s14+$0x10330] =	vst v1  }
0x21e: {  	v1 =	vld [tilespmem:s16+$0x1400];
	_ =	sdelay $0x4  }
0x21f: {  	v1 =	vmul.f32 $8.000000000e+00, v1;
	_ =	sdelay $0x1  }
0x220: {  	[tilespmem:s14+$0x10340] =	vst v1  }
0x221: {  	v1 =	vld [tilespmem:s16+$0x1410];
	_ =	sdelay $0x4  }
0x222: {  	v1 =	vmul.f32 $8.000000000e+00, v1  }
0x223: {  	(v2sf) =	vpush v0, $0x6  }
0x224: {  	[tilespmem:s14+$0x10350] =	vst v1  }
0x225: {  	v1 =	vld [tilespmem:s16+$0x1420];
	_ =	sdelay $0x4  }
0x226: {  	v1 =	vmul.f32 $8.000000000e+00, v1;
	_ =	sdelay $0x1  }
0x227: {  	[tilespmem:s14+$0x10360] =	vst v1  }
0x228: {  	v1 =	vld [tilespmem:s16+$0x1430];
	_ =	sdelay $0x4  }
0x229: {  	s21 =	spop (v2sf);
	v1 =	vmul.f32 $8.000000000e+00, v1  }
0x22a: {  	s16 =	sand.u32 $0x380, s21  }
0x22b: {  	s16 =	sadd.s32 s16, s15;
	[tilespmem:s14+$0x10370] =	vst v1  }
0x22c: {  	v1 =	vld [tilespmem:s16+$0x1800];
	_ =	sdelay $0x4  }
0x22d: {  	v1 =	vmul.f32 $8.000000000e+00, v1;
	_ =	sdelay $0x1  }
0x22e: {  	[tilespmem:s14+$0x10380] =	vst v1  }
0x22f: {  	v1 =	vld [tilespmem:s16+$0x1810];
	_ =	sdelay $0x4  }
0x230: {  	v1 =	vmul.f32 $8.000000000e+00, v1  }
0x231: {  	(v2sf) =	vpush v0, $0x7  }
0x232: {  	[tilespmem:s14+$0x10390] =	vst v1  }
0x233: {  	v1 =	vld [tilespmem:s16+$0x1820];
	_ =	sdelay $0x4  }
0x234: {  	v1 =	vmul.f32 $8.000000000e+00, v1;
	_ =	sdelay $0x1  }
0x235: {  	[tilespmem:s14+$0x103A0] =	vst v1  }
0x236: {  	v1 =	vld [tilespmem:s16+$0x1830];
	_ =	sdelay $0x4  }
0x237: {  	s22 =	spop (v2sf);
	v1 =	vmul.f32 $8.000000000e+00, v1  }
0x238: {  	s16 =	sand.u32 $0x380, s22  }
0x239: {  	s16 =	sadd.s32 s16, s15;
	[tilespmem:s14+$0x103B0] =	vst v1  }
0x23a: {  	v1 =	vld [tilespmem:s16+$0x1C00];
	_ =	sdelay $0x4  }
0x23b: {  	v1 =	vmul.f32 $8.000000000e+00, v1;
	_ =	sdelay $0x1  }
0x23c: {  	[tilespmem:s14+$0x103C0] =	vst v1  }
0x23d: {  	v1 =	vld [tilespmem:s16+$0x1C10];
	_ =	sdelay $0x4  }
0x23e: {  	v1 =	vmul.f32 $8.000000000e+00, v1  }
0x23f: {  	(v2sf) =	vpush v0, $0x8  }
0x240: {  	[tilespmem:s14+$0x103D0] =	vst v1  }
0x241: {  	v1 =	vld [tilespmem:s16+$0x1C20];
	_ =	sdelay $0x4  }
0x242: {  	v1 =	vmul.f32 $8.000000000e+00, v1;
	_ =	sdelay $0x1  }
0x243: {  	[tilespmem:s14+$0x103E0] =	vst v1  }
0x244: {  	v1 =	vld [tilespmem:s16+$0x1C30];
	_ =	sdelay $0x4  }
0x245: {  	s23 =	spop (v2sf);
	v1 =	vmul.f32 $8.000000000e+00, v1  }
0x246: {  	s16 =	sand.u32 $0x380, s23  }
0x247: {  	s16 =	sadd.s32 s16, s15;
	[tilespmem:s14+$0x103F0] =	vst v1  }
0x248: {  	v1 =	vld [tilespmem:s16+$0x2000];
	_ =	sdelay $0x4  }
0x249: {  	v1 =	vmul.f32 $8.000000000e+00, v1;
	_ =	sdelay $0x1  }
0x24a: {  	[tilespmem:s14+$0x10400] =	vst v1  }
0x24b: {  	v1 =	vld [tilespmem:s16+$0x2010];
	_ =	sdelay $0x4  }
0x24c: {  	v1 =	vmul.f32 $8.000000000e+00, v1  }
0x24d: {  	(v2sf) =	vpush v0, $0x9  }
0x24e: {  	[tilespmem:s14+$0x10410] =	vst v1  }
0x24f: {  	v1 =	vld [tilespmem:s16+$0x2020];
	_ =	sdelay $0x4  }
0x250: {  	v1 =	vmul.f32 $8.000000000e+00, v1;
	_ =	sdelay $0x1  }
0x251: {  	[tilespmem:s14+$0x10420] =	vst v1  }
0x252: {  	v1 =	vld [tilespmem:s16+$0x2030];
	_ =	sdelay $0x4  }
0x253: {  	s24 =	spop (v2sf);
	v1 =	vmul.f32 $8.000000000e+00, v1  }
0x254: {  	s16 =	sand.u32 $0x380, s24  }
0x255: {  	s16 =	sadd.s32 s16, s15;
	[tilespmem:s14+$0x10430] =	vst v1  }
0x256: {  	v1 =	vld [tilespmem:s16+$0x2400];
	_ =	sdelay $0x4  }
0x257: {  	v1 =	vmul.f32 $8.000000000e+00, v1;
	_ =	sdelay $0x1  }
0x258: {  	[tilespmem:s14+$0x10440] =	vst v1  }
0x259: {  	v1 =	vld [tilespmem:s16+$0x2410];
	_ =	sdelay $0x4  }
0x25a: {  	v1 =	vmul.f32 $8.000000000e+00, v1  }
0x25b: {  	(v2sf) =	vpush v0, $0xA  }
0x25c: {  	[tilespmem:s14+$0x10450] =	vst v1  }
0x25d: {  	v1 =	vld [tilespmem:s16+$0x2420];
	_ =	sdelay $0x4  }
0x25e: {  	v1 =	vmul.f32 $8.000000000e+00, v1;
	_ =	sdelay $0x1  }
0x25f: {  	[tilespmem:s14+$0x10460] =	vst v1  }
0x260: {  	v1 =	vld [tilespmem:s16+$0x2430];
	_ =	sdelay $0x4  }
0x261: {  	s25 =	spop (v2sf);
	v1 =	vmul.f32 $8.000000000e+00, v1  }
0x262: {  	s16 =	sand.u32 $0x380, s25  }
0x263: {  	s16 =	sadd.s32 s16, s15;
	[tilespmem:s14+$0x10470] =	vst v1  }
0x264: {  	v1 =	vld [tilespmem:s16+$0x2800];
	_ =	sdelay $0x4  }
0x265: {  	v1 =	vmul.f32 $8.000000000e+00, v1;
	_ =	sdelay $0x1  }
0x266: {  	[tilespmem:s14+$0x10480] =	vst v1  }
0x267: {  	v1 =	vld [tilespmem:s16+$0x2810];
	_ =	sdelay $0x4  }
0x268: {  	v1 =	vmul.f32 $8.000000000e+00, v1  }
0x269: {  	(v2sf) =	vpush v0, $0xB  }
0x26a: {  	[tilespmem:s14+$0x10490] =	vst v1  }
0x26b: {  	v1 =	vld [tilespmem:s16+$0x2820];
	_ =	sdelay $0x4  }
0x26c: {  	v1 =	vmul.f32 $8.000000000e+00, v1;
	_ =	sdelay $0x1  }
0x26d: {  	[tilespmem:s14+$0x104A0] =	vst v1  }
0x26e: {  	v1 =	vld [tilespmem:s16+$0x2830];
	_ =	sdelay $0x4  }
0x26f: {  	s26 =	spop (v2sf);
	v1 =	vmul.f32 $8.000000000e+00, v1  }
0x270: {  	s16 =	sand.u32 $0x380, s26  }
0x271: {  	s16 =	sadd.s32 s16, s15;
	[tilespmem:s14+$0x104B0] =	vst v1  }
0x272: {  	v1 =	vld [tilespmem:s16+$0x2C00];
	_ =	sdelay $0x4  }
0x273: {  	v1 =	vmul.f32 $8.000000000e+00, v1;
	_ =	sdelay $0x1  }
0x274: {  	[tilespmem:s14+$0x104C0] =	vst v1  }
0x275: {  	v1 =	vld [tilespmem:s16+$0x2C10];
	_ =	sdelay $0x4  }
0x276: {  	v1 =	vmul.f32 $8.000000000e+00, v1  }
0x277: {  	(v2sf) =	vpush v0, $0xC  }
0x278: {  	[tilespmem:s14+$0x104D0] =	vst v1  }
0x279: {  	v1 =	vld [tilespmem:s16+$0x2C20];
	_ =	sdelay $0x4  }
0x27a: {  	v1 =	vmul.f32 $8.000000000e+00, v1;
	_ =	sdelay $0x1  }
0x27b: {  	[tilespmem:s14+$0x104E0] =	vst v1  }
0x27c: {  	v1 =	vld [tilespmem:s16+$0x2C30];
	_ =	sdelay $0x4  }
0x27d: {  	s28 =	spop (v2sf);
	v1 =	vmul.f32 $8.000000000e+00, v1  }
0x27e: {  	s16 =	sand.u32 $0x380, s28  }
0x27f: {  	s16 =	sadd.s32 s16, s15;
	[tilespmem:s14+$0x104F0] =	vst v1  }
0x280: {  	v1 =	vld [tilespmem:s16+$0x3000];
	_ =	sdelay $0x4  }
0x281: {  	v1 =	vmul.f32 $8.000000000e+00, v1;
	_ =	sdelay $0x1  }
0x282: {  	[tilespmem:s14+$0x10500] =	vst v1  }
0x283: {  	v1 =	vld [tilespmem:s16+$0x3010];
	_ =	sdelay $0x4  }
0x284: {  	v1 =	vmul.f32 $8.000000000e+00, v1  }
0x285: {  	(v2sf) =	vpush v0, $0xD  }
0x286: {  	[tilespmem:s14+$0x10510] =	vst v1  }
0x287: {  	v1 =	vld [tilespmem:s16+$0x3020];
	_ =	sdelay $0x4  }
0x288: {  	v1 =	vmul.f32 $8.000000000e+00, v1;
	_ =	sdelay $0x1  }
0x289: {  	[tilespmem:s14+$0x10520] =	vst v1  }
0x28a: {  	v1 =	vld [tilespmem:s16+$0x3030];
	_ =	sdelay $0x4  }
0x28b: {  	s29 =	spop (v2sf);
	v1 =	vmul.f32 $8.000000000e+00, v1  }
0x28c: {  	s16 =	sand.u32 $0x380, s29  }
0x28d: {  	s16 =	sadd.s32 s16, s15;
	[tilespmem:s14+$0x10530] =	vst v1  }
0x28e: {  	v1 =	vld [tilespmem:s16+$0x3400];
	_ =	sdelay $0x4  }
0x28f: {  	v1 =	vmul.f32 $8.000000000e+00, v1;
	_ =	sdelay $0x1  }
0x290: {  	[tilespmem:s14+$0x10540] =	vst v1  }
0x291: {  	v1 =	vld [tilespmem:s16+$0x3410];
	_ =	sdelay $0x4  }
0x292: {  	v1 =	vmul.f32 $8.000000000e+00, v1  }
0x293: {  	(v2sf) =	vpush v0, $0xE  }
0x294: {  	[tilespmem:s14+$0x10550] =	vst v1  }
0x295: {  	v1 =	vld [tilespmem:s16+$0x3420];
	_ =	sdelay $0x4  }
0x296: {  	v1 =	vmul.f32 $8.000000000e+00, v1;
	_ =	sdelay $0x1  }
0x297: {  	[tilespmem:s14+$0x10560] =	vst v1  }
0x298: {  	v1 =	vld [tilespmem:s16+$0x3430];
	_ =	sdelay $0x4  }
0x299: {  	s30 =	spop (v2sf);
	v1 =	vmul.f32 $8.000000000e+00, v1  }
0x29a: {  	s16 =	sand.u32 $0x380, s30  }
0x29b: {  	s16 =	sadd.s32 s16, s15;
	[tilespmem:s14+$0x10570] =	vst v1  }
0x29c: {  	v1 =	vld [tilespmem:s16+$0x3800];
	_ =	sdelay $0x4  }
0x29d: {  	v1 =	vmul.f32 $8.000000000e+00, v1;
	_ =	sdelay $0x1  }
0x29e: {  	[tilespmem:s14+$0x10580] =	vst v1  }
0x29f: {  	v1 =	vld [tilespmem:s16+$0x3810];
	_ =	sdelay $0x4  }
0x2a0: {  	v1 =	vmul.f32 $8.000000000e+00, v1  }
0x2a1: {  	(v2sf) =	vpush v0, $0xF  }
0x2a2: {  	[tilespmem:s14+$0x10590] =	vst v1  }
0x2a3: {  	v63 =	vld [tilespmem:s16+$0x3820];
	_ =	sdelay $0x4  }
0x2a4: {  	v0 =	vmul.f32 $8.000000000e+00, v63;
	_ =	sdelay $0x1  }
0x2a5: {  	[tilespmem:s14+$0x105A0] =	vst v0  }
0x2a6: {  	v0 =	vld [tilespmem:s16+$0x3830];
	_ =	sdelay $0x4  }
0x2a7: {  	s31 =	spop (v2sf);
	v0 =	vmul.f32 $8.000000000e+00, v0  }
0x2a8: {  	s16 =	sand.u32 $0x380, s31  }
0x2a9: {  	s15 =	sadd.s32 s16, s15;
	[tilespmem:s14+$0x105B0] =	vst v0  }
0x2aa: {  	v0 =	vld [tilespmem:s15+$0x3C00];
	_ =	sdelay $0x4  }
0x2ab: {  	v0 =	vmul.f32 $8.000000000e+00, v0;
	_ =	sdelay $0x1  }
0x2ac: {  	[tilespmem:s14+$0x105C0] =	vst v0  }
0x2ad: {  	v0 =	vld [tilespmem:s15+$0x3C10];
	_ =	sdelay $0x4  }
0x2ae: {  	v0 =	vmul.f32 $8.000000000e+00, v0;
	_ =	sdelay $0x1  }
0x2af: {  	[tilespmem:s14+$0x105D0] =	vst v0  }
0x2b0: {  	v0 =	vld [tilespmem:s15+$0x3C20];
	_ =	sdelay $0x4  }
0x2b1: {  	v0 =	vmul.f32 $8.000000000e+00, v0;
	_ =	sdelay $0x1  }
0x2b2: {  	[tilespmem:s14+$0x105E0] =	vst v0  }
0x2b3: {  	v0 =	vld [tilespmem:s15+$0x3C30];
	_ =	sdelay $0x1  }
0x2b4: {  	p1 =	por p0, p0  }
.Ltmp5:
0x2b5: {  	_ = 	snop;
	(pc) =	sbr.rel @p1 .LBB2_11-.Ltmp5, $3  }
0x2b6: {  	_ = 	snop  }
0x2b7: {  	v0 =	vmul.f32 $8.000000000e+00, v0;
	_ =	sdelay $0x1  }
0x2b8: {  	p0 =	por $0x0, $0x0;
	[tilespmem:s14+$0x105F0] =	vst v0;
	s14 =	simm.s32 $0x1  }
0x2b9: {  	s12 =	sadd.s32 $0x1, s12  }
0x2ba: {  	p0 =	sne.s32 s12, $0x8  }
.Ltmp6:
0x2bb: {  	_ = 	snop;
	(pc) =	sbr.rel @p0 .LBB2_3-.Ltmp6, $1  }
0x2bc: {  	_ =	sdelay $0x3  }
0x2bd: {  	s11 =	sadd.s32 $0x1, s11  }
0x2be: {  	p0 =	sne.s32 s11, s6  }
.Ltmp7:
0x2bf: {  	_ = 	snop;
	(pc) =	sbr.rel @p0 .LBB2_1-.Ltmp7, $4  }
0x2c0: {  	[hbm4b:s5+s2] =	stream.linear.scatter [tilespmem:s10], [sflag:$0x3], $0x8000, $0x38;
	[tilespmem:$0x18200] =	vst v63  }
0x2c1: {  	_ =	swait.ge [sflag:s7], $0x8000  }
0x2c2: {  	[sflag:s7] =	ssyncset.done $0x0  }
0x2c3: {  	[sflag:s7] =	ssyncadd.s32 $0xFFFF8000  }
0x2c4: {  	_ =	sfence.sel $0x180000  }
0x2c5: {  	[bflag:$0x0] =	sbarrier.arrive $0xFFFF  }
0x2c6: {  	p0 =	sne.s32 s1, $0x0;
	_ =	strace $0x90000047  }
0x2c7: {  	s0 =	sadd.s32 @!p0 $0x100000, s0;
	[bflag:$0x2] =	sbarrier.arrive $0xFFFF  }
0x2c8: {  	[sflag:s0] =	ssyncadd.tile.s32 @!p0 $0x1;
	_ =	shalt  }
.Lfunc_end2:
_tile_overlayer_lowered:
.L_overlay_start_2:
0x2c9: {  	(tag) =	ssettag $0x2  }
0x2ca: {  	s0 =	rddreg [dreg:$0x0];
	s2 =	stileid.u32  }
0x2cb: {  	s1 =	rddreg [dreg:$0x1];
	p0 =	sne.s32 s2, $0x0  }
0x2cc: {  	s3 =	rddreg [dreg:$0x2];
	[bflag:$0x3] =	sbarrier.arrive $0xFFFF;
	s2 =	simm.s32 @!p0 $0x1C03  }
0x2cd: {  	[timem:s3], [sflag:s2] =	dma.local @!p0 [hbm:s0], s1  }
0x2ce: {  	s0 =	simm.s32 @!p0 $0x3  }
0x2cf: {  	_ =	swait.ge @!p0 [sflag:s0], s1  }
0x2d0: {  	s1 =	ssub.s32 @!p0 $0x0, s1;
	[sflag:s0] =	ssyncset.done @!p0 $0x0  }
0x2d1: {  	[sflag:s0] =	ssyncadd.s32 @!p0 s1  }
0x2d2: {  	[bflag:$0x3] =	sbarrier.arrive $0xFFFF  }
0x2d3: {  	_ =	shalt  }

</sc_bundles>
